<compile_context>
chip_gen: v7x
topology: tpu7x:2x2x1
jax: 0.10.2.dev20260603
libtpu: 0.0.44.dev20260713+nightly
codegen_flags: <defaults>
</compile_context>

<pallas_src>
import functools

import jax
import jax.numpy as jnp
from jax import lax
from jax.experimental import pallas as pl
from jax.experimental.pallas import tpu as pltpu
from jax.experimental.pallas import tpu_sc as plsc

N_NODES = 10000
D_IN = 128
D_OUT = 40
D_OUT_PAD = 128
N_EDGES = 320000
NC = 2
NS = 16
CH = 80
E_PER_TILE = N_EDGES // (NC * NS)
N_CHUNKS = E_PER_TILE // CH
N_PAD = 10240
ROWS_PER_SUB = N_PAD // NS
CNT_W = 128


def _make_agg(d):
  mesh = plsc.VectorSubcoreMesh(core_axis_name="c", subcore_axis_name="s")

  @functools.partial(
      pl.kernel, mesh=mesh,
      out_type=jax.ShapeDtypeStruct((NC, N_PAD, d), jnp.float32),
      scratch_types=[
          pltpu.VMEM_SHARED((N_PAD, d), jnp.float32),
          pltpu.VMEM((CH,), jnp.int32),
          pltpu.VMEM((CH,), jnp.int32),
          pltpu.VMEM((CH, d), jnp.float32),
          pltpu.SemaphoreType.DMA,
      ])
  def agg(table, src, dst, out, acc, srcv, dstv, rows, sem):
    c = lax.axis_index("c")
    s = lax.axis_index("s")
    z16 = jnp.zeros((16,), jnp.float32)

    def zrow(i, carry):
      for j in range(d // 16):
        rows[i, pl.ds(j * 16, 16)] = z16
      return carry
    lax.fori_loop(0, CH, zrow, 0)

    base_r = pl.multiple_of(s * ROWS_PER_SUB, 8)
    nfull = ROWS_PER_SUB // CH
    for k in range(nfull):
      pltpu.sync_copy(rows, acc.at[pl.ds(base_r + k * CH, CH)])
    plsc.subcore_barrier()

    ebase = (c * NS + s) * E_PER_TILE

    def chunk(k, carry):
      b = pl.multiple_of(ebase + k * CH, 8)
      pltpu.sync_copy(src.at[pl.ds(b, CH)], srcv)
      pltpu.sync_copy(dst.at[pl.ds(b, CH)], dstv)
      pltpu.async_copy(table.at[srcv], rows, sem).wait()
      pltpu.sync_copy(rows, acc.at[dstv], add=True)
      return carry
    lax.fori_loop(0, N_CHUNKS, chunk, 0)
    plsc.subcore_barrier()

    for k in range(nfull):
      pltpu.sync_copy(acc.at[pl.ds(base_r + k * CH, CH)], rows)
      pltpu.sync_copy(rows, out.at[c, pl.ds(base_r + k * CH, CH)])

  return agg


def _make_counts():
  mesh = plsc.VectorSubcoreMesh(core_axis_name="c", subcore_axis_name="s")

  @functools.partial(
      pl.kernel, mesh=mesh,
      out_type=jax.ShapeDtypeStruct((NC, N_PAD, CNT_W), jnp.float32),
      scratch_types=[
          pltpu.VMEM_SHARED((N_PAD, CNT_W), jnp.float32),
          pltpu.VMEM((CH,), jnp.int32),
          pltpu.VMEM((CH, CNT_W), jnp.float32),
          pltpu.VMEM((CH, CNT_W), jnp.float32),
      ])
  def cnts(dst, out, acc, dstv, ones, zbuf):
    c = lax.axis_index("c")
    s = lax.axis_index("s")
    z16 = jnp.zeros((16,), jnp.float32)
    o16 = jnp.ones((16,), jnp.float32)

    def frow(i, carry):
      for j in range(CNT_W // 16):
        zbuf[i, pl.ds(j * 16, 16)] = z16
        ones[i, pl.ds(j * 16, 16)] = o16
      return carry
    lax.fori_loop(0, CH, frow, 0)

    base_r = pl.multiple_of(s * ROWS_PER_SUB, 8)
    nfull = ROWS_PER_SUB // CH
    for k in range(nfull):
      pltpu.sync_copy(zbuf, acc.at[pl.ds(base_r + k * CH, CH)])
    plsc.subcore_barrier()

    ebase = (c * NS + s) * E_PER_TILE

    def chunk(k, carry):
      b = pl.multiple_of(ebase + k * CH, 8)
      pltpu.sync_copy(dst.at[pl.ds(b, CH)], dstv)
      pltpu.sync_copy(ones, acc.at[dstv], add=True)
      return carry
    lax.fori_loop(0, N_CHUNKS, chunk, 0)
    plsc.subcore_barrier()

    for k in range(nfull):
      pltpu.sync_copy(acc.at[pl.ds(base_r + k * CH, CH)], zbuf)
      pltpu.sync_copy(zbuf, out.at[c, pl.ds(base_r + k * CH, CH)])

  return cnts


_ROWS_BLK = 1000


def _tc_in_body(x, wl, wr, b, hl, hr):
  xb = x[...]
  hl[...] = jnp.dot(xb, wl[...], preferred_element_type=jnp.float32)
  hr[...] = jnp.dot(xb, wr[...], preferred_element_type=jnp.float32) + b[...]


def _tc_in(x, Wl, Wr, b):
  di = x.shape[1]
  do = Wl.shape[1]
  grid = (N_NODES // _ROWS_BLK,)
  return pl.pallas_call(
      _tc_in_body,
      grid=grid,
      in_specs=[
          pl.BlockSpec((_ROWS_BLK, di), lambda i: (i, 0)),
          pl.BlockSpec((di, do), lambda i: (0, 0)),
          pl.BlockSpec((di, do), lambda i: (0, 0)),
          pl.BlockSpec((1, do), lambda i: (0, 0)),
      ],
      out_specs=[
          pl.BlockSpec((_ROWS_BLK, do), lambda i: (i, 0)),
          pl.BlockSpec((_ROWS_BLK, do), lambda i: (i, 0)),
      ],
      out_shape=[jax.ShapeDtypeStruct((N_NODES, do), jnp.float32)] * 2,
  )(x, Wl, Wr, b.reshape(1, -1))


def _tc_mid_body(p0, p1, c0, c1, hrp, wl, wr, b, hl, hr):
  cnt = jnp.maximum(c0[...][:, :1] + c1[...][:, :1], 1.0)
  z = (p0[...] + p1[...]) / cnt + hrp[...]
  h = jnp.where(z > 0, z, jnp.exp(jnp.minimum(z, 0.0)) - 1.0)
  hl[...] = jnp.dot(h, wl[...], preferred_element_type=jnp.float32)
  hr[...] = jnp.dot(h, wr[...], preferred_element_type=jnp.float32) + b[...]


def _tc_mid(p0, p1, c0, c1, hrp, Wl, Wr, b):
  di = p0.shape[1]
  do = Wl.shape[1]
  grid = (N_NODES // _ROWS_BLK,)
  return pl.pallas_call(
      _tc_mid_body,
      grid=grid,
      in_specs=[
          pl.BlockSpec((_ROWS_BLK, di), lambda i: (i, 0)),
          pl.BlockSpec((_ROWS_BLK, di), lambda i: (i, 0)),
          pl.BlockSpec((_ROWS_BLK, CNT_W), lambda i: (i, 0)),
          pl.BlockSpec((_ROWS_BLK, CNT_W), lambda i: (i, 0)),
          pl.BlockSpec((_ROWS_BLK, di), lambda i: (i, 0)),
          pl.BlockSpec((di, do), lambda i: (0, 0)),
          pl.BlockSpec((di, do), lambda i: (0, 0)),
          pl.BlockSpec((1, do), lambda i: (0, 0)),
      ],
      out_specs=[
          pl.BlockSpec((_ROWS_BLK, do), lambda i: (i, 0)),
          pl.BlockSpec((_ROWS_BLK, do), lambda i: (i, 0)),
      ],
      out_shape=[jax.ShapeDtypeStruct((N_NODES, do), jnp.float32)] * 2,
  )(p0, p1, c0, c1, hrp, Wl, Wr, b.reshape(1, -1))


def _tc_out_body(p0, p1, c0, c1, hrp, o):
  cnt = jnp.maximum(c0[...][:, :1] + c1[...][:, :1], 1.0)
  z = (p0[...][:, :D_OUT] + p1[...][:, :D_OUT]) / cnt + hrp[...][:, :D_OUT]
  m = jnp.max(z, axis=-1, keepdims=True)
  zs = z - m
  o[...] = zs - jnp.log(jnp.sum(jnp.exp(zs), axis=-1, keepdims=True))


def _tc_out(p0, p1, c0, c1, hrp):
  grid = (N_NODES // _ROWS_BLK,)
  return pl.pallas_call(
      _tc_out_body,
      grid=grid,
      in_specs=[
          pl.BlockSpec((_ROWS_BLK, D_OUT_PAD), lambda i: (i, 0)),
          pl.BlockSpec((_ROWS_BLK, D_OUT_PAD), lambda i: (i, 0)),
          pl.BlockSpec((_ROWS_BLK, CNT_W), lambda i: (i, 0)),
          pl.BlockSpec((_ROWS_BLK, CNT_W), lambda i: (i, 0)),
          pl.BlockSpec((_ROWS_BLK, D_OUT_PAD), lambda i: (i, 0)),
      ],
      out_specs=pl.BlockSpec((_ROWS_BLK, D_OUT), lambda i: (i, 0)),
      out_shape=jax.ShapeDtypeStruct((N_NODES, D_OUT), jnp.float32),
  )(p0, p1, c0, c1, hrp)


def kernel(x, edge_index, W1l, W1r, b1, W2l, W2r, b2, W3l, W3r, b3,
           W4l, W4r, b4):
  src = edge_index[0].astype(jnp.int32)
  dst = edge_index[1].astype(jnp.int32)

  agg128 = _make_agg(D_IN)
  counts = _make_counts()

  cp = counts(dst)
  c0, c1 = cp[0], cp[1]

  W4l_p = jnp.pad(W4l, ((0, 0), (0, D_OUT_PAD - D_OUT)))
  W4r_p = jnp.pad(W4r, ((0, 0), (0, D_OUT_PAD - D_OUT)))
  b4_p = jnp.pad(b4, (0, D_OUT_PAD - D_OUT))

  hl, hr = _tc_in(x, W1l, W1r, b1)
  p = agg128(hl, src, dst)
  hl, hr = _tc_mid(p[0], p[1], c0, c1, hr, W2l, W2r, b2)
  p = agg128(hl, src, dst)
  hl, hr = _tc_mid(p[0], p[1], c0, c1, hr, W3l, W3r, b3)
  p = agg128(hl, src, dst)
  hl, hr = _tc_mid(p[0], p[1], c0, c1, hr, W4l_p, W4r_p, b4_p)
  p = agg128(hl, src, dst)
  return _tc_out(p[0], p[1], c0, c1, hr)

# --- scband reference (transcript-rebuilt; emitter-appended) ---
"""Pipeline reference for scband-graph-sage-11871289606993 (READ-ONLY COPY).

The authoritative reference and input builder live on the scoring server;
editing this copy changes nothing except your own understanding.
"""

import jax, jax.numpy as jnp
import numpy as np

N_NODES = 10000
N_EDGES = 320000
D_IN = 128
H1 = 128
H2 = 128
H3 = 128
D_OUT = 40


def _glorot(key, shape):
    fan_in, fan_out = shape[0], shape[1]
    lim = jnp.sqrt(6.0 / (fan_in + fan_out))
    return jax.random.uniform(key, shape, jnp.float32, -lim, lim)


def setup_inputs(seed: int = 0) -> dict:
    key = jax.random.key(seed)
    ks = jax.random.split(key, 16)
    x = jax.random.normal(ks[0], (N_NODES, D_IN), dtype=jnp.float32)
    edge_index = jax.random.randint(ks[1], (2, N_EDGES), 0, N_NODES, dtype=jnp.int64)
    dims = [(D_IN, H1), (H1, H2), (H2, H3), (H3, D_OUT)]
    params = {}
    for i, (di, do) in enumerate(dims):
        params[f'W{i+1}l'] = _glorot(ks[2 + 3 * i], (di, do))
        params[f'W{i+1}r'] = _glorot(ks[3 + 3 * i], (di, do))
        params[f'b{i+1}'] = jnp.zeros((do,), dtype=jnp.float32)
    out = {'x': x, 'edge_index': edge_index}
    out.update(params)
    return out


def _sage_conv(x, src, dst, Wl, Wr, b):
    # PyG SAGEConv with mean aggregation: lin_l(mean_{j in N(i)} x_j) + lin_r(x_i) + b
    msg = jnp.take(x, src, axis=0)
    agg = jax.ops.segment_sum(msg, dst, num_segments=N_NODES)
    cnt = jax.ops.segment_sum(jnp.ones((src.shape[0], 1), x.dtype), dst, num_segments=N_NODES)
    mean = agg / jnp.maximum(cnt, 1.0)
    return mean @ Wl + x @ Wr + b


def reference(x, edge_index, W1l, W1r, b1, W2l, W2r, b2, W3l, W3r, b3, W4l, W4r, b4):
    src = edge_index[0]
    dst = edge_index[1]
    h = _sage_conv(x, src, dst, W1l, W1r, b1)
    h = jax.nn.elu(h)
    # dropout p=0.0 -> identity
    h = _sage_conv(h, src, dst, W2l, W2r, b2)
    h = jax.nn.elu(h)
    h = _sage_conv(h, src, dst, W3l, W3r, b3)
    # penultimate_layer = False
    h = jax.nn.elu(h)
    h = _sage_conv(h, src, dst, W4l, W4r, b4)
    return jax.nn.log_softmax(h, axis=-1)

if __name__ == "__main__":
    import jax
    _d = setup_inputs()
    print(jax.jit(kernel)(*tuple(_d.values())))

</pallas_src>

<mosaic_0001>
#map = affine_map<(d0, d1) -> (0, 0)>
#map1 = affine_map<(d0, d1) -> (0)>
#map2 = affine_map<(d0, d1) -> (0, 0, 0)>
module attributes {stable_mosaic.version = 14 : i64} {
  func.func @agg(%arg0: i32, %arg1: i32, %arg2: memref<10000x128xf32, #tpu.memory_space<hbm>>, %arg3: memref<320000xi32, #tpu.memory_space<hbm>>, %arg4: memref<320000xi32, #tpu.memory_space<hbm>>, %arg5: memref<2x10240x128xf32, #tpu.memory_space<hbm>>, %arg6: memref<10240x128xf32, #tpu.memory_space<vmem_shared>>, %arg7: memref<80xi32, #tpu.memory_space<vmem>>, %arg8: memref<80xi32, #tpu.memory_space<vmem>>, %arg9: memref<80x128xf32, #tpu.memory_space<vmem>>, %arg10: memref<!tpu.dma_semaphore, #tpu.memory_space<semaphore_mem>>) attributes {dimension_semantics = [#tpu.dimension_semantics<core_parallel>, #tpu.dimension_semantics<subcore_parallel>], iteration_bounds = array<i64: 2, 16>, scalar_prefetch = 0 : i64, scratch_operands = 5 : i64, tpu.core_type = #tpu.core_type<sc_vector_subcore>, window_params = [{transform_indices = #map}, {transform_indices = #map1}, {transform_indices = #map1}, {transform_indices = #map2}]} {
    %broadcast_in_dim3A = arith.constant 0.000000e+00 : f32
    %broadcast_in_dim3A_0 = vector.broadcast %broadcast_in_dim3A : f32 to vector<16xf32>
    %scan3A = arith.constant 0 : i32
    %scan3A_1 = arith.constant 0 : i32
    %scan3A_2 = arith.constant 80 : i32
    %scan3A_3 = arith.addi %scan3A_1, %scan3A_2 : i32
    %scan3A_4 = arith.constant 1 : i32
    scf.for %scan3A_66 = %scan3A_1 to %scan3A_3 step %scan3A_4  : i32 {
      %swap3A = arith.index_cast %scan3A_66 : i32 to index
      %swap3A_67 = arith.constant 0 : index
      %swap3A_68 = tpu.vector_load %arg9[%swap3A, %swap3A_67] {strides = array<i32>} : memref<80x128xf32, #tpu.memory_space<vmem>>, vector<1x16xf32>,
      %swap3A_69 = vector.shape_cast %swap3A_68 : vector<1x16xf32> to vector<16xf32>
      %swap3A_70 = vector.shape_cast %broadcast_in_dim3A_0 : vector<16xf32> to vector<1x16xf32>
      tpu.vector_store %arg9[%swap3A, %swap3A_67], %swap3A_70 {strides = array<i32>} : memref<80x128xf32, #tpu.memory_space<vmem>>, vector<1x16xf32>,
      %swap3A_71 = arith.index_cast %scan3A_66 : i32 to index
      %swap3A_72 = arith.constant 16 : index
      %swap3A_73 = tpu.vector_load %arg9[%swap3A_71, %swap3A_72] {strides = array<i32>} : memref<80x128xf32, #tpu.memory_space<vmem>>, vector<1x16xf32>,
      %swap3A_74 = vector.shape_cast %swap3A_73 : vector<1x16xf32> to vector<16xf32>
      %swap3A_75 = vector.shape_cast %broadcast_in_dim3A_0 : vector<16xf32> to vector<1x16xf32>
      tpu.vector_store %arg9[%swap3A_71, %swap3A_72], %swap3A_75 {strides = array<i32>} : memref<80x128xf32, #tpu.memory_space<vmem>>, vector<1x16xf32>,
      %swap3A_76 = arith.index_cast %scan3A_66 : i32 to index
      %swap3A_77 = arith.constant 32 : index
      %swap3A_78 = tpu.vector_load %arg9[%swap3A_76, %swap3A_77] {strides = array<i32>} : memref<80x128xf32, #tpu.memory_space<vmem>>, vector<1x16xf32>,
      %swap3A_79 = vector.shape_cast %swap3A_78 : vector<1x16xf32> to vector<16xf32>
      %swap3A_80 = vector.shape_cast %broadcast_in_dim3A_0 : vector<16xf32> to vector<1x16xf32>
      tpu.vector_store %arg9[%swap3A_76, %swap3A_77], %swap3A_80 {strides = array<i32>} : memref<80x128xf32, #tpu.memory_space<vmem>>, vector<1x16xf32>,
      %swap3A_81 = arith.index_cast %scan3A_66 : i32 to index
      %swap3A_82 = arith.constant 48 : index
      %swap3A_83 = tpu.vector_load %arg9[%swap3A_81, %swap3A_82] {strides = array<i32>} : memref<80x128xf32, #tpu.memory_space<vmem>>, vector<1x16xf32>,
      %swap3A_84 = vector.shape_cast %swap3A_83 : vector<1x16xf32> to vector<16xf32>
      %swap3A_85 = vector.shape_cast %broadcast_in_dim3A_0 : vector<16xf32> to vector<1x16xf32>
      tpu.vector_store %arg9[%swap3A_81, %swap3A_82], %swap3A_85 {strides = array<i32>} : memref<80x128xf32, #tpu.memory_space<vmem>>, vector<1x16xf32>,
      %swap3A_86 = arith.index_cast %scan3A_66 : i32 to index
      %swap3A_87 = arith.constant 64 : index
      %swap3A_88 = tpu.vector_load %arg9[%swap3A_86, %swap3A_87] {strides = array<i32>} : memref<80x128xf32, #tpu.memory_space<vmem>>, vector<1x16xf32>,
      %swap3A_89 = vector.shape_cast %swap3A_88 : vector<1x16xf32> to vector<16xf32>
      %swap3A_90 = vector.shape_cast %broadcast_in_dim3A_0 : vector<16xf32> to vector<1x16xf32>
      tpu.vector_store %arg9[%swap3A_86, %swap3A_87], %swap3A_90 {strides = array<i32>} : memref<80x128xf32, #tpu.memory_space<vmem>>, vector<1x16xf32>,
      %swap3A_91 = arith.index_cast %scan3A_66 : i32 to index
      %swap3A_92 = arith.constant 80 : index
      %swap3A_93 = tpu.vector_load %arg9[%swap3A_91, %swap3A_92] {strides = array<i32>} : memref<80x128xf32, #tpu.memory_space<vmem>>, vector<1x16xf32>,
      %swap3A_94 = vector.shape_cast %swap3A_93 : vector<1x16xf32> to vector<16xf32>
      %swap3A_95 = vector.shape_cast %broadcast_in_dim3A_0 : vector<16xf32> to vector<1x16xf32>
      tpu.vector_store %arg9[%swap3A_91, %swap3A_92], %swap3A_95 {strides = array<i32>} : memref<80x128xf32, #tpu.memory_space<vmem>>, vector<1x16xf32>,
      %swap3A_96 = arith.index_cast %scan3A_66 : i32 to index
      %swap3A_97 = arith.constant 96 : index
      %swap3A_98 = tpu.vector_load %arg9[%swap3A_96, %swap3A_97] {strides = array<i32>} : memref<80x128xf32, #tpu.memory_space<vmem>>, vector<1x16xf32>,
      %swap3A_99 = vector.shape_cast %swap3A_98 : vector<1x16xf32> to vector<16xf32>
      %swap3A_100 = vector.shape_cast %broadcast_in_dim3A_0 : vector<16xf32> to vector<1x16xf32>
      tpu.vector_store %arg9[%swap3A_96, %swap3A_97], %swap3A_100 {strides = array<i32>} : memref<80x128xf32, #tpu.memory_space<vmem>>, vector<1x16xf32>,
      %swap3A_101 = arith.index_cast %scan3A_66 : i32 to index
      %swap3A_102 = arith.constant 112 : index
      %swap3A_103 = tpu.vector_load %arg9[%swap3A_101, %swap3A_102] {strides = array<i32>} : memref<80x128xf32, #tpu.memory_space<vmem>>, vector<1x16xf32>,
      %swap3A_104 = vector.shape_cast %swap3A_103 : vector<1x16xf32> to vector<16xf32>
      %swap3A_105 = vector.shape_cast %broadcast_in_dim3A_0 : vector<16xf32> to vector<1x16xf32>
      tpu.vector_store %arg9[%swap3A_101, %swap3A_102], %swap3A_105 {strides = array<i32>} : memref<80x128xf32, #tpu.memory_space<vmem>>, vector<1x16xf32>,
    }
    %scan3A_5 = arith.constant 80 : i32
    %mul3A = arith.constant 640 : i32
    %mul3A_6 = arith.muli %arg1, %mul3A : i32
    %multiple_of3A = tpu.assume_multiple %mul3A_6, 8 : i32
    %add3A = arith.constant 0 : i32
    %add3A_7 = arith.addi %multiple_of3A, %add3A : i32
    "tpu.region"() ({
      %run_scoped3A = tpu.sem_alloc : memref<!tpu.dma_semaphore, #tpu.memory_space<semaphore_mem>>
      %dma_start3A = arith.constant 0 : i32
      %dma_start3A_66 = tpu.memref_slice %arg6[%add3A_7, %dma_start3A] : memref<10240x128xf32, #tpu.memory_space<vmem_shared>> -> memref<80x128xf32, #tpu.memory_space<vmem_shared>>
      %dma_start3A_67 = arith.constant 0 : i32
      %dma_start3A_68 = tpu.memref_slice %arg6[%add3A_7, %dma_start3A_67] : memref<10240x128xf32, #tpu.memory_space<vmem_shared>> -> memref<80x128xf32, #tpu.memory_space<vmem_shared>>
      tpu.enqueue_dma source(%arg9 : memref<80x128xf32, #tpu.memory_space<vmem>>) target(%dma_start3A_68 : memref<80x128xf32, #tpu.memory_space<vmem_shared>>) target_semaphore(%run_scoped3A : memref<!tpu.dma_semaphore, #tpu.memory_space<semaphore_mem>>)
      %dma_wait3A = arith.constant 0 : i32
      %dma_wait3A_69 = tpu.memref_slice %arg6[%add3A_7, %dma_wait3A] : memref<10240x128xf32, #tpu.memory_space<vmem_shared>> -> memref<80x128xf32, #tpu.memory_space<vmem_shared>>
      %dma_wait3A_70 = arith.constant 0 : i32
      %dma_wait3A_71 = tpu.memref_slice %arg6[%add3A_7, %dma_wait3A_70] : memref<10240x128xf32, #tpu.memory_space<vmem_shared>> -> memref<80x128xf32, #tpu.memory_space<vmem_shared>>
      tpu.wait_dma2 semaphore(%run_scoped3A : memref<!tpu.dma_semaphore, #tpu.memory_space<semaphore_mem>>) src(%arg9 : memref<80x128xf32, #tpu.memory_space<vmem>>) dst(%dma_wait3A_71 : memref<80x128xf32, #tpu.memory_space<vmem_shared>>)
      tpu.yield
    }) : () -> ()
    %add3A_8 = arith.constant 80 : i32
    %add3A_9 = arith.addi %multiple_of3A, %add3A_8 : i32
    "tpu.region"() ({
      %run_scoped3A = tpu.sem_alloc : memref<!tpu.dma_semaphore, #tpu.memory_space<semaphore_mem>>
      %dma_start3A = arith.constant 0 : i32
      %dma_start3A_66 = tpu.memref_slice %arg6[%add3A_9, %dma_start3A] : memref<10240x128xf32, #tpu.memory_space<vmem_shared>> -> memref<80x128xf32, #tpu.memory_space<vmem_shared>>
      %dma_start3A_67 = arith.constant 0 : i32
      %dma_start3A_68 = tpu.memref_slice %arg6[%add3A_9, %dma_start3A_67] : memref<10240x128xf32, #tpu.memory_space<vmem_shared>> -> memref<80x128xf32, #tpu.memory_space<vmem_shared>>
      tpu.enqueue_dma source(%arg9 : memref<80x128xf32, #tpu.memory_space<vmem>>) target(%dma_start3A_68 : memref<80x128xf32, #tpu.memory_space<vmem_shared>>) target_semaphore(%run_scoped3A : memref<!tpu.dma_semaphore, #tpu.memory_space<semaphore_mem>>)
      %dma_wait3A = arith.constant 0 : i32
      %dma_wait3A_69 = tpu.memref_slice %arg6[%add3A_9, %dma_wait3A] : memref<10240x128xf32, #tpu.memory_space<vmem_shared>> -> memref<80x128xf32, #tpu.memory_space<vmem_shared>>
      %dma_wait3A_70 = arith.constant 0 : i32
      %dma_wait3A_71 = tpu.memref_slice %arg6[%add3A_9, %dma_wait3A_70] : memref<10240x128xf32, #tpu.memory_space<vmem_shared>> -> memref<80x128xf32, #tpu.memory_space<vmem_shared>>
      tpu.wait_dma2 semaphore(%run_scoped3A : memref<!tpu.dma_semaphore, #tpu.memory_space<semaphore_mem>>) src(%arg9 : memref<80x128xf32, #tpu.memory_space<vmem>>) dst(%dma_wait3A_71 : memref<80x128xf32, #tpu.memory_space<vmem_shared>>)
      tpu.yield
    }) : () -> ()
    %add3A_10 = arith.constant 160 : i32
    %add3A_11 = arith.addi %multiple_of3A, %add3A_10 : i32
    "tpu.region"() ({
      %run_scoped3A = tpu.sem_alloc : memref<!tpu.dma_semaphore, #tpu.memory_space<semaphore_mem>>
      %dma_start3A = arith.constant 0 : i32
      %dma_start3A_66 = tpu.memref_slice %arg6[%add3A_11, %dma_start3A] : memref<10240x128xf32, #tpu.memory_space<vmem_shared>> -> memref<80x128xf32, #tpu.memory_space<vmem_shared>>
      %dma_start3A_67 = arith.constant 0 : i32
      %dma_start3A_68 = tpu.memref_slice %arg6[%add3A_11, %dma_start3A_67] : memref<10240x128xf32, #tpu.memory_space<vmem_shared>> -> memref<80x128xf32, #tpu.memory_space<vmem_shared>>
      tpu.enqueue_dma source(%arg9 : memref<80x128xf32, #tpu.memory_space<vmem>>) target(%dma_start3A_68 : memref<80x128xf32, #tpu.memory_space<vmem_shared>>) target_semaphore(%run_scoped3A : memref<!tpu.dma_semaphore, #tpu.memory_space<semaphore_mem>>)
      %dma_wait3A = arith.constant 0 : i32
      %dma_wait3A_69 = tpu.memref_slice %arg6[%add3A_11, %dma_wait3A] : memref<10240x128xf32, #tpu.memory_space<vmem_shared>> -> memref<80x128xf32, #tpu.memory_space<vmem_shared>>
      %dma_wait3A_70 = arith.constant 0 : i32
      %dma_wait3A_71 = tpu.memref_slice %arg6[%add3A_11, %dma_wait3A_70] : memref<10240x128xf32, #tpu.memory_space<vmem_shared>> -> memref<80x128xf32, #tpu.memory_space<vmem_shared>>
      tpu.wait_dma2 semaphore(%run_scoped3A : memref<!tpu.dma_semaphore, #tpu.memory_space<semaphore_mem>>) src(%arg9 : memref<80x128xf32, #tpu.memory_space<vmem>>) dst(%dma_wait3A_71 : memref<80x128xf32, #tpu.memory_space<vmem_shared>>)
      tpu.yield
    }) : () -> ()
    %add3A_12 = arith.constant 240 : i32
    %add3A_13 = arith.addi %multiple_of3A, %add3A_12 : i32
    "tpu.region"() ({
      %run_scoped3A = tpu.sem_alloc : memref<!tpu.dma_semaphore, #tpu.memory_space<semaphore_mem>>
      %dma_start3A = arith.constant 0 : i32
      %dma_start3A_66 = tpu.memref_slice %arg6[%add3A_13, %dma_start3A] : memref<10240x128xf32, #tpu.memory_space<vmem_shared>> -> memref<80x128xf32, #tpu.memory_space<vmem_shared>>
      %dma_start3A_67 = arith.constant 0 : i32
      %dma_start3A_68 = tpu.memref_slice %arg6[%add3A_13, %dma_start3A_67] : memref<10240x128xf32, #tpu.memory_space<vmem_shared>> -> memref<80x128xf32, #tpu.memory_space<vmem_shared>>
      tpu.enqueue_dma source(%arg9 : memref<80x128xf32, #tpu.memory_space<vmem>>) target(%dma_start3A_68 : memref<80x128xf32, #tpu.memory_space<vmem_shared>>) target_semaphore(%run_scoped3A : memref<!tpu.dma_semaphore, #tpu.memory_space<semaphore_mem>>)
      %dma_wait3A = arith.constant 0 : i32
      %dma_wait3A_69 = tpu.memref_slice %arg6[%add3A_13, %dma_wait3A] : memref<10240x128xf32, #tpu.memory_space<vmem_shared>> -> memref<80x128xf32, #tpu.memory_space<vmem_shared>>
      %dma_wait3A_70 = arith.constant 0 : i32
      %dma_wait3A_71 = tpu.memref_slice %arg6[%add3A_13, %dma_wait3A_70] : memref<10240x128xf32, #tpu.memory_space<vmem_shared>> -> memref<80x128xf32, #tpu.memory_space<vmem_shared>>
      tpu.wait_dma2 semaphore(%run_scoped3A : memref<!tpu.dma_semaphore, #tpu.memory_space<semaphore_mem>>) src(%arg9 : memref<80x128xf32, #tpu.memory_space<vmem>>) dst(%dma_wait3A_71 : memref<80x128xf32, #tpu.memory_space<vmem_shared>>)
      tpu.yield
    }) : () -> ()
    %add3A_14 = arith.constant 320 : i32
    %add3A_15 = arith.addi %multiple_of3A, %add3A_14 : i32
    "tpu.region"() ({
      %run_scoped3A = tpu.sem_alloc : memref<!tpu.dma_semaphore, #tpu.memory_space<semaphore_mem>>
      %dma_start3A = arith.constant 0 : i32
      %dma_start3A_66 = tpu.memref_slice %arg6[%add3A_15, %dma_start3A] : memref<10240x128xf32, #tpu.memory_space<vmem_shared>> -> memref<80x128xf32, #tpu.memory_space<vmem_shared>>
      %dma_start3A_67 = arith.constant 0 : i32
      %dma_start3A_68 = tpu.memref_slice %arg6[%add3A_15, %dma_start3A_67] : memref<10240x128xf32, #tpu.memory_space<vmem_shared>> -> memref<80x128xf32, #tpu.memory_space<vmem_shared>>
      tpu.enqueue_dma source(%arg9 : memref<80x128xf32, #tpu.memory_space<vmem>>) target(%dma_start3A_68 : memref<80x128xf32, #tpu.memory_space<vmem_shared>>) target_semaphore(%run_scoped3A : memref<!tpu.dma_semaphore, #tpu.memory_space<semaphore_mem>>)
      %dma_wait3A = arith.constant 0 : i32
      %dma_wait3A_69 = tpu.memref_slice %arg6[%add3A_15, %dma_wait3A] : memref<10240x128xf32, #tpu.memory_space<vmem_shared>> -> memref<80x128xf32, #tpu.memory_space<vmem_shared>>
      %dma_wait3A_70 = arith.constant 0 : i32
      %dma_wait3A_71 = tpu.memref_slice %arg6[%add3A_15, %dma_wait3A_70] : memref<10240x128xf32, #tpu.memory_space<vmem_shared>> -> memref<80x128xf32, #tpu.memory_space<vmem_shared>>
      tpu.wait_dma2 semaphore(%run_scoped3A : memref<!tpu.dma_semaphore, #tpu.memory_space<semaphore_mem>>) src(%arg9 : memref<80x128xf32, #tpu.memory_space<vmem>>) dst(%dma_wait3A_71 : memref<80x128xf32, #tpu.memory_space<vmem_shared>>)
      tpu.yield
    }) : () -> ()
    %add3A_16 = arith.constant 400 : i32
    %add3A_17 = arith.addi %multiple_of3A, %add3A_16 : i32
    "tpu.region"() ({
      %run_scoped3A = tpu.sem_alloc : memref<!tpu.dma_semaphore, #tpu.memory_space<semaphore_mem>>
      %dma_start3A = arith.constant 0 : i32
      %dma_start3A_66 = tpu.memref_slice %arg6[%add3A_17, %dma_start3A] : memref<10240x128xf32, #tpu.memory_space<vmem_shared>> -> memref<80x128xf32, #tpu.memory_space<vmem_shared>>
      %dma_start3A_67 = arith.constant 0 : i32
      %dma_start3A_68 = tpu.memref_slice %arg6[%add3A_17, %dma_start3A_67] : memref<10240x128xf32, #tpu.memory_space<vmem_shared>> -> memref<80x128xf32, #tpu.memory_space<vmem_shared>>
      tpu.enqueue_dma source(%arg9 : memref<80x128xf32, #tpu.memory_space<vmem>>) target(%dma_start3A_68 : memref<80x128xf32, #tpu.memory_space<vmem_shared>>) target_semaphore(%run_scoped3A : memref<!tpu.dma_semaphore, #tpu.memory_space<semaphore_mem>>)
      %dma_wait3A = arith.constant 0 : i32
      %dma_wait3A_69 = tpu.memref_slice %arg6[%add3A_17, %dma_wait3A] : memref<10240x128xf32, #tpu.memory_space<vmem_shared>> -> memref<80x128xf32, #tpu.memory_space<vmem_shared>>
      %dma_wait3A_70 = arith.constant 0 : i32
      %dma_wait3A_71 = tpu.memref_slice %arg6[%add3A_17, %dma_wait3A_70] : memref<10240x128xf32, #tpu.memory_space<vmem_shared>> -> memref<80x128xf32, #tpu.memory_space<vmem_shared>>
      tpu.wait_dma2 semaphore(%run_scoped3A : memref<!tpu.dma_semaphore, #tpu.memory_space<semaphore_mem>>) src(%arg9 : memref<80x128xf32, #tpu.memory_space<vmem>>) dst(%dma_wait3A_71 : memref<80x128xf32, #tpu.memory_space<vmem_shared>>)
      tpu.yield
    }) : () -> ()
    %add3A_18 = arith.constant 480 : i32
    %add3A_19 = arith.addi %multiple_of3A, %add3A_18 : i32
    "tpu.region"() ({
      %run_scoped3A = tpu.sem_alloc : memref<!tpu.dma_semaphore, #tpu.memory_space<semaphore_mem>>
      %dma_start3A = arith.constant 0 : i32
      %dma_start3A_66 = tpu.memref_slice %arg6[%add3A_19, %dma_start3A] : memref<10240x128xf32, #tpu.memory_space<vmem_shared>> -> memref<80x128xf32, #tpu.memory_space<vmem_shared>>
      %dma_start3A_67 = arith.constant 0 : i32
      %dma_start3A_68 = tpu.memref_slice %arg6[%add3A_19, %dma_start3A_67] : memref<10240x128xf32, #tpu.memory_space<vmem_shared>> -> memref<80x128xf32, #tpu.memory_space<vmem_shared>>
      tpu.enqueue_dma source(%arg9 : memref<80x128xf32, #tpu.memory_space<vmem>>) target(%dma_start3A_68 : memref<80x128xf32, #tpu.memory_space<vmem_shared>>) target_semaphore(%run_scoped3A : memref<!tpu.dma_semaphore, #tpu.memory_space<semaphore_mem>>)
      %dma_wait3A = arith.constant 0 : i32
      %dma_wait3A_69 = tpu.memref_slice %arg6[%add3A_19, %dma_wait3A] : memref<10240x128xf32, #tpu.memory_space<vmem_shared>> -> memref<80x128xf32, #tpu.memory_space<vmem_shared>>
      %dma_wait3A_70 = arith.constant 0 : i32
      %dma_wait3A_71 = tpu.memref_slice %arg6[%add3A_19, %dma_wait3A_70] : memref<10240x128xf32, #tpu.memory_space<vmem_shared>> -> memref<80x128xf32, #tpu.memory_space<vmem_shared>>
      tpu.wait_dma2 semaphore(%run_scoped3A : memref<!tpu.dma_semaphore, #tpu.memory_space<semaphore_mem>>) src(%arg9 : memref<80x128xf32, #tpu.memory_space<vmem>>) dst(%dma_wait3A_71 : memref<80x128xf32, #tpu.memory_space<vmem_shared>>)
      tpu.yield
    }) : () -> ()
    %add3A_20 = arith.constant 560 : i32
    %add3A_21 = arith.addi %multiple_of3A, %add3A_20 : i32
    "tpu.region"() ({
      %run_scoped3A = tpu.sem_alloc : memref<!tpu.dma_semaphore, #tpu.memory_space<semaphore_mem>>
      %dma_start3A = arith.constant 0 : i32
      %dma_start3A_66 = tpu.memref_slice %arg6[%add3A_21, %dma_start3A] : memref<10240x128xf32, #tpu.memory_space<vmem_shared>> -> memref<80x128xf32, #tpu.memory_space<vmem_shared>>
      %dma_start3A_67 = arith.constant 0 : i32
      %dma_start3A_68 = tpu.memref_slice %arg6[%add3A_21, %dma_start3A_67] : memref<10240x128xf32, #tpu.memory_space<vmem_shared>> -> memref<80x128xf32, #tpu.memory_space<vmem_shared>>
      tpu.enqueue_dma source(%arg9 : memref<80x128xf32, #tpu.memory_space<vmem>>) target(%dma_start3A_68 : memref<80x128xf32, #tpu.memory_space<vmem_shared>>) target_semaphore(%run_scoped3A : memref<!tpu.dma_semaphore, #tpu.memory_space<semaphore_mem>>)
      %dma_wait3A = arith.constant 0 : i32
      %dma_wait3A_69 = tpu.memref_slice %arg6[%add3A_21, %dma_wait3A] : memref<10240x128xf32, #tpu.memory_space<vmem_shared>> -> memref<80x128xf32, #tpu.memory_space<vmem_shared>>
      %dma_wait3A_70 = arith.constant 0 : i32
      %dma_wait3A_71 = tpu.memref_slice %arg6[%add3A_21, %dma_wait3A_70] : memref<10240x128xf32, #tpu.memory_space<vmem_shared>> -> memref<80x128xf32, #tpu.memory_space<vmem_shared>>
      tpu.wait_dma2 semaphore(%run_scoped3A : memref<!tpu.dma_semaphore, #tpu.memory_space<semaphore_mem>>) src(%arg9 : memref<80x128xf32, #tpu.memory_space<vmem>>) dst(%dma_wait3A_71 : memref<80x128xf32, #tpu.memory_space<vmem_shared>>)
      tpu.yield
    }) : () -> ()
    %barrier3A = arith.constant 0 : index
    tpu.barrier barrier_id(%barrier3A)
    %mul3A_22 = arith.constant 16 : i32
    %mul3A_23 = arith.muli %arg0, %mul3A_22 : i32
    %add3A_24 = arith.addi %mul3A_23, %arg1 : i32
    %mul3A_25 = arith.constant 10000 : i32
    %mul3A_26 = arith.muli %add3A_24, %mul3A_25 : i32
    %scan3A_27 = arith.constant 0 : i32
    %scan3A_28 = arith.constant 0 : i32
    %scan3A_29 = arith.constant 125 : i32
    %scan3A_30 = arith.addi %scan3A_28, %scan3A_29 : i32
    %scan3A_31 = arith.constant 1 : i32
    scf.for %scan3A_66 = %scan3A_28 to %scan3A_30 step %scan3A_31  : i32 {
      %mul3A_67 = arith.constant 80 : i32
      %mul3A_68 = arith.muli %scan3A_66, %mul3A_67 : i32
      %add3A_69 = arith.addi %mul3A_26, %mul3A_68 : i32
      %multiple_of3A_70 = tpu.assume_multiple %add3A_69, 8 : i32
      "tpu.region"() ({
        %run_scoped3A = tpu.sem_alloc : memref<!tpu.dma_semaphore, #tpu.memory_space<semaphore_mem>>
        %dma_start3A_75 = tpu.memref_slice %arg3[%multiple_of3A_70] : memref<320000xi32, #tpu.memory_space<hbm>> -> memref<80xi32, #tpu.memory_space<hbm>>
        %dma_start3A_76 = tpu.memref_slice %arg3[%multiple_of3A_70] : memref<320000xi32, #tpu.memory_space<hbm>> -> memref<80xi32, #tpu.memory_space<hbm>>
        tpu.enqueue_dma source(%dma_start3A_76 : memref<80xi32, #tpu.memory_space<hbm>>) target(%arg7 : memref<80xi32, #tpu.memory_space<vmem>>) target_semaphore(%run_scoped3A : memref<!tpu.dma_semaphore, #tpu.memory_space<semaphore_mem>>)
        %dma_wait3A_77 = tpu.memref_slice %arg3[%multiple_of3A_70] : memref<320000xi32, #tpu.memory_space<hbm>> -> memref<80xi32, #tpu.memory_space<hbm>>
        %dma_wait3A_78 = tpu.memref_slice %arg3[%multiple_of3A_70] : memref<320000xi32, #tpu.memory_space<hbm>> -> memref<80xi32, #tpu.memory_space<hbm>>
        tpu.wait_dma2 semaphore(%run_scoped3A : memref<!tpu.dma_semaphore, #tpu.memory_space<semaphore_mem>>) src(%dma_wait3A_78 : memref<80xi32, #tpu.memory_space<hbm>>) dst(%arg7 : memref<80xi32, #tpu.memory_space<vmem>>)
        tpu.yield
      }) : () -> ()
      "tpu.region"() ({
        %run_scoped3A = tpu.sem_alloc : memref<!tpu.dma_semaphore, #tpu.memory_space<semaphore_mem>>
        %dma_start3A_75 = tpu.memref_slice %arg4[%multiple_of3A_70] : memref<320000xi32, #tpu.memory_space<hbm>> -> memref<80xi32, #tpu.memory_space<hbm>>
        %dma_start3A_76 = tpu.memref_slice %arg4[%multiple_of3A_70] : memref<320000xi32, #tpu.memory_space<hbm>> -> memref<80xi32, #tpu.memory_space<hbm>>
        tpu.enqueue_dma source(%dma_start3A_76 : memref<80xi32, #tpu.memory_space<hbm>>) target(%arg8 : memref<80xi32, #tpu.memory_space<vmem>>) target_semaphore(%run_scoped3A : memref<!tpu.dma_semaphore, #tpu.memory_space<semaphore_mem>>)
        %dma_wait3A_77 = tpu.memref_slice %arg4[%multiple_of3A_70] : memref<320000xi32, #tpu.memory_space<hbm>> -> memref<80xi32, #tpu.memory_space<hbm>>
        %dma_wait3A_78 = tpu.memref_slice %arg4[%multiple_of3A_70] : memref<320000xi32, #tpu.memory_space<hbm>> -> memref<80xi32, #tpu.memory_space<hbm>>
        tpu.wait_dma2 semaphore(%run_scoped3A : memref<!tpu.dma_semaphore, #tpu.memory_space<semaphore_mem>>) src(%dma_wait3A_78 : memref<80xi32, #tpu.memory_space<hbm>>) dst(%arg8 : memref<80xi32, #tpu.memory_space<vmem>>)
        tpu.yield
      }) : () -> ()
      %dma_start3A = arith.constant 0 : i32
      %dma_start3A_71 = arith.constant 0 : i32
      %dma_start3A_72 = tpu.memref_slice %arg2[%dma_start3A, %dma_start3A_71] : memref<10000x128xf32, #tpu.memory_space<hbm>> -> memref<10000x128xf32, #tpu.memory_space<hbm>>
      tpu.enqueue_indirect_dma source(%dma_start3A_72 : memref<10000x128xf32, #tpu.memory_space<hbm>>) target(%arg9 : memref<80x128xf32, #tpu.memory_space<vmem>>) offsets(%arg7 : memref<80xi32, #tpu.memory_space<vmem>>) semaphore(%arg10 : memref<!tpu.dma_semaphore, #tpu.memory_space<semaphore_mem>>)
      %dma_wait3A = arith.constant 0 : i32
      %dma_wait3A_73 = arith.constant 0 : i32
      %dma_wait3A_74 = tpu.memref_slice %arg2[%dma_wait3A, %dma_wait3A_73] : memref<10000x128xf32, #tpu.memory_space<hbm>> -> memref<10000x128xf32, #tpu.memory_space<hbm>>
      tpu.wait_indirect_dma semaphore(%arg10 : memref<!tpu.dma_semaphore, #tpu.memory_space<semaphore_mem>>) src(%dma_wait3A_74 : memref<10000x128xf32, #tpu.memory_space<hbm>>) dst(%arg9 : memref<80x128xf32, #tpu.memory_space<vmem>>)
      "tpu.region"() ({
        %run_scoped3A = tpu.sem_alloc : memref<!tpu.dma_semaphore, #tpu.memory_space<semaphore_mem>>
        %dma_start3A_75 = arith.constant 0 : i32
        %dma_start3A_76 = arith.constant 0 : i32
        %dma_start3A_77 = tpu.memref_slice %arg6[%dma_start3A_75, %dma_start3A_76] : memref<10240x128xf32, #tpu.memory_space<vmem_shared>> -> memref<10240x128xf32, #tpu.memory_space<vmem_shared>>
        tpu.enqueue_indirect_dma source(%arg9 : memref<80x128xf32, #tpu.memory_space<vmem>>) target(%dma_start3A_77 : memref<10240x128xf32, #tpu.memory_space<vmem_shared>>) offsets(%arg8 : memref<80xi32, #tpu.memory_space<vmem>>) semaphore(%run_scoped3A : memref<!tpu.dma_semaphore, #tpu.memory_space<semaphore_mem>>) {add = true}
        %dma_wait3A_78 = arith.constant 0 : i32
        %dma_wait3A_79 = arith.constant 0 : i32
        %dma_wait3A_80 = tpu.memref_slice %arg6[%dma_wait3A_78, %dma_wait3A_79] : memref<10240x128xf32, #tpu.memory_space<vmem_shared>> -> memref<10240x128xf32, #tpu.memory_space<vmem_shared>>
        tpu.wait_indirect_dma semaphore(%run_scoped3A : memref<!tpu.dma_semaphore, #tpu.memory_space<semaphore_mem>>) src(%arg9 : memref<80x128xf32, #tpu.memory_space<vmem>>) dst(%dma_wait3A_80 : memref<10240x128xf32, #tpu.memory_space<vmem_shared>>)
        tpu.yield
      }) : () -> ()
    }
    %scan3A_32 = arith.constant 125 : i32
    %barrier3A_33 = arith.constant 0 : index
    tpu.barrier barrier_id(%barrier3A_33)
    %add3A_34 = arith.constant 0 : i32
    %add3A_35 = arith.addi %multiple_of3A, %add3A_34 : i32
    "tpu.region"() ({
      %run_scoped3A = tpu.sem_alloc : memref<!tpu.dma_semaphore, #tpu.memory_space<semaphore_mem>>
      %dma_start3A = arith.constant 0 : i32
      %dma_start3A_66 = tpu.memref_slice %arg6[%add3A_35, %dma_start3A] : memref<10240x128xf32, #tpu.memory_space<vmem_shared>> -> memref<80x128xf32, #tpu.memory_space<vmem_shared>>
      %dma_start3A_67 = arith.constant 0 : i32
      %dma_start3A_68 = tpu.memref_slice %arg6[%add3A_35, %dma_start3A_67] : memref<10240x128xf32, #tpu.memory_space<vmem_shared>> -> memref<80x128xf32, #tpu.memory_space<vmem_shared>>
      tpu.enqueue_dma source(%dma_start3A_68 : memref<80x128xf32, #tpu.memory_space<vmem_shared>>) target(%arg9 : memref<80x128xf32, #tpu.memory_space<vmem>>) target_semaphore(%run_scoped3A : memref<!tpu.dma_semaphore, #tpu.memory_space<semaphore_mem>>)
      %dma_wait3A = arith.constant 0 : i32
      %dma_wait3A_69 = tpu.memref_slice %arg6[%add3A_35, %dma_wait3A] : memref<10240x128xf32, #tpu.memory_space<vmem_shared>> -> memref<80x128xf32, #tpu.memory_space<vmem_shared>>
      %dma_wait3A_70 = arith.constant 0 : i32
      %dma_wait3A_71 = tpu.memref_slice %arg6[%add3A_35, %dma_wait3A_70] : memref<10240x128xf32, #tpu.memory_space<vmem_shared>> -> memref<80x128xf32, #tpu.memory_space<vmem_shared>>
      tpu.wait_dma2 semaphore(%run_scoped3A : memref<!tpu.dma_semaphore, #tpu.memory_space<semaphore_mem>>) src(%dma_wait3A_71 : memref<80x128xf32, #tpu.memory_space<vmem_shared>>) dst(%arg9 : memref<80x128xf32, #tpu.memory_space<vmem>>)
      tpu.yield
    }) : () -> ()
    %add3A_36 = arith.constant 0 : i32
    %add3A_37 = arith.addi %multiple_of3A, %add3A_36 : i32
    "tpu.region"() ({
      %run_scoped3A = tpu.sem_alloc : memref<!tpu.dma_semaphore, #tpu.memory_space<semaphore_mem>>
      %dma_start3A = arith.constant 0 : i32
      %dma_start3A_66 = tpu.memref_slice %arg5[%arg0, %add3A_37, %dma_start3A] : memref<2x10240x128xf32, #tpu.memory_space<hbm>> -> memref<1x80x128xf32, #tpu.memory_space<hbm>>
      %dma_start3A_67 = tpu.memref_squeeze %dma_start3A_66 : memref<1x80x128xf32, #tpu.memory_space<hbm>> -> memref<80x128xf32, #tpu.memory_space<hbm>>
      %dma_start3A_68 = arith.constant 0 : i32
      %dma_start3A_69 = tpu.memref_slice %arg5[%arg0, %add3A_37, %dma_start3A_68] : memref<2x10240x128xf32, #tpu.memory_space<hbm>> -> memref<1x80x128xf32, #tpu.memory_space<hbm>>
      %dma_start3A_70 = tpu.memref_squeeze %dma_start3A_69 : memref<1x80x128xf32, #tpu.memory_space<hbm>> -> memref<80x128xf32, #tpu.memory_space<hbm>>
      tpu.enqueue_dma source(%arg9 : memref<80x128xf32, #tpu.memory_space<vmem>>) target(%dma_start3A_70 : memref<80x128xf32, #tpu.memory_space<hbm>>) target_semaphore(%run_scoped3A : memref<!tpu.dma_semaphore, #tpu.memory_space<semaphore_mem>>)
      %dma_wait3A = arith.constant 0 : i32
      %dma_wait3A_71 = tpu.memref_slice %arg5[%arg0, %add3A_37, %dma_wait3A] : memref<2x10240x128xf32, #tpu.memory_space<hbm>> -> memref<1x80x128xf32, #tpu.memory_space<hbm>>
      %dma_wait3A_72 = tpu.memref_squeeze %dma_wait3A_71 : memref<1x80x128xf32, #tpu.memory_space<hbm>> -> memref<80x128xf32, #tpu.memory_space<hbm>>
      %dma_wait3A_73 = arith.constant 0 : i32
      %dma_wait3A_74 = tpu.memref_slice %arg5[%arg0, %add3A_37, %dma_wait3A_73] : memref<2x10240x128xf32, #tpu.memory_space<hbm>> -> memref<1x80x128xf32, #tpu.memory_space<hbm>>
      %dma_wait3A_75 = tpu.memref_squeeze %dma_wait3A_74 : memref<1x80x128xf32, #tpu.memory_space<hbm>> -> memref<80x128xf32, #tpu.memory_space<hbm>>
      tpu.wait_dma2 semaphore(%run_scoped3A : memref<!tpu.dma_semaphore, #tpu.memory_space<semaphore_mem>>) src(%arg9 : memref<80x128xf32, #tpu.memory_space<vmem>>) dst(%dma_wait3A_75 : memref<80x128xf32, #tpu.memory_space<hbm>>)
      tpu.yield
    }) : () -> ()
    %add3A_38 = arith.constant 80 : i32
    %add3A_39 = arith.addi %multiple_of3A, %add3A_38 : i32
    "tpu.region"() ({
      %run_scoped3A = tpu.sem_alloc : memref<!tpu.dma_semaphore, #tpu.memory_space<semaphore_mem>>
      %dma_start3A = arith.constant 0 : i32
      %dma_start3A_66 = tpu.memref_slice %arg6[%add3A_39, %dma_start3A] : memref<10240x128xf32, #tpu.memory_space<vmem_shared>> -> memref<80x128xf32, #tpu.memory_space<vmem_shared>>
      %dma_start3A_67 = arith.constant 0 : i32
      %dma_start3A_68 = tpu.memref_slice %arg6[%add3A_39, %dma_start3A_67] : memref<10240x128xf32, #tpu.memory_space<vmem_shared>> -> memref<80x128xf32, #tpu.memory_space<vmem_shared>>
      tpu.enqueue_dma source(%dma_start3A_68 : memref<80x128xf32, #tpu.memory_space<vmem_shared>>) target(%arg9 : memref<80x128xf32, #tpu.memory_space<vmem>>) target_semaphore(%run_scoped3A : memref<!tpu.dma_semaphore, #tpu.memory_space<semaphore_mem>>)
      %dma_wait3A = arith.constant 0 : i32
      %dma_wait3A_69 = tpu.memref_slice %arg6[%add3A_39, %dma_wait3A] : memref<10240x128xf32, #tpu.memory_space<vmem_shared>> -> memref<80x128xf32, #tpu.memory_space<vmem_shared>>
      %dma_wait3A_70 = arith.constant 0 : i32
      %dma_wait3A_71 = tpu.memref_slice %arg6[%add3A_39, %dma_wait3A_70] : memref<10240x128xf32, #tpu.memory_space<vmem_shared>> -> memref<80x128xf32, #tpu.memory_space<vmem_shared>>
      tpu.wait_dma2 semaphore(%run_scoped3A : memref<!tpu.dma_semaphore, #tpu.memory_space<semaphore_mem>>) src(%dma_wait3A_71 : memref<80x128xf32, #tpu.memory_space<vmem_shared>>) dst(%arg9 : memref<80x128xf32, #tpu.memory_space<vmem>>)
      tpu.yield
    }) : () -> ()
    %add3A_40 = arith.constant 80 : i32
    %add3A_41 = arith.addi %multiple_of3A, %add3A_40 : i32
    "tpu.region"() ({
      %run_scoped3A = tpu.sem_alloc : memref<!tpu.dma_semaphore, #tpu.memory_space<semaphore_mem>>
      %dma_start3A = arith.constant 0 : i32
      %dma_start3A_66 = tpu.memref_slice %arg5[%arg0, %add3A_41, %dma_start3A] : memref<2x10240x128xf32, #tpu.memory_space<hbm>> -> memref<1x80x128xf32, #tpu.memory_space<hbm>>
      %dma_start3A_67 = tpu.memref_squeeze %dma_start3A_66 : memref<1x80x128xf32, #tpu.memory_space<hbm>> -> memref<80x128xf32, #tpu.memory_space<hbm>>
      %dma_start3A_68 = arith.constant 0 : i32
      %dma_start3A_69 = tpu.memref_slice %arg5[%arg0, %add3A_41, %dma_start3A_68] : memref<2x10240x128xf32, #tpu.memory_space<hbm>> -> memref<1x80x128xf32, #tpu.memory_space<hbm>>
      %dma_start3A_70 = tpu.memref_squeeze %dma_start3A_69 : memref<1x80x128xf32, #tpu.memory_space<hbm>> -> memref<80x128xf32, #tpu.memory_space<hbm>>
      tpu.enqueue_dma source(%arg9 : memref<80x128xf32, #tpu.memory_space<vmem>>) target(%dma_start3A_70 : memref<80x128xf32, #tpu.memory_space<hbm>>) target_semaphore(%run_scoped3A : memref<!tpu.dma_semaphore, #tpu.memory_space<semaphore_mem>>)
      %dma_wait3A = arith.constant 0 : i32
      %dma_wait3A_71 = tpu.memref_slice %arg5[%arg0, %add3A_41, %dma_wait3A] : memref<2x10240x128xf32, #tpu.memory_space<hbm>> -> memref<1x80x128xf32, #tpu.memory_space<hbm>>
      %dma_wait3A_72 = tpu.memref_squeeze %dma_wait3A_71 : memref<1x80x128xf32, #tpu.memory_space<hbm>> -> memref<80x128xf32, #tpu.memory_space<hbm>>
      %dma_wait3A_73 = arith.constant 0 : i32
      %dma_wait3A_74 = tpu.memref_slice %arg5[%arg0, %add3A_41, %dma_wait3A_73] : memref<2x10240x128xf32, #tpu.memory_space<hbm>> -> memref<1x80x128xf32, #tpu.memory_space<hbm>>
      %dma_wait3A_75 = tpu.memref_squeeze %dma_wait3A_74 : memref<1x80x128xf32, #tpu.memory_space<hbm>> -> memref<80x128xf32, #tpu.memory_space<hbm>>
      tpu.wait_dma2 semaphore(%run_scoped3A : memref<!tpu.dma_semaphore, #tpu.memory_space<semaphore_mem>>) src(%arg9 : memref<80x128xf32, #tpu.memory_space<vmem>>) dst(%dma_wait3A_75 : memref<80x128xf32, #tpu.memory_space<hbm>>)
      tpu.yield
    }) : () -> ()
    %add3A_42 = arith.constant 160 : i32
    %add3A_43 = arith.addi %multiple_of3A, %add3A_42 : i32
    "tpu.region"() ({
      %run_scoped3A = tpu.sem_alloc : memref<!tpu.dma_semaphore, #tpu.memory_space<semaphore_mem>>
      %dma_start3A = arith.constant 0 : i32
      %dma_start3A_66 = tpu.memref_slice %arg6[%add3A_43, %dma_start3A] : memref<10240x128xf32, #tpu.memory_space<vmem_shared>> -> memref<80x128xf32, #tpu.memory_space<vmem_shared>>
      %dma_start3A_67 = arith.constant 0 : i32
      %dma_start3A_68 = tpu.memref_slice %arg6[%add3A_43, %dma_start3A_67] : memref<10240x128xf32, #tpu.memory_space<vmem_shared>> -> memref<80x128xf32, #tpu.memory_space<vmem_shared>>
      tpu.enqueue_dma source(%dma_start3A_68 : memref<80x128xf32, #tpu.memory_space<vmem_shared>>) target(%arg9 : memref<80x128xf32, #tpu.memory_space<vmem>>) target_semaphore(%run_scoped3A : memref<!tpu.dma_semaphore, #tpu.memory_space<semaphore_mem>>)
      %dma_wait3A = arith.constant 0 : i32
      %dma_wait3A_69 = tpu.memref_slice %arg6[%add3A_43, %dma_wait3A] : memref<10240x128xf32, #tpu.memory_space<vmem_shared>> -> memref<80x128xf32, #tpu.memory_space<vmem_shared>>
      %dma_wait3A_70 = arith.constant 0 : i32
      %dma_wait3A_71 = tpu.memref_slice %arg6[%add3A_43, %dma_wait3A_70] : memref<10240x128xf32, #tpu.memory_space<vmem_shared>> -> memref<80x128xf32, #tpu.memory_space<vmem_shared>>
      tpu.wait_dma2 semaphore(%run_scoped3A : memref<!tpu.dma_semaphore, #tpu.memory_space<semaphore_mem>>) src(%dma_wait3A_71 : memref<80x128xf32, #tpu.memory_space<vmem_shared>>) dst(%arg9 : memref<80x128xf32, #tpu.memory_space<vmem>>)
      tpu.yield
    }) : () -> ()
    %add3A_44 = arith.constant 160 : i32
    %add3A_45 = arith.addi %multiple_of3A, %add3A_44 : i32
    "tpu.region"() ({
      %run_scoped3A = tpu.sem_alloc : memref<!tpu.dma_semaphore, #tpu.memory_space<semaphore_mem>>
      %dma_start3A = arith.constant 0 : i32
      %dma_start3A_66 = tpu.memref_slice %arg5[%arg0, %add3A_45, %dma_start3A] : memref<2x10240x128xf32, #tpu.memory_space<hbm>> -> memref<1x80x128xf32, #tpu.memory_space<hbm>>
      %dma_start3A_67 = tpu.memref_squeeze %dma_start3A_66 : memref<1x80x128xf32, #tpu.memory_space<hbm>> -> memref<80x128xf32, #tpu.memory_space<hbm>>
      %dma_start3A_68 = arith.constant 0 : i32
      %dma_start3A_69 = tpu.memref_slice %arg5[%arg0, %add3A_45, %dma_start3A_68] : memref<2x10240x128xf32, #tpu.memory_space<hbm>> -> memref<1x80x128xf32, #tpu.memory_space<hbm>>
      %dma_start3A_70 = tpu.memref_squeeze %dma_start3A_69 : memref<1x80x128xf32, #tpu.memory_space<hbm>> -> memref<80x128xf32, #tpu.memory_space<hbm>>
      tpu.enqueue_dma source(%arg9 : memref<80x128xf32, #tpu.memory_space<vmem>>) target(%dma_start3A_70 : memref<80x128xf32, #tpu.memory_space<hbm>>) target_semaphore(%run_scoped3A : memref<!tpu.dma_semaphore, #tpu.memory_space<semaphore_mem>>)
      %dma_wait3A = arith.constant 0 : i32
      %dma_wait3A_71 = tpu.memref_slice %arg5[%arg0, %add3A_45, %dma_wait3A] : memref<2x10240x128xf32, #tpu.memory_space<hbm>> -> memref<1x80x128xf32, #tpu.memory_space<hbm>>
      %dma_wait3A_72 = tpu.memref_squeeze %dma_wait3A_71 : memref<1x80x128xf32, #tpu.memory_space<hbm>> -> memref<80x128xf32, #tpu.memory_space<hbm>>
      %dma_wait3A_73 = arith.constant 0 : i32
      %dma_wait3A_74 = tpu.memref_slice %arg5[%arg0, %add3A_45, %dma_wait3A_73] : memref<2x10240x128xf32, #tpu.memory_space<hbm>> -> memref<1x80x128xf32, #tpu.memory_space<hbm>>
      %dma_wait3A_75 = tpu.memref_squeeze %dma_wait3A_74 : memref<1x80x128xf32, #tpu.memory_space<hbm>> -> memref<80x128xf32, #tpu.memory_space<hbm>>
      tpu.wait_dma2 semaphore(%run_scoped3A : memref<!tpu.dma_semaphore, #tpu.memory_space<semaphore_mem>>) src(%arg9 : memref<80x128xf32, #tpu.memory_space<vmem>>) dst(%dma_wait3A_75 : memref<80x128xf32, #tpu.memory_space<hbm>>)
      tpu.yield
    }) : () -> ()
    %add3A_46 = arith.constant 240 : i32
    %add3A_47 = arith.addi %multiple_of3A, %add3A_46 : i32
    "tpu.region"() ({
      %run_scoped3A = tpu.sem_alloc : memref<!tpu.dma_semaphore, #tpu.memory_space<semaphore_mem>>
      %dma_start3A = arith.constant 0 : i32
      %dma_start3A_66 = tpu.memref_slice %arg6[%add3A_47, %dma_start3A] : memref<10240x128xf32, #tpu.memory_space<vmem_shared>> -> memref<80x128xf32, #tpu.memory_space<vmem_shared>>
      %dma_start3A_67 = arith.constant 0 : i32
      %dma_start3A_68 = tpu.memref_slice %arg6[%add3A_47, %dma_start3A_67] : memref<10240x128xf32, #tpu.memory_space<vmem_shared>> -> memref<80x128xf32, #tpu.memory_space<vmem_shared>>
      tpu.enqueue_dma source(%dma_start3A_68 : memref<80x128xf32, #tpu.memory_space<vmem_shared>>) target(%arg9 : memref<80x128xf32, #tpu.memory_space<vmem>>) target_semaphore(%run_scoped3A : memref<!tpu.dma_semaphore, #tpu.memory_space<semaphore_mem>>)
      %dma_wait3A = arith.constant 0 : i32
      %dma_wait3A_69 = tpu.memref_slice %arg6[%add3A_47, %dma_wait3A] : memref<10240x128xf32, #tpu.memory_space<vmem_shared>> -> memref<80x128xf32, #tpu.memory_space<vmem_shared>>
      %dma_wait3A_70 = arith.constant 0 : i32
      %dma_wait3A_71 = tpu.memref_slice %arg6[%add3A_47, %dma_wait3A_70] : memref<10240x128xf32, #tpu.memory_space<vmem_shared>> -> memref<80x128xf32, #tpu.memory_space<vmem_shared>>
      tpu.wait_dma2 semaphore(%run_scoped3A : memref<!tpu.dma_semaphore, #tpu.memory_space<semaphore_mem>>) src(%dma_wait3A_71 : memref<80x128xf32, #tpu.memory_space<vmem_shared>>) dst(%arg9 : memref<80x128xf32, #tpu.memory_space<vmem>>)
      tpu.yield
    }) : () -> ()
    %add3A_48 = arith.constant 240 : i32
    %add3A_49 = arith.addi %multiple_of3A, %add3A_48 : i32
    "tpu.region"() ({
      %run_scoped3A = tpu.sem_alloc : memref<!tpu.dma_semaphore, #tpu.memory_space<semaphore_mem>>
      %dma_start3A = arith.constant 0 : i32
      %dma_start3A_66 = tpu.memref_slice %arg5[%arg0, %add3A_49, %dma_start3A] : memref<2x10240x128xf32, #tpu.memory_space<hbm>> -> memref<1x80x128xf32, #tpu.memory_space<hbm>>
      %dma_start3A_67 = tpu.memref_squeeze %dma_start3A_66 : memref<1x80x128xf32, #tpu.memory_space<hbm>> -> memref<80x128xf32, #tpu.memory_space<hbm>>
      %dma_start3A_68 = arith.constant 0 : i32
      %dma_start3A_69 = tpu.memref_slice %arg5[%arg0, %add3A_49, %dma_start3A_68] : memref<2x10240x128xf32, #tpu.memory_space<hbm>> -> memref<1x80x128xf32, #tpu.memory_space<hbm>>
      %dma_start3A_70 = tpu.memref_squeeze %dma_start3A_69 : memref<1x80x128xf32, #tpu.memory_space<hbm>> -> memref<80x128xf32, #tpu.memory_space<hbm>>
      tpu.enqueue_dma source(%arg9 : memref<80x128xf32, #tpu.memory_space<vmem>>) target(%dma_start3A_70 : memref<80x128xf32, #tpu.memory_space<hbm>>) target_semaphore(%run_scoped3A : memref<!tpu.dma_semaphore, #tpu.memory_space<semaphore_mem>>)
      %dma_wait3A = arith.constant 0 : i32
      %dma_wait3A_71 = tpu.memref_slice %arg5[%arg0, %add3A_49, %dma_wait3A] : memref<2x10240x128xf32, #tpu.memory_space<hbm>> -> memref<1x80x128xf32, #tpu.memory_space<hbm>>
      %dma_wait3A_72 = tpu.memref_squeeze %dma_wait3A_71 : memref<1x80x128xf32, #tpu.memory_space<hbm>> -> memref<80x128xf32, #tpu.memory_space<hbm>>
      %dma_wait3A_73 = arith.constant 0 : i32
      %dma_wait3A_74 = tpu.memref_slice %arg5[%arg0, %add3A_49, %dma_wait3A_73] : memref<2x10240x128xf32, #tpu.memory_space<hbm>> -> memref<1x80x128xf32, #tpu.memory_space<hbm>>
      %dma_wait3A_75 = tpu.memref_squeeze %dma_wait3A_74 : memref<1x80x128xf32, #tpu.memory_space<hbm>> -> memref<80x128xf32, #tpu.memory_space<hbm>>
      tpu.wait_dma2 semaphore(%run_scoped3A : memref<!tpu.dma_semaphore, #tpu.memory_space<semaphore_mem>>) src(%arg9 : memref<80x128xf32, #tpu.memory_space<vmem>>) dst(%dma_wait3A_75 : memref<80x128xf32, #tpu.memory_space<hbm>>)
      tpu.yield
    }) : () -> ()
    %add3A_50 = arith.constant 320 : i32
    %add3A_51 = arith.addi %multiple_of3A, %add3A_50 : i32
    "tpu.region"() ({
      %run_scoped3A = tpu.sem_alloc : memref<!tpu.dma_semaphore, #tpu.memory_space<semaphore_mem>>
      %dma_start3A = arith.constant 0 : i32
      %dma_start3A_66 = tpu.memref_slice %arg6[%add3A_51, %dma_start3A] : memref<10240x128xf32, #tpu.memory_space<vmem_shared>> -> memref<80x128xf32, #tpu.memory_space<vmem_shared>>
      %dma_start3A_67 = arith.constant 0 : i32
      %dma_start3A_68 = tpu.memref_slice %arg6[%add3A_51, %dma_start3A_67] : memref<10240x128xf32, #tpu.memory_space<vmem_shared>> -> memref<80x128xf32, #tpu.memory_space<vmem_shared>>
      tpu.enqueue_dma source(%dma_start3A_68 : memref<80x128xf32, #tpu.memory_space<vmem_shared>>) target(%arg9 : memref<80x128xf32, #tpu.memory_space<vmem>>) target_semaphore(%run_scoped3A : memref<!tpu.dma_semaphore, #tpu.memory_space<semaphore_mem>>)
      %dma_wait3A = arith.constant 0 : i32
      %dma_wait3A_69 = tpu.memref_slice %arg6[%add3A_51, %dma_wait3A] : memref<10240x128xf32, #tpu.memory_space<vmem_shared>> -> memref<80x128xf32, #tpu.memory_space<vmem_shared>>
      %dma_wait3A_70 = arith.constant 0 : i32
      %dma_wait3A_71 = tpu.memref_slice %arg6[%add3A_51, %dma_wait3A_70] : memref<10240x128xf32, #tpu.memory_space<vmem_shared>> -> memref<80x128xf32, #tpu.memory_space<vmem_shared>>
      tpu.wait_dma2 semaphore(%run_scoped3A : memref<!tpu.dma_semaphore, #tpu.memory_space<semaphore_mem>>) src(%dma_wait3A_71 : memref<80x128xf32, #tpu.memory_space<vmem_shared>>) dst(%arg9 : memref<80x128xf32, #tpu.memory_space<vmem>>)
      tpu.yield
    }) : () -> ()
    %add3A_52 = arith.constant 320 : i32
    %add3A_53 = arith.addi %multiple_of3A, %add3A_52 : i32
    "tpu.region"() ({
      %run_scoped3A = tpu.sem_alloc : memref<!tpu.dma_semaphore, #tpu.memory_space<semaphore_mem>>
      %dma_start3A = arith.constant 0 : i32
      %dma_start3A_66 = tpu.memref_slice %arg5[%arg0, %add3A_53, %dma_start3A] : memref<2x10240x128xf32, #tpu.memory_space<hbm>> -> memref<1x80x128xf32, #tpu.memory_space<hbm>>
      %dma_start3A_67 = tpu.memref_squeeze %dma_start3A_66 : memref<1x80x128xf32, #tpu.memory_space<hbm>> -> memref<80x128xf32, #tpu.memory_space<hbm>>
      %dma_start3A_68 = arith.constant 0 : i32
      %dma_start3A_69 = tpu.memref_slice %arg5[%arg0, %add3A_53, %dma_start3A_68] : memref<2x10240x128xf32, #tpu.memory_space<hbm>> -> memref<1x80x128xf32, #tpu.memory_space<hbm>>
      %dma_start3A_70 = tpu.memref_squeeze %dma_start3A_69 : memref<1x80x128xf32, #tpu.memory_space<hbm>> -> memref<80x128xf32, #tpu.memory_space<hbm>>
      tpu.enqueue_dma source(%arg9 : memref<80x128xf32, #tpu.memory_space<vmem>>) target(%dma_start3A_70 : memref<80x128xf32, #tpu.memory_space<hbm>>) target_semaphore(%run_scoped3A : memref<!tpu.dma_semaphore, #tpu.memory_space<semaphore_mem>>)
      %dma_wait3A = arith.constant 0 : i32
      %dma_wait3A_71 = tpu.memref_slice %arg5[%arg0, %add3A_53, %dma_wait3A] : memref<2x10240x128xf32, #tpu.memory_space<hbm>> -> memref<1x80x128xf32, #tpu.memory_space<hbm>>
      %dma_wait3A_72 = tpu.memref_squeeze %dma_wait3A_71 : memref<1x80x128xf32, #tpu.memory_space<hbm>> -> memref<80x128xf32, #tpu.memory_space<hbm>>
      %dma_wait3A_73 = arith.constant 0 : i32
      %dma_wait3A_74 = tpu.memref_slice %arg5[%arg0, %add3A_53, %dma_wait3A_73] : memref<2x10240x128xf32, #tpu.memory_space<hbm>> -> memref<1x80x128xf32, #tpu.memory_space<hbm>>
      %dma_wait3A_75 = tpu.memref_squeeze %dma_wait3A_74 : memref<1x80x128xf32, #tpu.memory_space<hbm>> -> memref<80x128xf32, #tpu.memory_space<hbm>>
      tpu.wait_dma2 semaphore(%run_scoped3A : memref<!tpu.dma_semaphore, #tpu.memory_space<semaphore_mem>>) src(%arg9 : memref<80x128xf32, #tpu.memory_space<vmem>>) dst(%dma_wait3A_75 : memref<80x128xf32, #tpu.memory_space<hbm>>)
      tpu.yield
    }) : () -> ()
    %add3A_54 = arith.constant 400 : i32
    %add3A_55 = arith.addi %multiple_of3A, %add3A_54 : i32
    "tpu.region"() ({
      %run_scoped3A = tpu.sem_alloc : memref<!tpu.dma_semaphore, #tpu.memory_space<semaphore_mem>>
      %dma_start3A = arith.constant 0 : i32
      %dma_start3A_66 = tpu.memref_slice %arg6[%add3A_55, %dma_start3A] : memref<10240x128xf32, #tpu.memory_space<vmem_shared>> -> memref<80x128xf32, #tpu.memory_space<vmem_shared>>
      %dma_start3A_67 = arith.constant 0 : i32
      %dma_start3A_68 = tpu.memref_slice %arg6[%add3A_55, %dma_start3A_67] : memref<10240x128xf32, #tpu.memory_space<vmem_shared>> -> memref<80x128xf32, #tpu.memory_space<vmem_shared>>
      tpu.enqueue_dma source(%dma_start3A_68 : memref<80x128xf32, #tpu.memory_space<vmem_shared>>) target(%arg9 : memref<80x128xf32, #tpu.memory_space<vmem>>) target_semaphore(%run_scoped3A : memref<!tpu.dma_semaphore, #tpu.memory_space<semaphore_mem>>)
      %dma_wait3A = arith.constant 0 : i32
      %dma_wait3A_69 = tpu.memref_slice %arg6[%add3A_55, %dma_wait3A] : memref<10240x128xf32, #tpu.memory_space<vmem_shared>> -> memref<80x128xf32, #tpu.memory_space<vmem_shared>>
      %dma_wait3A_70 = arith.constant 0 : i32
      %dma_wait3A_71 = tpu.memref_slice %arg6[%add3A_55, %dma_wait3A_70] : memref<10240x128xf32, #tpu.memory_space<vmem_shared>> -> memref<80x128xf32, #tpu.memory_space<vmem_shared>>
      tpu.wait_dma2 semaphore(%run_scoped3A : memref<!tpu.dma_semaphore, #tpu.memory_space<semaphore_mem>>) src(%dma_wait3A_71 : memref<80x128xf32, #tpu.memory_space<vmem_shared>>) dst(%arg9 : memref<80x128xf32, #tpu.memory_space<vmem>>)
      tpu.yield
    }) : () -> ()
    %add3A_56 = arith.constant 400 : i32
    %add3A_57 = arith.addi %multiple_of3A, %add3A_56 : i32
    "tpu.region"() ({
      %run_scoped3A = tpu.sem_alloc : memref<!tpu.dma_semaphore, #tpu.memory_space<semaphore_mem>>
      %dma_start3A = arith.constant 0 : i32
      %dma_start3A_66 = tpu.memref_slice %arg5[%arg0, %add3A_57, %dma_start3A] : memref<2x10240x128xf32, #tpu.memory_space<hbm>> -> memref<1x80x128xf32, #tpu.memory_space<hbm>>
      %dma_start3A_67 = tpu.memref_squeeze %dma_start3A_66 : memref<1x80x128xf32, #tpu.memory_space<hbm>> -> memref<80x128xf32, #tpu.memory_space<hbm>>
      %dma_start3A_68 = arith.constant 0 : i32
      %dma_start3A_69 = tpu.memref_slice %arg5[%arg0, %add3A_57, %dma_start3A_68] : memref<2x10240x128xf32, #tpu.memory_space<hbm>> -> memref<1x80x128xf32, #tpu.memory_space<hbm>>
      %dma_start3A_70 = tpu.memref_squeeze %dma_start3A_69 : memref<1x80x128xf32, #tpu.memory_space<hbm>> -> memref<80x128xf32, #tpu.memory_space<hbm>>
      tpu.enqueue_dma source(%arg9 : memref<80x128xf32, #tpu.memory_space<vmem>>) target(%dma_start3A_70 : memref<80x128xf32, #tpu.memory_space<hbm>>) target_semaphore(%run_scoped3A : memref<!tpu.dma_semaphore, #tpu.memory_space<semaphore_mem>>)
      %dma_wait3A = arith.constant 0 : i32
      %dma_wait3A_71 = tpu.memref_slice %arg5[%arg0, %add3A_57, %dma_wait3A] : memref<2x10240x128xf32, #tpu.memory_space<hbm>> -> memref<1x80x128xf32, #tpu.memory_space<hbm>>
      %dma_wait3A_72 = tpu.memref_squeeze %dma_wait3A_71 : memref<1x80x128xf32, #tpu.memory_space<hbm>> -> memref<80x128xf32, #tpu.memory_space<hbm>>
      %dma_wait3A_73 = arith.constant 0 : i32
      %dma_wait3A_74 = tpu.memref_slice %arg5[%arg0, %add3A_57, %dma_wait3A_73] : memref<2x10240x128xf32, #tpu.memory_space<hbm>> -> memref<1x80x128xf32, #tpu.memory_space<hbm>>
      %dma_wait3A_75 = tpu.memref_squeeze %dma_wait3A_74 : memref<1x80x128xf32, #tpu.memory_space<hbm>> -> memref<80x128xf32, #tpu.memory_space<hbm>>
      tpu.wait_dma2 semaphore(%run_scoped3A : memref<!tpu.dma_semaphore, #tpu.memory_space<semaphore_mem>>) src(%arg9 : memref<80x128xf32, #tpu.memory_space<vmem>>) dst(%dma_wait3A_75 : memref<80x128xf32, #tpu.memory_space<hbm>>)
      tpu.yield
    }) : () -> ()
    %add3A_58 = arith.constant 480 : i32
    %add3A_59 = arith.addi %multiple_of3A, %add3A_58 : i32
    "tpu.region"() ({
      %run_scoped3A = tpu.sem_alloc : memref<!tpu.dma_semaphore, #tpu.memory_space<semaphore_mem>>
      %dma_start3A = arith.constant 0 : i32
      %dma_start3A_66 = tpu.memref_slice %arg6[%add3A_59, %dma_start3A] : memref<10240x128xf32, #tpu.memory_space<vmem_shared>> -> memref<80x128xf32, #tpu.memory_space<vmem_shared>>
      %dma_start3A_67 = arith.constant 0 : i32
      %dma_start3A_68 = tpu.memref_slice %arg6[%add3A_59, %dma_start3A_67] : memref<10240x128xf32, #tpu.memory_space<vmem_shared>> -> memref<80x128xf32, #tpu.memory_space<vmem_shared>>
      tpu.enqueue_dma source(%dma_start3A_68 : memref<80x128xf32, #tpu.memory_space<vmem_shared>>) target(%arg9 : memref<80x128xf32, #tpu.memory_space<vmem>>) target_semaphore(%run_scoped3A : memref<!tpu.dma_semaphore, #tpu.memory_space<semaphore_mem>>)
      %dma_wait3A = arith.constant 0 : i32
      %dma_wait3A_69 = tpu.memref_slice %arg6[%add3A_59, %dma_wait3A] : memref<10240x128xf32, #tpu.memory_space<vmem_shared>> -> memref<80x128xf32, #tpu.memory_space<vmem_shared>>
      %dma_wait3A_70 = arith.constant 0 : i32
      %dma_wait3A_71 = tpu.memref_slice %arg6[%add3A_59, %dma_wait3A_70] : memref<10240x128xf32, #tpu.memory_space<vmem_shared>> -> memref<80x128xf32, #tpu.memory_space<vmem_shared>>
      tpu.wait_dma2 semaphore(%run_scoped3A : memref<!tpu.dma_semaphore, #tpu.memory_space<semaphore_mem>>) src(%dma_wait3A_71 : memref<80x128xf32, #tpu.memory_space<vmem_shared>>) dst(%arg9 : memref<80x128xf32, #tpu.memory_space<vmem>>)
      tpu.yield
    }) : () -> ()
    %add3A_60 = arith.constant 480 : i32
    %add3A_61 = arith.addi %multiple_of3A, %add3A_60 : i32
    "tpu.region"() ({
      %run_scoped3A = tpu.sem_alloc : memref<!tpu.dma_semaphore, #tpu.memory_space<semaphore_mem>>
      %dma_start3A = arith.constant 0 : i32
      %dma_start3A_66 = tpu.memref_slice %arg5[%arg0, %add3A_61, %dma_start3A] : memref<2x10240x128xf32, #tpu.memory_space<hbm>> -> memref<1x80x128xf32, #tpu.memory_space<hbm>>
      %dma_start3A_67 = tpu.memref_squeeze %dma_start3A_66 : memref<1x80x128xf32, #tpu.memory_space<hbm>> -> memref<80x128xf32, #tpu.memory_space<hbm>>
      %dma_start3A_68 = arith.constant 0 : i32
      %dma_start3A_69 = tpu.memref_slice %arg5[%arg0, %add3A_61, %dma_start3A_68] : memref<2x10240x128xf32, #tpu.memory_space<hbm>> -> memref<1x80x128xf32, #tpu.memory_space<hbm>>
      %dma_start3A_70 = tpu.memref_squeeze %dma_start3A_69 : memref<1x80x128xf32, #tpu.memory_space<hbm>> -> memref<80x128xf32, #tpu.memory_space<hbm>>
      tpu.enqueue_dma source(%arg9 : memref<80x128xf32, #tpu.memory_space<vmem>>) target(%dma_start3A_70 : memref<80x128xf32, #tpu.memory_space<hbm>>) target_semaphore(%run_scoped3A : memref<!tpu.dma_semaphore, #tpu.memory_space<semaphore_mem>>)
      %dma_wait3A = arith.constant 0 : i32
      %dma_wait3A_71 = tpu.memref_slice %arg5[%arg0, %add3A_61, %dma_wait3A] : memref<2x10240x128xf32, #tpu.memory_space<hbm>> -> memref<1x80x128xf32, #tpu.memory_space<hbm>>
      %dma_wait3A_72 = tpu.memref_squeeze %dma_wait3A_71 : memref<1x80x128xf32, #tpu.memory_space<hbm>> -> memref<80x128xf32, #tpu.memory_space<hbm>>
      %dma_wait3A_73 = arith.constant 0 : i32
      %dma_wait3A_74 = tpu.memref_slice %arg5[%arg0, %add3A_61, %dma_wait3A_73] : memref<2x10240x128xf32, #tpu.memory_space<hbm>> -> memref<1x80x128xf32, #tpu.memory_space<hbm>>
      %dma_wait3A_75 = tpu.memref_squeeze %dma_wait3A_74 : memref<1x80x128xf32, #tpu.memory_space<hbm>> -> memref<80x128xf32, #tpu.memory_space<hbm>>
      tpu.wait_dma2 semaphore(%run_scoped3A : memref<!tpu.dma_semaphore, #tpu.memory_space<semaphore_mem>>) src(%arg9 : memref<80x128xf32, #tpu.memory_space<vmem>>) dst(%dma_wait3A_75 : memref<80x128xf32, #tpu.memory_space<hbm>>)
      tpu.yield
    }) : () -> ()
    %add3A_62 = arith.constant 560 : i32
    %add3A_63 = arith.addi %multiple_of3A, %add3A_62 : i32
    "tpu.region"() ({
      %run_scoped3A = tpu.sem_alloc : memref<!tpu.dma_semaphore, #tpu.memory_space<semaphore_mem>>
      %dma_start3A = arith.constant 0 : i32
      %dma_start3A_66 = tpu.memref_slice %arg6[%add3A_63, %dma_start3A] : memref<10240x128xf32, #tpu.memory_space<vmem_shared>> -> memref<80x128xf32, #tpu.memory_space<vmem_shared>>
      %dma_start3A_67 = arith.constant 0 : i32
      %dma_start3A_68 = tpu.memref_slice %arg6[%add3A_63, %dma_start3A_67] : memref<10240x128xf32, #tpu.memory_space<vmem_shared>> -> memref<80x128xf32, #tpu.memory_space<vmem_shared>>
      tpu.enqueue_dma source(%dma_start3A_68 : memref<80x128xf32, #tpu.memory_space<vmem_shared>>) target(%arg9 : memref<80x128xf32, #tpu.memory_space<vmem>>) target_semaphore(%run_scoped3A : memref<!tpu.dma_semaphore, #tpu.memory_space<semaphore_mem>>)
      %dma_wait3A = arith.constant 0 : i32
      %dma_wait3A_69 = tpu.memref_slice %arg6[%add3A_63, %dma_wait3A] : memref<10240x128xf32, #tpu.memory_space<vmem_shared>> -> memref<80x128xf32, #tpu.memory_space<vmem_shared>>
      %dma_wait3A_70 = arith.constant 0 : i32
      %dma_wait3A_71 = tpu.memref_slice %arg6[%add3A_63, %dma_wait3A_70] : memref<10240x128xf32, #tpu.memory_space<vmem_shared>> -> memref<80x128xf32, #tpu.memory_space<vmem_shared>>
      tpu.wait_dma2 semaphore(%run_scoped3A : memref<!tpu.dma_semaphore, #tpu.memory_space<semaphore_mem>>) src(%dma_wait3A_71 : memref<80x128xf32, #tpu.memory_space<vmem_shared>>) dst(%arg9 : memref<80x128xf32, #tpu.memory_space<vmem>>)
      tpu.yield
    }) : () -> ()
    %add3A_64 = arith.constant 560 : i32
    %add3A_65 = arith.addi %multiple_of3A, %add3A_64 : i32
    "tpu.region"() ({
      %run_scoped3A = tpu.sem_alloc : memref<!tpu.dma_semaphore, #tpu.memory_space<semaphore_mem>>
      %dma_start3A = arith.constant 0 : i32
      %dma_start3A_66 = tpu.memref_slice %arg5[%arg0, %add3A_65, %dma_start3A] : memref<2x10240x128xf32, #tpu.memory_space<hbm>> -> memref<1x80x128xf32, #tpu.memory_space<hbm>>
      %dma_start3A_67 = tpu.memref_squeeze %dma_start3A_66 : memref<1x80x128xf32, #tpu.memory_space<hbm>> -> memref<80x128xf32, #tpu.memory_space<hbm>>
      %dma_start3A_68 = arith.constant 0 : i32
      %dma_start3A_69 = tpu.memref_slice %arg5[%arg0, %add3A_65, %dma_start3A_68] : memref<2x10240x128xf32, #tpu.memory_space<hbm>> -> memref<1x80x128xf32, #tpu.memory_space<hbm>>
      %dma_start3A_70 = tpu.memref_squeeze %dma_start3A_69 : memref<1x80x128xf32, #tpu.memory_space<hbm>> -> memref<80x128xf32, #tpu.memory_space<hbm>>
      tpu.enqueue_dma source(%arg9 : memref<80x128xf32, #tpu.memory_space<vmem>>) target(%dma_start3A_70 : memref<80x128xf32, #tpu.memory_space<hbm>>) target_semaphore(%run_scoped3A : memref<!tpu.dma_semaphore, #tpu.memory_space<semaphore_mem>>)
      %dma_wait3A = arith.constant 0 : i32
      %dma_wait3A_71 = tpu.memref_slice %arg5[%arg0, %add3A_65, %dma_wait3A] : memref<2x10240x128xf32, #tpu.memory_space<hbm>> -> memref<1x80x128xf32, #tpu.memory_space<hbm>>
      %dma_wait3A_72 = tpu.memref_squeeze %dma_wait3A_71 : memref<1x80x128xf32, #tpu.memory_space<hbm>> -> memref<80x128xf32, #tpu.memory_space<hbm>>
      %dma_wait3A_73 = arith.constant 0 : i32
      %dma_wait3A_74 = tpu.memref_slice %arg5[%arg0, %add3A_65, %dma_wait3A_73] : memref<2x10240x128xf32, #tpu.memory_space<hbm>> -> memref<1x80x128xf32, #tpu.memory_space<hbm>>
      %dma_wait3A_75 = tpu.memref_squeeze %dma_wait3A_74 : memref<1x80x128xf32, #tpu.memory_space<hbm>> -> memref<80x128xf32, #tpu.memory_space<hbm>>
      tpu.wait_dma2 semaphore(%run_scoped3A : memref<!tpu.dma_semaphore, #tpu.memory_space<semaphore_mem>>) src(%arg9 : memref<80x128xf32, #tpu.memory_space<vmem>>) dst(%dma_wait3A_75 : memref<80x128xf32, #tpu.memory_space<hbm>>)
      tpu.yield
    }) : () -> ()
    return
  }
}

#map = affine_map<(d0, d1) -> (0)>
#map1 = affine_map<(d0, d1) -> (0, 0, 0)>
module attributes {stable_mosaic.version = 14 : i64} {
  func.func @cnts(%arg0: i32, %arg1: i32, %arg2: memref<320000xi32, #tpu.memory_space<hbm>>, %arg3: memref<2x10240x128xf32, #tpu.memory_space<hbm>>, %arg4: memref<10240x128xf32, #tpu.memory_space<vmem_shared>>, %arg5: memref<80xi32, #tpu.memory_space<vmem>>, %arg6: memref<80x128xf32, #tpu.memory_space<vmem>>, %arg7: memref<80x128xf32, #tpu.memory_space<vmem>>) attributes {dimension_semantics = [#tpu.dimension_semantics<core_parallel>, #tpu.dimension_semantics<subcore_parallel>], iteration_bounds = array<i64: 2, 16>, scalar_prefetch = 0 : i64, scratch_operands = 4 : i64, tpu.core_type = #tpu.core_type<sc_vector_subcore>, window_params = [{transform_indices = #map}, {transform_indices = #map1}]} {
    %broadcast_in_dim3A = arith.constant 0.000000e+00 : f32
    %broadcast_in_dim3A_0 = vector.broadcast %broadcast_in_dim3A : f32 to vector<16xf32>
    %broadcast_in_dim3A_1 = arith.constant 1.000000e+00 : f32
    %broadcast_in_dim3A_2 = vector.broadcast %broadcast_in_dim3A_1 : f32 to vector<16xf32>
    %scan3A = arith.constant 0 : i32
    %scan3A_3 = arith.constant 0 : i32
    %scan3A_4 = arith.constant 80 : i32
    %scan3A_5 = arith.addi %scan3A_3, %scan3A_4 : i32
    %scan3A_6 = arith.constant 1 : i32
    scf.for %scan3A_68 = %scan3A_3 to %scan3A_5 step %scan3A_6  : i32 {
      %swap3A = arith.index_cast %scan3A_68 : i32 to index
      %swap3A_69 = arith.constant 0 : index
      %swap3A_70 = tpu.vector_load %arg7[%swap3A, %swap3A_69] {strides = array<i32>} : memref<80x128xf32, #tpu.memory_space<vmem>>, vector<1x16xf32>,
      %swap3A_71 = vector.shape_cast %swap3A_70 : vector<1x16xf32> to vector<16xf32>
      %swap3A_72 = vector.shape_cast %broadcast_in_dim3A_0 : vector<16xf32> to vector<1x16xf32>
      tpu.vector_store %arg7[%swap3A, %swap3A_69], %swap3A_72 {strides = array<i32>} : memref<80x128xf32, #tpu.memory_space<vmem>>, vector<1x16xf32>,
      %swap3A_73 = arith.index_cast %scan3A_68 : i32 to index
      %swap3A_74 = arith.constant 0 : index
      %swap3A_75 = tpu.vector_load %arg6[%swap3A_73, %swap3A_74] {strides = array<i32>} : memref<80x128xf32, #tpu.memory_space<vmem>>, vector<1x16xf32>,
      %swap3A_76 = vector.shape_cast %swap3A_75 : vector<1x16xf32> to vector<16xf32>
      %swap3A_77 = vector.shape_cast %broadcast_in_dim3A_2 : vector<16xf32> to vector<1x16xf32>
      tpu.vector_store %arg6[%swap3A_73, %swap3A_74], %swap3A_77 {strides = array<i32>} : memref<80x128xf32, #tpu.memory_space<vmem>>, vector<1x16xf32>,
      %swap3A_78 = arith.index_cast %scan3A_68 : i32 to index
      %swap3A_79 = arith.constant 16 : index
      %swap3A_80 = tpu.vector_load %arg7[%swap3A_78, %swap3A_79] {strides = array<i32>} : memref<80x128xf32, #tpu.memory_space<vmem>>, vector<1x16xf32>,
      %swap3A_81 = vector.shape_cast %swap3A_80 : vector<1x16xf32> to vector<16xf32>
      %swap3A_82 = vector.shape_cast %broadcast_in_dim3A_0 : vector<16xf32> to vector<1x16xf32>
      tpu.vector_store %arg7[%swap3A_78, %swap3A_79], %swap3A_82 {strides = array<i32>} : memref<80x128xf32, #tpu.memory_space<vmem>>, vector<1x16xf32>,
      %swap3A_83 = arith.index_cast %scan3A_68 : i32 to index
      %swap3A_84 = arith.constant 16 : index
      %swap3A_85 = tpu.vector_load %arg6[%swap3A_83, %swap3A_84] {strides = array<i32>} : memref<80x128xf32, #tpu.memory_space<vmem>>, vector<1x16xf32>,
      %swap3A_86 = vector.shape_cast %swap3A_85 : vector<1x16xf32> to vector<16xf32>
      %swap3A_87 = vector.shape_cast %broadcast_in_dim3A_2 : vector<16xf32> to vector<1x16xf32>
      tpu.vector_store %arg6[%swap3A_83, %swap3A_84], %swap3A_87 {strides = array<i32>} : memref<80x128xf32, #tpu.memory_space<vmem>>, vector<1x16xf32>,
      %swap3A_88 = arith.index_cast %scan3A_68 : i32 to index
      %swap3A_89 = arith.constant 32 : index
      %swap3A_90 = tpu.vector_load %arg7[%swap3A_88, %swap3A_89] {strides = array<i32>} : memref<80x128xf32, #tpu.memory_space<vmem>>, vector<1x16xf32>,
      %swap3A_91 = vector.shape_cast %swap3A_90 : vector<1x16xf32> to vector<16xf32>
      %swap3A_92 = vector.shape_cast %broadcast_in_dim3A_0 : vector<16xf32> to vector<1x16xf32>
      tpu.vector_store %arg7[%swap3A_88, %swap3A_89], %swap3A_92 {strides = array<i32>} : memref<80x128xf32, #tpu.memory_space<vmem>>, vector<1x16xf32>,
      %swap3A_93 = arith.index_cast %scan3A_68 : i32 to index
      %swap3A_94 = arith.constant 32 : index
      %swap3A_95 = tpu.vector_load %arg6[%swap3A_93, %swap3A_94] {strides = array<i32>} : memref<80x128xf32, #tpu.memory_space<vmem>>, vector<1x16xf32>,
      %swap3A_96 = vector.shape_cast %swap3A_95 : vector<1x16xf32> to vector<16xf32>
      %swap3A_97 = vector.shape_cast %broadcast_in_dim3A_2 : vector<16xf32> to vector<1x16xf32>
      tpu.vector_store %arg6[%swap3A_93, %swap3A_94], %swap3A_97 {strides = array<i32>} : memref<80x128xf32, #tpu.memory_space<vmem>>, vector<1x16xf32>,
      %swap3A_98 = arith.index_cast %scan3A_68 : i32 to index
      %swap3A_99 = arith.constant 48 : index
      %swap3A_100 = tpu.vector_load %arg7[%swap3A_98, %swap3A_99] {strides = array<i32>} : memref<80x128xf32, #tpu.memory_space<vmem>>, vector<1x16xf32>,
      %swap3A_101 = vector.shape_cast %swap3A_100 : vector<1x16xf32> to vector<16xf32>
      %swap3A_102 = vector.shape_cast %broadcast_in_dim3A_0 : vector<16xf32> to vector<1x16xf32>
      tpu.vector_store %arg7[%swap3A_98, %swap3A_99], %swap3A_102 {strides = array<i32>} : memref<80x128xf32, #tpu.memory_space<vmem>>, vector<1x16xf32>,
      %swap3A_103 = arith.index_cast %scan3A_68 : i32 to index
      %swap3A_104 = arith.constant 48 : index
      %swap3A_105 = tpu.vector_load %arg6[%swap3A_103, %swap3A_104] {strides = array<i32>} : memref<80x128xf32, #tpu.memory_space<vmem>>, vector<1x16xf32>,
      %swap3A_106 = vector.shape_cast %swap3A_105 : vector<1x16xf32> to vector<16xf32>
      %swap3A_107 = vector.shape_cast %broadcast_in_dim3A_2 : vector<16xf32> to vector<1x16xf32>
      tpu.vector_store %arg6[%swap3A_103, %swap3A_104], %swap3A_107 {strides = array<i32>} : memref<80x128xf32, #tpu.memory_space<vmem>>, vector<1x16xf32>,
      %swap3A_108 = arith.index_cast %scan3A_68 : i32 to index
      %swap3A_109 = arith.constant 64 : index
      %swap3A_110 = tpu.vector_load %arg7[%swap3A_108, %swap3A_109] {strides = array<i32>} : memref<80x128xf32, #tpu.memory_space<vmem>>, vector<1x16xf32>,
      %swap3A_111 = vector.shape_cast %swap3A_110 : vector<1x16xf32> to vector<16xf32>
      %swap3A_112 = vector.shape_cast %broadcast_in_dim3A_0 : vector<16xf32> to vector<1x16xf32>
      tpu.vector_store %arg7[%swap3A_108, %swap3A_109], %swap3A_112 {strides = array<i32>} : memref<80x128xf32, #tpu.memory_space<vmem>>, vector<1x16xf32>,
      %swap3A_113 = arith.index_cast %scan3A_68 : i32 to index
      %swap3A_114 = arith.constant 64 : index
      %swap3A_115 = tpu.vector_load %arg6[%swap3A_113, %swap3A_114] {strides = array<i32>} : memref<80x128xf32, #tpu.memory_space<vmem>>, vector<1x16xf32>,
      %swap3A_116 = vector.shape_cast %swap3A_115 : vector<1x16xf32> to vector<16xf32>
      %swap3A_117 = vector.shape_cast %broadcast_in_dim3A_2 : vector<16xf32> to vector<1x16xf32>
      tpu.vector_store %arg6[%swap3A_113, %swap3A_114], %swap3A_117 {strides = array<i32>} : memref<80x128xf32, #tpu.memory_space<vmem>>, vector<1x16xf32>,
      %swap3A_118 = arith.index_cast %scan3A_68 : i32 to index
      %swap3A_119 = arith.constant 80 : index
      %swap3A_120 = tpu.vector_load %arg7[%swap3A_118, %swap3A_119] {strides = array<i32>} : memref<80x128xf32, #tpu.memory_space<vmem>>, vector<1x16xf32>,
      %swap3A_121 = vector.shape_cast %swap3A_120 : vector<1x16xf32> to vector<16xf32>
      %swap3A_122 = vector.shape_cast %broadcast_in_dim3A_0 : vector<16xf32> to vector<1x16xf32>
      tpu.vector_store %arg7[%swap3A_118, %swap3A_119], %swap3A_122 {strides = array<i32>} : memref<80x128xf32, #tpu.memory_space<vmem>>, vector<1x16xf32>,
      %swap3A_123 = arith.index_cast %scan3A_68 : i32 to index
      %swap3A_124 = arith.constant 80 : index
      %swap3A_125 = tpu.vector_load %arg6[%swap3A_123, %swap3A_124] {strides = array<i32>} : memref<80x128xf32, #tpu.memory_space<vmem>>, vector<1x16xf32>,
      %swap3A_126 = vector.shape_cast %swap3A_125 : vector<1x16xf32> to vector<16xf32>
      %swap3A_127 = vector.shape_cast %broadcast_in_dim3A_2 : vector<16xf32> to vector<1x16xf32>
      tpu.vector_store %arg6[%swap3A_123, %swap3A_124], %swap3A_127 {strides = array<i32>} : memref<80x128xf32, #tpu.memory_space<vmem>>, vector<1x16xf32>,
      %swap3A_128 = arith.index_cast %scan3A_68 : i32 to index
      %swap3A_129 = arith.constant 96 : index
      %swap3A_130 = tpu.vector_load %arg7[%swap3A_128, %swap3A_129] {strides = array<i32>} : memref<80x128xf32, #tpu.memory_space<vmem>>, vector<1x16xf32>,
      %swap3A_131 = vector.shape_cast %swap3A_130 : vector<1x16xf32> to vector<16xf32>
      %swap3A_132 = vector.shape_cast %broadcast_in_dim3A_0 : vector<16xf32> to vector<1x16xf32>
      tpu.vector_store %arg7[%swap3A_128, %swap3A_129], %swap3A_132 {strides = array<i32>} : memref<80x128xf32, #tpu.memory_space<vmem>>, vector<1x16xf32>,
      %swap3A_133 = arith.index_cast %scan3A_68 : i32 to index
      %swap3A_134 = arith.constant 96 : index
      %swap3A_135 = tpu.vector_load %arg6[%swap3A_133, %swap3A_134] {strides = array<i32>} : memref<80x128xf32, #tpu.memory_space<vmem>>, vector<1x16xf32>,
      %swap3A_136 = vector.shape_cast %swap3A_135 : vector<1x16xf32> to vector<16xf32>
      %swap3A_137 = vector.shape_cast %broadcast_in_dim3A_2 : vector<16xf32> to vector<1x16xf32>
      tpu.vector_store %arg6[%swap3A_133, %swap3A_134], %swap3A_137 {strides = array<i32>} : memref<80x128xf32, #tpu.memory_space<vmem>>, vector<1x16xf32>,
      %swap3A_138 = arith.index_cast %scan3A_68 : i32 to index
      %swap3A_139 = arith.constant 112 : index
      %swap3A_140 = tpu.vector_load %arg7[%swap3A_138, %swap3A_139] {strides = array<i32>} : memref<80x128xf32, #tpu.memory_space<vmem>>, vector<1x16xf32>,
      %swap3A_141 = vector.shape_cast %swap3A_140 : vector<1x16xf32> to vector<16xf32>
      %swap3A_142 = vector.shape_cast %broadcast_in_dim3A_0 : vector<16xf32> to vector<1x16xf32>
      tpu.vector_store %arg7[%swap3A_138, %swap3A_139], %swap3A_142 {strides = array<i32>} : memref<80x128xf32, #tpu.memory_space<vmem>>, vector<1x16xf32>,
      %swap3A_143 = arith.index_cast %scan3A_68 : i32 to index
      %swap3A_144 = arith.constant 112 : index
      %swap3A_145 = tpu.vector_load %arg6[%swap3A_143, %swap3A_144] {strides = array<i32>} : memref<80x128xf32, #tpu.memory_space<vmem>>, vector<1x16xf32>,
      %swap3A_146 = vector.shape_cast %swap3A_145 : vector<1x16xf32> to vector<16xf32>
      %swap3A_147 = vector.shape_cast %broadcast_in_dim3A_2 : vector<16xf32> to vector<1x16xf32>
      tpu.vector_store %arg6[%swap3A_143, %swap3A_144], %swap3A_147 {strides = array<i32>} : memref<80x128xf32, #tpu.memory_space<vmem>>, vector<1x16xf32>,
    }
    %scan3A_7 = arith.constant 80 : i32
    %mul3A = arith.constant 640 : i32
    %mul3A_8 = arith.muli %arg1, %mul3A : i32
    %multiple_of3A = tpu.assume_multiple %mul3A_8, 8 : i32
    %add3A = arith.constant 0 : i32
    %add3A_9 = arith.addi %multiple_of3A, %add3A : i32
    "tpu.region"() ({
      %run_scoped3A = tpu.sem_alloc : memref<!tpu.dma_semaphore, #tpu.memory_space<semaphore_mem>>
      %dma_start3A = arith.constant 0 : i32
      %dma_start3A_68 = tpu.memref_slice %arg4[%add3A_9, %dma_start3A] : memref<10240x128xf32, #tpu.memory_space<vmem_shared>> -> memref<80x128xf32, #tpu.memory_space<vmem_shared>>
      %dma_start3A_69 = arith.constant 0 : i32
      %dma_start3A_70 = tpu.memref_slice %arg4[%add3A_9, %dma_start3A_69] : memref<10240x128xf32, #tpu.memory_space<vmem_shared>> -> memref<80x128xf32, #tpu.memory_space<vmem_shared>>
      tpu.enqueue_dma source(%arg7 : memref<80x128xf32, #tpu.memory_space<vmem>>) target(%dma_start3A_70 : memref<80x128xf32, #tpu.memory_space<vmem_shared>>) target_semaphore(%run_scoped3A : memref<!tpu.dma_semaphore, #tpu.memory_space<semaphore_mem>>)
      %dma_wait3A = arith.constant 0 : i32
      %dma_wait3A_71 = tpu.memref_slice %arg4[%add3A_9, %dma_wait3A] : memref<10240x128xf32, #tpu.memory_space<vmem_shared>> -> memref<80x128xf32, #tpu.memory_space<vmem_shared>>
      %dma_wait3A_72 = arith.constant 0 : i32
      %dma_wait3A_73 = tpu.memref_slice %arg4[%add3A_9, %dma_wait3A_72] : memref<10240x128xf32, #tpu.memory_space<vmem_shared>> -> memref<80x128xf32, #tpu.memory_space<vmem_shared>>
      tpu.wait_dma2 semaphore(%run_scoped3A : memref<!tpu.dma_semaphore, #tpu.memory_space<semaphore_mem>>) src(%arg7 : memref<80x128xf32, #tpu.memory_space<vmem>>) dst(%dma_wait3A_73 : memref<80x128xf32, #tpu.memory_space<vmem_shared>>)
      tpu.yield
    }) : () -> ()
    %add3A_10 = arith.constant 80 : i32
    %add3A_11 = arith.addi %multiple_of3A, %add3A_10 : i32
    "tpu.region"() ({
      %run_scoped3A = tpu.sem_alloc : memref<!tpu.dma_semaphore, #tpu.memory_space<semaphore_mem>>
      %dma_start3A = arith.constant 0 : i32
      %dma_start3A_68 = tpu.memref_slice %arg4[%add3A_11, %dma_start3A] : memref<10240x128xf32, #tpu.memory_space<vmem_shared>> -> memref<80x128xf32, #tpu.memory_space<vmem_shared>>
      %dma_start3A_69 = arith.constant 0 : i32
      %dma_start3A_70 = tpu.memref_slice %arg4[%add3A_11, %dma_start3A_69] : memref<10240x128xf32, #tpu.memory_space<vmem_shared>> -> memref<80x128xf32, #tpu.memory_space<vmem_shared>>
      tpu.enqueue_dma source(%arg7 : memref<80x128xf32, #tpu.memory_space<vmem>>) target(%dma_start3A_70 : memref<80x128xf32, #tpu.memory_space<vmem_shared>>) target_semaphore(%run_scoped3A : memref<!tpu.dma_semaphore, #tpu.memory_space<semaphore_mem>>)
      %dma_wait3A = arith.constant 0 : i32
      %dma_wait3A_71 = tpu.memref_slice %arg4[%add3A_11, %dma_wait3A] : memref<10240x128xf32, #tpu.memory_space<vmem_shared>> -> memref<80x128xf32, #tpu.memory_space<vmem_shared>>
      %dma_wait3A_72 = arith.constant 0 : i32
      %dma_wait3A_73 = tpu.memref_slice %arg4[%add3A_11, %dma_wait3A_72] : memref<10240x128xf32, #tpu.memory_space<vmem_shared>> -> memref<80x128xf32, #tpu.memory_space<vmem_shared>>
      tpu.wait_dma2 semaphore(%run_scoped3A : memref<!tpu.dma_semaphore, #tpu.memory_space<semaphore_mem>>) src(%arg7 : memref<80x128xf32, #tpu.memory_space<vmem>>) dst(%dma_wait3A_73 : memref<80x128xf32, #tpu.memory_space<vmem_shared>>)
      tpu.yield
    }) : () -> ()
    %add3A_12 = arith.constant 160 : i32
    %add3A_13 = arith.addi %multiple_of3A, %add3A_12 : i32
    "tpu.region"() ({
      %run_scoped3A = tpu.sem_alloc : memref<!tpu.dma_semaphore, #tpu.memory_space<semaphore_mem>>
      %dma_start3A = arith.constant 0 : i32
      %dma_start3A_68 = tpu.memref_slice %arg4[%add3A_13, %dma_start3A] : memref<10240x128xf32, #tpu.memory_space<vmem_shared>> -> memref<80x128xf32, #tpu.memory_space<vmem_shared>>
      %dma_start3A_69 = arith.constant 0 : i32
      %dma_start3A_70 = tpu.memref_slice %arg4[%add3A_13, %dma_start3A_69] : memref<10240x128xf32, #tpu.memory_space<vmem_shared>> -> memref<80x128xf32, #tpu.memory_space<vmem_shared>>
      tpu.enqueue_dma source(%arg7 : memref<80x128xf32, #tpu.memory_space<vmem>>) target(%dma_start3A_70 : memref<80x128xf32, #tpu.memory_space<vmem_shared>>) target_semaphore(%run_scoped3A : memref<!tpu.dma_semaphore, #tpu.memory_space<semaphore_mem>>)
      %dma_wait3A = arith.constant 0 : i32
      %dma_wait3A_71 = tpu.memref_slice %arg4[%add3A_13, %dma_wait3A] : memref<10240x128xf32, #tpu.memory_space<vmem_shared>> -> memref<80x128xf32, #tpu.memory_space<vmem_shared>>
      %dma_wait3A_72 = arith.constant 0 : i32
      %dma_wait3A_73 = tpu.memref_slice %arg4[%add3A_13, %dma_wait3A_72] : memref<10240x128xf32, #tpu.memory_space<vmem_shared>> -> memref<80x128xf32, #tpu.memory_space<vmem_shared>>
      tpu.wait_dma2 semaphore(%run_scoped3A : memref<!tpu.dma_semaphore, #tpu.memory_space<semaphore_mem>>) src(%arg7 : memref<80x128xf32, #tpu.memory_space<vmem>>) dst(%dma_wait3A_73 : memref<80x128xf32, #tpu.memory_space<vmem_shared>>)
      tpu.yield
    }) : () -> ()
    %add3A_14 = arith.constant 240 : i32
    %add3A_15 = arith.addi %multiple_of3A, %add3A_14 : i32
    "tpu.region"() ({
      %run_scoped3A = tpu.sem_alloc : memref<!tpu.dma_semaphore, #tpu.memory_space<semaphore_mem>>
      %dma_start3A = arith.constant 0 : i32
      %dma_start3A_68 = tpu.memref_slice %arg4[%add3A_15, %dma_start3A] : memref<10240x128xf32, #tpu.memory_space<vmem_shared>> -> memref<80x128xf32, #tpu.memory_space<vmem_shared>>
      %dma_start3A_69 = arith.constant 0 : i32
      %dma_start3A_70 = tpu.memref_slice %arg4[%add3A_15, %dma_start3A_69] : memref<10240x128xf32, #tpu.memory_space<vmem_shared>> -> memref<80x128xf32, #tpu.memory_space<vmem_shared>>
      tpu.enqueue_dma source(%arg7 : memref<80x128xf32, #tpu.memory_space<vmem>>) target(%dma_start3A_70 : memref<80x128xf32, #tpu.memory_space<vmem_shared>>) target_semaphore(%run_scoped3A : memref<!tpu.dma_semaphore, #tpu.memory_space<semaphore_mem>>)
      %dma_wait3A = arith.constant 0 : i32
      %dma_wait3A_71 = tpu.memref_slice %arg4[%add3A_15, %dma_wait3A] : memref<10240x128xf32, #tpu.memory_space<vmem_shared>> -> memref<80x128xf32, #tpu.memory_space<vmem_shared>>
      %dma_wait3A_72 = arith.constant 0 : i32
      %dma_wait3A_73 = tpu.memref_slice %arg4[%add3A_15, %dma_wait3A_72] : memref<10240x128xf32, #tpu.memory_space<vmem_shared>> -> memref<80x128xf32, #tpu.memory_space<vmem_shared>>
      tpu.wait_dma2 semaphore(%run_scoped3A : memref<!tpu.dma_semaphore, #tpu.memory_space<semaphore_mem>>) src(%arg7 : memref<80x128xf32, #tpu.memory_space<vmem>>) dst(%dma_wait3A_73 : memref<80x128xf32, #tpu.memory_space<vmem_shared>>)
      tpu.yield
    }) : () -> ()
    %add3A_16 = arith.constant 320 : i32
    %add3A_17 = arith.addi %multiple_of3A, %add3A_16 : i32
    "tpu.region"() ({
      %run_scoped3A = tpu.sem_alloc : memref<!tpu.dma_semaphore, #tpu.memory_space<semaphore_mem>>
      %dma_start3A = arith.constant 0 : i32
      %dma_start3A_68 = tpu.memref_slice %arg4[%add3A_17, %dma_start3A] : memref<10240x128xf32, #tpu.memory_space<vmem_shared>> -> memref<80x128xf32, #tpu.memory_space<vmem_shared>>
      %dma_start3A_69 = arith.constant 0 : i32
      %dma_start3A_70 = tpu.memref_slice %arg4[%add3A_17, %dma_start3A_69] : memref<10240x128xf32, #tpu.memory_space<vmem_shared>> -> memref<80x128xf32, #tpu.memory_space<vmem_shared>>
      tpu.enqueue_dma source(%arg7 : memref<80x128xf32, #tpu.memory_space<vmem>>) target(%dma_start3A_70 : memref<80x128xf32, #tpu.memory_space<vmem_shared>>) target_semaphore(%run_scoped3A : memref<!tpu.dma_semaphore, #tpu.memory_space<semaphore_mem>>)
      %dma_wait3A = arith.constant 0 : i32
      %dma_wait3A_71 = tpu.memref_slice %arg4[%add3A_17, %dma_wait3A] : memref<10240x128xf32, #tpu.memory_space<vmem_shared>> -> memref<80x128xf32, #tpu.memory_space<vmem_shared>>
      %dma_wait3A_72 = arith.constant 0 : i32
      %dma_wait3A_73 = tpu.memref_slice %arg4[%add3A_17, %dma_wait3A_72] : memref<10240x128xf32, #tpu.memory_space<vmem_shared>> -> memref<80x128xf32, #tpu.memory_space<vmem_shared>>
      tpu.wait_dma2 semaphore(%run_scoped3A : memref<!tpu.dma_semaphore, #tpu.memory_space<semaphore_mem>>) src(%arg7 : memref<80x128xf32, #tpu.memory_space<vmem>>) dst(%dma_wait3A_73 : memref<80x128xf32, #tpu.memory_space<vmem_shared>>)
      tpu.yield
    }) : () -> ()
    %add3A_18 = arith.constant 400 : i32
    %add3A_19 = arith.addi %multiple_of3A, %add3A_18 : i32
    "tpu.region"() ({
      %run_scoped3A = tpu.sem_alloc : memref<!tpu.dma_semaphore, #tpu.memory_space<semaphore_mem>>
      %dma_start3A = arith.constant 0 : i32
      %dma_start3A_68 = tpu.memref_slice %arg4[%add3A_19, %dma_start3A] : memref<10240x128xf32, #tpu.memory_space<vmem_shared>> -> memref<80x128xf32, #tpu.memory_space<vmem_shared>>
      %dma_start3A_69 = arith.constant 0 : i32
      %dma_start3A_70 = tpu.memref_slice %arg4[%add3A_19, %dma_start3A_69] : memref<10240x128xf32, #tpu.memory_space<vmem_shared>> -> memref<80x128xf32, #tpu.memory_space<vmem_shared>>
      tpu.enqueue_dma source(%arg7 : memref<80x128xf32, #tpu.memory_space<vmem>>) target(%dma_start3A_70 : memref<80x128xf32, #tpu.memory_space<vmem_shared>>) target_semaphore(%run_scoped3A : memref<!tpu.dma_semaphore, #tpu.memory_space<semaphore_mem>>)
      %dma_wait3A = arith.constant 0 : i32
      %dma_wait3A_71 = tpu.memref_slice %arg4[%add3A_19, %dma_wait3A] : memref<10240x128xf32, #tpu.memory_space<vmem_shared>> -> memref<80x128xf32, #tpu.memory_space<vmem_shared>>
      %dma_wait3A_72 = arith.constant 0 : i32
      %dma_wait3A_73 = tpu.memref_slice %arg4[%add3A_19, %dma_wait3A_72] : memref<10240x128xf32, #tpu.memory_space<vmem_shared>> -> memref<80x128xf32, #tpu.memory_space<vmem_shared>>
      tpu.wait_dma2 semaphore(%run_scoped3A : memref<!tpu.dma_semaphore, #tpu.memory_space<semaphore_mem>>) src(%arg7 : memref<80x128xf32, #tpu.memory_space<vmem>>) dst(%dma_wait3A_73 : memref<80x128xf32, #tpu.memory_space<vmem_shared>>)
      tpu.yield
    }) : () -> ()
    %add3A_20 = arith.constant 480 : i32
    %add3A_21 = arith.addi %multiple_of3A, %add3A_20 : i32
    "tpu.region"() ({
      %run_scoped3A = tpu.sem_alloc : memref<!tpu.dma_semaphore, #tpu.memory_space<semaphore_mem>>
      %dma_start3A = arith.constant 0 : i32
      %dma_start3A_68 = tpu.memref_slice %arg4[%add3A_21, %dma_start3A] : memref<10240x128xf32, #tpu.memory_space<vmem_shared>> -> memref<80x128xf32, #tpu.memory_space<vmem_shared>>
      %dma_start3A_69 = arith.constant 0 : i32
      %dma_start3A_70 = tpu.memref_slice %arg4[%add3A_21, %dma_start3A_69] : memref<10240x128xf32, #tpu.memory_space<vmem_shared>> -> memref<80x128xf32, #tpu.memory_space<vmem_shared>>
      tpu.enqueue_dma source(%arg7 : memref<80x128xf32, #tpu.memory_space<vmem>>) target(%dma_start3A_70 : memref<80x128xf32, #tpu.memory_space<vmem_shared>>) target_semaphore(%run_scoped3A : memref<!tpu.dma_semaphore, #tpu.memory_space<semaphore_mem>>)
      %dma_wait3A = arith.constant 0 : i32
      %dma_wait3A_71 = tpu.memref_slice %arg4[%add3A_21, %dma_wait3A] : memref<10240x128xf32, #tpu.memory_space<vmem_shared>> -> memref<80x128xf32, #tpu.memory_space<vmem_shared>>
      %dma_wait3A_72 = arith.constant 0 : i32
      %dma_wait3A_73 = tpu.memref_slice %arg4[%add3A_21, %dma_wait3A_72] : memref<10240x128xf32, #tpu.memory_space<vmem_shared>> -> memref<80x128xf32, #tpu.memory_space<vmem_shared>>
      tpu.wait_dma2 semaphore(%run_scoped3A : memref<!tpu.dma_semaphore, #tpu.memory_space<semaphore_mem>>) src(%arg7 : memref<80x128xf32, #tpu.memory_space<vmem>>) dst(%dma_wait3A_73 : memref<80x128xf32, #tpu.memory_space<vmem_shared>>)
      tpu.yield
    }) : () -> ()
    %add3A_22 = arith.constant 560 : i32
    %add3A_23 = arith.addi %multiple_of3A, %add3A_22 : i32
    "tpu.region"() ({
      %run_scoped3A = tpu.sem_alloc : memref<!tpu.dma_semaphore, #tpu.memory_space<semaphore_mem>>
      %dma_start3A = arith.constant 0 : i32
      %dma_start3A_68 = tpu.memref_slice %arg4[%add3A_23, %dma_start3A] : memref<10240x128xf32, #tpu.memory_space<vmem_shared>> -> memref<80x128xf32, #tpu.memory_space<vmem_shared>>
      %dma_start3A_69 = arith.constant 0 : i32
      %dma_start3A_70 = tpu.memref_slice %arg4[%add3A_23, %dma_start3A_69] : memref<10240x128xf32, #tpu.memory_space<vmem_shared>> -> memref<80x128xf32, #tpu.memory_space<vmem_shared>>
      tpu.enqueue_dma source(%arg7 : memref<80x128xf32, #tpu.memory_space<vmem>>) target(%dma_start3A_70 : memref<80x128xf32, #tpu.memory_space<vmem_shared>>) target_semaphore(%run_scoped3A : memref<!tpu.dma_semaphore, #tpu.memory_space<semaphore_mem>>)
      %dma_wait3A = arith.constant 0 : i32
      %dma_wait3A_71 = tpu.memref_slice %arg4[%add3A_23, %dma_wait3A] : memref<10240x128xf32, #tpu.memory_space<vmem_shared>> -> memref<80x128xf32, #tpu.memory_space<vmem_shared>>
      %dma_wait3A_72 = arith.constant 0 : i32
      %dma_wait3A_73 = tpu.memref_slice %arg4[%add3A_23, %dma_wait3A_72] : memref<10240x128xf32, #tpu.memory_space<vmem_shared>> -> memref<80x128xf32, #tpu.memory_space<vmem_shared>>
      tpu.wait_dma2 semaphore(%run_scoped3A : memref<!tpu.dma_semaphore, #tpu.memory_space<semaphore_mem>>) src(%arg7 : memref<80x128xf32, #tpu.memory_space<vmem>>) dst(%dma_wait3A_73 : memref<80x128xf32, #tpu.memory_space<vmem_shared>>)
      tpu.yield
    }) : () -> ()
    %barrier3A = arith.constant 0 : index
    tpu.barrier barrier_id(%barrier3A)
    %mul3A_24 = arith.constant 16 : i32
    %mul3A_25 = arith.muli %arg0, %mul3A_24 : i32
    %add3A_26 = arith.addi %mul3A_25, %arg1 : i32
    %mul3A_27 = arith.constant 10000 : i32
    %mul3A_28 = arith.muli %add3A_26, %mul3A_27 : i32
    %scan3A_29 = arith.constant 0 : i32
    %scan3A_30 = arith.constant 0 : i32
    %scan3A_31 = arith.constant 125 : i32
    %scan3A_32 = arith.addi %scan3A_30, %scan3A_31 : i32
    %scan3A_33 = arith.constant 1 : i32
    scf.for %scan3A_68 = %scan3A_30 to %scan3A_32 step %scan3A_33  : i32 {
      %mul3A_69 = arith.constant 80 : i32
      %mul3A_70 = arith.muli %scan3A_68, %mul3A_69 : i32
      %add3A_71 = arith.addi %mul3A_28, %mul3A_70 : i32
      %multiple_of3A_72 = tpu.assume_multiple %add3A_71, 8 : i32
      "tpu.region"() ({
        %run_scoped3A = tpu.sem_alloc : memref<!tpu.dma_semaphore, #tpu.memory_space<semaphore_mem>>
        %dma_start3A = tpu.memref_slice %arg2[%multiple_of3A_72] : memref<320000xi32, #tpu.memory_space<hbm>> -> memref<80xi32, #tpu.memory_space<hbm>>
        %dma_start3A_73 = tpu.memref_slice %arg2[%multiple_of3A_72] : memref<320000xi32, #tpu.memory_space<hbm>> -> memref<80xi32, #tpu.memory_space<hbm>>
        tpu.enqueue_dma source(%dma_start3A_73 : memref<80xi32, #tpu.memory_space<hbm>>) target(%arg5 : memref<80xi32, #tpu.memory_space<vmem>>) target_semaphore(%run_scoped3A : memref<!tpu.dma_semaphore, #tpu.memory_space<semaphore_mem>>)
        %dma_wait3A = tpu.memref_slice %arg2[%multiple_of3A_72] : memref<320000xi32, #tpu.memory_space<hbm>> -> memref<80xi32, #tpu.memory_space<hbm>>
        %dma_wait3A_74 = tpu.memref_slice %arg2[%multiple_of3A_72] : memref<320000xi32, #tpu.memory_space<hbm>> -> memref<80xi32, #tpu.memory_space<hbm>>
        tpu.wait_dma2 semaphore(%run_scoped3A : memref<!tpu.dma_semaphore, #tpu.memory_space<semaphore_mem>>) src(%dma_wait3A_74 : memref<80xi32, #tpu.memory_space<hbm>>) dst(%arg5 : memref<80xi32, #tpu.memory_space<vmem>>)
        tpu.yield
      }) : () -> ()
      "tpu.region"() ({
        %run_scoped3A = tpu.sem_alloc : memref<!tpu.dma_semaphore, #tpu.memory_space<semaphore_mem>>
        %dma_start3A = arith.constant 0 : i32
        %dma_start3A_73 = arith.constant 0 : i32
        %dma_start3A_74 = tpu.memref_slice %arg4[%dma_start3A, %dma_start3A_73] : memref<10240x128xf32, #tpu.memory_space<vmem_shared>> -> memref<10240x128xf32, #tpu.memory_space<vmem_shared>>
        tpu.enqueue_indirect_dma source(%arg6 : memref<80x128xf32, #tpu.memory_space<vmem>>) target(%dma_start3A_74 : memref<10240x128xf32, #tpu.memory_space<vmem_shared>>) offsets(%arg5 : memref<80xi32, #tpu.memory_space<vmem>>) semaphore(%run_scoped3A : memref<!tpu.dma_semaphore, #tpu.memory_space<semaphore_mem>>) {add = true}
        %dma_wait3A = arith.constant 0 : i32
        %dma_wait3A_75 = arith.constant 0 : i32
        %dma_wait3A_76 = tpu.memref_slice %arg4[%dma_wait3A, %dma_wait3A_75] : memref<10240x128xf32, #tpu.memory_space<vmem_shared>> -> memref<10240x128xf32, #tpu.memory_space<vmem_shared>>
        tpu.wait_indirect_dma semaphore(%run_scoped3A : memref<!tpu.dma_semaphore, #tpu.memory_space<semaphore_mem>>) src(%arg6 : memref<80x128xf32, #tpu.memory_space<vmem>>) dst(%dma_wait3A_76 : memref<10240x128xf32, #tpu.memory_space<vmem_shared>>)
        tpu.yield
      }) : () -> ()
    }
    %scan3A_34 = arith.constant 125 : i32
    %barrier3A_35 = arith.constant 0 : index
    tpu.barrier barrier_id(%barrier3A_35)
    %add3A_36 = arith.constant 0 : i32
    %add3A_37 = arith.addi %multiple_of3A, %add3A_36 : i32
    "tpu.region"() ({
      %run_scoped3A = tpu.sem_alloc : memref<!tpu.dma_semaphore, #tpu.memory_space<semaphore_mem>>
      %dma_start3A = arith.constant 0 : i32
      %dma_start3A_68 = tpu.memref_slice %arg4[%add3A_37, %dma_start3A] : memref<10240x128xf32, #tpu.memory_space<vmem_shared>> -> memref<80x128xf32, #tpu.memory_space<vmem_shared>>
      %dma_start3A_69 = arith.constant 0 : i32
      %dma_start3A_70 = tpu.memref_slice %arg4[%add3A_37, %dma_start3A_69] : memref<10240x128xf32, #tpu.memory_space<vmem_shared>> -> memref<80x128xf32, #tpu.memory_space<vmem_shared>>
      tpu.enqueue_dma source(%dma_start3A_70 : memref<80x128xf32, #tpu.memory_space<vmem_shared>>) target(%arg7 : memref<80x128xf32, #tpu.memory_space<vmem>>) target_semaphore(%run_scoped3A : memref<!tpu.dma_semaphore, #tpu.memory_space<semaphore_mem>>)
      %dma_wait3A = arith.constant 0 : i32
      %dma_wait3A_71 = tpu.memref_slice %arg4[%add3A_37, %dma_wait3A] : memref<10240x128xf32, #tpu.memory_space<vmem_shared>> -> memref<80x128xf32, #tpu.memory_space<vmem_shared>>
      %dma_wait3A_72 = arith.constant 0 : i32
      %dma_wait3A_73 = tpu.memref_slice %arg4[%add3A_37, %dma_wait3A_72] : memref<10240x128xf32, #tpu.memory_space<vmem_shared>> -> memref<80x128xf32, #tpu.memory_space<vmem_shared>>
      tpu.wait_dma2 semaphore(%run_scoped3A : memref<!tpu.dma_semaphore, #tpu.memory_space<semaphore_mem>>) src(%dma_wait3A_73 : memref<80x128xf32, #tpu.memory_space<vmem_shared>>) dst(%arg7 : memref<80x128xf32, #tpu.memory_space<vmem>>)
      tpu.yield
    }) : () -> ()
    %add3A_38 = arith.constant 0 : i32
    %add3A_39 = arith.addi %multiple_of3A, %add3A_38 : i32
    "tpu.region"() ({
      %run_scoped3A = tpu.sem_alloc : memref<!tpu.dma_semaphore, #tpu.memory_space<semaphore_mem>>
      %dma_start3A = arith.constant 0 : i32
      %dma_start3A_68 = tpu.memref_slice %arg3[%arg0, %add3A_39, %dma_start3A] : memref<2x10240x128xf32, #tpu.memory_space<hbm>> -> memref<1x80x128xf32, #tpu.memory_space<hbm>>
      %dma_start3A_69 = tpu.memref_squeeze %dma_start3A_68 : memref<1x80x128xf32, #tpu.memory_space<hbm>> -> memref<80x128xf32, #tpu.memory_space<hbm>>
      %dma_start3A_70 = arith.constant 0 : i32
      %dma_start3A_71 = tpu.memref_slice %arg3[%arg0, %add3A_39, %dma_start3A_70] : memref<2x10240x128xf32, #tpu.memory_space<hbm>> -> memref<1x80x128xf32, #tpu.memory_space<hbm>>
      %dma_start3A_72 = tpu.memref_squeeze %dma_start3A_71 : memref<1x80x128xf32, #tpu.memory_space<hbm>> -> memref<80x128xf32, #tpu.memory_space<hbm>>
      tpu.enqueue_dma source(%arg7 : memref<80x128xf32, #tpu.memory_space<vmem>>) target(%dma_start3A_72 : memref<80x128xf32, #tpu.memory_space<hbm>>) target_semaphore(%run_scoped3A : memref<!tpu.dma_semaphore, #tpu.memory_space<semaphore_mem>>)
      %dma_wait3A = arith.constant 0 : i32
      %dma_wait3A_73 = tpu.memref_slice %arg3[%arg0, %add3A_39, %dma_wait3A] : memref<2x10240x128xf32, #tpu.memory_space<hbm>> -> memref<1x80x128xf32, #tpu.memory_space<hbm>>
      %dma_wait3A_74 = tpu.memref_squeeze %dma_wait3A_73 : memref<1x80x128xf32, #tpu.memory_space<hbm>> -> memref<80x128xf32, #tpu.memory_space<hbm>>
      %dma_wait3A_75 = arith.constant 0 : i32
      %dma_wait3A_76 = tpu.memref_slice %arg3[%arg0, %add3A_39, %dma_wait3A_75] : memref<2x10240x128xf32, #tpu.memory_space<hbm>> -> memref<1x80x128xf32, #tpu.memory_space<hbm>>
      %dma_wait3A_77 = tpu.memref_squeeze %dma_wait3A_76 : memref<1x80x128xf32, #tpu.memory_space<hbm>> -> memref<80x128xf32, #tpu.memory_space<hbm>>
      tpu.wait_dma2 semaphore(%run_scoped3A : memref<!tpu.dma_semaphore, #tpu.memory_space<semaphore_mem>>) src(%arg7 : memref<80x128xf32, #tpu.memory_space<vmem>>) dst(%dma_wait3A_77 : memref<80x128xf32, #tpu.memory_space<hbm>>)
      tpu.yield
    }) : () -> ()
    %add3A_40 = arith.constant 80 : i32
    %add3A_41 = arith.addi %multiple_of3A, %add3A_40 : i32
    "tpu.region"() ({
      %run_scoped3A = tpu.sem_alloc : memref<!tpu.dma_semaphore, #tpu.memory_space<semaphore_mem>>
      %dma_start3A = arith.constant 0 : i32
      %dma_start3A_68 = tpu.memref_slice %arg4[%add3A_41, %dma_start3A] : memref<10240x128xf32, #tpu.memory_space<vmem_shared>> -> memref<80x128xf32, #tpu.memory_space<vmem_shared>>
      %dma_start3A_69 = arith.constant 0 : i32
      %dma_start3A_70 = tpu.memref_slice %arg4[%add3A_41, %dma_start3A_69] : memref<10240x128xf32, #tpu.memory_space<vmem_shared>> -> memref<80x128xf32, #tpu.memory_space<vmem_shared>>
      tpu.enqueue_dma source(%dma_start3A_70 : memref<80x128xf32, #tpu.memory_space<vmem_shared>>) target(%arg7 : memref<80x128xf32, #tpu.memory_space<vmem>>) target_semaphore(%run_scoped3A : memref<!tpu.dma_semaphore, #tpu.memory_space<semaphore_mem>>)
      %dma_wait3A = arith.constant 0 : i32
      %dma_wait3A_71 = tpu.memref_slice %arg4[%add3A_41, %dma_wait3A] : memref<10240x128xf32, #tpu.memory_space<vmem_shared>> -> memref<80x128xf32, #tpu.memory_space<vmem_shared>>
      %dma_wait3A_72 = arith.constant 0 : i32
      %dma_wait3A_73 = tpu.memref_slice %arg4[%add3A_41, %dma_wait3A_72] : memref<10240x128xf32, #tpu.memory_space<vmem_shared>> -> memref<80x128xf32, #tpu.memory_space<vmem_shared>>
      tpu.wait_dma2 semaphore(%run_scoped3A : memref<!tpu.dma_semaphore, #tpu.memory_space<semaphore_mem>>) src(%dma_wait3A_73 : memref<80x128xf32, #tpu.memory_space<vmem_shared>>) dst(%arg7 : memref<80x128xf32, #tpu.memory_space<vmem>>)
      tpu.yield
    }) : () -> ()
    %add3A_42 = arith.constant 80 : i32
    %add3A_43 = arith.addi %multiple_of3A, %add3A_42 : i32
    "tpu.region"() ({
      %run_scoped3A = tpu.sem_alloc : memref<!tpu.dma_semaphore, #tpu.memory_space<semaphore_mem>>
      %dma_start3A = arith.constant 0 : i32
      %dma_start3A_68 = tpu.memref_slice %arg3[%arg0, %add3A_43, %dma_start3A] : memref<2x10240x128xf32, #tpu.memory_space<hbm>> -> memref<1x80x128xf32, #tpu.memory_space<hbm>>
      %dma_start3A_69 = tpu.memref_squeeze %dma_start3A_68 : memref<1x80x128xf32, #tpu.memory_space<hbm>> -> memref<80x128xf32, #tpu.memory_space<hbm>>
      %dma_start3A_70 = arith.constant 0 : i32
      %dma_start3A_71 = tpu.memref_slice %arg3[%arg0, %add3A_43, %dma_start3A_70] : memref<2x10240x128xf32, #tpu.memory_space<hbm>> -> memref<1x80x128xf32, #tpu.memory_space<hbm>>
      %dma_start3A_72 = tpu.memref_squeeze %dma_start3A_71 : memref<1x80x128xf32, #tpu.memory_space<hbm>> -> memref<80x128xf32, #tpu.memory_space<hbm>>
      tpu.enqueue_dma source(%arg7 : memref<80x128xf32, #tpu.memory_space<vmem>>) target(%dma_start3A_72 : memref<80x128xf32, #tpu.memory_space<hbm>>) target_semaphore(%run_scoped3A : memref<!tpu.dma_semaphore, #tpu.memory_space<semaphore_mem>>)
      %dma_wait3A = arith.constant 0 : i32
      %dma_wait3A_73 = tpu.memref_slice %arg3[%arg0, %add3A_43, %dma_wait3A] : memref<2x10240x128xf32, #tpu.memory_space<hbm>> -> memref<1x80x128xf32, #tpu.memory_space<hbm>>
      %dma_wait3A_74 = tpu.memref_squeeze %dma_wait3A_73 : memref<1x80x128xf32, #tpu.memory_space<hbm>> -> memref<80x128xf32, #tpu.memory_space<hbm>>
      %dma_wait3A_75 = arith.constant 0 : i32
      %dma_wait3A_76 = tpu.memref_slice %arg3[%arg0, %add3A_43, %dma_wait3A_75] : memref<2x10240x128xf32, #tpu.memory_space<hbm>> -> memref<1x80x128xf32, #tpu.memory_space<hbm>>
      %dma_wait3A_77 = tpu.memref_squeeze %dma_wait3A_76 : memref<1x80x128xf32, #tpu.memory_space<hbm>> -> memref<80x128xf32, #tpu.memory_space<hbm>>
      tpu.wait_dma2 semaphore(%run_scoped3A : memref<!tpu.dma_semaphore, #tpu.memory_space<semaphore_mem>>) src(%arg7 : memref<80x128xf32, #tpu.memory_space<vmem>>) dst(%dma_wait3A_77 : memref<80x128xf32, #tpu.memory_space<hbm>>)
      tpu.yield
    }) : () -> ()
    %add3A_44 = arith.constant 160 : i32
    %add3A_45 = arith.addi %multiple_of3A, %add3A_44 : i32
    "tpu.region"() ({
      %run_scoped3A = tpu.sem_alloc : memref<!tpu.dma_semaphore, #tpu.memory_space<semaphore_mem>>
      %dma_start3A = arith.constant 0 : i32
      %dma_start3A_68 = tpu.memref_slice %arg4[%add3A_45, %dma_start3A] : memref<10240x128xf32, #tpu.memory_space<vmem_shared>> -> memref<80x128xf32, #tpu.memory_space<vmem_shared>>
      %dma_start3A_69 = arith.constant 0 : i32
      %dma_start3A_70 = tpu.memref_slice %arg4[%add3A_45, %dma_start3A_69] : memref<10240x128xf32, #tpu.memory_space<vmem_shared>> -> memref<80x128xf32, #tpu.memory_space<vmem_shared>>
      tpu.enqueue_dma source(%dma_start3A_70 : memref<80x128xf32, #tpu.memory_space<vmem_shared>>) target(%arg7 : memref<80x128xf32, #tpu.memory_space<vmem>>) target_semaphore(%run_scoped3A : memref<!tpu.dma_semaphore, #tpu.memory_space<semaphore_mem>>)
      %dma_wait3A = arith.constant 0 : i32
      %dma_wait3A_71 = tpu.memref_slice %arg4[%add3A_45, %dma_wait3A] : memref<10240x128xf32, #tpu.memory_space<vmem_shared>> -> memref<80x128xf32, #tpu.memory_space<vmem_shared>>
      %dma_wait3A_72 = arith.constant 0 : i32
      %dma_wait3A_73 = tpu.memref_slice %arg4[%add3A_45, %dma_wait3A_72] : memref<10240x128xf32, #tpu.memory_space<vmem_shared>> -> memref<80x128xf32, #tpu.memory_space<vmem_shared>>
      tpu.wait_dma2 semaphore(%run_scoped3A : memref<!tpu.dma_semaphore, #tpu.memory_space<semaphore_mem>>) src(%dma_wait3A_73 : memref<80x128xf32, #tpu.memory_space<vmem_shared>>) dst(%arg7 : memref<80x128xf32, #tpu.memory_space<vmem>>)
      tpu.yield
    }) : () -> ()
    %add3A_46 = arith.constant 160 : i32
    %add3A_47 = arith.addi %multiple_of3A, %add3A_46 : i32
    "tpu.region"() ({
      %run_scoped3A = tpu.sem_alloc : memref<!tpu.dma_semaphore, #tpu.memory_space<semaphore_mem>>
      %dma_start3A = arith.constant 0 : i32
      %dma_start3A_68 = tpu.memref_slice %arg3[%arg0, %add3A_47, %dma_start3A] : memref<2x10240x128xf32, #tpu.memory_space<hbm>> -> memref<1x80x128xf32, #tpu.memory_space<hbm>>
      %dma_start3A_69 = tpu.memref_squeeze %dma_start3A_68 : memref<1x80x128xf32, #tpu.memory_space<hbm>> -> memref<80x128xf32, #tpu.memory_space<hbm>>
      %dma_start3A_70 = arith.constant 0 : i32
      %dma_start3A_71 = tpu.memref_slice %arg3[%arg0, %add3A_47, %dma_start3A_70] : memref<2x10240x128xf32, #tpu.memory_space<hbm>> -> memref<1x80x128xf32, #tpu.memory_space<hbm>>
      %dma_start3A_72 = tpu.memref_squeeze %dma_start3A_71 : memref<1x80x128xf32, #tpu.memory_space<hbm>> -> memref<80x128xf32, #tpu.memory_space<hbm>>
      tpu.enqueue_dma source(%arg7 : memref<80x128xf32, #tpu.memory_space<vmem>>) target(%dma_start3A_72 : memref<80x128xf32, #tpu.memory_space<hbm>>) target_semaphore(%run_scoped3A : memref<!tpu.dma_semaphore, #tpu.memory_space<semaphore_mem>>)
      %dma_wait3A = arith.constant 0 : i32
      %dma_wait3A_73 = tpu.memref_slice %arg3[%arg0, %add3A_47, %dma_wait3A] : memref<2x10240x128xf32, #tpu.memory_space<hbm>> -> memref<1x80x128xf32, #tpu.memory_space<hbm>>
      %dma_wait3A_74 = tpu.memref_squeeze %dma_wait3A_73 : memref<1x80x128xf32, #tpu.memory_space<hbm>> -> memref<80x128xf32, #tpu.memory_space<hbm>>
      %dma_wait3A_75 = arith.constant 0 : i32
      %dma_wait3A_76 = tpu.memref_slice %arg3[%arg0, %add3A_47, %dma_wait3A_75] : memref<2x10240x128xf32, #tpu.memory_space<hbm>> -> memref<1x80x128xf32, #tpu.memory_space<hbm>>
      %dma_wait3A_77 = tpu.memref_squeeze %dma_wait3A_76 : memref<1x80x128xf32, #tpu.memory_space<hbm>> -> memref<80x128xf32, #tpu.memory_space<hbm>>
      tpu.wait_dma2 semaphore(%run_scoped3A : memref<!tpu.dma_semaphore, #tpu.memory_space<semaphore_mem>>) src(%arg7 : memref<80x128xf32, #tpu.memory_space<vmem>>) dst(%dma_wait3A_77 : memref<80x128xf32, #tpu.memory_space<hbm>>)
      tpu.yield
    }) : () -> ()
    %add3A_48 = arith.constant 240 : i32
    %add3A_49 = arith.addi %multiple_of3A, %add3A_48 : i32
    "tpu.region"() ({
      %run_scoped3A = tpu.sem_alloc : memref<!tpu.dma_semaphore, #tpu.memory_space<semaphore_mem>>
      %dma_start3A = arith.constant 0 : i32
      %dma_start3A_68 = tpu.memref_slice %arg4[%add3A_49, %dma_start3A] : memref<10240x128xf32, #tpu.memory_space<vmem_shared>> -> memref<80x128xf32, #tpu.memory_space<vmem_shared>>
      %dma_start3A_69 = arith.constant 0 : i32
      %dma_start3A_70 = tpu.memref_slice %arg4[%add3A_49, %dma_start3A_69] : memref<10240x128xf32, #tpu.memory_space<vmem_shared>> -> memref<80x128xf32, #tpu.memory_space<vmem_shared>>
      tpu.enqueue_dma source(%dma_start3A_70 : memref<80x128xf32, #tpu.memory_space<vmem_shared>>) target(%arg7 : memref<80x128xf32, #tpu.memory_space<vmem>>) target_semaphore(%run_scoped3A : memref<!tpu.dma_semaphore, #tpu.memory_space<semaphore_mem>>)
      %dma_wait3A = arith.constant 0 : i32
      %dma_wait3A_71 = tpu.memref_slice %arg4[%add3A_49, %dma_wait3A] : memref<10240x128xf32, #tpu.memory_space<vmem_shared>> -> memref<80x128xf32, #tpu.memory_space<vmem_shared>>
      %dma_wait3A_72 = arith.constant 0 : i32
      %dma_wait3A_73 = tpu.memref_slice %arg4[%add3A_49, %dma_wait3A_72] : memref<10240x128xf32, #tpu.memory_space<vmem_shared>> -> memref<80x128xf32, #tpu.memory_space<vmem_shared>>
      tpu.wait_dma2 semaphore(%run_scoped3A : memref<!tpu.dma_semaphore, #tpu.memory_space<semaphore_mem>>) src(%dma_wait3A_73 : memref<80x128xf32, #tpu.memory_space<vmem_shared>>) dst(%arg7 : memref<80x128xf32, #tpu.memory_space<vmem>>)
      tpu.yield
    }) : () -> ()
    %add3A_50 = arith.constant 240 : i32
    %add3A_51 = arith.addi %multiple_of3A, %add3A_50 : i32
    "tpu.region"() ({
      %run_scoped3A = tpu.sem_alloc : memref<!tpu.dma_semaphore, #tpu.memory_space<semaphore_mem>>
      %dma_start3A = arith.constant 0 : i32
      %dma_start3A_68 = tpu.memref_slice %arg3[%arg0, %add3A_51, %dma_start3A] : memref<2x10240x128xf32, #tpu.memory_space<hbm>> -> memref<1x80x128xf32, #tpu.memory_space<hbm>>
      %dma_start3A_69 = tpu.memref_squeeze %dma_start3A_68 : memref<1x80x128xf32, #tpu.memory_space<hbm>> -> memref<80x128xf32, #tpu.memory_space<hbm>>
      %dma_start3A_70 = arith.constant 0 : i32
      %dma_start3A_71 = tpu.memref_slice %arg3[%arg0, %add3A_51, %dma_start3A_70] : memref<2x10240x128xf32, #tpu.memory_space<hbm>> -> memref<1x80x128xf32, #tpu.memory_space<hbm>>
      %dma_start3A_72 = tpu.memref_squeeze %dma_start3A_71 : memref<1x80x128xf32, #tpu.memory_space<hbm>> -> memref<80x128xf32, #tpu.memory_space<hbm>>
      tpu.enqueue_dma source(%arg7 : memref<80x128xf32, #tpu.memory_space<vmem>>) target(%dma_start3A_72 : memref<80x128xf32, #tpu.memory_space<hbm>>) target_semaphore(%run_scoped3A : memref<!tpu.dma_semaphore, #tpu.memory_space<semaphore_mem>>)
      %dma_wait3A = arith.constant 0 : i32
      %dma_wait3A_73 = tpu.memref_slice %arg3[%arg0, %add3A_51, %dma_wait3A] : memref<2x10240x128xf32, #tpu.memory_space<hbm>> -> memref<1x80x128xf32, #tpu.memory_space<hbm>>
      %dma_wait3A_74 = tpu.memref_squeeze %dma_wait3A_73 : memref<1x80x128xf32, #tpu.memory_space<hbm>> -> memref<80x128xf32, #tpu.memory_space<hbm>>
      %dma_wait3A_75 = arith.constant 0 : i32
      %dma_wait3A_76 = tpu.memref_slice %arg3[%arg0, %add3A_51, %dma_wait3A_75] : memref<2x10240x128xf32, #tpu.memory_space<hbm>> -> memref<1x80x128xf32, #tpu.memory_space<hbm>>
      %dma_wait3A_77 = tpu.memref_squeeze %dma_wait3A_76 : memref<1x80x128xf32, #tpu.memory_space<hbm>> -> memref<80x128xf32, #tpu.memory_space<hbm>>
      tpu.wait_dma2 semaphore(%run_scoped3A : memref<!tpu.dma_semaphore, #tpu.memory_space<semaphore_mem>>) src(%arg7 : memref<80x128xf32, #tpu.memory_space<vmem>>) dst(%dma_wait3A_77 : memref<80x128xf32, #tpu.memory_space<hbm>>)
      tpu.yield
    }) : () -> ()
    %add3A_52 = arith.constant 320 : i32
    %add3A_53 = arith.addi %multiple_of3A, %add3A_52 : i32
    "tpu.region"() ({
      %run_scoped3A = tpu.sem_alloc : memref<!tpu.dma_semaphore, #tpu.memory_space<semaphore_mem>>
      %dma_start3A = arith.constant 0 : i32
      %dma_start3A_68 = tpu.memref_slice %arg4[%add3A_53, %dma_start3A] : memref<10240x128xf32, #tpu.memory_space<vmem_shared>> -> memref<80x128xf32, #tpu.memory_space<vmem_shared>>
      %dma_start3A_69 = arith.constant 0 : i32
      %dma_start3A_70 = tpu.memref_slice %arg4[%add3A_53, %dma_start3A_69] : memref<10240x128xf32, #tpu.memory_space<vmem_shared>> -> memref<80x128xf32, #tpu.memory_space<vmem_shared>>
      tpu.enqueue_dma source(%dma_start3A_70 : memref<80x128xf32, #tpu.memory_space<vmem_shared>>) target(%arg7 : memref<80x128xf32, #tpu.memory_space<vmem>>) target_semaphore(%run_scoped3A : memref<!tpu.dma_semaphore, #tpu.memory_space<semaphore_mem>>)
      %dma_wait3A = arith.constant 0 : i32
      %dma_wait3A_71 = tpu.memref_slice %arg4[%add3A_53, %dma_wait3A] : memref<10240x128xf32, #tpu.memory_space<vmem_shared>> -> memref<80x128xf32, #tpu.memory_space<vmem_shared>>
      %dma_wait3A_72 = arith.constant 0 : i32
      %dma_wait3A_73 = tpu.memref_slice %arg4[%add3A_53, %dma_wait3A_72] : memref<10240x128xf32, #tpu.memory_space<vmem_shared>> -> memref<80x128xf32, #tpu.memory_space<vmem_shared>>
      tpu.wait_dma2 semaphore(%run_scoped3A : memref<!tpu.dma_semaphore, #tpu.memory_space<semaphore_mem>>) src(%dma_wait3A_73 : memref<80x128xf32, #tpu.memory_space<vmem_shared>>) dst(%arg7 : memref<80x128xf32, #tpu.memory_space<vmem>>)
      tpu.yield
    }) : () -> ()
    %add3A_54 = arith.constant 320 : i32
    %add3A_55 = arith.addi %multiple_of3A, %add3A_54 : i32
    "tpu.region"() ({
      %run_scoped3A = tpu.sem_alloc : memref<!tpu.dma_semaphore, #tpu.memory_space<semaphore_mem>>
      %dma_start3A = arith.constant 0 : i32
      %dma_start3A_68 = tpu.memref_slice %arg3[%arg0, %add3A_55, %dma_start3A] : memref<2x10240x128xf32, #tpu.memory_space<hbm>> -> memref<1x80x128xf32, #tpu.memory_space<hbm>>
      %dma_start3A_69 = tpu.memref_squeeze %dma_start3A_68 : memref<1x80x128xf32, #tpu.memory_space<hbm>> -> memref<80x128xf32, #tpu.memory_space<hbm>>
      %dma_start3A_70 = arith.constant 0 : i32
      %dma_start3A_71 = tpu.memref_slice %arg3[%arg0, %add3A_55, %dma_start3A_70] : memref<2x10240x128xf32, #tpu.memory_space<hbm>> -> memref<1x80x128xf32, #tpu.memory_space<hbm>>
      %dma_start3A_72 = tpu.memref_squeeze %dma_start3A_71 : memref<1x80x128xf32, #tpu.memory_space<hbm>> -> memref<80x128xf32, #tpu.memory_space<hbm>>
      tpu.enqueue_dma source(%arg7 : memref<80x128xf32, #tpu.memory_space<vmem>>) target(%dma_start3A_72 : memref<80x128xf32, #tpu.memory_space<hbm>>) target_semaphore(%run_scoped3A : memref<!tpu.dma_semaphore, #tpu.memory_space<semaphore_mem>>)
      %dma_wait3A = arith.constant 0 : i32
      %dma_wait3A_73 = tpu.memref_slice %arg3[%arg0, %add3A_55, %dma_wait3A] : memref<2x10240x128xf32, #tpu.memory_space<hbm>> -> memref<1x80x128xf32, #tpu.memory_space<hbm>>
      %dma_wait3A_74 = tpu.memref_squeeze %dma_wait3A_73 : memref<1x80x128xf32, #tpu.memory_space<hbm>> -> memref<80x128xf32, #tpu.memory_space<hbm>>
      %dma_wait3A_75 = arith.constant 0 : i32
      %dma_wait3A_76 = tpu.memref_slice %arg3[%arg0, %add3A_55, %dma_wait3A_75] : memref<2x10240x128xf32, #tpu.memory_space<hbm>> -> memref<1x80x128xf32, #tpu.memory_space<hbm>>
      %dma_wait3A_77 = tpu.memref_squeeze %dma_wait3A_76 : memref<1x80x128xf32, #tpu.memory_space<hbm>> -> memref<80x128xf32, #tpu.memory_space<hbm>>
      tpu.wait_dma2 semaphore(%run_scoped3A : memref<!tpu.dma_semaphore, #tpu.memory_space<semaphore_mem>>) src(%arg7 : memref<80x128xf32, #tpu.memory_space<vmem>>) dst(%dma_wait3A_77 : memref<80x128xf32, #tpu.memory_space<hbm>>)
      tpu.yield
    }) : () -> ()
    %add3A_56 = arith.constant 400 : i32
    %add3A_57 = arith.addi %multiple_of3A, %add3A_56 : i32
    "tpu.region"() ({
      %run_scoped3A = tpu.sem_alloc : memref<!tpu.dma_semaphore, #tpu.memory_space<semaphore_mem>>
      %dma_start3A = arith.constant 0 : i32
      %dma_start3A_68 = tpu.memref_slice %arg4[%add3A_57, %dma_start3A] : memref<10240x128xf32, #tpu.memory_space<vmem_shared>> -> memref<80x128xf32, #tpu.memory_space<vmem_shared>>
      %dma_start3A_69 = arith.constant 0 : i32
      %dma_start3A_70 = tpu.memref_slice %arg4[%add3A_57, %dma_start3A_69] : memref<10240x128xf32, #tpu.memory_space<vmem_shared>> -> memref<80x128xf32, #tpu.memory_space<vmem_shared>>
      tpu.enqueue_dma source(%dma_start3A_70 : memref<80x128xf32, #tpu.memory_space<vmem_shared>>) target(%arg7 : memref<80x128xf32, #tpu.memory_space<vmem>>) target_semaphore(%run_scoped3A : memref<!tpu.dma_semaphore, #tpu.memory_space<semaphore_mem>>)
      %dma_wait3A = arith.constant 0 : i32
      %dma_wait3A_71 = tpu.memref_slice %arg4[%add3A_57, %dma_wait3A] : memref<10240x128xf32, #tpu.memory_space<vmem_shared>> -> memref<80x128xf32, #tpu.memory_space<vmem_shared>>
      %dma_wait3A_72 = arith.constant 0 : i32
      %dma_wait3A_73 = tpu.memref_slice %arg4[%add3A_57, %dma_wait3A_72] : memref<10240x128xf32, #tpu.memory_space<vmem_shared>> -> memref<80x128xf32, #tpu.memory_space<vmem_shared>>
      tpu.wait_dma2 semaphore(%run_scoped3A : memref<!tpu.dma_semaphore, #tpu.memory_space<semaphore_mem>>) src(%dma_wait3A_73 : memref<80x128xf32, #tpu.memory_space<vmem_shared>>) dst(%arg7 : memref<80x128xf32, #tpu.memory_space<vmem>>)
      tpu.yield
    }) : () -> ()
    %add3A_58 = arith.constant 400 : i32
    %add3A_59 = arith.addi %multiple_of3A, %add3A_58 : i32
    "tpu.region"() ({
      %run_scoped3A = tpu.sem_alloc : memref<!tpu.dma_semaphore, #tpu.memory_space<semaphore_mem>>
      %dma_start3A = arith.constant 0 : i32
      %dma_start3A_68 = tpu.memref_slice %arg3[%arg0, %add3A_59, %dma_start3A] : memref<2x10240x128xf32, #tpu.memory_space<hbm>> -> memref<1x80x128xf32, #tpu.memory_space<hbm>>
      %dma_start3A_69 = tpu.memref_squeeze %dma_start3A_68 : memref<1x80x128xf32, #tpu.memory_space<hbm>> -> memref<80x128xf32, #tpu.memory_space<hbm>>
      %dma_start3A_70 = arith.constant 0 : i32
      %dma_start3A_71 = tpu.memref_slice %arg3[%arg0, %add3A_59, %dma_start3A_70] : memref<2x10240x128xf32, #tpu.memory_space<hbm>> -> memref<1x80x128xf32, #tpu.memory_space<hbm>>
      %dma_start3A_72 = tpu.memref_squeeze %dma_start3A_71 : memref<1x80x128xf32, #tpu.memory_space<hbm>> -> memref<80x128xf32, #tpu.memory_space<hbm>>
      tpu.enqueue_dma source(%arg7 : memref<80x128xf32, #tpu.memory_space<vmem>>) target(%dma_start3A_72 : memref<80x128xf32, #tpu.memory_space<hbm>>) target_semaphore(%run_scoped3A : memref<!tpu.dma_semaphore, #tpu.memory_space<semaphore_mem>>)
      %dma_wait3A = arith.constant 0 : i32
      %dma_wait3A_73 = tpu.memref_slice %arg3[%arg0, %add3A_59, %dma_wait3A] : memref<2x10240x128xf32, #tpu.memory_space<hbm>> -> memref<1x80x128xf32, #tpu.memory_space<hbm>>
      %dma_wait3A_74 = tpu.memref_squeeze %dma_wait3A_73 : memref<1x80x128xf32, #tpu.memory_space<hbm>> -> memref<80x128xf32, #tpu.memory_space<hbm>>
      %dma_wait3A_75 = arith.constant 0 : i32
      %dma_wait3A_76 = tpu.memref_slice %arg3[%arg0, %add3A_59, %dma_wait3A_75] : memref<2x10240x128xf32, #tpu.memory_space<hbm>> -> memref<1x80x128xf32, #tpu.memory_space<hbm>>
      %dma_wait3A_77 = tpu.memref_squeeze %dma_wait3A_76 : memref<1x80x128xf32, #tpu.memory_space<hbm>> -> memref<80x128xf32, #tpu.memory_space<hbm>>
      tpu.wait_dma2 semaphore(%run_scoped3A : memref<!tpu.dma_semaphore, #tpu.memory_space<semaphore_mem>>) src(%arg7 : memref<80x128xf32, #tpu.memory_space<vmem>>) dst(%dma_wait3A_77 : memref<80x128xf32, #tpu.memory_space<hbm>>)
      tpu.yield
    }) : () -> ()
    %add3A_60 = arith.constant 480 : i32
    %add3A_61 = arith.addi %multiple_of3A, %add3A_60 : i32
    "tpu.region"() ({
      %run_scoped3A = tpu.sem_alloc : memref<!tpu.dma_semaphore, #tpu.memory_space<semaphore_mem>>
      %dma_start3A = arith.constant 0 : i32
      %dma_start3A_68 = tpu.memref_slice %arg4[%add3A_61, %dma_start3A] : memref<10240x128xf32, #tpu.memory_space<vmem_shared>> -> memref<80x128xf32, #tpu.memory_space<vmem_shared>>
      %dma_start3A_69 = arith.constant 0 : i32
      %dma_start3A_70 = tpu.memref_slice %arg4[%add3A_61, %dma_start3A_69] : memref<10240x128xf32, #tpu.memory_space<vmem_shared>> -> memref<80x128xf32, #tpu.memory_space<vmem_shared>>
      tpu.enqueue_dma source(%dma_start3A_70 : memref<80x128xf32, #tpu.memory_space<vmem_shared>>) target(%arg7 : memref<80x128xf32, #tpu.memory_space<vmem>>) target_semaphore(%run_scoped3A : memref<!tpu.dma_semaphore, #tpu.memory_space<semaphore_mem>>)
      %dma_wait3A = arith.constant 0 : i32
      %dma_wait3A_71 = tpu.memref_slice %arg4[%add3A_61, %dma_wait3A] : memref<10240x128xf32, #tpu.memory_space<vmem_shared>> -> memref<80x128xf32, #tpu.memory_space<vmem_shared>>
      %dma_wait3A_72 = arith.constant 0 : i32
      %dma_wait3A_73 = tpu.memref_slice %arg4[%add3A_61, %dma_wait3A_72] : memref<10240x128xf32, #tpu.memory_space<vmem_shared>> -> memref<80x128xf32, #tpu.memory_space<vmem_shared>>
      tpu.wait_dma2 semaphore(%run_scoped3A : memref<!tpu.dma_semaphore, #tpu.memory_space<semaphore_mem>>) src(%dma_wait3A_73 : memref<80x128xf32, #tpu.memory_space<vmem_shared>>) dst(%arg7 : memref<80x128xf32, #tpu.memory_space<vmem>>)
      tpu.yield
    }) : () -> ()
    %add3A_62 = arith.constant 480 : i32
    %add3A_63 = arith.addi %multiple_of3A, %add3A_62 : i32
    "tpu.region"() ({
      %run_scoped3A = tpu.sem_alloc : memref<!tpu.dma_semaphore, #tpu.memory_space<semaphore_mem>>
      %dma_start3A = arith.constant 0 : i32
      %dma_start3A_68 = tpu.memref_slice %arg3[%arg0, %add3A_63, %dma_start3A] : memref<2x10240x128xf32, #tpu.memory_space<hbm>> -> memref<1x80x128xf32, #tpu.memory_space<hbm>>
      %dma_start3A_69 = tpu.memref_squeeze %dma_start3A_68 : memref<1x80x128xf32, #tpu.memory_space<hbm>> -> memref<80x128xf32, #tpu.memory_space<hbm>>
      %dma_start3A_70 = arith.constant 0 : i32
      %dma_start3A_71 = tpu.memref_slice %arg3[%arg0, %add3A_63, %dma_start3A_70] : memref<2x10240x128xf32, #tpu.memory_space<hbm>> -> memref<1x80x128xf32, #tpu.memory_space<hbm>>
      %dma_start3A_72 = tpu.memref_squeeze %dma_start3A_71 : memref<1x80x128xf32, #tpu.memory_space<hbm>> -> memref<80x128xf32, #tpu.memory_space<hbm>>
      tpu.enqueue_dma source(%arg7 : memref<80x128xf32, #tpu.memory_space<vmem>>) target(%dma_start3A_72 : memref<80x128xf32, #tpu.memory_space<hbm>>) target_semaphore(%run_scoped3A : memref<!tpu.dma_semaphore, #tpu.memory_space<semaphore_mem>>)
      %dma_wait3A = arith.constant 0 : i32
      %dma_wait3A_73 = tpu.memref_slice %arg3[%arg0, %add3A_63, %dma_wait3A] : memref<2x10240x128xf32, #tpu.memory_space<hbm>> -> memref<1x80x128xf32, #tpu.memory_space<hbm>>
      %dma_wait3A_74 = tpu.memref_squeeze %dma_wait3A_73 : memref<1x80x128xf32, #tpu.memory_space<hbm>> -> memref<80x128xf32, #tpu.memory_space<hbm>>
      %dma_wait3A_75 = arith.constant 0 : i32
      %dma_wait3A_76 = tpu.memref_slice %arg3[%arg0, %add3A_63, %dma_wait3A_75] : memref<2x10240x128xf32, #tpu.memory_space<hbm>> -> memref<1x80x128xf32, #tpu.memory_space<hbm>>
      %dma_wait3A_77 = tpu.memref_squeeze %dma_wait3A_76 : memref<1x80x128xf32, #tpu.memory_space<hbm>> -> memref<80x128xf32, #tpu.memory_space<hbm>>
      tpu.wait_dma2 semaphore(%run_scoped3A : memref<!tpu.dma_semaphore, #tpu.memory_space<semaphore_mem>>) src(%arg7 : memref<80x128xf32, #tpu.memory_space<vmem>>) dst(%dma_wait3A_77 : memref<80x128xf32, #tpu.memory_space<hbm>>)
      tpu.yield
    }) : () -> ()
    %add3A_64 = arith.constant 560 : i32
    %add3A_65 = arith.addi %multiple_of3A, %add3A_64 : i32
    "tpu.region"() ({
      %run_scoped3A = tpu.sem_alloc : memref<!tpu.dma_semaphore, #tpu.memory_space<semaphore_mem>>
      %dma_start3A = arith.constant 0 : i32
      %dma_start3A_68 = tpu.memref_slice %arg4[%add3A_65, %dma_start3A] : memref<10240x128xf32, #tpu.memory_space<vmem_shared>> -> memref<80x128xf32, #tpu.memory_space<vmem_shared>>
      %dma_start3A_69 = arith.constant 0 : i32
      %dma_start3A_70 = tpu.memref_slice %arg4[%add3A_65, %dma_start3A_69] : memref<10240x128xf32, #tpu.memory_space<vmem_shared>> -> memref<80x128xf32, #tpu.memory_space<vmem_shared>>
      tpu.enqueue_dma source(%dma_start3A_70 : memref<80x128xf32, #tpu.memory_space<vmem_shared>>) target(%arg7 : memref<80x128xf32, #tpu.memory_space<vmem>>) target_semaphore(%run_scoped3A : memref<!tpu.dma_semaphore, #tpu.memory_space<semaphore_mem>>)
      %dma_wait3A = arith.constant 0 : i32
      %dma_wait3A_71 = tpu.memref_slice %arg4[%add3A_65, %dma_wait3A] : memref<10240x128xf32, #tpu.memory_space<vmem_shared>> -> memref<80x128xf32, #tpu.memory_space<vmem_shared>>
      %dma_wait3A_72 = arith.constant 0 : i32
      %dma_wait3A_73 = tpu.memref_slice %arg4[%add3A_65, %dma_wait3A_72] : memref<10240x128xf32, #tpu.memory_space<vmem_shared>> -> memref<80x128xf32, #tpu.memory_space<vmem_shared>>
      tpu.wait_dma2 semaphore(%run_scoped3A : memref<!tpu.dma_semaphore, #tpu.memory_space<semaphore_mem>>) src(%dma_wait3A_73 : memref<80x128xf32, #tpu.memory_space<vmem_shared>>) dst(%arg7 : memref<80x128xf32, #tpu.memory_space<vmem>>)
      tpu.yield
    }) : () -> ()
    %add3A_66 = arith.constant 560 : i32
    %add3A_67 = arith.addi %multiple_of3A, %add3A_66 : i32
    "tpu.region"() ({
      %run_scoped3A = tpu.sem_alloc : memref<!tpu.dma_semaphore, #tpu.memory_space<semaphore_mem>>
      %dma_start3A = arith.constant 0 : i32
      %dma_start3A_68 = tpu.memref_slice %arg3[%arg0, %add3A_67, %dma_start3A] : memref<2x10240x128xf32, #tpu.memory_space<hbm>> -> memref<1x80x128xf32, #tpu.memory_space<hbm>>
      %dma_start3A_69 = tpu.memref_squeeze %dma_start3A_68 : memref<1x80x128xf32, #tpu.memory_space<hbm>> -> memref<80x128xf32, #tpu.memory_space<hbm>>
      %dma_start3A_70 = arith.constant 0 : i32
      %dma_start3A_71 = tpu.memref_slice %arg3[%arg0, %add3A_67, %dma_start3A_70] : memref<2x10240x128xf32, #tpu.memory_space<hbm>> -> memref<1x80x128xf32, #tpu.memory_space<hbm>>
      %dma_start3A_72 = tpu.memref_squeeze %dma_start3A_71 : memref<1x80x128xf32, #tpu.memory_space<hbm>> -> memref<80x128xf32, #tpu.memory_space<hbm>>
      tpu.enqueue_dma source(%arg7 : memref<80x128xf32, #tpu.memory_space<vmem>>) target(%dma_start3A_72 : memref<80x128xf32, #tpu.memory_space<hbm>>) target_semaphore(%run_scoped3A : memref<!tpu.dma_semaphore, #tpu.memory_space<semaphore_mem>>)
      %dma_wait3A = arith.constant 0 : i32
      %dma_wait3A_73 = tpu.memref_slice %arg3[%arg0, %add3A_67, %dma_wait3A] : memref<2x10240x128xf32, #tpu.memory_space<hbm>> -> memref<1x80x128xf32, #tpu.memory_space<hbm>>
      %dma_wait3A_74 = tpu.memref_squeeze %dma_wait3A_73 : memref<1x80x128xf32, #tpu.memory_space<hbm>> -> memref<80x128xf32, #tpu.memory_space<hbm>>
      %dma_wait3A_75 = arith.constant 0 : i32
      %dma_wait3A_76 = tpu.memref_slice %arg3[%arg0, %add3A_67, %dma_wait3A_75] : memref<2x10240x128xf32, #tpu.memory_space<hbm>> -> memref<1x80x128xf32, #tpu.memory_space<hbm>>
      %dma_wait3A_77 = tpu.memref_squeeze %dma_wait3A_76 : memref<1x80x128xf32, #tpu.memory_space<hbm>> -> memref<80x128xf32, #tpu.memory_space<hbm>>
      tpu.wait_dma2 semaphore(%run_scoped3A : memref<!tpu.dma_semaphore, #tpu.memory_space<semaphore_mem>>) src(%arg7 : memref<80x128xf32, #tpu.memory_space<vmem>>) dst(%dma_wait3A_77 : memref<80x128xf32, #tpu.memory_space<hbm>>)
      tpu.yield
    }) : () -> ()
    return
  }
}

#map = affine_map<(d0, d1) -> (0, 0)>
#map1 = affine_map<(d0, d1) -> (0)>
#map2 = affine_map<(d0, d1) -> (0, 0, 0)>
module attributes {stable_mosaic.version = 14 : i64} {
  func.func @agg(%arg0: i32, %arg1: i32, %arg2: memref<10000x128xf32, #tpu.memory_space<hbm>>, %arg3: memref<320000xi32, #tpu.memory_space<hbm>>, %arg4: memref<320000xi32, #tpu.memory_space<hbm>>, %arg5: memref<2x10240x128xf32, #tpu.memory_space<hbm>>, %arg6: memref<10240x128xf32, #tpu.memory_space<vmem_shared>>, %arg7: memref<80xi32, #tpu.memory_space<vmem>>, %arg8: memref<80xi32, #tpu.memory_space<vmem>>, %arg9: memref<80x128xf32, #tpu.memory_space<vmem>>, %arg10: memref<!tpu.dma_semaphore, #tpu.memory_space<semaphore_mem>>) attributes {dimension_semantics = [#tpu.dimension_semantics<core_parallel>, #tpu.dimension_semantics<subcore_parallel>], iteration_bounds = array<i64: 2, 16>, scalar_prefetch = 0 : i64, scratch_operands = 5 : i64, tpu.core_type = #tpu.core_type<sc_vector_subcore>, window_params = [{transform_indices = #map}, {transform_indices = #map1}, {transform_indices = #map1}, {transform_indices = #map2}]} {
    %broadcast_in_dim3A = arith.constant 0.000000e+00 : f32
    %broadcast_in_dim3A_0 = vector.broadcast %broadcast_in_dim3A : f32 to vector<16xf32>
    %scan3A = arith.constant 0 : i32
    %scan3A_1 = arith.constant 0 : i32
    %scan3A_2 = arith.constant 80 : i32
    %scan3A_3 = arith.addi %scan3A_1, %scan3A_2 : i32
    %scan3A_4 = arith.constant 1 : i32
    scf.for %scan3A_66 = %scan3A_1 to %scan3A_3 step %scan3A_4  : i32 {
      %swap3A = arith.index_cast %scan3A_66 : i32 to index
      %swap3A_67 = arith.constant 0 : index
      %swap3A_68 = tpu.vector_load %arg9[%swap3A, %swap3A_67] {strides = array<i32>} : memref<80x128xf32, #tpu.memory_space<vmem>>, vector<1x16xf32>,
      %swap3A_69 = vector.shape_cast %swap3A_68 : vector<1x16xf32> to vector<16xf32>
      %swap3A_70 = vector.shape_cast %broadcast_in_dim3A_0 : vector<16xf32> to vector<1x16xf32>
      tpu.vector_store %arg9[%swap3A, %swap3A_67], %swap3A_70 {strides = array<i32>} : memref<80x128xf32, #tpu.memory_space<vmem>>, vector<1x16xf32>,
      %swap3A_71 = arith.index_cast %scan3A_66 : i32 to index
      %swap3A_72 = arith.constant 16 : index
      %swap3A_73 = tpu.vector_load %arg9[%swap3A_71, %swap3A_72] {strides = array<i32>} : memref<80x128xf32, #tpu.memory_space<vmem>>, vector<1x16xf32>,
      %swap3A_74 = vector.shape_cast %swap3A_73 : vector<1x16xf32> to vector<16xf32>
      %swap3A_75 = vector.shape_cast %broadcast_in_dim3A_0 : vector<16xf32> to vector<1x16xf32>
      tpu.vector_store %arg9[%swap3A_71, %swap3A_72], %swap3A_75 {strides = array<i32>} : memref<80x128xf32, #tpu.memory_space<vmem>>, vector<1x16xf32>,
      %swap3A_76 = arith.index_cast %scan3A_66 : i32 to index
      %swap3A_77 = arith.constant 32 : index
      %swap3A_78 = tpu.vector_load %arg9[%swap3A_76, %swap3A_77] {strides = array<i32>} : memref<80x128xf32, #tpu.memory_space<vmem>>, vector<1x16xf32>,
      %swap3A_79 = vector.shape_cast %swap3A_78 : vector<1x16xf32> to vector<16xf32>
      %swap3A_80 = vector.shape_cast %broadcast_in_dim3A_0 : vector<16xf32> to vector<1x16xf32>
      tpu.vector_store %arg9[%swap3A_76, %swap3A_77], %swap3A_80 {strides = array<i32>} : memref<80x128xf32, #tpu.memory_space<vmem>>, vector<1x16xf32>,
      %swap3A_81 = arith.index_cast %scan3A_66 : i32 to index
      %swap3A_82 = arith.constant 48 : index
      %swap3A_83 = tpu.vector_load %arg9[%swap3A_81, %swap3A_82] {strides = array<i32>} : memref<80x128xf32, #tpu.memory_space<vmem>>, vector<1x16xf32>,
      %swap3A_84 = vector.shape_cast %swap3A_83 : vector<1x16xf32> to vector<16xf32>
      %swap3A_85 = vector.shape_cast %broadcast_in_dim3A_0 : vector<16xf32> to vector<1x16xf32>
      tpu.vector_store %arg9[%swap3A_81, %swap3A_82], %swap3A_85 {strides = array<i32>} : memref<80x128xf32, #tpu.memory_space<vmem>>, vector<1x16xf32>,
      %swap3A_86 = arith.index_cast %scan3A_66 : i32 to index
      %swap3A_87 = arith.constant 64 : index
      %swap3A_88 = tpu.vector_load %arg9[%swap3A_86, %swap3A_87] {strides = array<i32>} : memref<80x128xf32, #tpu.memory_space<vmem>>, vector<1x16xf32>,
      %swap3A_89 = vector.shape_cast %swap3A_88 : vector<1x16xf32> to vector<16xf32>
      %swap3A_90 = vector.shape_cast %broadcast_in_dim3A_0 : vector<16xf32> to vector<1x16xf32>
      tpu.vector_store %arg9[%swap3A_86, %swap3A_87], %swap3A_90 {strides = array<i32>} : memref<80x128xf32, #tpu.memory_space<vmem>>, vector<1x16xf32>,
      %swap3A_91 = arith.index_cast %scan3A_66 : i32 to index
      %swap3A_92 = arith.constant 80 : index
      %swap3A_93 = tpu.vector_load %arg9[%swap3A_91, %swap3A_92] {strides = array<i32>} : memref<80x128xf32, #tpu.memory_space<vmem>>, vector<1x16xf32>,
      %swap3A_94 = vector.shape_cast %swap3A_93 : vector<1x16xf32> to vector<16xf32>
      %swap3A_95 = vector.shape_cast %broadcast_in_dim3A_0 : vector<16xf32> to vector<1x16xf32>
      tpu.vector_store %arg9[%swap3A_91, %swap3A_92], %swap3A_95 {strides = array<i32>} : memref<80x128xf32, #tpu.memory_space<vmem>>, vector<1x16xf32>,
      %swap3A_96 = arith.index_cast %scan3A_66 : i32 to index
      %swap3A_97 = arith.constant 96 : index
      %swap3A_98 = tpu.vector_load %arg9[%swap3A_96, %swap3A_97] {strides = array<i32>} : memref<80x128xf32, #tpu.memory_space<vmem>>, vector<1x16xf32>,
      %swap3A_99 = vector.shape_cast %swap3A_98 : vector<1x16xf32> to vector<16xf32>
      %swap3A_100 = vector.shape_cast %broadcast_in_dim3A_0 : vector<16xf32> to vector<1x16xf32>
      tpu.vector_store %arg9[%swap3A_96, %swap3A_97], %swap3A_100 {strides = array<i32>} : memref<80x128xf32, #tpu.memory_space<vmem>>, vector<1x16xf32>,
      %swap3A_101 = arith.index_cast %scan3A_66 : i32 to index
      %swap3A_102 = arith.constant 112 : index
      %swap3A_103 = tpu.vector_load %arg9[%swap3A_101, %swap3A_102] {strides = array<i32>} : memref<80x128xf32, #tpu.memory_space<vmem>>, vector<1x16xf32>,
      %swap3A_104 = vector.shape_cast %swap3A_103 : vector<1x16xf32> to vector<16xf32>
      %swap3A_105 = vector.shape_cast %broadcast_in_dim3A_0 : vector<16xf32> to vector<1x16xf32>
      tpu.vector_store %arg9[%swap3A_101, %swap3A_102], %swap3A_105 {strides = array<i32>} : memref<80x128xf32, #tpu.memory_space<vmem>>, vector<1x16xf32>,
    }
    %scan3A_5 = arith.constant 80 : i32
    %mul3A = arith.constant 640 : i32
    %mul3A_6 = arith.muli %arg1, %mul3A : i32
    %multiple_of3A = tpu.assume_multiple %mul3A_6, 8 : i32
    %add3A = arith.constant 0 : i32
    %add3A_7 = arith.addi %multiple_of3A, %add3A : i32
    "tpu.region"() ({
      %run_scoped3A = tpu.sem_alloc : memref<!tpu.dma_semaphore, #tpu.memory_space<semaphore_mem>>
      %dma_start3A = arith.constant 0 : i32
      %dma_start3A_66 = tpu.memref_slice %arg6[%add3A_7, %dma_start3A] : memref<10240x128xf32, #tpu.memory_space<vmem_shared>> -> memref<80x128xf32, #tpu.memory_space<vmem_shared>>
      %dma_start3A_67 = arith.constant 0 : i32
      %dma_start3A_68 = tpu.memref_slice %arg6[%add3A_7, %dma_start3A_67] : memref<10240x128xf32, #tpu.memory_space<vmem_shared>> -> memref<80x128xf32, #tpu.memory_space<vmem_shared>>
      tpu.enqueue_dma source(%arg9 : memref<80x128xf32, #tpu.memory_space<vmem>>) target(%dma_start3A_68 : memref<80x128xf32, #tpu.memory_space<vmem_shared>>) target_semaphore(%run_scoped3A : memref<!tpu.dma_semaphore, #tpu.memory_space<semaphore_mem>>)
      %dma_wait3A = arith.constant 0 : i32
      %dma_wait3A_69 = tpu.memref_slice %arg6[%add3A_7, %dma_wait3A] : memref<10240x128xf32, #tpu.memory_space<vmem_shared>> -> memref<80x128xf32, #tpu.memory_space<vmem_shared>>
      %dma_wait3A_70 = arith.constant 0 : i32
      %dma_wait3A_71 = tpu.memref_slice %arg6[%add3A_7, %dma_wait3A_70] : memref<10240x128xf32, #tpu.memory_space<vmem_shared>> -> memref<80x128xf32, #tpu.memory_space<vmem_shared>>
      tpu.wait_dma2 semaphore(%run_scoped3A : memref<!tpu.dma_semaphore, #tpu.memory_space<semaphore_mem>>) src(%arg9 : memref<80x128xf32, #tpu.memory_space<vmem>>) dst(%dma_wait3A_71 : memref<80x128xf32, #tpu.memory_space<vmem_shared>>)
      tpu.yield
    }) : () -> ()
    %add3A_8 = arith.constant 80 : i32
    %add3A_9 = arith.addi %multiple_of3A, %add3A_8 : i32
    "tpu.region"() ({
      %run_scoped3A = tpu.sem_alloc : memref<!tpu.dma_semaphore, #tpu.memory_space<semaphore_mem>>
      %dma_start3A = arith.constant 0 : i32
      %dma_start3A_66 = tpu.memref_slice %arg6[%add3A_9, %dma_start3A] : memref<10240x128xf32, #tpu.memory_space<vmem_shared>> -> memref<80x128xf32, #tpu.memory_space<vmem_shared>>
      %dma_start3A_67 = arith.constant 0 : i32
      %dma_start3A_68 = tpu.memref_slice %arg6[%add3A_9, %dma_start3A_67] : memref<10240x128xf32, #tpu.memory_space<vmem_shared>> -> memref<80x128xf32, #tpu.memory_space<vmem_shared>>
      tpu.enqueue_dma source(%arg9 : memref<80x128xf32, #tpu.memory_space<vmem>>) target(%dma_start3A_68 : memref<80x128xf32, #tpu.memory_space<vmem_shared>>) target_semaphore(%run_scoped3A : memref<!tpu.dma_semaphore, #tpu.memory_space<semaphore_mem>>)
      %dma_wait3A = arith.constant 0 : i32
      %dma_wait3A_69 = tpu.memref_slice %arg6[%add3A_9, %dma_wait3A] : memref<10240x128xf32, #tpu.memory_space<vmem_shared>> -> memref<80x128xf32, #tpu.memory_space<vmem_shared>>
      %dma_wait3A_70 = arith.constant 0 : i32
      %dma_wait3A_71 = tpu.memref_slice %arg6[%add3A_9, %dma_wait3A_70] : memref<10240x128xf32, #tpu.memory_space<vmem_shared>> -> memref<80x128xf32, #tpu.memory_space<vmem_shared>>
      tpu.wait_dma2 semaphore(%run_scoped3A : memref<!tpu.dma_semaphore, #tpu.memory_space<semaphore_mem>>) src(%arg9 : memref<80x128xf32, #tpu.memory_space<vmem>>) dst(%dma_wait3A_71 : memref<80x128xf32, #tpu.memory_space<vmem_shared>>)
      tpu.yield
    }) : () -> ()
    %add3A_10 = arith.constant 160 : i32
    %add3A_11 = arith.addi %multiple_of3A, %add3A_10 : i32
    "tpu.region"() ({
      %run_scoped3A = tpu.sem_alloc : memref<!tpu.dma_semaphore, #tpu.memory_space<semaphore_mem>>
      %dma_start3A = arith.constant 0 : i32
      %dma_start3A_66 = tpu.memref_slice %arg6[%add3A_11, %dma_start3A] : memref<10240x128xf32, #tpu.memory_space<vmem_shared>> -> memref<80x128xf32, #tpu.memory_space<vmem_shared>>
      %dma_start3A_67 = arith.constant 0 : i32
      %dma_start3A_68 = tpu.memref_slice %arg6[%add3A_11, %dma_start3A_67] : memref<10240x128xf32, #tpu.memory_space<vmem_shared>> -> memref<80x128xf32, #tpu.memory_space<vmem_shared>>
      tpu.enqueue_dma source(%arg9 : memref<80x128xf32, #tpu.memory_space<vmem>>) target(%dma_start3A_68 : memref<80x128xf32, #tpu.memory_space<vmem_shared>>) target_semaphore(%run_scoped3A : memref<!tpu.dma_semaphore, #tpu.memory_space<semaphore_mem>>)
      %dma_wait3A = arith.constant 0 : i32
      %dma_wait3A_69 = tpu.memref_slice %arg6[%add3A_11, %dma_wait3A] : memref<10240x128xf32, #tpu.memory_space<vmem_shared>> -> memref<80x128xf32, #tpu.memory_space<vmem_shared>>
      %dma_wait3A_70 = arith.constant 0 : i32
      %dma_wait3A_71 = tpu.memref_slice %arg6[%add3A_11, %dma_wait3A_70] : memref<10240x128xf32, #tpu.memory_space<vmem_shared>> -> memref<80x128xf32, #tpu.memory_space<vmem_shared>>
      tpu.wait_dma2 semaphore(%run_scoped3A : memref<!tpu.dma_semaphore, #tpu.memory_space<semaphore_mem>>) src(%arg9 : memref<80x128xf32, #tpu.memory_space<vmem>>) dst(%dma_wait3A_71 : memref<80x128xf32, #tpu.memory_space<vmem_shared>>)
      tpu.yield
    }) : () -> ()
    %add3A_12 = arith.constant 240 : i32
    %add3A_13 = arith.addi %multiple_of3A, %add3A_12 : i32
    "tpu.region"() ({
      %run_scoped3A = tpu.sem_alloc : memref<!tpu.dma_semaphore, #tpu.memory_space<semaphore_mem>>
      %dma_start3A = arith.constant 0 : i32
      %dma_start3A_66 = tpu.memref_slice %arg6[%add3A_13, %dma_start3A] : memref<10240x128xf32, #tpu.memory_space<vmem_shared>> -> memref<80x128xf32, #tpu.memory_space<vmem_shared>>
      %dma_start3A_67 = arith.constant 0 : i32
      %dma_start3A_68 = tpu.memref_slice %arg6[%add3A_13, %dma_start3A_67] : memref<10240x128xf32, #tpu.memory_space<vmem_shared>> -> memref<80x128xf32, #tpu.memory_space<vmem_shared>>
      tpu.enqueue_dma source(%arg9 : memref<80x128xf32, #tpu.memory_space<vmem>>) target(%dma_start3A_68 : memref<80x128xf32, #tpu.memory_space<vmem_shared>>) target_semaphore(%run_scoped3A : memref<!tpu.dma_semaphore, #tpu.memory_space<semaphore_mem>>)
      %dma_wait3A = arith.constant 0 : i32
      %dma_wait3A_69 = tpu.memref_slice %arg6[%add3A_13, %dma_wait3A] : memref<10240x128xf32, #tpu.memory_space<vmem_shared>> -> memref<80x128xf32, #tpu.memory_space<vmem_shared>>
      %dma_wait3A_70 = arith.constant 0 : i32
      %dma_wait3A_71 = tpu.memref_slice %arg6[%add3A_13, %dma_wait3A_70] : memref<10240x128xf32, #tpu.memory_space<vmem_shared>> -> memref<80x128xf32, #tpu.memory_space<vmem_shared>>
      tpu.wait_dma2 semaphore(%run_scoped3A : memref<!tpu.dma_semaphore, #tpu.memory_space<semaphore_mem>>) src(%arg9 : memref<80x128xf32, #tpu.memory_space<vmem>>) dst(%dma_wait3A_71 : memref<80x128xf32, #tpu.memory_space<vmem_shared>>)
      tpu.yield
    }) : () -> ()
    %add3A_14 = arith.constant 320 : i32
    %add3A_15 = arith.addi %multiple_of3A, %add3A_14 : i32
    "tpu.region"() ({
      %run_scoped3A = tpu.sem_alloc : memref<!tpu.dma_semaphore, #tpu.memory_space<semaphore_mem>>
      %dma_start3A = arith.constant 0 : i32
      %dma_start3A_66 = tpu.memref_slice %arg6[%add3A_15, %dma_start3A] : memref<10240x128xf32, #tpu.memory_space<vmem_shared>> -> memref<80x128xf32, #tpu.memory_space<vmem_shared>>
      %dma_start3A_67 = arith.constant 0 : i32
      %dma_start3A_68 = tpu.memref_slice %arg6[%add3A_15, %dma_start3A_67] : memref<10240x128xf32, #tpu.memory_space<vmem_shared>> -> memref<80x128xf32, #tpu.memory_space<vmem_shared>>
      tpu.enqueue_dma source(%arg9 : memref<80x128xf32, #tpu.memory_space<vmem>>) target(%dma_start3A_68 : memref<80x128xf32, #tpu.memory_space<vmem_shared>>) target_semaphore(%run_scoped3A : memref<!tpu.dma_semaphore, #tpu.memory_space<semaphore_mem>>)
      %dma_wait3A = arith.constant 0 : i32
      %dma_wait3A_69 = tpu.memref_slice %arg6[%add3A_15, %dma_wait3A] : memref<10240x128xf32, #tpu.memory_space<vmem_shared>> -> memref<80x128xf32, #tpu.memory_space<vmem_shared>>
      %dma_wait3A_70 = arith.constant 0 : i32
      %dma_wait3A_71 = tpu.memref_slice %arg6[%add3A_15, %dma_wait3A_70] : memref<10240x128xf32, #tpu.memory_space<vmem_shared>> -> memref<80x128xf32, #tpu.memory_space<vmem_shared>>
      tpu.wait_dma2 semaphore(%run_scoped3A : memref<!tpu.dma_semaphore, #tpu.memory_space<semaphore_mem>>) src(%arg9 : memref<80x128xf32, #tpu.memory_space<vmem>>) dst(%dma_wait3A_71 : memref<80x128xf32, #tpu.memory_space<vmem_shared>>)
      tpu.yield
    }) : () -> ()
    %add3A_16 = arith.constant 400 : i32
    %add3A_17 = arith.addi %multiple_of3A, %add3A_16 : i32
    "tpu.region"() ({
      %run_scoped3A = tpu.sem_alloc : memref<!tpu.dma_semaphore, #tpu.memory_space<semaphore_mem>>
      %dma_start3A = arith.constant 0 : i32
      %dma_start3A_66 = tpu.memref_slice %arg6[%add3A_17, %dma_start3A] : memref<10240x128xf32, #tpu.memory_space<vmem_shared>> -> memref<80x128xf32, #tpu.memory_space<vmem_shared>>
      %dma_start3A_67 = arith.constant 0 : i32
      %dma_start3A_68 = tpu.memref_slice %arg6[%add3A_17, %dma_start3A_67] : memref<10240x128xf32, #tpu.memory_space<vmem_shared>> -> memref<80x128xf32, #tpu.memory_space<vmem_shared>>
      tpu.enqueue_dma source(%arg9 : memref<80x128xf32, #tpu.memory_space<vmem>>) target(%dma_start3A_68 : memref<80x128xf32, #tpu.memory_space<vmem_shared>>) target_semaphore(%run_scoped3A : memref<!tpu.dma_semaphore, #tpu.memory_space<semaphore_mem>>)
      %dma_wait3A = arith.constant 0 : i32
      %dma_wait3A_69 = tpu.memref_slice %arg6[%add3A_17, %dma_wait3A] : memref<10240x128xf32, #tpu.memory_space<vmem_shared>> -> memref<80x128xf32, #tpu.memory_space<vmem_shared>>
      %dma_wait3A_70 = arith.constant 0 : i32
      %dma_wait3A_71 = tpu.memref_slice %arg6[%add3A_17, %dma_wait3A_70] : memref<10240x128xf32, #tpu.memory_space<vmem_shared>> -> memref<80x128xf32, #tpu.memory_space<vmem_shared>>
      tpu.wait_dma2 semaphore(%run_scoped3A : memref<!tpu.dma_semaphore, #tpu.memory_space<semaphore_mem>>) src(%arg9 : memref<80x128xf32, #tpu.memory_space<vmem>>) dst(%dma_wait3A_71 : memref<80x128xf32, #tpu.memory_space<vmem_shared>>)
      tpu.yield
    }) : () -> ()
    %add3A_18 = arith.constant 480 : i32
    %add3A_19 = arith.addi %multiple_of3A, %add3A_18 : i32
    "tpu.region"() ({
      %run_scoped3A = tpu.sem_alloc : memref<!tpu.dma_semaphore, #tpu.memory_space<semaphore_mem>>
      %dma_start3A = arith.constant 0 : i32
      %dma_start3A_66 = tpu.memref_slice %arg6[%add3A_19, %dma_start3A] : memref<10240x128xf32, #tpu.memory_space<vmem_shared>> -> memref<80x128xf32, #tpu.memory_space<vmem_shared>>
      %dma_start3A_67 = arith.constant 0 : i32
      %dma_start3A_68 = tpu.memref_slice %arg6[%add3A_19, %dma_start3A_67] : memref<10240x128xf32, #tpu.memory_space<vmem_shared>> -> memref<80x128xf32, #tpu.memory_space<vmem_shared>>
      tpu.enqueue_dma source(%arg9 : memref<80x128xf32, #tpu.memory_space<vmem>>) target(%dma_start3A_68 : memref<80x128xf32, #tpu.memory_space<vmem_shared>>) target_semaphore(%run_scoped3A : memref<!tpu.dma_semaphore, #tpu.memory_space<semaphore_mem>>)
      %dma_wait3A = arith.constant 0 : i32
      %dma_wait3A_69 = tpu.memref_slice %arg6[%add3A_19, %dma_wait3A] : memref<10240x128xf32, #tpu.memory_space<vmem_shared>> -> memref<80x128xf32, #tpu.memory_space<vmem_shared>>
      %dma_wait3A_70 = arith.constant 0 : i32
      %dma_wait3A_71 = tpu.memref_slice %arg6[%add3A_19, %dma_wait3A_70] : memref<10240x128xf32, #tpu.memory_space<vmem_shared>> -> memref<80x128xf32, #tpu.memory_space<vmem_shared>>
      tpu.wait_dma2 semaphore(%run_scoped3A : memref<!tpu.dma_semaphore, #tpu.memory_space<semaphore_mem>>) src(%arg9 : memref<80x128xf32, #tpu.memory_space<vmem>>) dst(%dma_wait3A_71 : memref<80x128xf32, #tpu.memory_space<vmem_shared>>)
      tpu.yield
    }) : () -> ()
    %add3A_20 = arith.constant 560 : i32
    %add3A_21 = arith.addi %multiple_of3A, %add3A_20 : i32
    "tpu.region"() ({
      %run_scoped3A = tpu.sem_alloc : memref<!tpu.dma_semaphore, #tpu.memory_space<semaphore_mem>>
      %dma_start3A = arith.constant 0 : i32
      %dma_start3A_66 = tpu.memref_slice %arg6[%add3A_21, %dma_start3A] : memref<10240x128xf32, #tpu.memory_space<vmem_shared>> -> memref<80x128xf32, #tpu.memory_space<vmem_shared>>
      %dma_start3A_67 = arith.constant 0 : i32
      %dma_start3A_68 = tpu.memref_slice %arg6[%add3A_21, %dma_start3A_67] : memref<10240x128xf32, #tpu.memory_space<vmem_shared>> -> memref<80x128xf32, #tpu.memory_space<vmem_shared>>
      tpu.enqueue_dma source(%arg9 : memref<80x128xf32, #tpu.memory_space<vmem>>) target(%dma_start3A_68 : memref<80x128xf32, #tpu.memory_space<vmem_shared>>) target_semaphore(%run_scoped3A : memref<!tpu.dma_semaphore, #tpu.memory_space<semaphore_mem>>)
      %dma_wait3A = arith.constant 0 : i32
      %dma_wait3A_69 = tpu.memref_slice %arg6[%add3A_21, %dma_wait3A] : memref<10240x128xf32, #tpu.memory_space<vmem_shared>> -> memref<80x128xf32, #tpu.memory_space<vmem_shared>>
      %dma_wait3A_70 = arith.constant 0 : i32
      %dma_wait3A_71 = tpu.memref_slice %arg6[%add3A_21, %dma_wait3A_70] : memref<10240x128xf32, #tpu.memory_space<vmem_shared>> -> memref<80x128xf32, #tpu.memory_space<vmem_shared>>
      tpu.wait_dma2 semaphore(%run_scoped3A : memref<!tpu.dma_semaphore, #tpu.memory_space<semaphore_mem>>) src(%arg9 : memref<80x128xf32, #tpu.memory_space<vmem>>) dst(%dma_wait3A_71 : memref<80x128xf32, #tpu.memory_space<vmem_shared>>)
      tpu.yield
    }) : () -> ()
    %barrier3A = arith.constant 0 : index
    tpu.barrier barrier_id(%barrier3A)
    %mul3A_22 = arith.constant 16 : i32
    %mul3A_23 = arith.muli %arg0, %mul3A_22 : i32
    %add3A_24 = arith.addi %mul3A_23, %arg1 : i32
    %mul3A_25 = arith.constant 10000 : i32
    %mul3A_26 = arith.muli %add3A_24, %mul3A_25 : i32
    %scan3A_27 = arith.constant 0 : i32
    %scan3A_28 = arith.constant 0 : i32
    %scan3A_29 = arith.constant 125 : i32
    %scan3A_30 = arith.addi %scan3A_28, %scan3A_29 : i32
    %scan3A_31 = arith.constant 1 : i32
    scf.for %scan3A_66 = %scan3A_28 to %scan3A_30 step %scan3A_31  : i32 {
      %mul3A_67 = arith.constant 80 : i32
      %mul3A_68 = arith.muli %scan3A_66, %mul3A_67 : i32
      %add3A_69 = arith.addi %mul3A_26, %mul3A_68 : i32
      %multiple_of3A_70 = tpu.assume_multiple %add3A_69, 8 : i32
      "tpu.region"() ({
        %run_scoped3A = tpu.sem_alloc : memref<!tpu.dma_semaphore, #tpu.memory_space<semaphore_mem>>
        %dma_start3A_75 = tpu.memref_slice %arg3[%multiple_of3A_70] : memref<320000xi32, #tpu.memory_space<hbm>> -> memref<80xi32, #tpu.memory_space<hbm>>
        %dma_start3A_76 = tpu.memref_slice %arg3[%multiple_of3A_70] : memref<320000xi32, #tpu.memory_space<hbm>> -> memref<80xi32, #tpu.memory_space<hbm>>
        tpu.enqueue_dma source(%dma_start3A_76 : memref<80xi32, #tpu.memory_space<hbm>>) target(%arg7 : memref<80xi32, #tpu.memory_space<vmem>>) target_semaphore(%run_scoped3A : memref<!tpu.dma_semaphore, #tpu.memory_space<semaphore_mem>>)
        %dma_wait3A_77 = tpu.memref_slice %arg3[%multiple_of3A_70] : memref<320000xi32, #tpu.memory_space<hbm>> -> memref<80xi32, #tpu.memory_space<hbm>>
        %dma_wait3A_78 = tpu.memref_slice %arg3[%multiple_of3A_70] : memref<320000xi32, #tpu.memory_space<hbm>> -> memref<80xi32, #tpu.memory_space<hbm>>
        tpu.wait_dma2 semaphore(%run_scoped3A : memref<!tpu.dma_semaphore, #tpu.memory_space<semaphore_mem>>) src(%dma_wait3A_78 : memref<80xi32, #tpu.memory_space<hbm>>) dst(%arg7 : memref<80xi32, #tpu.memory_space<vmem>>)
        tpu.yield
      }) : () -> ()
      "tpu.region"() ({
        %run_scoped3A = tpu.sem_alloc : memref<!tpu.dma_semaphore, #tpu.memory_space<semaphore_mem>>
        %dma_start3A_75 = tpu.memref_slice %arg4[%multiple_of3A_70] : memref<320000xi32, #tpu.memory_space<hbm>> -> memref<80xi32, #tpu.memory_space<hbm>>
        %dma_start3A_76 = tpu.memref_slice %arg4[%multiple_of3A_70] : memref<320000xi32, #tpu.memory_space<hbm>> -> memref<80xi32, #tpu.memory_space<hbm>>
        tpu.enqueue_dma source(%dma_start3A_76 : memref<80xi32, #tpu.memory_space<hbm>>) target(%arg8 : memref<80xi32, #tpu.memory_space<vmem>>) target_semaphore(%run_scoped3A : memref<!tpu.dma_semaphore, #tpu.memory_space<semaphore_mem>>)
        %dma_wait3A_77 = tpu.memref_slice %arg4[%multiple_of3A_70] : memref<320000xi32, #tpu.memory_space<hbm>> -> memref<80xi32, #tpu.memory_space<hbm>>
        %dma_wait3A_78 = tpu.memref_slice %arg4[%multiple_of3A_70] : memref<320000xi32, #tpu.memory_space<hbm>> -> memref<80xi32, #tpu.memory_space<hbm>>
        tpu.wait_dma2 semaphore(%run_scoped3A : memref<!tpu.dma_semaphore, #tpu.memory_space<semaphore_mem>>) src(%dma_wait3A_78 : memref<80xi32, #tpu.memory_space<hbm>>) dst(%arg8 : memref<80xi32, #tpu.memory_space<vmem>>)
        tpu.yield
      }) : () -> ()
      %dma_start3A = arith.constant 0 : i32
      %dma_start3A_71 = arith.constant 0 : i32
      %dma_start3A_72 = tpu.memref_slice %arg2[%dma_start3A, %dma_start3A_71] : memref<10000x128xf32, #tpu.memory_space<hbm>> -> memref<10000x128xf32, #tpu.memory_space<hbm>>
      tpu.enqueue_indirect_dma source(%dma_start3A_72 : memref<10000x128xf32, #tpu.memory_space<hbm>>) target(%arg9 : memref<80x128xf32, #tpu.memory_space<vmem>>) offsets(%arg7 : memref<80xi32, #tpu.memory_space<vmem>>) semaphore(%arg10 : memref<!tpu.dma_semaphore, #tpu.memory_space<semaphore_mem>>)
      %dma_wait3A = arith.constant 0 : i32
      %dma_wait3A_73 = arith.constant 0 : i32
      %dma_wait3A_74 = tpu.memref_slice %arg2[%dma_wait3A, %dma_wait3A_73] : memref<10000x128xf32, #tpu.memory_space<hbm>> -> memref<10000x128xf32, #tpu.memory_space<hbm>>
      tpu.wait_indirect_dma semaphore(%arg10 : memref<!tpu.dma_semaphore, #tpu.memory_space<semaphore_mem>>) src(%dma_wait3A_74 : memref<10000x128xf32, #tpu.memory_space<hbm>>) dst(%arg9 : memref<80x128xf32, #tpu.memory_space<vmem>>)
      "tpu.region"() ({
        %run_scoped3A = tpu.sem_alloc : memref<!tpu.dma_semaphore, #tpu.memory_space<semaphore_mem>>
        %dma_start3A_75 = arith.constant 0 : i32
        %dma_start3A_76 = arith.constant 0 : i32
        %dma_start3A_77 = tpu.memref_slice %arg6[%dma_start3A_75, %dma_start3A_76] : memref<10240x128xf32, #tpu.memory_space<vmem_shared>> -> memref<10240x128xf32, #tpu.memory_space<vmem_shared>>
        tpu.enqueue_indirect_dma source(%arg9 : memref<80x128xf32, #tpu.memory_space<vmem>>) target(%dma_start3A_77 : memref<10240x128xf32, #tpu.memory_space<vmem_shared>>) offsets(%arg8 : memref<80xi32, #tpu.memory_space<vmem>>) semaphore(%run_scoped3A : memref<!tpu.dma_semaphore, #tpu.memory_space<semaphore_mem>>) {add = true}
        %dma_wait3A_78 = arith.constant 0 : i32
        %dma_wait3A_79 = arith.constant 0 : i32
        %dma_wait3A_80 = tpu.memref_slice %arg6[%dma_wait3A_78, %dma_wait3A_79] : memref<10240x128xf32, #tpu.memory_space<vmem_shared>> -> memref<10240x128xf32, #tpu.memory_space<vmem_shared>>
        tpu.wait_indirect_dma semaphore(%run_scoped3A : memref<!tpu.dma_semaphore, #tpu.memory_space<semaphore_mem>>) src(%arg9 : memref<80x128xf32, #tpu.memory_space<vmem>>) dst(%dma_wait3A_80 : memref<10240x128xf32, #tpu.memory_space<vmem_shared>>)
        tpu.yield
      }) : () -> ()
    }
    %scan3A_32 = arith.constant 125 : i32
    %barrier3A_33 = arith.constant 0 : index
    tpu.barrier barrier_id(%barrier3A_33)
    %add3A_34 = arith.constant 0 : i32
    %add3A_35 = arith.addi %multiple_of3A, %add3A_34 : i32
    "tpu.region"() ({
      %run_scoped3A = tpu.sem_alloc : memref<!tpu.dma_semaphore, #tpu.memory_space<semaphore_mem>>
      %dma_start3A = arith.constant 0 : i32
      %dma_start3A_66 = tpu.memref_slice %arg6[%add3A_35, %dma_start3A] : memref<10240x128xf32, #tpu.memory_space<vmem_shared>> -> memref<80x128xf32, #tpu.memory_space<vmem_shared>>
      %dma_start3A_67 = arith.constant 0 : i32
      %dma_start3A_68 = tpu.memref_slice %arg6[%add3A_35, %dma_start3A_67] : memref<10240x128xf32, #tpu.memory_space<vmem_shared>> -> memref<80x128xf32, #tpu.memory_space<vmem_shared>>
      tpu.enqueue_dma source(%dma_start3A_68 : memref<80x128xf32, #tpu.memory_space<vmem_shared>>) target(%arg9 : memref<80x128xf32, #tpu.memory_space<vmem>>) target_semaphore(%run_scoped3A : memref<!tpu.dma_semaphore, #tpu.memory_space<semaphore_mem>>)
      %dma_wait3A = arith.constant 0 : i32
      %dma_wait3A_69 = tpu.memref_slice %arg6[%add3A_35, %dma_wait3A] : memref<10240x128xf32, #tpu.memory_space<vmem_shared>> -> memref<80x128xf32, #tpu.memory_space<vmem_shared>>
      %dma_wait3A_70 = arith.constant 0 : i32
      %dma_wait3A_71 = tpu.memref_slice %arg6[%add3A_35, %dma_wait3A_70] : memref<10240x128xf32, #tpu.memory_space<vmem_shared>> -> memref<80x128xf32, #tpu.memory_space<vmem_shared>>
      tpu.wait_dma2 semaphore(%run_scoped3A : memref<!tpu.dma_semaphore, #tpu.memory_space<semaphore_mem>>) src(%dma_wait3A_71 : memref<80x128xf32, #tpu.memory_space<vmem_shared>>) dst(%arg9 : memref<80x128xf32, #tpu.memory_space<vmem>>)
      tpu.yield
    }) : () -> ()
    %add3A_36 = arith.constant 0 : i32
    %add3A_37 = arith.addi %multiple_of3A, %add3A_36 : i32
    "tpu.region"() ({
      %run_scoped3A = tpu.sem_alloc : memref<!tpu.dma_semaphore, #tpu.memory_space<semaphore_mem>>
      %dma_start3A = arith.constant 0 : i32
      %dma_start3A_66 = tpu.memref_slice %arg5[%arg0, %add3A_37, %dma_start3A] : memref<2x10240x128xf32, #tpu.memory_space<hbm>> -> memref<1x80x128xf32, #tpu.memory_space<hbm>>
      %dma_start3A_67 = tpu.memref_squeeze %dma_start3A_66 : memref<1x80x128xf32, #tpu.memory_space<hbm>> -> memref<80x128xf32, #tpu.memory_space<hbm>>
      %dma_start3A_68 = arith.constant 0 : i32
      %dma_start3A_69 = tpu.memref_slice %arg5[%arg0, %add3A_37, %dma_start3A_68] : memref<2x10240x128xf32, #tpu.memory_space<hbm>> -> memref<1x80x128xf32, #tpu.memory_space<hbm>>
      %dma_start3A_70 = tpu.memref_squeeze %dma_start3A_69 : memref<1x80x128xf32, #tpu.memory_space<hbm>> -> memref<80x128xf32, #tpu.memory_space<hbm>>
      tpu.enqueue_dma source(%arg9 : memref<80x128xf32, #tpu.memory_space<vmem>>) target(%dma_start3A_70 : memref<80x128xf32, #tpu.memory_space<hbm>>) target_semaphore(%run_scoped3A : memref<!tpu.dma_semaphore, #tpu.memory_space<semaphore_mem>>)
      %dma_wait3A = arith.constant 0 : i32
      %dma_wait3A_71 = tpu.memref_slice %arg5[%arg0, %add3A_37, %dma_wait3A] : memref<2x10240x128xf32, #tpu.memory_space<hbm>> -> memref<1x80x128xf32, #tpu.memory_space<hbm>>
      %dma_wait3A_72 = tpu.memref_squeeze %dma_wait3A_71 : memref<1x80x128xf32, #tpu.memory_space<hbm>> -> memref<80x128xf32, #tpu.memory_space<hbm>>
      %dma_wait3A_73 = arith.constant 0 : i32
      %dma_wait3A_74 = tpu.memref_slice %arg5[%arg0, %add3A_37, %dma_wait3A_73] : memref<2x10240x128xf32, #tpu.memory_space<hbm>> -> memref<1x80x128xf32, #tpu.memory_space<hbm>>
      %dma_wait3A_75 = tpu.memref_squeeze %dma_wait3A_74 : memref<1x80x128xf32, #tpu.memory_space<hbm>> -> memref<80x128xf32, #tpu.memory_space<hbm>>
      tpu.wait_dma2 semaphore(%run_scoped3A : memref<!tpu.dma_semaphore, #tpu.memory_space<semaphore_mem>>) src(%arg9 : memref<80x128xf32, #tpu.memory_space<vmem>>) dst(%dma_wait3A_75 : memref<80x128xf32, #tpu.memory_space<hbm>>)
      tpu.yield
    }) : () -> ()
    %add3A_38 = arith.constant 80 : i32
    %add3A_39 = arith.addi %multiple_of3A, %add3A_38 : i32
    "tpu.region"() ({
      %run_scoped3A = tpu.sem_alloc : memref<!tpu.dma_semaphore, #tpu.memory_space<semaphore_mem>>
      %dma_start3A = arith.constant 0 : i32
      %dma_start3A_66 = tpu.memref_slice %arg6[%add3A_39, %dma_start3A] : memref<10240x128xf32, #tpu.memory_space<vmem_shared>> -> memref<80x128xf32, #tpu.memory_space<vmem_shared>>
      %dma_start3A_67 = arith.constant 0 : i32
      %dma_start3A_68 = tpu.memref_slice %arg6[%add3A_39, %dma_start3A_67] : memref<10240x128xf32, #tpu.memory_space<vmem_shared>> -> memref<80x128xf32, #tpu.memory_space<vmem_shared>>
      tpu.enqueue_dma source(%dma_start3A_68 : memref<80x128xf32, #tpu.memory_space<vmem_shared>>) target(%arg9 : memref<80x128xf32, #tpu.memory_space<vmem>>) target_semaphore(%run_scoped3A : memref<!tpu.dma_semaphore, #tpu.memory_space<semaphore_mem>>)
      %dma_wait3A = arith.constant 0 : i32
      %dma_wait3A_69 = tpu.memref_slice %arg6[%add3A_39, %dma_wait3A] : memref<10240x128xf32, #tpu.memory_space<vmem_shared>> -> memref<80x128xf32, #tpu.memory_space<vmem_shared>>
      %dma_wait3A_70 = arith.constant 0 : i32
      %dma_wait3A_71 = tpu.memref_slice %arg6[%add3A_39, %dma_wait3A_70] : memref<10240x128xf32, #tpu.memory_space<vmem_shared>> -> memref<80x128xf32, #tpu.memory_space<vmem_shared>>
      tpu.wait_dma2 semaphore(%run_scoped3A : memref<!tpu.dma_semaphore, #tpu.memory_space<semaphore_mem>>) src(%dma_wait3A_71 : memref<80x128xf32, #tpu.memory_space<vmem_shared>>) dst(%arg9 : memref<80x128xf32, #tpu.memory_space<vmem>>)
      tpu.yield
    }) : () -> ()
    %add3A_40 = arith.constant 80 : i32
    %add3A_41 = arith.addi %multiple_of3A, %add3A_40 : i32
    "tpu.region"() ({
      %run_scoped3A = tpu.sem_alloc : memref<!tpu.dma_semaphore, #tpu.memory_space<semaphore_mem>>
      %dma_start3A = arith.constant 0 : i32
      %dma_start3A_66 = tpu.memref_slice %arg5[%arg0, %add3A_41, %dma_start3A] : memref<2x10240x128xf32, #tpu.memory_space<hbm>> -> memref<1x80x128xf32, #tpu.memory_space<hbm>>
      %dma_start3A_67 = tpu.memref_squeeze %dma_start3A_66 : memref<1x80x128xf32, #tpu.memory_space<hbm>> -> memref<80x128xf32, #tpu.memory_space<hbm>>
      %dma_start3A_68 = arith.constant 0 : i32
      %dma_start3A_69 = tpu.memref_slice %arg5[%arg0, %add3A_41, %dma_start3A_68] : memref<2x10240x128xf32, #tpu.memory_space<hbm>> -> memref<1x80x128xf32, #tpu.memory_space<hbm>>
      %dma_start3A_70 = tpu.memref_squeeze %dma_start3A_69 : memref<1x80x128xf32, #tpu.memory_space<hbm>> -> memref<80x128xf32, #tpu.memory_space<hbm>>
      tpu.enqueue_dma source(%arg9 : memref<80x128xf32, #tpu.memory_space<vmem>>) target(%dma_start3A_70 : memref<80x128xf32, #tpu.memory_space<hbm>>) target_semaphore(%run_scoped3A : memref<!tpu.dma_semaphore, #tpu.memory_space<semaphore_mem>>)
      %dma_wait3A = arith.constant 0 : i32
      %dma_wait3A_71 = tpu.memref_slice %arg5[%arg0, %add3A_41, %dma_wait3A] : memref<2x10240x128xf32, #tpu.memory_space<hbm>> -> memref<1x80x128xf32, #tpu.memory_space<hbm>>
      %dma_wait3A_72 = tpu.memref_squeeze %dma_wait3A_71 : memref<1x80x128xf32, #tpu.memory_space<hbm>> -> memref<80x128xf32, #tpu.memory_space<hbm>>
      %dma_wait3A_73 = arith.constant 0 : i32
      %dma_wait3A_74 = tpu.memref_slice %arg5[%arg0, %add3A_41, %dma_wait3A_73] : memref<2x10240x128xf32, #tpu.memory_space<hbm>> -> memref<1x80x128xf32, #tpu.memory_space<hbm>>
      %dma_wait3A_75 = tpu.memref_squeeze %dma_wait3A_74 : memref<1x80x128xf32, #tpu.memory_space<hbm>> -> memref<80x128xf32, #tpu.memory_space<hbm>>
      tpu.wait_dma2 semaphore(%run_scoped3A : memref<!tpu.dma_semaphore, #tpu.memory_space<semaphore_mem>>) src(%arg9 : memref<80x128xf32, #tpu.memory_space<vmem>>) dst(%dma_wait3A_75 : memref<80x128xf32, #tpu.memory_space<hbm>>)
      tpu.yield
    }) : () -> ()
    %add3A_42 = arith.constant 160 : i32
    %add3A_43 = arith.addi %multiple_of3A, %add3A_42 : i32
    "tpu.region"() ({
      %run_scoped3A = tpu.sem_alloc : memref<!tpu.dma_semaphore, #tpu.memory_space<semaphore_mem>>
      %dma_start3A = arith.constant 0 : i32
      %dma_start3A_66 = tpu.memref_slice %arg6[%add3A_43, %dma_start3A] : memref<10240x128xf32, #tpu.memory_space<vmem_shared>> -> memref<80x128xf32, #tpu.memory_space<vmem_shared>>
      %dma_start3A_67 = arith.constant 0 : i32
      %dma_start3A_68 = tpu.memref_slice %arg6[%add3A_43, %dma_start3A_67] : memref<10240x128xf32, #tpu.memory_space<vmem_shared>> -> memref<80x128xf32, #tpu.memory_space<vmem_shared>>
      tpu.enqueue_dma source(%dma_start3A_68 : memref<80x128xf32, #tpu.memory_space<vmem_shared>>) target(%arg9 : memref<80x128xf32, #tpu.memory_space<vmem>>) target_semaphore(%run_scoped3A : memref<!tpu.dma_semaphore, #tpu.memory_space<semaphore_mem>>)
      %dma_wait3A = arith.constant 0 : i32
      %dma_wait3A_69 = tpu.memref_slice %arg6[%add3A_43, %dma_wait3A] : memref<10240x128xf32, #tpu.memory_space<vmem_shared>> -> memref<80x128xf32, #tpu.memory_space<vmem_shared>>
      %dma_wait3A_70 = arith.constant 0 : i32
      %dma_wait3A_71 = tpu.memref_slice %arg6[%add3A_43, %dma_wait3A_70] : memref<10240x128xf32, #tpu.memory_space<vmem_shared>> -> memref<80x128xf32, #tpu.memory_space<vmem_shared>>
      tpu.wait_dma2 semaphore(%run_scoped3A : memref<!tpu.dma_semaphore, #tpu.memory_space<semaphore_mem>>) src(%dma_wait3A_71 : memref<80x128xf32, #tpu.memory_space<vmem_shared>>) dst(%arg9 : memref<80x128xf32, #tpu.memory_space<vmem>>)
      tpu.yield
    }) : () -> ()
    %add3A_44 = arith.constant 160 : i32
    %add3A_45 = arith.addi %multiple_of3A, %add3A_44 : i32
    "tpu.region"() ({
      %run_scoped3A = tpu.sem_alloc : memref<!tpu.dma_semaphore, #tpu.memory_space<semaphore_mem>>
      %dma_start3A = arith.constant 0 : i32
      %dma_start3A_66 = tpu.memref_slice %arg5[%arg0, %add3A_45, %dma_start3A] : memref<2x10240x128xf32, #tpu.memory_space<hbm>> -> memref<1x80x128xf32, #tpu.memory_space<hbm>>
      %dma_start3A_67 = tpu.memref_squeeze %dma_start3A_66 : memref<1x80x128xf32, #tpu.memory_space<hbm>> -> memref<80x128xf32, #tpu.memory_space<hbm>>
      %dma_start3A_68 = arith.constant 0 : i32
      %dma_start3A_69 = tpu.memref_slice %arg5[%arg0, %add3A_45, %dma_start3A_68] : memref<2x10240x128xf32, #tpu.memory_space<hbm>> -> memref<1x80x128xf32, #tpu.memory_space<hbm>>
      %dma_start3A_70 = tpu.memref_squeeze %dma_start3A_69 : memref<1x80x128xf32, #tpu.memory_space<hbm>> -> memref<80x128xf32, #tpu.memory_space<hbm>>
      tpu.enqueue_dma source(%arg9 : memref<80x128xf32, #tpu.memory_space<vmem>>) target(%dma_start3A_70 : memref<80x128xf32, #tpu.memory_space<hbm>>) target_semaphore(%run_scoped3A : memref<!tpu.dma_semaphore, #tpu.memory_space<semaphore_mem>>)
      %dma_wait3A = arith.constant 0 : i32
      %dma_wait3A_71 = tpu.memref_slice %arg5[%arg0, %add3A_45, %dma_wait3A] : memref<2x10240x128xf32, #tpu.memory_space<hbm>> -> memref<1x80x128xf32, #tpu.memory_space<hbm>>
      %dma_wait3A_72 = tpu.memref_squeeze %dma_wait3A_71 : memref<1x80x128xf32, #tpu.memory_space<hbm>> -> memref<80x128xf32, #tpu.memory_space<hbm>>
      %dma_wait3A_73 = arith.constant 0 : i32
      %dma_wait3A_74 = tpu.memref_slice %arg5[%arg0, %add3A_45, %dma_wait3A_73] : memref<2x10240x128xf32, #tpu.memory_space<hbm>> -> memref<1x80x128xf32, #tpu.memory_space<hbm>>
      %dma_wait3A_75 = tpu.memref_squeeze %dma_wait3A_74 : memref<1x80x128xf32, #tpu.memory_space<hbm>> -> memref<80x128xf32, #tpu.memory_space<hbm>>
      tpu.wait_dma2 semaphore(%run_scoped3A : memref<!tpu.dma_semaphore, #tpu.memory_space<semaphore_mem>>) src(%arg9 : memref<80x128xf32, #tpu.memory_space<vmem>>) dst(%dma_wait3A_75 : memref<80x128xf32, #tpu.memory_space<hbm>>)
      tpu.yield
    }) : () -> ()
    %add3A_46 = arith.constant 240 : i32
    %add3A_47 = arith.addi %multiple_of3A, %add3A_46 : i32
    "tpu.region"() ({
      %run_scoped3A = tpu.sem_alloc : memref<!tpu.dma_semaphore, #tpu.memory_space<semaphore_mem>>
      %dma_start3A = arith.constant 0 : i32
      %dma_start3A_66 = tpu.memref_slice %arg6[%add3A_47, %dma_start3A] : memref<10240x128xf32, #tpu.memory_space<vmem_shared>> -> memref<80x128xf32, #tpu.memory_space<vmem_shared>>
      %dma_start3A_67 = arith.constant 0 : i32
      %dma_start3A_68 = tpu.memref_slice %arg6[%add3A_47, %dma_start3A_67] : memref<10240x128xf32, #tpu.memory_space<vmem_shared>> -> memref<80x128xf32, #tpu.memory_space<vmem_shared>>
      tpu.enqueue_dma source(%dma_start3A_68 : memref<80x128xf32, #tpu.memory_space<vmem_shared>>) target(%arg9 : memref<80x128xf32, #tpu.memory_space<vmem>>) target_semaphore(%run_scoped3A : memref<!tpu.dma_semaphore, #tpu.memory_space<semaphore_mem>>)
      %dma_wait3A = arith.constant 0 : i32
      %dma_wait3A_69 = tpu.memref_slice %arg6[%add3A_47, %dma_wait3A] : memref<10240x128xf32, #tpu.memory_space<vmem_shared>> -> memref<80x128xf32, #tpu.memory_space<vmem_shared>>
      %dma_wait3A_70 = arith.constant 0 : i32
      %dma_wait3A_71 = tpu.memref_slice %arg6[%add3A_47, %dma_wait3A_70] : memref<10240x128xf32, #tpu.memory_space<vmem_shared>> -> memref<80x128xf32, #tpu.memory_space<vmem_shared>>
      tpu.wait_dma2 semaphore(%run_scoped3A : memref<!tpu.dma_semaphore, #tpu.memory_space<semaphore_mem>>) src(%dma_wait3A_71 : memref<80x128xf32, #tpu.memory_space<vmem_shared>>) dst(%arg9 : memref<80x128xf32, #tpu.memory_space<vmem>>)
      tpu.yield
    }) : () -> ()
    %add3A_48 = arith.constant 240 : i32
    %add3A_49 = arith.addi %multiple_of3A, %add3A_48 : i32
    "tpu.region"() ({
      %run_scoped3A = tpu.sem_alloc : memref<!tpu.dma_semaphore, #tpu.memory_space<semaphore_mem>>
      %dma_start3A = arith.constant 0 : i32
      %dma_start3A_66 = tpu.memref_slice %arg5[%arg0, %add3A_49, %dma_start3A] : memref<2x10240x128xf32, #tpu.memory_space<hbm>> -> memref<1x80x128xf32, #tpu.memory_space<hbm>>
      %dma_start3A_67 = tpu.memref_squeeze %dma_start3A_66 : memref<1x80x128xf32, #tpu.memory_space<hbm>> -> memref<80x128xf32, #tpu.memory_space<hbm>>
      %dma_start3A_68 = arith.constant 0 : i32
      %dma_start3A_69 = tpu.memref_slice %arg5[%arg0, %add3A_49, %dma_start3A_68] : memref<2x10240x128xf32, #tpu.memory_space<hbm>> -> memref<1x80x128xf32, #tpu.memory_space<hbm>>
      %dma_start3A_70 = tpu.memref_squeeze %dma_start3A_69 : memref<1x80x128xf32, #tpu.memory_space<hbm>> -> memref<80x128xf32, #tpu.memory_space<hbm>>
      tpu.enqueue_dma source(%arg9 : memref<80x128xf32, #tpu.memory_space<vmem>>) target(%dma_start3A_70 : memref<80x128xf32, #tpu.memory_space<hbm>>) target_semaphore(%run_scoped3A : memref<!tpu.dma_semaphore, #tpu.memory_space<semaphore_mem>>)
      %dma_wait3A = arith.constant 0 : i32
      %dma_wait3A_71 = tpu.memref_slice %arg5[%arg0, %add3A_49, %dma_wait3A] : memref<2x10240x128xf32, #tpu.memory_space<hbm>> -> memref<1x80x128xf32, #tpu.memory_space<hbm>>
      %dma_wait3A_72 = tpu.memref_squeeze %dma_wait3A_71 : memref<1x80x128xf32, #tpu.memory_space<hbm>> -> memref<80x128xf32, #tpu.memory_space<hbm>>
      %dma_wait3A_73 = arith.constant 0 : i32
      %dma_wait3A_74 = tpu.memref_slice %arg5[%arg0, %add3A_49, %dma_wait3A_73] : memref<2x10240x128xf32, #tpu.memory_space<hbm>> -> memref<1x80x128xf32, #tpu.memory_space<hbm>>
      %dma_wait3A_75 = tpu.memref_squeeze %dma_wait3A_74 : memref<1x80x128xf32, #tpu.memory_space<hbm>> -> memref<80x128xf32, #tpu.memory_space<hbm>>
      tpu.wait_dma2 semaphore(%run_scoped3A : memref<!tpu.dma_semaphore, #tpu.memory_space<semaphore_mem>>) src(%arg9 : memref<80x128xf32, #tpu.memory_space<vmem>>) dst(%dma_wait3A_75 : memref<80x128xf32, #tpu.memory_space<hbm>>)
      tpu.yield
    }) : () -> ()
    %add3A_50 = arith.constant 320 : i32
    %add3A_51 = arith.addi %multiple_of3A, %add3A_50 : i32
    "tpu.region"() ({
      %run_scoped3A = tpu.sem_alloc : memref<!tpu.dma_semaphore, #tpu.memory_space<semaphore_mem>>
      %dma_start3A = arith.constant 0 : i32
      %dma_start3A_66 = tpu.memref_slice %arg6[%add3A_51, %dma_start3A] : memref<10240x128xf32, #tpu.memory_space<vmem_shared>> -> memref<80x128xf32, #tpu.memory_space<vmem_shared>>
      %dma_start3A_67 = arith.constant 0 : i32
      %dma_start3A_68 = tpu.memref_slice %arg6[%add3A_51, %dma_start3A_67] : memref<10240x128xf32, #tpu.memory_space<vmem_shared>> -> memref<80x128xf32, #tpu.memory_space<vmem_shared>>
      tpu.enqueue_dma source(%dma_start3A_68 : memref<80x128xf32, #tpu.memory_space<vmem_shared>>) target(%arg9 : memref<80x128xf32, #tpu.memory_space<vmem>>) target_semaphore(%run_scoped3A : memref<!tpu.dma_semaphore, #tpu.memory_space<semaphore_mem>>)
      %dma_wait3A = arith.constant 0 : i32
      %dma_wait3A_69 = tpu.memref_slice %arg6[%add3A_51, %dma_wait3A] : memref<10240x128xf32, #tpu.memory_space<vmem_shared>> -> memref<80x128xf32, #tpu.memory_space<vmem_shared>>
      %dma_wait3A_70 = arith.constant 0 : i32
      %dma_wait3A_71 = tpu.memref_slice %arg6[%add3A_51, %dma_wait3A_70] : memref<10240x128xf32, #tpu.memory_space<vmem_shared>> -> memref<80x128xf32, #tpu.memory_space<vmem_shared>>
      tpu.wait_dma2 semaphore(%run_scoped3A : memref<!tpu.dma_semaphore, #tpu.memory_space<semaphore_mem>>) src(%dma_wait3A_71 : memref<80x128xf32, #tpu.memory_space<vmem_shared>>) dst(%arg9 : memref<80x128xf32, #tpu.memory_space<vmem>>)
      tpu.yield
    }) : () -> ()
    %add3A_52 = arith.constant 320 : i32
    %add3A_53 = arith.addi %multiple_of3A, %add3A_52 : i32
    "tpu.region"() ({
      %run_scoped3A = tpu.sem_alloc : memref<!tpu.dma_semaphore, #tpu.memory_space<semaphore_mem>>
      %dma_start3A = arith.constant 0 : i32
      %dma_start3A_66 = tpu.memref_slice %arg5[%arg0, %add3A_53, %dma_start3A] : memref<2x10240x128xf32, #tpu.memory_space<hbm>> -> memref<1x80x128xf32, #tpu.memory_space<hbm>>
      %dma_start3A_67 = tpu.memref_squeeze %dma_start3A_66 : memref<1x80x128xf32, #tpu.memory_space<hbm>> -> memref<80x128xf32, #tpu.memory_space<hbm>>
      %dma_start3A_68 = arith.constant 0 : i32
      %dma_start3A_69 = tpu.memref_slice %arg5[%arg0, %add3A_53, %dma_start3A_68] : memref<2x10240x128xf32, #tpu.memory_space<hbm>> -> memref<1x80x128xf32, #tpu.memory_space<hbm>>
      %dma_start3A_70 = tpu.memref_squeeze %dma_start3A_69 : memref<1x80x128xf32, #tpu.memory_space<hbm>> -> memref<80x128xf32, #tpu.memory_space<hbm>>
      tpu.enqueue_dma source(%arg9 : memref<80x128xf32, #tpu.memory_space<vmem>>) target(%dma_start3A_70 : memref<80x128xf32, #tpu.memory_space<hbm>>) target_semaphore(%run_scoped3A : memref<!tpu.dma_semaphore, #tpu.memory_space<semaphore_mem>>)
      %dma_wait3A = arith.constant 0 : i32
      %dma_wait3A_71 = tpu.memref_slice %arg5[%arg0, %add3A_53, %dma_wait3A] : memref<2x10240x128xf32, #tpu.memory_space<hbm>> -> memref<1x80x128xf32, #tpu.memory_space<hbm>>
      %dma_wait3A_72 = tpu.memref_squeeze %dma_wait3A_71 : memref<1x80x128xf32, #tpu.memory_space<hbm>> -> memref<80x128xf32, #tpu.memory_space<hbm>>
      %dma_wait3A_73 = arith.constant 0 : i32
      %dma_wait3A_74 = tpu.memref_slice %arg5[%arg0, %add3A_53, %dma_wait3A_73] : memref<2x10240x128xf32, #tpu.memory_space<hbm>> -> memref<1x80x128xf32, #tpu.memory_space<hbm>>
      %dma_wait3A_75 = tpu.memref_squeeze %dma_wait3A_74 : memref<1x80x128xf32, #tpu.memory_space<hbm>> -> memref<80x128xf32, #tpu.memory_space<hbm>>
      tpu.wait_dma2 semaphore(%run_scoped3A : memref<!tpu.dma_semaphore, #tpu.memory_space<semaphore_mem>>) src(%arg9 : memref<80x128xf32, #tpu.memory_space<vmem>>) dst(%dma_wait3A_75 : memref<80x128xf32, #tpu.memory_space<hbm>>)
      tpu.yield
    }) : () -> ()
    %add3A_54 = arith.constant 400 : i32
    %add3A_55 = arith.addi %multiple_of3A, %add3A_54 : i32
    "tpu.region"() ({
      %run_scoped3A = tpu.sem_alloc : memref<!tpu.dma_semaphore, #tpu.memory_space<semaphore_mem>>
      %dma_start3A = arith.constant 0 : i32
      %dma_start3A_66 = tpu.memref_slice %arg6[%add3A_55, %dma_start3A] : memref<10240x128xf32, #tpu.memory_space<vmem_shared>> -> memref<80x128xf32, #tpu.memory_space<vmem_shared>>
      %dma_start3A_67 = arith.constant 0 : i32
      %dma_start3A_68 = tpu.memref_slice %arg6[%add3A_55, %dma_start3A_67] : memref<10240x128xf32, #tpu.memory_space<vmem_shared>> -> memref<80x128xf32, #tpu.memory_space<vmem_shared>>
      tpu.enqueue_dma source(%dma_start3A_68 : memref<80x128xf32, #tpu.memory_space<vmem_shared>>) target(%arg9 : memref<80x128xf32, #tpu.memory_space<vmem>>) target_semaphore(%run_scoped3A : memref<!tpu.dma_semaphore, #tpu.memory_space<semaphore_mem>>)
      %dma_wait3A = arith.constant 0 : i32
      %dma_wait3A_69 = tpu.memref_slice %arg6[%add3A_55, %dma_wait3A] : memref<10240x128xf32, #tpu.memory_space<vmem_shared>> -> memref<80x128xf32, #tpu.memory_space<vmem_shared>>
      %dma_wait3A_70 = arith.constant 0 : i32
      %dma_wait3A_71 = tpu.memref_slice %arg6[%add3A_55, %dma_wait3A_70] : memref<10240x128xf32, #tpu.memory_space<vmem_shared>> -> memref<80x128xf32, #tpu.memory_space<vmem_shared>>
      tpu.wait_dma2 semaphore(%run_scoped3A : memref<!tpu.dma_semaphore, #tpu.memory_space<semaphore_mem>>) src(%dma_wait3A_71 : memref<80x128xf32, #tpu.memory_space<vmem_shared>>) dst(%arg9 : memref<80x128xf32, #tpu.memory_space<vmem>>)
      tpu.yield
    }) : () -> ()
    %add3A_56 = arith.constant 400 : i32
    %add3A_57 = arith.addi %multiple_of3A, %add3A_56 : i32
    "tpu.region"() ({
      %run_scoped3A = tpu.sem_alloc : memref<!tpu.dma_semaphore, #tpu.memory_space<semaphore_mem>>
      %dma_start3A = arith.constant 0 : i32
      %dma_start3A_66 = tpu.memref_slice %arg5[%arg0, %add3A_57, %dma_start3A] : memref<2x10240x128xf32, #tpu.memory_space<hbm>> -> memref<1x80x128xf32, #tpu.memory_space<hbm>>
      %dma_start3A_67 = tpu.memref_squeeze %dma_start3A_66 : memref<1x80x128xf32, #tpu.memory_space<hbm>> -> memref<80x128xf32, #tpu.memory_space<hbm>>
      %dma_start3A_68 = arith.constant 0 : i32
      %dma_start3A_69 = tpu.memref_slice %arg5[%arg0, %add3A_57, %dma_start3A_68] : memref<2x10240x128xf32, #tpu.memory_space<hbm>> -> memref<1x80x128xf32, #tpu.memory_space<hbm>>
      %dma_start3A_70 = tpu.memref_squeeze %dma_start3A_69 : memref<1x80x128xf32, #tpu.memory_space<hbm>> -> memref<80x128xf32, #tpu.memory_space<hbm>>
      tpu.enqueue_dma source(%arg9 : memref<80x128xf32, #tpu.memory_space<vmem>>) target(%dma_start3A_70 : memref<80x128xf32, #tpu.memory_space<hbm>>) target_semaphore(%run_scoped3A : memref<!tpu.dma_semaphore, #tpu.memory_space<semaphore_mem>>)
      %dma_wait3A = arith.constant 0 : i32
      %dma_wait3A_71 = tpu.memref_slice %arg5[%arg0, %add3A_57, %dma_wait3A] : memref<2x10240x128xf32, #tpu.memory_space<hbm>> -> memref<1x80x128xf32, #tpu.memory_space<hbm>>
      %dma_wait3A_72 = tpu.memref_squeeze %dma_wait3A_71 : memref<1x80x128xf32, #tpu.memory_space<hbm>> -> memref<80x128xf32, #tpu.memory_space<hbm>>
      %dma_wait3A_73 = arith.constant 0 : i32
      %dma_wait3A_74 = tpu.memref_slice %arg5[%arg0, %add3A_57, %dma_wait3A_73] : memref<2x10240x128xf32, #tpu.memory_space<hbm>> -> memref<1x80x128xf32, #tpu.memory_space<hbm>>
      %dma_wait3A_75 = tpu.memref_squeeze %dma_wait3A_74 : memref<1x80x128xf32, #tpu.memory_space<hbm>> -> memref<80x128xf32, #tpu.memory_space<hbm>>
      tpu.wait_dma2 semaphore(%run_scoped3A : memref<!tpu.dma_semaphore, #tpu.memory_space<semaphore_mem>>) src(%arg9 : memref<80x128xf32, #tpu.memory_space<vmem>>) dst(%dma_wait3A_75 : memref<80x128xf32, #tpu.memory_space<hbm>>)
      tpu.yield
    }) : () -> ()
    %add3A_58 = arith.constant 480 : i32
    %add3A_59 = arith.addi %multiple_of3A, %add3A_58 : i32
    "tpu.region"() ({
      %run_scoped3A = tpu.sem_alloc : memref<!tpu.dma_semaphore, #tpu.memory_space<semaphore_mem>>
      %dma_start3A = arith.constant 0 : i32
      %dma_start3A_66 = tpu.memref_slice %arg6[%add3A_59, %dma_start3A] : memref<10240x128xf32, #tpu.memory_space<vmem_shared>> -> memref<80x128xf32, #tpu.memory_space<vmem_shared>>
      %dma_start3A_67 = arith.constant 0 : i32
      %dma_start3A_68 = tpu.memref_slice %arg6[%add3A_59, %dma_start3A_67] : memref<10240x128xf32, #tpu.memory_space<vmem_shared>> -> memref<80x128xf32, #tpu.memory_space<vmem_shared>>
      tpu.enqueue_dma source(%dma_start3A_68 : memref<80x128xf32, #tpu.memory_space<vmem_shared>>) target(%arg9 : memref<80x128xf32, #tpu.memory_space<vmem>>) target_semaphore(%run_scoped3A : memref<!tpu.dma_semaphore, #tpu.memory_space<semaphore_mem>>)
      %dma_wait3A = arith.constant 0 : i32
      %dma_wait3A_69 = tpu.memref_slice %arg6[%add3A_59, %dma_wait3A] : memref<10240x128xf32, #tpu.memory_space<vmem_shared>> -> memref<80x128xf32, #tpu.memory_space<vmem_shared>>
      %dma_wait3A_70 = arith.constant 0 : i32
      %dma_wait3A_71 = tpu.memref_slice %arg6[%add3A_59, %dma_wait3A_70] : memref<10240x128xf32, #tpu.memory_space<vmem_shared>> -> memref<80x128xf32, #tpu.memory_space<vmem_shared>>
      tpu.wait_dma2 semaphore(%run_scoped3A : memref<!tpu.dma_semaphore, #tpu.memory_space<semaphore_mem>>) src(%dma_wait3A_71 : memref<80x128xf32, #tpu.memory_space<vmem_shared>>) dst(%arg9 : memref<80x128xf32, #tpu.memory_space<vmem>>)
      tpu.yield
    }) : () -> ()
    %add3A_60 = arith.constant 480 : i32
    %add3A_61 = arith.addi %multiple_of3A, %add3A_60 : i32
    "tpu.region"() ({
      %run_scoped3A = tpu.sem_alloc : memref<!tpu.dma_semaphore, #tpu.memory_space<semaphore_mem>>
      %dma_start3A = arith.constant 0 : i32
      %dma_start3A_66 = tpu.memref_slice %arg5[%arg0, %add3A_61, %dma_start3A] : memref<2x10240x128xf32, #tpu.memory_space<hbm>> -> memref<1x80x128xf32, #tpu.memory_space<hbm>>
      %dma_start3A_67 = tpu.memref_squeeze %dma_start3A_66 : memref<1x80x128xf32, #tpu.memory_space<hbm>> -> memref<80x128xf32, #tpu.memory_space<hbm>>
      %dma_start3A_68 = arith.constant 0 : i32
      %dma_start3A_69 = tpu.memref_slice %arg5[%arg0, %add3A_61, %dma_start3A_68] : memref<2x10240x128xf32, #tpu.memory_space<hbm>> -> memref<1x80x128xf32, #tpu.memory_space<hbm>>
      %dma_start3A_70 = tpu.memref_squeeze %dma_start3A_69 : memref<1x80x128xf32, #tpu.memory_space<hbm>> -> memref<80x128xf32, #tpu.memory_space<hbm>>
      tpu.enqueue_dma source(%arg9 : memref<80x128xf32, #tpu.memory_space<vmem>>) target(%dma_start3A_70 : memref<80x128xf32, #tpu.memory_space<hbm>>) target_semaphore(%run_scoped3A : memref<!tpu.dma_semaphore, #tpu.memory_space<semaphore_mem>>)
      %dma_wait3A = arith.constant 0 : i32
      %dma_wait3A_71 = tpu.memref_slice %arg5[%arg0, %add3A_61, %dma_wait3A] : memref<2x10240x128xf32, #tpu.memory_space<hbm>> -> memref<1x80x128xf32, #tpu.memory_space<hbm>>
      %dma_wait3A_72 = tpu.memref_squeeze %dma_wait3A_71 : memref<1x80x128xf32, #tpu.memory_space<hbm>> -> memref<80x128xf32, #tpu.memory_space<hbm>>
      %dma_wait3A_73 = arith.constant 0 : i32
      %dma_wait3A_74 = tpu.memref_slice %arg5[%arg0, %add3A_61, %dma_wait3A_73] : memref<2x10240x128xf32, #tpu.memory_space<hbm>> -> memref<1x80x128xf32, #tpu.memory_space<hbm>>
      %dma_wait3A_75 = tpu.memref_squeeze %dma_wait3A_74 : memref<1x80x128xf32, #tpu.memory_space<hbm>> -> memref<80x128xf32, #tpu.memory_space<hbm>>
      tpu.wait_dma2 semaphore(%run_scoped3A : memref<!tpu.dma_semaphore, #tpu.memory_space<semaphore_mem>>) src(%arg9 : memref<80x128xf32, #tpu.memory_space<vmem>>) dst(%dma_wait3A_75 : memref<80x128xf32, #tpu.memory_space<hbm>>)
      tpu.yield
    }) : () -> ()
    %add3A_62 = arith.constant 560 : i32
    %add3A_63 = arith.addi %multiple_of3A, %add3A_62 : i32
    "tpu.region"() ({
      %run_scoped3A = tpu.sem_alloc : memref<!tpu.dma_semaphore, #tpu.memory_space<semaphore_mem>>
      %dma_start3A = arith.constant 0 : i32
      %dma_start3A_66 = tpu.memref_slice %arg6[%add3A_63, %dma_start3A] : memref<10240x128xf32, #tpu.memory_space<vmem_shared>> -> memref<80x128xf32, #tpu.memory_space<vmem_shared>>
      %dma_start3A_67 = arith.constant 0 : i32
      %dma_start3A_68 = tpu.memref_slice %arg6[%add3A_63, %dma_start3A_67] : memref<10240x128xf32, #tpu.memory_space<vmem_shared>> -> memref<80x128xf32, #tpu.memory_space<vmem_shared>>
      tpu.enqueue_dma source(%dma_start3A_68 : memref<80x128xf32, #tpu.memory_space<vmem_shared>>) target(%arg9 : memref<80x128xf32, #tpu.memory_space<vmem>>) target_semaphore(%run_scoped3A : memref<!tpu.dma_semaphore, #tpu.memory_space<semaphore_mem>>)
      %dma_wait3A = arith.constant 0 : i32
      %dma_wait3A_69 = tpu.memref_slice %arg6[%add3A_63, %dma_wait3A] : memref<10240x128xf32, #tpu.memory_space<vmem_shared>> -> memref<80x128xf32, #tpu.memory_space<vmem_shared>>
      %dma_wait3A_70 = arith.constant 0 : i32
      %dma_wait3A_71 = tpu.memref_slice %arg6[%add3A_63, %dma_wait3A_70] : memref<10240x128xf32, #tpu.memory_space<vmem_shared>> -> memref<80x128xf32, #tpu.memory_space<vmem_shared>>
      tpu.wait_dma2 semaphore(%run_scoped3A : memref<!tpu.dma_semaphore, #tpu.memory_space<semaphore_mem>>) src(%dma_wait3A_71 : memref<80x128xf32, #tpu.memory_space<vmem_shared>>) dst(%arg9 : memref<80x128xf32, #tpu.memory_space<vmem>>)
      tpu.yield
    }) : () -> ()
    %add3A_64 = arith.constant 560 : i32
    %add3A_65 = arith.addi %multiple_of3A, %add3A_64 : i32
    "tpu.region"() ({
      %run_scoped3A = tpu.sem_alloc : memref<!tpu.dma_semaphore, #tpu.memory_space<semaphore_mem>>
      %dma_start3A = arith.constant 0 : i32
      %dma_start3A_66 = tpu.memref_slice %arg5[%arg0, %add3A_65, %dma_start3A] : memref<2x10240x128xf32, #tpu.memory_space<hbm>> -> memref<1x80x128xf32, #tpu.memory_space<hbm>>
      %dma_start3A_67 = tpu.memref_squeeze %dma_start3A_66 : memref<1x80x128xf32, #tpu.memory_space<hbm>> -> memref<80x128xf32, #tpu.memory_space<hbm>>
      %dma_start3A_68 = arith.constant 0 : i32
      %dma_start3A_69 = tpu.memref_slice %arg5[%arg0, %add3A_65, %dma_start3A_68] : memref<2x10240x128xf32, #tpu.memory_space<hbm>> -> memref<1x80x128xf32, #tpu.memory_space<hbm>>
      %dma_start3A_70 = tpu.memref_squeeze %dma_start3A_69 : memref<1x80x128xf32, #tpu.memory_space<hbm>> -> memref<80x128xf32, #tpu.memory_space<hbm>>
      tpu.enqueue_dma source(%arg9 : memref<80x128xf32, #tpu.memory_space<vmem>>) target(%dma_start3A_70 : memref<80x128xf32, #tpu.memory_space<hbm>>) target_semaphore(%run_scoped3A : memref<!tpu.dma_semaphore, #tpu.memory_space<semaphore_mem>>)
      %dma_wait3A = arith.constant 0 : i32
      %dma_wait3A_71 = tpu.memref_slice %arg5[%arg0, %add3A_65, %dma_wait3A] : memref<2x10240x128xf32, #tpu.memory_space<hbm>> -> memref<1x80x128xf32, #tpu.memory_space<hbm>>
      %dma_wait3A_72 = tpu.memref_squeeze %dma_wait3A_71 : memref<1x80x128xf32, #tpu.memory_space<hbm>> -> memref<80x128xf32, #tpu.memory_space<hbm>>
      %dma_wait3A_73 = arith.constant 0 : i32
      %dma_wait3A_74 = tpu.memref_slice %arg5[%arg0, %add3A_65, %dma_wait3A_73] : memref<2x10240x128xf32, #tpu.memory_space<hbm>> -> memref<1x80x128xf32, #tpu.memory_space<hbm>>
      %dma_wait3A_75 = tpu.memref_squeeze %dma_wait3A_74 : memref<1x80x128xf32, #tpu.memory_space<hbm>> -> memref<80x128xf32, #tpu.memory_space<hbm>>
      tpu.wait_dma2 semaphore(%run_scoped3A : memref<!tpu.dma_semaphore, #tpu.memory_space<semaphore_mem>>) src(%arg9 : memref<80x128xf32, #tpu.memory_space<vmem>>) dst(%dma_wait3A_75 : memref<80x128xf32, #tpu.memory_space<hbm>>)
      tpu.yield
    }) : () -> ()
    return
  }
}

#map = affine_map<(d0, d1) -> (0, 0)>
#map1 = affine_map<(d0, d1) -> (0)>
#map2 = affine_map<(d0, d1) -> (0, 0, 0)>
module attributes {stable_mosaic.version = 14 : i64} {
  func.func @agg(%arg0: i32, %arg1: i32, %arg2: memref<10000x128xf32, #tpu.memory_space<hbm>>, %arg3: memref<320000xi32, #tpu.memory_space<hbm>>, %arg4: memref<320000xi32, #tpu.memory_space<hbm>>, %arg5: memref<2x10240x128xf32, #tpu.memory_space<hbm>>, %arg6: memref<10240x128xf32, #tpu.memory_space<vmem_shared>>, %arg7: memref<80xi32, #tpu.memory_space<vmem>>, %arg8: memref<80xi32, #tpu.memory_space<vmem>>, %arg9: memref<80x128xf32, #tpu.memory_space<vmem>>, %arg10: memref<!tpu.dma_semaphore, #tpu.memory_space<semaphore_mem>>) attributes {dimension_semantics = [#tpu.dimension_semantics<core_parallel>, #tpu.dimension_semantics<subcore_parallel>], iteration_bounds = array<i64: 2, 16>, scalar_prefetch = 0 : i64, scratch_operands = 5 : i64, tpu.core_type = #tpu.core_type<sc_vector_subcore>, window_params = [{transform_indices = #map}, {transform_indices = #map1}, {transform_indices = #map1}, {transform_indices = #map2}]} {
    %broadcast_in_dim3A = arith.constant 0.000000e+00 : f32
    %broadcast_in_dim3A_0 = vector.broadcast %broadcast_in_dim3A : f32 to vector<16xf32>
    %scan3A = arith.constant 0 : i32
    %scan3A_1 = arith.constant 0 : i32
    %scan3A_2 = arith.constant 80 : i32
    %scan3A_3 = arith.addi %scan3A_1, %scan3A_2 : i32
    %scan3A_4 = arith.constant 1 : i32
    scf.for %scan3A_66 = %scan3A_1 to %scan3A_3 step %scan3A_4  : i32 {
      %swap3A = arith.index_cast %scan3A_66 : i32 to index
      %swap3A_67 = arith.constant 0 : index
      %swap3A_68 = tpu.vector_load %arg9[%swap3A, %swap3A_67] {strides = array<i32>} : memref<80x128xf32, #tpu.memory_space<vmem>>, vector<1x16xf32>,
      %swap3A_69 = vector.shape_cast %swap3A_68 : vector<1x16xf32> to vector<16xf32>
      %swap3A_70 = vector.shape_cast %broadcast_in_dim3A_0 : vector<16xf32> to vector<1x16xf32>
      tpu.vector_store %arg9[%swap3A, %swap3A_67], %swap3A_70 {strides = array<i32>} : memref<80x128xf32, #tpu.memory_space<vmem>>, vector<1x16xf32>,
      %swap3A_71 = arith.index_cast %scan3A_66 : i32 to index
      %swap3A_72 = arith.constant 16 : index
      %swap3A_73 = tpu.vector_load %arg9[%swap3A_71, %swap3A_72] {strides = array<i32>} : memref<80x128xf32, #tpu.memory_space<vmem>>, vector<1x16xf32>,
      %swap3A_74 = vector.shape_cast %swap3A_73 : vector<1x16xf32> to vector<16xf32>
      %swap3A_75 = vector.shape_cast %broadcast_in_dim3A_0 : vector<16xf32> to vector<1x16xf32>
      tpu.vector_store %arg9[%swap3A_71, %swap3A_72], %swap3A_75 {strides = array<i32>} : memref<80x128xf32, #tpu.memory_space<vmem>>, vector<1x16xf32>,
      %swap3A_76 = arith.index_cast %scan3A_66 : i32 to index
      %swap3A_77 = arith.constant 32 : index
      %swap3A_78 = tpu.vector_load %arg9[%swap3A_76, %swap3A_77] {strides = array<i32>} : memref<80x128xf32, #tpu.memory_space<vmem>>, vector<1x16xf32>,
      %swap3A_79 = vector.shape_cast %swap3A_78 : vector<1x16xf32> to vector<16xf32>
      %swap3A_80 = vector.shape_cast %broadcast_in_dim3A_0 : vector<16xf32> to vector<1x16xf32>
      tpu.vector_store %arg9[%swap3A_76, %swap3A_77], %swap3A_80 {strides = array<i32>} : memref<80x128xf32, #tpu.memory_space<vmem>>, vector<1x16xf32>,
      %swap3A_81 = arith.index_cast %scan3A_66 : i32 to index
      %swap3A_82 = arith.constant 48 : index
      %swap3A_83 = tpu.vector_load %arg9[%swap3A_81, %swap3A_82] {strides = array<i32>} : memref<80x128xf32, #tpu.memory_space<vmem>>, vector<1x16xf32>,
      %swap3A_84 = vector.shape_cast %swap3A_83 : vector<1x16xf32> to vector<16xf32>
      %swap3A_85 = vector.shape_cast %broadcast_in_dim3A_0 : vector<16xf32> to vector<1x16xf32>
      tpu.vector_store %arg9[%swap3A_81, %swap3A_82], %swap3A_85 {strides = array<i32>} : memref<80x128xf32, #tpu.memory_space<vmem>>, vector<1x16xf32>,
      %swap3A_86 = arith.index_cast %scan3A_66 : i32 to index
      %swap3A_87 = arith.constant 64 : index
      %swap3A_88 = tpu.vector_load %arg9[%swap3A_86, %swap3A_87] {strides = array<i32>} : memref<80x128xf32, #tpu.memory_space<vmem>>, vector<1x16xf32>,
      %swap3A_89 = vector.shape_cast %swap3A_88 : vector<1x16xf32> to vector<16xf32>
      %swap3A_90 = vector.shape_cast %broadcast_in_dim3A_0 : vector<16xf32> to vector<1x16xf32>
      tpu.vector_store %arg9[%swap3A_86, %swap3A_87], %swap3A_90 {strides = array<i32>} : memref<80x128xf32, #tpu.memory_space<vmem>>, vector<1x16xf32>,
      %swap3A_91 = arith.index_cast %scan3A_66 : i32 to index
      %swap3A_92 = arith.constant 80 : index
      %swap3A_93 = tpu.vector_load %arg9[%swap3A_91, %swap3A_92] {strides = array<i32>} : memref<80x128xf32, #tpu.memory_space<vmem>>, vector<1x16xf32>,
      %swap3A_94 = vector.shape_cast %swap3A_93 : vector<1x16xf32> to vector<16xf32>
      %swap3A_95 = vector.shape_cast %broadcast_in_dim3A_0 : vector<16xf32> to vector<1x16xf32>
      tpu.vector_store %arg9[%swap3A_91, %swap3A_92], %swap3A_95 {strides = array<i32>} : memref<80x128xf32, #tpu.memory_space<vmem>>, vector<1x16xf32>,
      %swap3A_96 = arith.index_cast %scan3A_66 : i32 to index
      %swap3A_97 = arith.constant 96 : index
      %swap3A_98 = tpu.vector_load %arg9[%swap3A_96, %swap3A_97] {strides = array<i32>} : memref<80x128xf32, #tpu.memory_space<vmem>>, vector<1x16xf32>,
      %swap3A_99 = vector.shape_cast %swap3A_98 : vector<1x16xf32> to vector<16xf32>
      %swap3A_100 = vector.shape_cast %broadcast_in_dim3A_0 : vector<16xf32> to vector<1x16xf32>
      tpu.vector_store %arg9[%swap3A_96, %swap3A_97], %swap3A_100 {strides = array<i32>} : memref<80x128xf32, #tpu.memory_space<vmem>>, vector<1x16xf32>,
      %swap3A_101 = arith.index_cast %scan3A_66 : i32 to index
      %swap3A_102 = arith.constant 112 : index
      %swap3A_103 = tpu.vector_load %arg9[%swap3A_101, %swap3A_102] {strides = array<i32>} : memref<80x128xf32, #tpu.memory_space<vmem>>, vector<1x16xf32>,
      %swap3A_104 = vector.shape_cast %swap3A_103 : vector<1x16xf32> to vector<16xf32>
      %swap3A_105 = vector.shape_cast %broadcast_in_dim3A_0 : vector<16xf32> to vector<1x16xf32>
      tpu.vector_store %arg9[%swap3A_101, %swap3A_102], %swap3A_105 {strides = array<i32>} : memref<80x128xf32, #tpu.memory_space<vmem>>, vector<1x16xf32>,
    }
    %scan3A_5 = arith.constant 80 : i32
    %mul3A = arith.constant 640 : i32
    %mul3A_6 = arith.muli %arg1, %mul3A : i32
    %multiple_of3A = tpu.assume_multiple %mul3A_6, 8 : i32
    %add3A = arith.constant 0 : i32
    %add3A_7 = arith.addi %multiple_of3A, %add3A : i32
    "tpu.region"() ({
      %run_scoped3A = tpu.sem_alloc : memref<!tpu.dma_semaphore, #tpu.memory_space<semaphore_mem>>
      %dma_start3A = arith.constant 0 : i32
      %dma_start3A_66 = tpu.memref_slice %arg6[%add3A_7, %dma_start3A] : memref<10240x128xf32, #tpu.memory_space<vmem_shared>> -> memref<80x128xf32, #tpu.memory_space<vmem_shared>>
      %dma_start3A_67 = arith.constant 0 : i32
      %dma_start3A_68 = tpu.memref_slice %arg6[%add3A_7, %dma_start3A_67] : memref<10240x128xf32, #tpu.memory_space<vmem_shared>> -> memref<80x128xf32, #tpu.memory_space<vmem_shared>>
      tpu.enqueue_dma source(%arg9 : memref<80x128xf32, #tpu.memory_space<vmem>>) target(%dma_start3A_68 : memref<80x128xf32, #tpu.memory_space<vmem_shared>>) target_semaphore(%run_scoped3A : memref<!tpu.dma_semaphore, #tpu.memory_space<semaphore_mem>>)
      %dma_wait3A = arith.constant 0 : i32
      %dma_wait3A_69 = tpu.memref_slice %arg6[%add3A_7, %dma_wait3A] : memref<10240x128xf32, #tpu.memory_space<vmem_shared>> -> memref<80x128xf32, #tpu.memory_space<vmem_shared>>
      %dma_wait3A_70 = arith.constant 0 : i32
      %dma_wait3A_71 = tpu.memref_slice %arg6[%add3A_7, %dma_wait3A_70] : memref<10240x128xf32, #tpu.memory_space<vmem_shared>> -> memref<80x128xf32, #tpu.memory_space<vmem_shared>>
      tpu.wait_dma2 semaphore(%run_scoped3A : memref<!tpu.dma_semaphore, #tpu.memory_space<semaphore_mem>>) src(%arg9 : memref<80x128xf32, #tpu.memory_space<vmem>>) dst(%dma_wait3A_71 : memref<80x128xf32, #tpu.memory_space<vmem_shared>>)
      tpu.yield
    }) : () -> ()
    %add3A_8 = arith.constant 80 : i32
    %add3A_9 = arith.addi %multiple_of3A, %add3A_8 : i32
    "tpu.region"() ({
      %run_scoped3A = tpu.sem_alloc : memref<!tpu.dma_semaphore, #tpu.memory_space<semaphore_mem>>
      %dma_start3A = arith.constant 0 : i32
      %dma_start3A_66 = tpu.memref_slice %arg6[%add3A_9, %dma_start3A] : memref<10240x128xf32, #tpu.memory_space<vmem_shared>> -> memref<80x128xf32, #tpu.memory_space<vmem_shared>>
      %dma_start3A_67 = arith.constant 0 : i32
      %dma_start3A_68 = tpu.memref_slice %arg6[%add3A_9, %dma_start3A_67] : memref<10240x128xf32, #tpu.memory_space<vmem_shared>> -> memref<80x128xf32, #tpu.memory_space<vmem_shared>>
      tpu.enqueue_dma source(%arg9 : memref<80x128xf32, #tpu.memory_space<vmem>>) target(%dma_start3A_68 : memref<80x128xf32, #tpu.memory_space<vmem_shared>>) target_semaphore(%run_scoped3A : memref<!tpu.dma_semaphore, #tpu.memory_space<semaphore_mem>>)
      %dma_wait3A = arith.constant 0 : i32
      %dma_wait3A_69 = tpu.memref_slice %arg6[%add3A_9, %dma_wait3A] : memref<10240x128xf32, #tpu.memory_space<vmem_shared>> -> memref<80x128xf32, #tpu.memory_space<vmem_shared>>
      %dma_wait3A_70 = arith.constant 0 : i32
      %dma_wait3A_71 = tpu.memref_slice %arg6[%add3A_9, %dma_wait3A_70] : memref<10240x128xf32, #tpu.memory_space<vmem_shared>> -> memref<80x128xf32, #tpu.memory_space<vmem_shared>>
      tpu.wait_dma2 semaphore(%run_scoped3A : memref<!tpu.dma_semaphore, #tpu.memory_space<semaphore_mem>>) src(%arg9 : memref<80x128xf32, #tpu.memory_space<vmem>>) dst(%dma_wait3A_71 : memref<80x128xf32, #tpu.memory_space<vmem_shared>>)
      tpu.yield
    }) : () -> ()
    %add3A_10 = arith.constant 160 : i32
    %add3A_11 = arith.addi %multiple_of3A, %add3A_10 : i32
    "tpu.region"() ({
      %run_scoped3A = tpu.sem_alloc : memref<!tpu.dma_semaphore, #tpu.memory_space<semaphore_mem>>
      %dma_start3A = arith.constant 0 : i32
      %dma_start3A_66 = tpu.memref_slice %arg6[%add3A_11, %dma_start3A] : memref<10240x128xf32, #tpu.memory_space<vmem_shared>> -> memref<80x128xf32, #tpu.memory_space<vmem_shared>>
      %dma_start3A_67 = arith.constant 0 : i32
      %dma_start3A_68 = tpu.memref_slice %arg6[%add3A_11, %dma_start3A_67] : memref<10240x128xf32, #tpu.memory_space<vmem_shared>> -> memref<80x128xf32, #tpu.memory_space<vmem_shared>>
      tpu.enqueue_dma source(%arg9 : memref<80x128xf32, #tpu.memory_space<vmem>>) target(%dma_start3A_68 : memref<80x128xf32, #tpu.memory_space<vmem_shared>>) target_semaphore(%run_scoped3A : memref<!tpu.dma_semaphore, #tpu.memory_space<semaphore_mem>>)
      %dma_wait3A = arith.constant 0 : i32
      %dma_wait3A_69 = tpu.memref_slice %arg6[%add3A_11, %dma_wait3A] : memref<10240x128xf32, #tpu.memory_space<vmem_shared>> -> memref<80x128xf32, #tpu.memory_space<vmem_shared>>
      %dma_wait3A_70 = arith.constant 0 : i32
      %dma_wait3A_71 = tpu.memref_slice %arg6[%add3A_11, %dma_wait3A_70] : memref<10240x128xf32, #tpu.memory_space<vmem_shared>> -> memref<80x128xf32, #tpu.memory_space<vmem_shared>>
      tpu.wait_dma2 semaphore(%run_scoped3A : memref<!tpu.dma_semaphore, #tpu.memory_space<semaphore_mem>>) src(%arg9 : memref<80x128xf32, #tpu.memory_space<vmem>>) dst(%dma_wait3A_71 : memref<80x128xf32, #tpu.memory_space<vmem_shared>>)
      tpu.yield
    }) : () -> ()
    %add3A_12 = arith.constant 240 : i32
    %add3A_13 = arith.addi %multiple_of3A, %add3A_12 : i32
    "tpu.region"() ({
      %run_scoped3A = tpu.sem_alloc : memref<!tpu.dma_semaphore, #tpu.memory_space<semaphore_mem>>
      %dma_start3A = arith.constant 0 : i32
      %dma_start3A_66 = tpu.memref_slice %arg6[%add3A_13, %dma_start3A] : memref<10240x128xf32, #tpu.memory_space<vmem_shared>> -> memref<80x128xf32, #tpu.memory_space<vmem_shared>>
      %dma_start3A_67 = arith.constant 0 : i32
      %dma_start3A_68 = tpu.memref_slice %arg6[%add3A_13, %dma_start3A_67] : memref<10240x128xf32, #tpu.memory_space<vmem_shared>> -> memref<80x128xf32, #tpu.memory_space<vmem_shared>>
      tpu.enqueue_dma source(%arg9 : memref<80x128xf32, #tpu.memory_space<vmem>>) target(%dma_start3A_68 : memref<80x128xf32, #tpu.memory_space<vmem_shared>>) target_semaphore(%run_scoped3A : memref<!tpu.dma_semaphore, #tpu.memory_space<semaphore_mem>>)
      %dma_wait3A = arith.constant 0 : i32
      %dma_wait3A_69 = tpu.memref_slice %arg6[%add3A_13, %dma_wait3A] : memref<10240x128xf32, #tpu.memory_space<vmem_shared>> -> memref<80x128xf32, #tpu.memory_space<vmem_shared>>
      %dma_wait3A_70 = arith.constant 0 : i32
      %dma_wait3A_71 = tpu.memref_slice %arg6[%add3A_13, %dma_wait3A_70] : memref<10240x128xf32, #tpu.memory_space<vmem_shared>> -> memref<80x128xf32, #tpu.memory_space<vmem_shared>>
      tpu.wait_dma2 semaphore(%run_scoped3A : memref<!tpu.dma_semaphore, #tpu.memory_space<semaphore_mem>>) src(%arg9 : memref<80x128xf32, #tpu.memory_space<vmem>>) dst(%dma_wait3A_71 : memref<80x128xf32, #tpu.memory_space<vmem_shared>>)
      tpu.yield
    }) : () -> ()
    %add3A_14 = arith.constant 320 : i32
    %add3A_15 = arith.addi %multiple_of3A, %add3A_14 : i32
    "tpu.region"() ({
      %run_scoped3A = tpu.sem_alloc : memref<!tpu.dma_semaphore, #tpu.memory_space<semaphore_mem>>
      %dma_start3A = arith.constant 0 : i32
      %dma_start3A_66 = tpu.memref_slice %arg6[%add3A_15, %dma_start3A] : memref<10240x128xf32, #tpu.memory_space<vmem_shared>> -> memref<80x128xf32, #tpu.memory_space<vmem_shared>>
      %dma_start3A_67 = arith.constant 0 : i32
      %dma_start3A_68 = tpu.memref_slice %arg6[%add3A_15, %dma_start3A_67] : memref<10240x128xf32, #tpu.memory_space<vmem_shared>> -> memref<80x128xf32, #tpu.memory_space<vmem_shared>>
      tpu.enqueue_dma source(%arg9 : memref<80x128xf32, #tpu.memory_space<vmem>>) target(%dma_start3A_68 : memref<80x128xf32, #tpu.memory_space<vmem_shared>>) target_semaphore(%run_scoped3A : memref<!tpu.dma_semaphore, #tpu.memory_space<semaphore_mem>>)
      %dma_wait3A = arith.constant 0 : i32
      %dma_wait3A_69 = tpu.memref_slice %arg6[%add3A_15, %dma_wait3A] : memref<10240x128xf32, #tpu.memory_space<vmem_shared>> -> memref<80x128xf32, #tpu.memory_space<vmem_shared>>
      %dma_wait3A_70 = arith.constant 0 : i32
      %dma_wait3A_71 = tpu.memref_slice %arg6[%add3A_15, %dma_wait3A_70] : memref<10240x128xf32, #tpu.memory_space<vmem_shared>> -> memref<80x128xf32, #tpu.memory_space<vmem_shared>>
      tpu.wait_dma2 semaphore(%run_scoped3A : memref<!tpu.dma_semaphore, #tpu.memory_space<semaphore_mem>>) src(%arg9 : memref<80x128xf32, #tpu.memory_space<vmem>>) dst(%dma_wait3A_71 : memref<80x128xf32, #tpu.memory_space<vmem_shared>>)
      tpu.yield
    }) : () -> ()
    %add3A_16 = arith.constant 400 : i32
    %add3A_17 = arith.addi %multiple_of3A, %add3A_16 : i32
    "tpu.region"() ({
      %run_scoped3A = tpu.sem_alloc : memref<!tpu.dma_semaphore, #tpu.memory_space<semaphore_mem>>
      %dma_start3A = arith.constant 0 : i32
      %dma_start3A_66 = tpu.memref_slice %arg6[%add3A_17, %dma_start3A] : memref<10240x128xf32, #tpu.memory_space<vmem_shared>> -> memref<80x128xf32, #tpu.memory_space<vmem_shared>>
      %dma_start3A_67 = arith.constant 0 : i32
      %dma_start3A_68 = tpu.memref_slice %arg6[%add3A_17, %dma_start3A_67] : memref<10240x128xf32, #tpu.memory_space<vmem_shared>> -> memref<80x128xf32, #tpu.memory_space<vmem_shared>>
      tpu.enqueue_dma source(%arg9 : memref<80x128xf32, #tpu.memory_space<vmem>>) target(%dma_start3A_68 : memref<80x128xf32, #tpu.memory_space<vmem_shared>>) target_semaphore(%run_scoped3A : memref<!tpu.dma_semaphore, #tpu.memory_space<semaphore_mem>>)
      %dma_wait3A = arith.constant 0 : i32
      %dma_wait3A_69 = tpu.memref_slice %arg6[%add3A_17, %dma_wait3A] : memref<10240x128xf32, #tpu.memory_space<vmem_shared>> -> memref<80x128xf32, #tpu.memory_space<vmem_shared>>
      %dma_wait3A_70 = arith.constant 0 : i32
      %dma_wait3A_71 = tpu.memref_slice %arg6[%add3A_17, %dma_wait3A_70] : memref<10240x128xf32, #tpu.memory_space<vmem_shared>> -> memref<80x128xf32, #tpu.memory_space<vmem_shared>>
      tpu.wait_dma2 semaphore(%run_scoped3A : memref<!tpu.dma_semaphore, #tpu.memory_space<semaphore_mem>>) src(%arg9 : memref<80x128xf32, #tpu.memory_space<vmem>>) dst(%dma_wait3A_71 : memref<80x128xf32, #tpu.memory_space<vmem_shared>>)
      tpu.yield
    }) : () -> ()
    %add3A_18 = arith.constant 480 : i32
    %add3A_19 = arith.addi %multiple_of3A, %add3A_18 : i32
    "tpu.region"() ({
      %run_scoped3A = tpu.sem_alloc : memref<!tpu.dma_semaphore, #tpu.memory_space<semaphore_mem>>
      %dma_start3A = arith.constant 0 : i32
      %dma_start3A_66 = tpu.memref_slice %arg6[%add3A_19, %dma_start3A] : memref<10240x128xf32, #tpu.memory_space<vmem_shared>> -> memref<80x128xf32, #tpu.memory_space<vmem_shared>>
      %dma_start3A_67 = arith.constant 0 : i32
      %dma_start3A_68 = tpu.memref_slice %arg6[%add3A_19, %dma_start3A_67] : memref<10240x128xf32, #tpu.memory_space<vmem_shared>> -> memref<80x128xf32, #tpu.memory_space<vmem_shared>>
      tpu.enqueue_dma source(%arg9 : memref<80x128xf32, #tpu.memory_space<vmem>>) target(%dma_start3A_68 : memref<80x128xf32, #tpu.memory_space<vmem_shared>>) target_semaphore(%run_scoped3A : memref<!tpu.dma_semaphore, #tpu.memory_space<semaphore_mem>>)
      %dma_wait3A = arith.constant 0 : i32
      %dma_wait3A_69 = tpu.memref_slice %arg6[%add3A_19, %dma_wait3A] : memref<10240x128xf32, #tpu.memory_space<vmem_shared>> -> memref<80x128xf32, #tpu.memory_space<vmem_shared>>
      %dma_wait3A_70 = arith.constant 0 : i32
      %dma_wait3A_71 = tpu.memref_slice %arg6[%add3A_19, %dma_wait3A_70] : memref<10240x128xf32, #tpu.memory_space<vmem_shared>> -> memref<80x128xf32, #tpu.memory_space<vmem_shared>>
      tpu.wait_dma2 semaphore(%run_scoped3A : memref<!tpu.dma_semaphore, #tpu.memory_space<semaphore_mem>>) src(%arg9 : memref<80x128xf32, #tpu.memory_space<vmem>>) dst(%dma_wait3A_71 : memref<80x128xf32, #tpu.memory_space<vmem_shared>>)
      tpu.yield
    }) : () -> ()
    %add3A_20 = arith.constant 560 : i32
    %add3A_21 = arith.addi %multiple_of3A, %add3A_20 : i32
    "tpu.region"() ({
      %run_scoped3A = tpu.sem_alloc : memref<!tpu.dma_semaphore, #tpu.memory_space<semaphore_mem>>
      %dma_start3A = arith.constant 0 : i32
      %dma_start3A_66 = tpu.memref_slice %arg6[%add3A_21, %dma_start3A] : memref<10240x128xf32, #tpu.memory_space<vmem_shared>> -> memref<80x128xf32, #tpu.memory_space<vmem_shared>>
      %dma_start3A_67 = arith.constant 0 : i32
      %dma_start3A_68 = tpu.memref_slice %arg6[%add3A_21, %dma_start3A_67] : memref<10240x128xf32, #tpu.memory_space<vmem_shared>> -> memref<80x128xf32, #tpu.memory_space<vmem_shared>>
      tpu.enqueue_dma source(%arg9 : memref<80x128xf32, #tpu.memory_space<vmem>>) target(%dma_start3A_68 : memref<80x128xf32, #tpu.memory_space<vmem_shared>>) target_semaphore(%run_scoped3A : memref<!tpu.dma_semaphore, #tpu.memory_space<semaphore_mem>>)
      %dma_wait3A = arith.constant 0 : i32
      %dma_wait3A_69 = tpu.memref_slice %arg6[%add3A_21, %dma_wait3A] : memref<10240x128xf32, #tpu.memory_space<vmem_shared>> -> memref<80x128xf32, #tpu.memory_space<vmem_shared>>
      %dma_wait3A_70 = arith.constant 0 : i32
      %dma_wait3A_71 = tpu.memref_slice %arg6[%add3A_21, %dma_wait3A_70] : memref<10240x128xf32, #tpu.memory_space<vmem_shared>> -> memref<80x128xf32, #tpu.memory_space<vmem_shared>>
      tpu.wait_dma2 semaphore(%run_scoped3A : memref<!tpu.dma_semaphore, #tpu.memory_space<semaphore_mem>>) src(%arg9 : memref<80x128xf32, #tpu.memory_space<vmem>>) dst(%dma_wait3A_71 : memref<80x128xf32, #tpu.memory_space<vmem_shared>>)
      tpu.yield
    }) : () -> ()
    %barrier3A = arith.constant 0 : index
    tpu.barrier barrier_id(%barrier3A)
    %mul3A_22 = arith.constant 16 : i32
    %mul3A_23 = arith.muli %arg0, %mul3A_22 : i32
    %add3A_24 = arith.addi %mul3A_23, %arg1 : i32
    %mul3A_25 = arith.constant 10000 : i32
    %mul3A_26 = arith.muli %add3A_24, %mul3A_25 : i32
    %scan3A_27 = arith.constant 0 : i32
    %scan3A_28 = arith.constant 0 : i32
    %scan3A_29 = arith.constant 125 : i32
    %scan3A_30 = arith.addi %scan3A_28, %scan3A_29 : i32
    %scan3A_31 = arith.constant 1 : i32
    scf.for %scan3A_66 = %scan3A_28 to %scan3A_30 step %scan3A_31  : i32 {
      %mul3A_67 = arith.constant 80 : i32
      %mul3A_68 = arith.muli %scan3A_66, %mul3A_67 : i32
      %add3A_69 = arith.addi %mul3A_26, %mul3A_68 : i32
      %multiple_of3A_70 = tpu.assume_multiple %add3A_69, 8 : i32
      "tpu.region"() ({
        %run_scoped3A = tpu.sem_alloc : memref<!tpu.dma_semaphore, #tpu.memory_space<semaphore_mem>>
        %dma_start3A_75 = tpu.memref_slice %arg3[%multiple_of3A_70] : memref<320000xi32, #tpu.memory_space<hbm>> -> memref<80xi32, #tpu.memory_space<hbm>>
        %dma_start3A_76 = tpu.memref_slice %arg3[%multiple_of3A_70] : memref<320000xi32, #tpu.memory_space<hbm>> -> memref<80xi32, #tpu.memory_space<hbm>>
        tpu.enqueue_dma source(%dma_start3A_76 : memref<80xi32, #tpu.memory_space<hbm>>) target(%arg7 : memref<80xi32, #tpu.memory_space<vmem>>) target_semaphore(%run_scoped3A : memref<!tpu.dma_semaphore, #tpu.memory_space<semaphore_mem>>)
        %dma_wait3A_77 = tpu.memref_slice %arg3[%multiple_of3A_70] : memref<320000xi32, #tpu.memory_space<hbm>> -> memref<80xi32, #tpu.memory_space<hbm>>
        %dma_wait3A_78 = tpu.memref_slice %arg3[%multiple_of3A_70] : memref<320000xi32, #tpu.memory_space<hbm>> -> memref<80xi32, #tpu.memory_space<hbm>>
        tpu.wait_dma2 semaphore(%run_scoped3A : memref<!tpu.dma_semaphore, #tpu.memory_space<semaphore_mem>>) src(%dma_wait3A_78 : memref<80xi32, #tpu.memory_space<hbm>>) dst(%arg7 : memref<80xi32, #tpu.memory_space<vmem>>)
        tpu.yield
      }) : () -> ()
      "tpu.region"() ({
        %run_scoped3A = tpu.sem_alloc : memref<!tpu.dma_semaphore, #tpu.memory_space<semaphore_mem>>
        %dma_start3A_75 = tpu.memref_slice %arg4[%multiple_of3A_70] : memref<320000xi32, #tpu.memory_space<hbm>> -> memref<80xi32, #tpu.memory_space<hbm>>
        %dma_start3A_76 = tpu.memref_slice %arg4[%multiple_of3A_70] : memref<320000xi32, #tpu.memory_space<hbm>> -> memref<80xi32, #tpu.memory_space<hbm>>
        tpu.enqueue_dma source(%dma_start3A_76 : memref<80xi32, #tpu.memory_space<hbm>>) target(%arg8 : memref<80xi32, #tpu.memory_space<vmem>>) target_semaphore(%run_scoped3A : memref<!tpu.dma_semaphore, #tpu.memory_space<semaphore_mem>>)
        %dma_wait3A_77 = tpu.memref_slice %arg4[%multiple_of3A_70] : memref<320000xi32, #tpu.memory_space<hbm>> -> memref<80xi32, #tpu.memory_space<hbm>>
        %dma_wait3A_78 = tpu.memref_slice %arg4[%multiple_of3A_70] : memref<320000xi32, #tpu.memory_space<hbm>> -> memref<80xi32, #tpu.memory_space<hbm>>
        tpu.wait_dma2 semaphore(%run_scoped3A : memref<!tpu.dma_semaphore, #tpu.memory_space<semaphore_mem>>) src(%dma_wait3A_78 : memref<80xi32, #tpu.memory_space<hbm>>) dst(%arg8 : memref<80xi32, #tpu.memory_space<vmem>>)
        tpu.yield
      }) : () -> ()
      %dma_start3A = arith.constant 0 : i32
      %dma_start3A_71 = arith.constant 0 : i32
      %dma_start3A_72 = tpu.memref_slice %arg2[%dma_start3A, %dma_start3A_71] : memref<10000x128xf32, #tpu.memory_space<hbm>> -> memref<10000x128xf32, #tpu.memory_space<hbm>>
      tpu.enqueue_indirect_dma source(%dma_start3A_72 : memref<10000x128xf32, #tpu.memory_space<hbm>>) target(%arg9 : memref<80x128xf32, #tpu.memory_space<vmem>>) offsets(%arg7 : memref<80xi32, #tpu.memory_space<vmem>>) semaphore(%arg10 : memref<!tpu.dma_semaphore, #tpu.memory_space<semaphore_mem>>)
      %dma_wait3A = arith.constant 0 : i32
      %dma_wait3A_73 = arith.constant 0 : i32
      %dma_wait3A_74 = tpu.memref_slice %arg2[%dma_wait3A, %dma_wait3A_73] : memref<10000x128xf32, #tpu.memory_space<hbm>> -> memref<10000x128xf32, #tpu.memory_space<hbm>>
      tpu.wait_indirect_dma semaphore(%arg10 : memref<!tpu.dma_semaphore, #tpu.memory_space<semaphore_mem>>) src(%dma_wait3A_74 : memref<10000x128xf32, #tpu.memory_space<hbm>>) dst(%arg9 : memref<80x128xf32, #tpu.memory_space<vmem>>)
      "tpu.region"() ({
        %run_scoped3A = tpu.sem_alloc : memref<!tpu.dma_semaphore, #tpu.memory_space<semaphore_mem>>
        %dma_start3A_75 = arith.constant 0 : i32
        %dma_start3A_76 = arith.constant 0 : i32
        %dma_start3A_77 = tpu.memref_slice %arg6[%dma_start3A_75, %dma_start3A_76] : memref<10240x128xf32, #tpu.memory_space<vmem_shared>> -> memref<10240x128xf32, #tpu.memory_space<vmem_shared>>
        tpu.enqueue_indirect_dma source(%arg9 : memref<80x128xf32, #tpu.memory_space<vmem>>) target(%dma_start3A_77 : memref<10240x128xf32, #tpu.memory_space<vmem_shared>>) offsets(%arg8 : memref<80xi32, #tpu.memory_space<vmem>>) semaphore(%run_scoped3A : memref<!tpu.dma_semaphore, #tpu.memory_space<semaphore_mem>>) {add = true}
        %dma_wait3A_78 = arith.constant 0 : i32
        %dma_wait3A_79 = arith.constant 0 : i32
        %dma_wait3A_80 = tpu.memref_slice %arg6[%dma_wait3A_78, %dma_wait3A_79] : memref<10240x128xf32, #tpu.memory_space<vmem_shared>> -> memref<10240x128xf32, #tpu.memory_space<vmem_shared>>
        tpu.wait_indirect_dma semaphore(%run_scoped3A : memref<!tpu.dma_semaphore, #tpu.memory_space<semaphore_mem>>) src(%arg9 : memref<80x128xf32, #tpu.memory_space<vmem>>) dst(%dma_wait3A_80 : memref<10240x128xf32, #tpu.memory_space<vmem_shared>>)
        tpu.yield
      }) : () -> ()
    }
    %scan3A_32 = arith.constant 125 : i32
    %barrier3A_33 = arith.constant 0 : index
    tpu.barrier barrier_id(%barrier3A_33)
    %add3A_34 = arith.constant 0 : i32
    %add3A_35 = arith.addi %multiple_of3A, %add3A_34 : i32
    "tpu.region"() ({
      %run_scoped3A = tpu.sem_alloc : memref<!tpu.dma_semaphore, #tpu.memory_space<semaphore_mem>>
      %dma_start3A = arith.constant 0 : i32
      %dma_start3A_66 = tpu.memref_slice %arg6[%add3A_35, %dma_start3A] : memref<10240x128xf32, #tpu.memory_space<vmem_shared>> -> memref<80x128xf32, #tpu.memory_space<vmem_shared>>
      %dma_start3A_67 = arith.constant 0 : i32
      %dma_start3A_68 = tpu.memref_slice %arg6[%add3A_35, %dma_start3A_67] : memref<10240x128xf32, #tpu.memory_space<vmem_shared>> -> memref<80x128xf32, #tpu.memory_space<vmem_shared>>
      tpu.enqueue_dma source(%dma_start3A_68 : memref<80x128xf32, #tpu.memory_space<vmem_shared>>) target(%arg9 : memref<80x128xf32, #tpu.memory_space<vmem>>) target_semaphore(%run_scoped3A : memref<!tpu.dma_semaphore, #tpu.memory_space<semaphore_mem>>)
      %dma_wait3A = arith.constant 0 : i32
      %dma_wait3A_69 = tpu.memref_slice %arg6[%add3A_35, %dma_wait3A] : memref<10240x128xf32, #tpu.memory_space<vmem_shared>> -> memref<80x128xf32, #tpu.memory_space<vmem_shared>>
      %dma_wait3A_70 = arith.constant 0 : i32
      %dma_wait3A_71 = tpu.memref_slice %arg6[%add3A_35, %dma_wait3A_70] : memref<10240x128xf32, #tpu.memory_space<vmem_shared>> -> memref<80x128xf32, #tpu.memory_space<vmem_shared>>
      tpu.wait_dma2 semaphore(%run_scoped3A : memref<!tpu.dma_semaphore, #tpu.memory_space<semaphore_mem>>) src(%dma_wait3A_71 : memref<80x128xf32, #tpu.memory_space<vmem_shared>>) dst(%arg9 : memref<80x128xf32, #tpu.memory_space<vmem>>)
      tpu.yield
    }) : () -> ()
    %add3A_36 = arith.constant 0 : i32
    %add3A_37 = arith.addi %multiple_of3A, %add3A_36 : i32
    "tpu.region"() ({
      %run_scoped3A = tpu.sem_alloc : memref<!tpu.dma_semaphore, #tpu.memory_space<semaphore_mem>>
      %dma_start3A = arith.constant 0 : i32
      %dma_start3A_66 = tpu.memref_slice %arg5[%arg0, %add3A_37, %dma_start3A] : memref<2x10240x128xf32, #tpu.memory_space<hbm>> -> memref<1x80x128xf32, #tpu.memory_space<hbm>>
      %dma_start3A_67 = tpu.memref_squeeze %dma_start3A_66 : memref<1x80x128xf32, #tpu.memory_space<hbm>> -> memref<80x128xf32, #tpu.memory_space<hbm>>
      %dma_start3A_68 = arith.constant 0 : i32
      %dma_start3A_69 = tpu.memref_slice %arg5[%arg0, %add3A_37, %dma_start3A_68] : memref<2x10240x128xf32, #tpu.memory_space<hbm>> -> memref<1x80x128xf32, #tpu.memory_space<hbm>>
      %dma_start3A_70 = tpu.memref_squeeze %dma_start3A_69 : memref<1x80x128xf32, #tpu.memory_space<hbm>> -> memref<80x128xf32, #tpu.memory_space<hbm>>
      tpu.enqueue_dma source(%arg9 : memref<80x128xf32, #tpu.memory_space<vmem>>) target(%dma_start3A_70 : memref<80x128xf32, #tpu.memory_space<hbm>>) target_semaphore(%run_scoped3A : memref<!tpu.dma_semaphore, #tpu.memory_space<semaphore_mem>>)
      %dma_wait3A = arith.constant 0 : i32
      %dma_wait3A_71 = tpu.memref_slice %arg5[%arg0, %add3A_37, %dma_wait3A] : memref<2x10240x128xf32, #tpu.memory_space<hbm>> -> memref<1x80x128xf32, #tpu.memory_space<hbm>>
      %dma_wait3A_72 = tpu.memref_squeeze %dma_wait3A_71 : memref<1x80x128xf32, #tpu.memory_space<hbm>> -> memref<80x128xf32, #tpu.memory_space<hbm>>
      %dma_wait3A_73 = arith.constant 0 : i32
      %dma_wait3A_74 = tpu.memref_slice %arg5[%arg0, %add3A_37, %dma_wait3A_73] : memref<2x10240x128xf32, #tpu.memory_space<hbm>> -> memref<1x80x128xf32, #tpu.memory_space<hbm>>
      %dma_wait3A_75 = tpu.memref_squeeze %dma_wait3A_74 : memref<1x80x128xf32, #tpu.memory_space<hbm>> -> memref<80x128xf32, #tpu.memory_space<hbm>>
      tpu.wait_dma2 semaphore(%run_scoped3A : memref<!tpu.dma_semaphore, #tpu.memory_space<semaphore_mem>>) src(%arg9 : memref<80x128xf32, #tpu.memory_space<vmem>>) dst(%dma_wait3A_75 : memref<80x128xf32, #tpu.memory_space<hbm>>)
      tpu.yield
    }) : () -> ()
    %add3A_38 = arith.constant 80 : i32
    %add3A_39 = arith.addi %multiple_of3A, %add3A_38 : i32
    "tpu.region"() ({
      %run_scoped3A = tpu.sem_alloc : memref<!tpu.dma_semaphore, #tpu.memory_space<semaphore_mem>>
      %dma_start3A = arith.constant 0 : i32
      %dma_start3A_66 = tpu.memref_slice %arg6[%add3A_39, %dma_start3A] : memref<10240x128xf32, #tpu.memory_space<vmem_shared>> -> memref<80x128xf32, #tpu.memory_space<vmem_shared>>
      %dma_start3A_67 = arith.constant 0 : i32
      %dma_start3A_68 = tpu.memref_slice %arg6[%add3A_39, %dma_start3A_67] : memref<10240x128xf32, #tpu.memory_space<vmem_shared>> -> memref<80x128xf32, #tpu.memory_space<vmem_shared>>
      tpu.enqueue_dma source(%dma_start3A_68 : memref<80x128xf32, #tpu.memory_space<vmem_shared>>) target(%arg9 : memref<80x128xf32, #tpu.memory_space<vmem>>) target_semaphore(%run_scoped3A : memref<!tpu.dma_semaphore, #tpu.memory_space<semaphore_mem>>)
      %dma_wait3A = arith.constant 0 : i32
      %dma_wait3A_69 = tpu.memref_slice %arg6[%add3A_39, %dma_wait3A] : memref<10240x128xf32, #tpu.memory_space<vmem_shared>> -> memref<80x128xf32, #tpu.memory_space<vmem_shared>>
      %dma_wait3A_70 = arith.constant 0 : i32
      %dma_wait3A_71 = tpu.memref_slice %arg6[%add3A_39, %dma_wait3A_70] : memref<10240x128xf32, #tpu.memory_space<vmem_shared>> -> memref<80x128xf32, #tpu.memory_space<vmem_shared>>
      tpu.wait_dma2 semaphore(%run_scoped3A : memref<!tpu.dma_semaphore, #tpu.memory_space<semaphore_mem>>) src(%dma_wait3A_71 : memref<80x128xf32, #tpu.memory_space<vmem_shared>>) dst(%arg9 : memref<80x128xf32, #tpu.memory_space<vmem>>)
      tpu.yield
    }) : () -> ()
    %add3A_40 = arith.constant 80 : i32
    %add3A_41 = arith.addi %multiple_of3A, %add3A_40 : i32
    "tpu.region"() ({
      %run_scoped3A = tpu.sem_alloc : memref<!tpu.dma_semaphore, #tpu.memory_space<semaphore_mem>>
      %dma_start3A = arith.constant 0 : i32
      %dma_start3A_66 = tpu.memref_slice %arg5[%arg0, %add3A_41, %dma_start3A] : memref<2x10240x128xf32, #tpu.memory_space<hbm>> -> memref<1x80x128xf32, #tpu.memory_space<hbm>>
      %dma_start3A_67 = tpu.memref_squeeze %dma_start3A_66 : memref<1x80x128xf32, #tpu.memory_space<hbm>> -> memref<80x128xf32, #tpu.memory_space<hbm>>
      %dma_start3A_68 = arith.constant 0 : i32
      %dma_start3A_69 = tpu.memref_slice %arg5[%arg0, %add3A_41, %dma_start3A_68] : memref<2x10240x128xf32, #tpu.memory_space<hbm>> -> memref<1x80x128xf32, #tpu.memory_space<hbm>>
      %dma_start3A_70 = tpu.memref_squeeze %dma_start3A_69 : memref<1x80x128xf32, #tpu.memory_space<hbm>> -> memref<80x128xf32, #tpu.memory_space<hbm>>
      tpu.enqueue_dma source(%arg9 : memref<80x128xf32, #tpu.memory_space<vmem>>) target(%dma_start3A_70 : memref<80x128xf32, #tpu.memory_space<hbm>>) target_semaphore(%run_scoped3A : memref<!tpu.dma_semaphore, #tpu.memory_space<semaphore_mem>>)
      %dma_wait3A = arith.constant 0 : i32
      %dma_wait3A_71 = tpu.memref_slice %arg5[%arg0, %add3A_41, %dma_wait3A] : memref<2x10240x128xf32, #tpu.memory_space<hbm>> -> memref<1x80x128xf32, #tpu.memory_space<hbm>>
      %dma_wait3A_72 = tpu.memref_squeeze %dma_wait3A_71 : memref<1x80x128xf32, #tpu.memory_space<hbm>> -> memref<80x128xf32, #tpu.memory_space<hbm>>
      %dma_wait3A_73 = arith.constant 0 : i32
      %dma_wait3A_74 = tpu.memref_slice %arg5[%arg0, %add3A_41, %dma_wait3A_73] : memref<2x10240x128xf32, #tpu.memory_space<hbm>> -> memref<1x80x128xf32, #tpu.memory_space<hbm>>
      %dma_wait3A_75 = tpu.memref_squeeze %dma_wait3A_74 : memref<1x80x128xf32, #tpu.memory_space<hbm>> -> memref<80x128xf32, #tpu.memory_space<hbm>>
      tpu.wait_dma2 semaphore(%run_scoped3A : memref<!tpu.dma_semaphore, #tpu.memory_space<semaphore_mem>>) src(%arg9 : memref<80x128xf32, #tpu.memory_space<vmem>>) dst(%dma_wait3A_75 : memref<80x128xf32, #tpu.memory_space<hbm>>)
      tpu.yield
    }) : () -> ()
    %add3A_42 = arith.constant 160 : i32
    %add3A_43 = arith.addi %multiple_of3A, %add3A_42 : i32
    "tpu.region"() ({
      %run_scoped3A = tpu.sem_alloc : memref<!tpu.dma_semaphore, #tpu.memory_space<semaphore_mem>>
      %dma_start3A = arith.constant 0 : i32
      %dma_start3A_66 = tpu.memref_slice %arg6[%add3A_43, %dma_start3A] : memref<10240x128xf32, #tpu.memory_space<vmem_shared>> -> memref<80x128xf32, #tpu.memory_space<vmem_shared>>
      %dma_start3A_67 = arith.constant 0 : i32
      %dma_start3A_68 = tpu.memref_slice %arg6[%add3A_43, %dma_start3A_67] : memref<10240x128xf32, #tpu.memory_space<vmem_shared>> -> memref<80x128xf32, #tpu.memory_space<vmem_shared>>
      tpu.enqueue_dma source(%dma_start3A_68 : memref<80x128xf32, #tpu.memory_space<vmem_shared>>) target(%arg9 : memref<80x128xf32, #tpu.memory_space<vmem>>) target_semaphore(%run_scoped3A : memref<!tpu.dma_semaphore, #tpu.memory_space<semaphore_mem>>)
      %dma_wait3A = arith.constant 0 : i32
      %dma_wait3A_69 = tpu.memref_slice %arg6[%add3A_43, %dma_wait3A] : memref<10240x128xf32, #tpu.memory_space<vmem_shared>> -> memref<80x128xf32, #tpu.memory_space<vmem_shared>>
      %dma_wait3A_70 = arith.constant 0 : i32
      %dma_wait3A_71 = tpu.memref_slice %arg6[%add3A_43, %dma_wait3A_70] : memref<10240x128xf32, #tpu.memory_space<vmem_shared>> -> memref<80x128xf32, #tpu.memory_space<vmem_shared>>
      tpu.wait_dma2 semaphore(%run_scoped3A : memref<!tpu.dma_semaphore, #tpu.memory_space<semaphore_mem>>) src(%dma_wait3A_71 : memref<80x128xf32, #tpu.memory_space<vmem_shared>>) dst(%arg9 : memref<80x128xf32, #tpu.memory_space<vmem>>)
      tpu.yield
    }) : () -> ()
    %add3A_44 = arith.constant 160 : i32
    %add3A_45 = arith.addi %multiple_of3A, %add3A_44 : i32
    "tpu.region"() ({
      %run_scoped3A = tpu.sem_alloc : memref<!tpu.dma_semaphore, #tpu.memory_space<semaphore_mem>>
      %dma_start3A = arith.constant 0 : i32
      %dma_start3A_66 = tpu.memref_slice %arg5[%arg0, %add3A_45, %dma_start3A] : memref<2x10240x128xf32, #tpu.memory_space<hbm>> -> memref<1x80x128xf32, #tpu.memory_space<hbm>>
      %dma_start3A_67 = tpu.memref_squeeze %dma_start3A_66 : memref<1x80x128xf32, #tpu.memory_space<hbm>> -> memref<80x128xf32, #tpu.memory_space<hbm>>
      %dma_start3A_68 = arith.constant 0 : i32
      %dma_start3A_69 = tpu.memref_slice %arg5[%arg0, %add3A_45, %dma_start3A_68] : memref<2x10240x128xf32, #tpu.memory_space<hbm>> -> memref<1x80x128xf32, #tpu.memory_space<hbm>>
      %dma_start3A_70 = tpu.memref_squeeze %dma_start3A_69 : memref<1x80x128xf32, #tpu.memory_space<hbm>> -> memref<80x128xf32, #tpu.memory_space<hbm>>
      tpu.enqueue_dma source(%arg9 : memref<80x128xf32, #tpu.memory_space<vmem>>) target(%dma_start3A_70 : memref<80x128xf32, #tpu.memory_space<hbm>>) target_semaphore(%run_scoped3A : memref<!tpu.dma_semaphore, #tpu.memory_space<semaphore_mem>>)
      %dma_wait3A = arith.constant 0 : i32
      %dma_wait3A_71 = tpu.memref_slice %arg5[%arg0, %add3A_45, %dma_wait3A] : memref<2x10240x128xf32, #tpu.memory_space<hbm>> -> memref<1x80x128xf32, #tpu.memory_space<hbm>>
      %dma_wait3A_72 = tpu.memref_squeeze %dma_wait3A_71 : memref<1x80x128xf32, #tpu.memory_space<hbm>> -> memref<80x128xf32, #tpu.memory_space<hbm>>
      %dma_wait3A_73 = arith.constant 0 : i32
      %dma_wait3A_74 = tpu.memref_slice %arg5[%arg0, %add3A_45, %dma_wait3A_73] : memref<2x10240x128xf32, #tpu.memory_space<hbm>> -> memref<1x80x128xf32, #tpu.memory_space<hbm>>
      %dma_wait3A_75 = tpu.memref_squeeze %dma_wait3A_74 : memref<1x80x128xf32, #tpu.memory_space<hbm>> -> memref<80x128xf32, #tpu.memory_space<hbm>>
      tpu.wait_dma2 semaphore(%run_scoped3A : memref<!tpu.dma_semaphore, #tpu.memory_space<semaphore_mem>>) src(%arg9 : memref<80x128xf32, #tpu.memory_space<vmem>>) dst(%dma_wait3A_75 : memref<80x128xf32, #tpu.memory_space<hbm>>)
      tpu.yield
    }) : () -> ()
    %add3A_46 = arith.constant 240 : i32
    %add3A_47 = arith.addi %multiple_of3A, %add3A_46 : i32
    "tpu.region"() ({
      %run_scoped3A = tpu.sem_alloc : memref<!tpu.dma_semaphore, #tpu.memory_space<semaphore_mem>>
      %dma_start3A = arith.constant 0 : i32
      %dma_start3A_66 = tpu.memref_slice %arg6[%add3A_47, %dma_start3A] : memref<10240x128xf32, #tpu.memory_space<vmem_shared>> -> memref<80x128xf32, #tpu.memory_space<vmem_shared>>
      %dma_start3A_67 = arith.constant 0 : i32
      %dma_start3A_68 = tpu.memref_slice %arg6[%add3A_47, %dma_start3A_67] : memref<10240x128xf32, #tpu.memory_space<vmem_shared>> -> memref<80x128xf32, #tpu.memory_space<vmem_shared>>
      tpu.enqueue_dma source(%dma_start3A_68 : memref<80x128xf32, #tpu.memory_space<vmem_shared>>) target(%arg9 : memref<80x128xf32, #tpu.memory_space<vmem>>) target_semaphore(%run_scoped3A : memref<!tpu.dma_semaphore, #tpu.memory_space<semaphore_mem>>)
      %dma_wait3A = arith.constant 0 : i32
      %dma_wait3A_69 = tpu.memref_slice %arg6[%add3A_47, %dma_wait3A] : memref<10240x128xf32, #tpu.memory_space<vmem_shared>> -> memref<80x128xf32, #tpu.memory_space<vmem_shared>>
      %dma_wait3A_70 = arith.constant 0 : i32
      %dma_wait3A_71 = tpu.memref_slice %arg6[%add3A_47, %dma_wait3A_70] : memref<10240x128xf32, #tpu.memory_space<vmem_shared>> -> memref<80x128xf32, #tpu.memory_space<vmem_shared>>
      tpu.wait_dma2 semaphore(%run_scoped3A : memref<!tpu.dma_semaphore, #tpu.memory_space<semaphore_mem>>) src(%dma_wait3A_71 : memref<80x128xf32, #tpu.memory_space<vmem_shared>>) dst(%arg9 : memref<80x128xf32, #tpu.memory_space<vmem>>)
      tpu.yield
    }) : () -> ()
    %add3A_48 = arith.constant 240 : i32
    %add3A_49 = arith.addi %multiple_of3A, %add3A_48 : i32
    "tpu.region"() ({
      %run_scoped3A = tpu.sem_alloc : memref<!tpu.dma_semaphore, #tpu.memory_space<semaphore_mem>>
      %dma_start3A = arith.constant 0 : i32
      %dma_start3A_66 = tpu.memref_slice %arg5[%arg0, %add3A_49, %dma_start3A] : memref<2x10240x128xf32, #tpu.memory_space<hbm>> -> memref<1x80x128xf32, #tpu.memory_space<hbm>>
      %dma_start3A_67 = tpu.memref_squeeze %dma_start3A_66 : memref<1x80x128xf32, #tpu.memory_space<hbm>> -> memref<80x128xf32, #tpu.memory_space<hbm>>
      %dma_start3A_68 = arith.constant 0 : i32
      %dma_start3A_69 = tpu.memref_slice %arg5[%arg0, %add3A_49, %dma_start3A_68] : memref<2x10240x128xf32, #tpu.memory_space<hbm>> -> memref<1x80x128xf32, #tpu.memory_space<hbm>>
      %dma_start3A_70 = tpu.memref_squeeze %dma_start3A_69 : memref<1x80x128xf32, #tpu.memory_space<hbm>> -> memref<80x128xf32, #tpu.memory_space<hbm>>
      tpu.enqueue_dma source(%arg9 : memref<80x128xf32, #tpu.memory_space<vmem>>) target(%dma_start3A_70 : memref<80x128xf32, #tpu.memory_space<hbm>>) target_semaphore(%run_scoped3A : memref<!tpu.dma_semaphore, #tpu.memory_space<semaphore_mem>>)
      %dma_wait3A = arith.constant 0 : i32
      %dma_wait3A_71 = tpu.memref_slice %arg5[%arg0, %add3A_49, %dma_wait3A] : memref<2x10240x128xf32, #tpu.memory_space<hbm>> -> memref<1x80x128xf32, #tpu.memory_space<hbm>>
      %dma_wait3A_72 = tpu.memref_squeeze %dma_wait3A_71 : memref<1x80x128xf32, #tpu.memory_space<hbm>> -> memref<80x128xf32, #tpu.memory_space<hbm>>
      %dma_wait3A_73 = arith.constant 0 : i32
      %dma_wait3A_74 = tpu.memref_slice %arg5[%arg0, %add3A_49, %dma_wait3A_73] : memref<2x10240x128xf32, #tpu.memory_space<hbm>> -> memref<1x80x128xf32, #tpu.memory_space<hbm>>
      %dma_wait3A_75 = tpu.memref_squeeze %dma_wait3A_74 : memref<1x80x128xf32, #tpu.memory_space<hbm>> -> memref<80x128xf32, #tpu.memory_space<hbm>>
      tpu.wait_dma2 semaphore(%run_scoped3A : memref<!tpu.dma_semaphore, #tpu.memory_space<semaphore_mem>>) src(%arg9 : memref<80x128xf32, #tpu.memory_space<vmem>>) dst(%dma_wait3A_75 : memref<80x128xf32, #tpu.memory_space<hbm>>)
      tpu.yield
    }) : () -> ()
    %add3A_50 = arith.constant 320 : i32
    %add3A_51 = arith.addi %multiple_of3A, %add3A_50 : i32
    "tpu.region"() ({
      %run_scoped3A = tpu.sem_alloc : memref<!tpu.dma_semaphore, #tpu.memory_space<semaphore_mem>>
      %dma_start3A = arith.constant 0 : i32
      %dma_start3A_66 = tpu.memref_slice %arg6[%add3A_51, %dma_start3A] : memref<10240x128xf32, #tpu.memory_space<vmem_shared>> -> memref<80x128xf32, #tpu.memory_space<vmem_shared>>
      %dma_start3A_67 = arith.constant 0 : i32
      %dma_start3A_68 = tpu.memref_slice %arg6[%add3A_51, %dma_start3A_67] : memref<10240x128xf32, #tpu.memory_space<vmem_shared>> -> memref<80x128xf32, #tpu.memory_space<vmem_shared>>
      tpu.enqueue_dma source(%dma_start3A_68 : memref<80x128xf32, #tpu.memory_space<vmem_shared>>) target(%arg9 : memref<80x128xf32, #tpu.memory_space<vmem>>) target_semaphore(%run_scoped3A : memref<!tpu.dma_semaphore, #tpu.memory_space<semaphore_mem>>)
      %dma_wait3A = arith.constant 0 : i32
      %dma_wait3A_69 = tpu.memref_slice %arg6[%add3A_51, %dma_wait3A] : memref<10240x128xf32, #tpu.memory_space<vmem_shared>> -> memref<80x128xf32, #tpu.memory_space<vmem_shared>>
      %dma_wait3A_70 = arith.constant 0 : i32
      %dma_wait3A_71 = tpu.memref_slice %arg6[%add3A_51, %dma_wait3A_70] : memref<10240x128xf32, #tpu.memory_space<vmem_shared>> -> memref<80x128xf32, #tpu.memory_space<vmem_shared>>
      tpu.wait_dma2 semaphore(%run_scoped3A : memref<!tpu.dma_semaphore, #tpu.memory_space<semaphore_mem>>) src(%dma_wait3A_71 : memref<80x128xf32, #tpu.memory_space<vmem_shared>>) dst(%arg9 : memref<80x128xf32, #tpu.memory_space<vmem>>)
      tpu.yield
    }) : () -> ()
    %add3A_52 = arith.constant 320 : i32
    %add3A_53 = arith.addi %multiple_of3A, %add3A_52 : i32
    "tpu.region"() ({
      %run_scoped3A = tpu.sem_alloc : memref<!tpu.dma_semaphore, #tpu.memory_space<semaphore_mem>>
      %dma_start3A = arith.constant 0 : i32
      %dma_start3A_66 = tpu.memref_slice %arg5[%arg0, %add3A_53, %dma_start3A] : memref<2x10240x128xf32, #tpu.memory_space<hbm>> -> memref<1x80x128xf32, #tpu.memory_space<hbm>>
      %dma_start3A_67 = tpu.memref_squeeze %dma_start3A_66 : memref<1x80x128xf32, #tpu.memory_space<hbm>> -> memref<80x128xf32, #tpu.memory_space<hbm>>
      %dma_start3A_68 = arith.constant 0 : i32
      %dma_start3A_69 = tpu.memref_slice %arg5[%arg0, %add3A_53, %dma_start3A_68] : memref<2x10240x128xf32, #tpu.memory_space<hbm>> -> memref<1x80x128xf32, #tpu.memory_space<hbm>>
      %dma_start3A_70 = tpu.memref_squeeze %dma_start3A_69 : memref<1x80x128xf32, #tpu.memory_space<hbm>> -> memref<80x128xf32, #tpu.memory_space<hbm>>
      tpu.enqueue_dma source(%arg9 : memref<80x128xf32, #tpu.memory_space<vmem>>) target(%dma_start3A_70 : memref<80x128xf32, #tpu.memory_space<hbm>>) target_semaphore(%run_scoped3A : memref<!tpu.dma_semaphore, #tpu.memory_space<semaphore_mem>>)
      %dma_wait3A = arith.constant 0 : i32
      %dma_wait3A_71 = tpu.memref_slice %arg5[%arg0, %add3A_53, %dma_wait3A] : memref<2x10240x128xf32, #tpu.memory_space<hbm>> -> memref<1x80x128xf32, #tpu.memory_space<hbm>>
      %dma_wait3A_72 = tpu.memref_squeeze %dma_wait3A_71 : memref<1x80x128xf32, #tpu.memory_space<hbm>> -> memref<80x128xf32, #tpu.memory_space<hbm>>
      %dma_wait3A_73 = arith.constant 0 : i32
      %dma_wait3A_74 = tpu.memref_slice %arg5[%arg0, %add3A_53, %dma_wait3A_73] : memref<2x10240x128xf32, #tpu.memory_space<hbm>> -> memref<1x80x128xf32, #tpu.memory_space<hbm>>
      %dma_wait3A_75 = tpu.memref_squeeze %dma_wait3A_74 : memref<1x80x128xf32, #tpu.memory_space<hbm>> -> memref<80x128xf32, #tpu.memory_space<hbm>>
      tpu.wait_dma2 semaphore(%run_scoped3A : memref<!tpu.dma_semaphore, #tpu.memory_space<semaphore_mem>>) src(%arg9 : memref<80x128xf32, #tpu.memory_space<vmem>>) dst(%dma_wait3A_75 : memref<80x128xf32, #tpu.memory_space<hbm>>)
      tpu.yield
    }) : () -> ()
    %add3A_54 = arith.constant 400 : i32
    %add3A_55 = arith.addi %multiple_of3A, %add3A_54 : i32
    "tpu.region"() ({
      %run_scoped3A = tpu.sem_alloc : memref<!tpu.dma_semaphore, #tpu.memory_space<semaphore_mem>>
      %dma_start3A = arith.constant 0 : i32
      %dma_start3A_66 = tpu.memref_slice %arg6[%add3A_55, %dma_start3A] : memref<10240x128xf32, #tpu.memory_space<vmem_shared>> -> memref<80x128xf32, #tpu.memory_space<vmem_shared>>
      %dma_start3A_67 = arith.constant 0 : i32
      %dma_start3A_68 = tpu.memref_slice %arg6[%add3A_55, %dma_start3A_67] : memref<10240x128xf32, #tpu.memory_space<vmem_shared>> -> memref<80x128xf32, #tpu.memory_space<vmem_shared>>
      tpu.enqueue_dma source(%dma_start3A_68 : memref<80x128xf32, #tpu.memory_space<vmem_shared>>) target(%arg9 : memref<80x128xf32, #tpu.memory_space<vmem>>) target_semaphore(%run_scoped3A : memref<!tpu.dma_semaphore, #tpu.memory_space<semaphore_mem>>)
      %dma_wait3A = arith.constant 0 : i32
      %dma_wait3A_69 = tpu.memref_slice %arg6[%add3A_55, %dma_wait3A] : memref<10240x128xf32, #tpu.memory_space<vmem_shared>> -> memref<80x128xf32, #tpu.memory_space<vmem_shared>>
      %dma_wait3A_70 = arith.constant 0 : i32
      %dma_wait3A_71 = tpu.memref_slice %arg6[%add3A_55, %dma_wait3A_70] : memref<10240x128xf32, #tpu.memory_space<vmem_shared>> -> memref<80x128xf32, #tpu.memory_space<vmem_shared>>
      tpu.wait_dma2 semaphore(%run_scoped3A : memref<!tpu.dma_semaphore, #tpu.memory_space<semaphore_mem>>) src(%dma_wait3A_71 : memref<80x128xf32, #tpu.memory_space<vmem_shared>>) dst(%arg9 : memref<80x128xf32, #tpu.memory_space<vmem>>)
      tpu.yield
    }) : () -> ()
    %add3A_56 = arith.constant 400 : i32
    %add3A_57 = arith.addi %multiple_of3A, %add3A_56 : i32
    "tpu.region"() ({
      %run_scoped3A = tpu.sem_alloc : memref<!tpu.dma_semaphore, #tpu.memory_space<semaphore_mem>>
      %dma_start3A = arith.constant 0 : i32
      %dma_start3A_66 = tpu.memref_slice %arg5[%arg0, %add3A_57, %dma_start3A] : memref<2x10240x128xf32, #tpu.memory_space<hbm>> -> memref<1x80x128xf32, #tpu.memory_space<hbm>>
      %dma_start3A_67 = tpu.memref_squeeze %dma_start3A_66 : memref<1x80x128xf32, #tpu.memory_space<hbm>> -> memref<80x128xf32, #tpu.memory_space<hbm>>
      %dma_start3A_68 = arith.constant 0 : i32
      %dma_start3A_69 = tpu.memref_slice %arg5[%arg0, %add3A_57, %dma_start3A_68] : memref<2x10240x128xf32, #tpu.memory_space<hbm>> -> memref<1x80x128xf32, #tpu.memory_space<hbm>>
      %dma_start3A_70 = tpu.memref_squeeze %dma_start3A_69 : memref<1x80x128xf32, #tpu.memory_space<hbm>> -> memref<80x128xf32, #tpu.memory_space<hbm>>
      tpu.enqueue_dma source(%arg9 : memref<80x128xf32, #tpu.memory_space<vmem>>) target(%dma_start3A_70 : memref<80x128xf32, #tpu.memory_space<hbm>>) target_semaphore(%run_scoped3A : memref<!tpu.dma_semaphore, #tpu.memory_space<semaphore_mem>>)
      %dma_wait3A = arith.constant 0 : i32
      %dma_wait3A_71 = tpu.memref_slice %arg5[%arg0, %add3A_57, %dma_wait3A] : memref<2x10240x128xf32, #tpu.memory_space<hbm>> -> memref<1x80x128xf32, #tpu.memory_space<hbm>>
      %dma_wait3A_72 = tpu.memref_squeeze %dma_wait3A_71 : memref<1x80x128xf32, #tpu.memory_space<hbm>> -> memref<80x128xf32, #tpu.memory_space<hbm>>
      %dma_wait3A_73 = arith.constant 0 : i32
      %dma_wait3A_74 = tpu.memref_slice %arg5[%arg0, %add3A_57, %dma_wait3A_73] : memref<2x10240x128xf32, #tpu.memory_space<hbm>> -> memref<1x80x128xf32, #tpu.memory_space<hbm>>
      %dma_wait3A_75 = tpu.memref_squeeze %dma_wait3A_74 : memref<1x80x128xf32, #tpu.memory_space<hbm>> -> memref<80x128xf32, #tpu.memory_space<hbm>>
      tpu.wait_dma2 semaphore(%run_scoped3A : memref<!tpu.dma_semaphore, #tpu.memory_space<semaphore_mem>>) src(%arg9 : memref<80x128xf32, #tpu.memory_space<vmem>>) dst(%dma_wait3A_75 : memref<80x128xf32, #tpu.memory_space<hbm>>)
      tpu.yield
    }) : () -> ()
    %add3A_58 = arith.constant 480 : i32
    %add3A_59 = arith.addi %multiple_of3A, %add3A_58 : i32
    "tpu.region"() ({
      %run_scoped3A = tpu.sem_alloc : memref<!tpu.dma_semaphore, #tpu.memory_space<semaphore_mem>>
      %dma_start3A = arith.constant 0 : i32
      %dma_start3A_66 = tpu.memref_slice %arg6[%add3A_59, %dma_start3A] : memref<10240x128xf32, #tpu.memory_space<vmem_shared>> -> memref<80x128xf32, #tpu.memory_space<vmem_shared>>
      %dma_start3A_67 = arith.constant 0 : i32
      %dma_start3A_68 = tpu.memref_slice %arg6[%add3A_59, %dma_start3A_67] : memref<10240x128xf32, #tpu.memory_space<vmem_shared>> -> memref<80x128xf32, #tpu.memory_space<vmem_shared>>
      tpu.enqueue_dma source(%dma_start3A_68 : memref<80x128xf32, #tpu.memory_space<vmem_shared>>) target(%arg9 : memref<80x128xf32, #tpu.memory_space<vmem>>) target_semaphore(%run_scoped3A : memref<!tpu.dma_semaphore, #tpu.memory_space<semaphore_mem>>)
      %dma_wait3A = arith.constant 0 : i32
      %dma_wait3A_69 = tpu.memref_slice %arg6[%add3A_59, %dma_wait3A] : memref<10240x128xf32, #tpu.memory_space<vmem_shared>> -> memref<80x128xf32, #tpu.memory_space<vmem_shared>>
      %dma_wait3A_70 = arith.constant 0 : i32
      %dma_wait3A_71 = tpu.memref_slice %arg6[%add3A_59, %dma_wait3A_70] : memref<10240x128xf32, #tpu.memory_space<vmem_shared>> -> memref<80x128xf32, #tpu.memory_space<vmem_shared>>
      tpu.wait_dma2 semaphore(%run_scoped3A : memref<!tpu.dma_semaphore, #tpu.memory_space<semaphore_mem>>) src(%dma_wait3A_71 : memref<80x128xf32, #tpu.memory_space<vmem_shared>>) dst(%arg9 : memref<80x128xf32, #tpu.memory_space<vmem>>)
      tpu.yield
    }) : () -> ()
    %add3A_60 = arith.constant 480 : i32
    %add3A_61 = arith.addi %multiple_of3A, %add3A_60 : i32
    "tpu.region"() ({
      %run_scoped3A = tpu.sem_alloc : memref<!tpu.dma_semaphore, #tpu.memory_space<semaphore_mem>>
      %dma_start3A = arith.constant 0 : i32
      %dma_start3A_66 = tpu.memref_slice %arg5[%arg0, %add3A_61, %dma_start3A] : memref<2x10240x128xf32, #tpu.memory_space<hbm>> -> memref<1x80x128xf32, #tpu.memory_space<hbm>>
      %dma_start3A_67 = tpu.memref_squeeze %dma_start3A_66 : memref<1x80x128xf32, #tpu.memory_space<hbm>> -> memref<80x128xf32, #tpu.memory_space<hbm>>
      %dma_start3A_68 = arith.constant 0 : i32
      %dma_start3A_69 = tpu.memref_slice %arg5[%arg0, %add3A_61, %dma_start3A_68] : memref<2x10240x128xf32, #tpu.memory_space<hbm>> -> memref<1x80x128xf32, #tpu.memory_space<hbm>>
      %dma_start3A_70 = tpu.memref_squeeze %dma_start3A_69 : memref<1x80x128xf32, #tpu.memory_space<hbm>> -> memref<80x128xf32, #tpu.memory_space<hbm>>
      tpu.enqueue_dma source(%arg9 : memref<80x128xf32, #tpu.memory_space<vmem>>) target(%dma_start3A_70 : memref<80x128xf32, #tpu.memory_space<hbm>>) target_semaphore(%run_scoped3A : memref<!tpu.dma_semaphore, #tpu.memory_space<semaphore_mem>>)
      %dma_wait3A = arith.constant 0 : i32
      %dma_wait3A_71 = tpu.memref_slice %arg5[%arg0, %add3A_61, %dma_wait3A] : memref<2x10240x128xf32, #tpu.memory_space<hbm>> -> memref<1x80x128xf32, #tpu.memory_space<hbm>>
      %dma_wait3A_72 = tpu.memref_squeeze %dma_wait3A_71 : memref<1x80x128xf32, #tpu.memory_space<hbm>> -> memref<80x128xf32, #tpu.memory_space<hbm>>
      %dma_wait3A_73 = arith.constant 0 : i32
      %dma_wait3A_74 = tpu.memref_slice %arg5[%arg0, %add3A_61, %dma_wait3A_73] : memref<2x10240x128xf32, #tpu.memory_space<hbm>> -> memref<1x80x128xf32, #tpu.memory_space<hbm>>
      %dma_wait3A_75 = tpu.memref_squeeze %dma_wait3A_74 : memref<1x80x128xf32, #tpu.memory_space<hbm>> -> memref<80x128xf32, #tpu.memory_space<hbm>>
      tpu.wait_dma2 semaphore(%run_scoped3A : memref<!tpu.dma_semaphore, #tpu.memory_space<semaphore_mem>>) src(%arg9 : memref<80x128xf32, #tpu.memory_space<vmem>>) dst(%dma_wait3A_75 : memref<80x128xf32, #tpu.memory_space<hbm>>)
      tpu.yield
    }) : () -> ()
    %add3A_62 = arith.constant 560 : i32
    %add3A_63 = arith.addi %multiple_of3A, %add3A_62 : i32
    "tpu.region"() ({
      %run_scoped3A = tpu.sem_alloc : memref<!tpu.dma_semaphore, #tpu.memory_space<semaphore_mem>>
      %dma_start3A = arith.constant 0 : i32
      %dma_start3A_66 = tpu.memref_slice %arg6[%add3A_63, %dma_start3A] : memref<10240x128xf32, #tpu.memory_space<vmem_shared>> -> memref<80x128xf32, #tpu.memory_space<vmem_shared>>
      %dma_start3A_67 = arith.constant 0 : i32
      %dma_start3A_68 = tpu.memref_slice %arg6[%add3A_63, %dma_start3A_67] : memref<10240x128xf32, #tpu.memory_space<vmem_shared>> -> memref<80x128xf32, #tpu.memory_space<vmem_shared>>
      tpu.enqueue_dma source(%dma_start3A_68 : memref<80x128xf32, #tpu.memory_space<vmem_shared>>) target(%arg9 : memref<80x128xf32, #tpu.memory_space<vmem>>) target_semaphore(%run_scoped3A : memref<!tpu.dma_semaphore, #tpu.memory_space<semaphore_mem>>)
      %dma_wait3A = arith.constant 0 : i32
      %dma_wait3A_69 = tpu.memref_slice %arg6[%add3A_63, %dma_wait3A] : memref<10240x128xf32, #tpu.memory_space<vmem_shared>> -> memref<80x128xf32, #tpu.memory_space<vmem_shared>>
      %dma_wait3A_70 = arith.constant 0 : i32
      %dma_wait3A_71 = tpu.memref_slice %arg6[%add3A_63, %dma_wait3A_70] : memref<10240x128xf32, #tpu.memory_space<vmem_shared>> -> memref<80x128xf32, #tpu.memory_space<vmem_shared>>
      tpu.wait_dma2 semaphore(%run_scoped3A : memref<!tpu.dma_semaphore, #tpu.memory_space<semaphore_mem>>) src(%dma_wait3A_71 : memref<80x128xf32, #tpu.memory_space<vmem_shared>>) dst(%arg9 : memref<80x128xf32, #tpu.memory_space<vmem>>)
      tpu.yield
    }) : () -> ()
    %add3A_64 = arith.constant 560 : i32
    %add3A_65 = arith.addi %multiple_of3A, %add3A_64 : i32
    "tpu.region"() ({
      %run_scoped3A = tpu.sem_alloc : memref<!tpu.dma_semaphore, #tpu.memory_space<semaphore_mem>>
      %dma_start3A = arith.constant 0 : i32
      %dma_start3A_66 = tpu.memref_slice %arg5[%arg0, %add3A_65, %dma_start3A] : memref<2x10240x128xf32, #tpu.memory_space<hbm>> -> memref<1x80x128xf32, #tpu.memory_space<hbm>>
      %dma_start3A_67 = tpu.memref_squeeze %dma_start3A_66 : memref<1x80x128xf32, #tpu.memory_space<hbm>> -> memref<80x128xf32, #tpu.memory_space<hbm>>
      %dma_start3A_68 = arith.constant 0 : i32
      %dma_start3A_69 = tpu.memref_slice %arg5[%arg0, %add3A_65, %dma_start3A_68] : memref<2x10240x128xf32, #tpu.memory_space<hbm>> -> memref<1x80x128xf32, #tpu.memory_space<hbm>>
      %dma_start3A_70 = tpu.memref_squeeze %dma_start3A_69 : memref<1x80x128xf32, #tpu.memory_space<hbm>> -> memref<80x128xf32, #tpu.memory_space<hbm>>
      tpu.enqueue_dma source(%arg9 : memref<80x128xf32, #tpu.memory_space<vmem>>) target(%dma_start3A_70 : memref<80x128xf32, #tpu.memory_space<hbm>>) target_semaphore(%run_scoped3A : memref<!tpu.dma_semaphore, #tpu.memory_space<semaphore_mem>>)
      %dma_wait3A = arith.constant 0 : i32
      %dma_wait3A_71 = tpu.memref_slice %arg5[%arg0, %add3A_65, %dma_wait3A] : memref<2x10240x128xf32, #tpu.memory_space<hbm>> -> memref<1x80x128xf32, #tpu.memory_space<hbm>>
      %dma_wait3A_72 = tpu.memref_squeeze %dma_wait3A_71 : memref<1x80x128xf32, #tpu.memory_space<hbm>> -> memref<80x128xf32, #tpu.memory_space<hbm>>
      %dma_wait3A_73 = arith.constant 0 : i32
      %dma_wait3A_74 = tpu.memref_slice %arg5[%arg0, %add3A_65, %dma_wait3A_73] : memref<2x10240x128xf32, #tpu.memory_space<hbm>> -> memref<1x80x128xf32, #tpu.memory_space<hbm>>
      %dma_wait3A_75 = tpu.memref_squeeze %dma_wait3A_74 : memref<1x80x128xf32, #tpu.memory_space<hbm>> -> memref<80x128xf32, #tpu.memory_space<hbm>>
      tpu.wait_dma2 semaphore(%run_scoped3A : memref<!tpu.dma_semaphore, #tpu.memory_space<semaphore_mem>>) src(%arg9 : memref<80x128xf32, #tpu.memory_space<vmem>>) dst(%dma_wait3A_75 : memref<80x128xf32, #tpu.memory_space<hbm>>)
      tpu.yield
    }) : () -> ()
    return
  }
}

#map = affine_map<(d0, d1) -> (0, 0)>
#map1 = affine_map<(d0, d1) -> (0)>
#map2 = affine_map<(d0, d1) -> (0, 0, 0)>
module attributes {stable_mosaic.version = 14 : i64} {
  func.func @agg(%arg0: i32, %arg1: i32, %arg2: memref<10000x128xf32, #tpu.memory_space<hbm>>, %arg3: memref<320000xi32, #tpu.memory_space<hbm>>, %arg4: memref<320000xi32, #tpu.memory_space<hbm>>, %arg5: memref<2x10240x128xf32, #tpu.memory_space<hbm>>, %arg6: memref<10240x128xf32, #tpu.memory_space<vmem_shared>>, %arg7: memref<80xi32, #tpu.memory_space<vmem>>, %arg8: memref<80xi32, #tpu.memory_space<vmem>>, %arg9: memref<80x128xf32, #tpu.memory_space<vmem>>, %arg10: memref<!tpu.dma_semaphore, #tpu.memory_space<semaphore_mem>>) attributes {dimension_semantics = [#tpu.dimension_semantics<core_parallel>, #tpu.dimension_semantics<subcore_parallel>], iteration_bounds = array<i64: 2, 16>, scalar_prefetch = 0 : i64, scratch_operands = 5 : i64, tpu.core_type = #tpu.core_type<sc_vector_subcore>, window_params = [{transform_indices = #map}, {transform_indices = #map1}, {transform_indices = #map1}, {transform_indices = #map2}]} {
    %broadcast_in_dim3A = arith.constant 0.000000e+00 : f32
    %broadcast_in_dim3A_0 = vector.broadcast %broadcast_in_dim3A : f32 to vector<16xf32>
    %scan3A = arith.constant 0 : i32
    %scan3A_1 = arith.constant 0 : i32
    %scan3A_2 = arith.constant 80 : i32
    %scan3A_3 = arith.addi %scan3A_1, %scan3A_2 : i32
    %scan3A_4 = arith.constant 1 : i32
    scf.for %scan3A_66 = %scan3A_1 to %scan3A_3 step %scan3A_4  : i32 {
      %swap3A = arith.index_cast %scan3A_66 : i32 to index
      %swap3A_67 = arith.constant 0 : index
      %swap3A_68 = tpu.vector_load %arg9[%swap3A, %swap3A_67] {strides = array<i32>} : memref<80x128xf32, #tpu.memory_space<vmem>>, vector<1x16xf32>,
      %swap3A_69 = vector.shape_cast %swap3A_68 : vector<1x16xf32> to vector<16xf32>
      %swap3A_70 = vector.shape_cast %broadcast_in_dim3A_0 : vector<16xf32> to vector<1x16xf32>
      tpu.vector_store %arg9[%swap3A, %swap3A_67], %swap3A_70 {strides = array<i32>} : memref<80x128xf32, #tpu.memory_space<vmem>>, vector<1x16xf32>,
      %swap3A_71 = arith.index_cast %scan3A_66 : i32 to index
      %swap3A_72 = arith.constant 16 : index
      %swap3A_73 = tpu.vector_load %arg9[%swap3A_71, %swap3A_72] {strides = array<i32>} : memref<80x128xf32, #tpu.memory_space<vmem>>, vector<1x16xf32>,
      %swap3A_74 = vector.shape_cast %swap3A_73 : vector<1x16xf32> to vector<16xf32>
      %swap3A_75 = vector.shape_cast %broadcast_in_dim3A_0 : vector<16xf32> to vector<1x16xf32>
      tpu.vector_store %arg9[%swap3A_71, %swap3A_72], %swap3A_75 {strides = array<i32>} : memref<80x128xf32, #tpu.memory_space<vmem>>, vector<1x16xf32>,
      %swap3A_76 = arith.index_cast %scan3A_66 : i32 to index
      %swap3A_77 = arith.constant 32 : index
      %swap3A_78 = tpu.vector_load %arg9[%swap3A_76, %swap3A_77] {strides = array<i32>} : memref<80x128xf32, #tpu.memory_space<vmem>>, vector<1x16xf32>,
      %swap3A_79 = vector.shape_cast %swap3A_78 : vector<1x16xf32> to vector<16xf32>
      %swap3A_80 = vector.shape_cast %broadcast_in_dim3A_0 : vector<16xf32> to vector<1x16xf32>
      tpu.vector_store %arg9[%swap3A_76, %swap3A_77], %swap3A_80 {strides = array<i32>} : memref<80x128xf32, #tpu.memory_space<vmem>>, vector<1x16xf32>,
      %swap3A_81 = arith.index_cast %scan3A_66 : i32 to index
      %swap3A_82 = arith.constant 48 : index
      %swap3A_83 = tpu.vector_load %arg9[%swap3A_81, %swap3A_82] {strides = array<i32>} : memref<80x128xf32, #tpu.memory_space<vmem>>, vector<1x16xf32>,
      %swap3A_84 = vector.shape_cast %swap3A_83 : vector<1x16xf32> to vector<16xf32>
      %swap3A_85 = vector.shape_cast %broadcast_in_dim3A_0 : vector<16xf32> to vector<1x16xf32>
      tpu.vector_store %arg9[%swap3A_81, %swap3A_82], %swap3A_85 {strides = array<i32>} : memref<80x128xf32, #tpu.memory_space<vmem>>, vector<1x16xf32>,
      %swap3A_86 = arith.index_cast %scan3A_66 : i32 to index
      %swap3A_87 = arith.constant 64 : index
      %swap3A_88 = tpu.vector_load %arg9[%swap3A_86, %swap3A_87] {strides = array<i32>} : memref<80x128xf32, #tpu.memory_space<vmem>>, vector<1x16xf32>,
      %swap3A_89 = vector.shape_cast %swap3A_88 : vector<1x16xf32> to vector<16xf32>
      %swap3A_90 = vector.shape_cast %broadcast_in_dim3A_0 : vector<16xf32> to vector<1x16xf32>
      tpu.vector_store %arg9[%swap3A_86, %swap3A_87], %swap3A_90 {strides = array<i32>} : memref<80x128xf32, #tpu.memory_space<vmem>>, vector<1x16xf32>,
      %swap3A_91 = arith.index_cast %scan3A_66 : i32 to index
      %swap3A_92 = arith.constant 80 : index
      %swap3A_93 = tpu.vector_load %arg9[%swap3A_91, %swap3A_92] {strides = array<i32>} : memref<80x128xf32, #tpu.memory_space<vmem>>, vector<1x16xf32>,
      %swap3A_94 = vector.shape_cast %swap3A_93 : vector<1x16xf32> to vector<16xf32>
      %swap3A_95 = vector.shape_cast %broadcast_in_dim3A_0 : vector<16xf32> to vector<1x16xf32>
      tpu.vector_store %arg9[%swap3A_91, %swap3A_92], %swap3A_95 {strides = array<i32>} : memref<80x128xf32, #tpu.memory_space<vmem>>, vector<1x16xf32>,
      %swap3A_96 = arith.index_cast %scan3A_66 : i32 to index
      %swap3A_97 = arith.constant 96 : index
      %swap3A_98 = tpu.vector_load %arg9[%swap3A_96, %swap3A_97] {strides = array<i32>} : memref<80x128xf32, #tpu.memory_space<vmem>>, vector<1x16xf32>,
      %swap3A_99 = vector.shape_cast %swap3A_98 : vector<1x16xf32> to vector<16xf32>
      %swap3A_100 = vector.shape_cast %broadcast_in_dim3A_0 : vector<16xf32> to vector<1x16xf32>
      tpu.vector_store %arg9[%swap3A_96, %swap3A_97], %swap3A_100 {strides = array<i32>} : memref<80x128xf32, #tpu.memory_space<vmem>>, vector<1x16xf32>,
      %swap3A_101 = arith.index_cast %scan3A_66 : i32 to index
      %swap3A_102 = arith.constant 112 : index
      %swap3A_103 = tpu.vector_load %arg9[%swap3A_101, %swap3A_102] {strides = array<i32>} : memref<80x128xf32, #tpu.memory_space<vmem>>, vector<1x16xf32>,
      %swap3A_104 = vector.shape_cast %swap3A_103 : vector<1x16xf32> to vector<16xf32>
      %swap3A_105 = vector.shape_cast %broadcast_in_dim3A_0 : vector<16xf32> to vector<1x16xf32>
      tpu.vector_store %arg9[%swap3A_101, %swap3A_102], %swap3A_105 {strides = array<i32>} : memref<80x128xf32, #tpu.memory_space<vmem>>, vector<1x16xf32>,
    }
    %scan3A_5 = arith.constant 80 : i32
    %mul3A = arith.constant 640 : i32
    %mul3A_6 = arith.muli %arg1, %mul3A : i32
    %multiple_of3A = tpu.assume_multiple %mul3A_6, 8 : i32
    %add3A = arith.constant 0 : i32
    %add3A_7 = arith.addi %multiple_of3A, %add3A : i32
    "tpu.region"() ({
      %run_scoped3A = tpu.sem_alloc : memref<!tpu.dma_semaphore, #tpu.memory_space<semaphore_mem>>
      %dma_start3A = arith.constant 0 : i32
      %dma_start3A_66 = tpu.memref_slice %arg6[%add3A_7, %dma_start3A] : memref<10240x128xf32, #tpu.memory_space<vmem_shared>> -> memref<80x128xf32, #tpu.memory_space<vmem_shared>>
      %dma_start3A_67 = arith.constant 0 : i32
      %dma_start3A_68 = tpu.memref_slice %arg6[%add3A_7, %dma_start3A_67] : memref<10240x128xf32, #tpu.memory_space<vmem_shared>> -> memref<80x128xf32, #tpu.memory_space<vmem_shared>>
      tpu.enqueue_dma source(%arg9 : memref<80x128xf32, #tpu.memory_space<vmem>>) target(%dma_start3A_68 : memref<80x128xf32, #tpu.memory_space<vmem_shared>>) target_semaphore(%run_scoped3A : memref<!tpu.dma_semaphore, #tpu.memory_space<semaphore_mem>>)
      %dma_wait3A = arith.constant 0 : i32
      %dma_wait3A_69 = tpu.memref_slice %arg6[%add3A_7, %dma_wait3A] : memref<10240x128xf32, #tpu.memory_space<vmem_shared>> -> memref<80x128xf32, #tpu.memory_space<vmem_shared>>
      %dma_wait3A_70 = arith.constant 0 : i32
      %dma_wait3A_71 = tpu.memref_slice %arg6[%add3A_7, %dma_wait3A_70] : memref<10240x128xf32, #tpu.memory_space<vmem_shared>> -> memref<80x128xf32, #tpu.memory_space<vmem_shared>>
      tpu.wait_dma2 semaphore(%run_scoped3A : memref<!tpu.dma_semaphore, #tpu.memory_space<semaphore_mem>>) src(%arg9 : memref<80x128xf32, #tpu.memory_space<vmem>>) dst(%dma_wait3A_71 : memref<80x128xf32, #tpu.memory_space<vmem_shared>>)
      tpu.yield
    }) : () -> ()
    %add3A_8 = arith.constant 80 : i32
    %add3A_9 = arith.addi %multiple_of3A, %add3A_8 : i32
    "tpu.region"() ({
      %run_scoped3A = tpu.sem_alloc : memref<!tpu.dma_semaphore, #tpu.memory_space<semaphore_mem>>
      %dma_start3A = arith.constant 0 : i32
      %dma_start3A_66 = tpu.memref_slice %arg6[%add3A_9, %dma_start3A] : memref<10240x128xf32, #tpu.memory_space<vmem_shared>> -> memref<80x128xf32, #tpu.memory_space<vmem_shared>>
      %dma_start3A_67 = arith.constant 0 : i32
      %dma_start3A_68 = tpu.memref_slice %arg6[%add3A_9, %dma_start3A_67] : memref<10240x128xf32, #tpu.memory_space<vmem_shared>> -> memref<80x128xf32, #tpu.memory_space<vmem_shared>>
      tpu.enqueue_dma source(%arg9 : memref<80x128xf32, #tpu.memory_space<vmem>>) target(%dma_start3A_68 : memref<80x128xf32, #tpu.memory_space<vmem_shared>>) target_semaphore(%run_scoped3A : memref<!tpu.dma_semaphore, #tpu.memory_space<semaphore_mem>>)
      %dma_wait3A = arith.constant 0 : i32
      %dma_wait3A_69 = tpu.memref_slice %arg6[%add3A_9, %dma_wait3A] : memref<10240x128xf32, #tpu.memory_space<vmem_shared>> -> memref<80x128xf32, #tpu.memory_space<vmem_shared>>
      %dma_wait3A_70 = arith.constant 0 : i32
      %dma_wait3A_71 = tpu.memref_slice %arg6[%add3A_9, %dma_wait3A_70] : memref<10240x128xf32, #tpu.memory_space<vmem_shared>> -> memref<80x128xf32, #tpu.memory_space<vmem_shared>>
      tpu.wait_dma2 semaphore(%run_scoped3A : memref<!tpu.dma_semaphore, #tpu.memory_space<semaphore_mem>>) src(%arg9 : memref<80x128xf32, #tpu.memory_space<vmem>>) dst(%dma_wait3A_71 : memref<80x128xf32, #tpu.memory_space<vmem_shared>>)
      tpu.yield
    }) : () -> ()
    %add3A_10 = arith.constant 160 : i32
    %add3A_11 = arith.addi %multiple_of3A, %add3A_10 : i32
    "tpu.region"() ({
      %run_scoped3A = tpu.sem_alloc : memref<!tpu.dma_semaphore, #tpu.memory_space<semaphore_mem>>
      %dma_start3A = arith.constant 0 : i32
      %dma_start3A_66 = tpu.memref_slice %arg6[%add3A_11, %dma_start3A] : memref<10240x128xf32, #tpu.memory_space<vmem_shared>> -> memref<80x128xf32, #tpu.memory_space<vmem_shared>>
      %dma_start3A_67 = arith.constant 0 : i32
      %dma_start3A_68 = tpu.memref_slice %arg6[%add3A_11, %dma_start3A_67] : memref<10240x128xf32, #tpu.memory_space<vmem_shared>> -> memref<80x128xf32, #tpu.memory_space<vmem_shared>>
      tpu.enqueue_dma source(%arg9 : memref<80x128xf32, #tpu.memory_space<vmem>>) target(%dma_start3A_68 : memref<80x128xf32, #tpu.memory_space<vmem_shared>>) target_semaphore(%run_scoped3A : memref<!tpu.dma_semaphore, #tpu.memory_space<semaphore_mem>>)
      %dma_wait3A = arith.constant 0 : i32
      %dma_wait3A_69 = tpu.memref_slice %arg6[%add3A_11, %dma_wait3A] : memref<10240x128xf32, #tpu.memory_space<vmem_shared>> -> memref<80x128xf32, #tpu.memory_space<vmem_shared>>
      %dma_wait3A_70 = arith.constant 0 : i32
      %dma_wait3A_71 = tpu.memref_slice %arg6[%add3A_11, %dma_wait3A_70] : memref<10240x128xf32, #tpu.memory_space<vmem_shared>> -> memref<80x128xf32, #tpu.memory_space<vmem_shared>>
      tpu.wait_dma2 semaphore(%run_scoped3A : memref<!tpu.dma_semaphore, #tpu.memory_space<semaphore_mem>>) src(%arg9 : memref<80x128xf32, #tpu.memory_space<vmem>>) dst(%dma_wait3A_71 : memref<80x128xf32, #tpu.memory_space<vmem_shared>>)
      tpu.yield
    }) : () -> ()
    %add3A_12 = arith.constant 240 : i32
    %add3A_13 = arith.addi %multiple_of3A, %add3A_12 : i32
    "tpu.region"() ({
      %run_scoped3A = tpu.sem_alloc : memref<!tpu.dma_semaphore, #tpu.memory_space<semaphore_mem>>
      %dma_start3A = arith.constant 0 : i32
      %dma_start3A_66 = tpu.memref_slice %arg6[%add3A_13, %dma_start3A] : memref<10240x128xf32, #tpu.memory_space<vmem_shared>> -> memref<80x128xf32, #tpu.memory_space<vmem_shared>>
      %dma_start3A_67 = arith.constant 0 : i32
      %dma_start3A_68 = tpu.memref_slice %arg6[%add3A_13, %dma_start3A_67] : memref<10240x128xf32, #tpu.memory_space<vmem_shared>> -> memref<80x128xf32, #tpu.memory_space<vmem_shared>>
      tpu.enqueue_dma source(%arg9 : memref<80x128xf32, #tpu.memory_space<vmem>>) target(%dma_start3A_68 : memref<80x128xf32, #tpu.memory_space<vmem_shared>>) target_semaphore(%run_scoped3A : memref<!tpu.dma_semaphore, #tpu.memory_space<semaphore_mem>>)
      %dma_wait3A = arith.constant 0 : i32
      %dma_wait3A_69 = tpu.memref_slice %arg6[%add3A_13, %dma_wait3A] : memref<10240x128xf32, #tpu.memory_space<vmem_shared>> -> memref<80x128xf32, #tpu.memory_space<vmem_shared>>
      %dma_wait3A_70 = arith.constant 0 : i32
      %dma_wait3A_71 = tpu.memref_slice %arg6[%add3A_13, %dma_wait3A_70] : memref<10240x128xf32, #tpu.memory_space<vmem_shared>> -> memref<80x128xf32, #tpu.memory_space<vmem_shared>>
      tpu.wait_dma2 semaphore(%run_scoped3A : memref<!tpu.dma_semaphore, #tpu.memory_space<semaphore_mem>>) src(%arg9 : memref<80x128xf32, #tpu.memory_space<vmem>>) dst(%dma_wait3A_71 : memref<80x128xf32, #tpu.memory_space<vmem_shared>>)
      tpu.yield
    }) : () -> ()
    %add3A_14 = arith.constant 320 : i32
    %add3A_15 = arith.addi %multiple_of3A, %add3A_14 : i32
    "tpu.region"() ({
      %run_scoped3A = tpu.sem_alloc : memref<!tpu.dma_semaphore, #tpu.memory_space<semaphore_mem>>
      %dma_start3A = arith.constant 0 : i32
      %dma_start3A_66 = tpu.memref_slice %arg6[%add3A_15, %dma_start3A] : memref<10240x128xf32, #tpu.memory_space<vmem_shared>> -> memref<80x128xf32, #tpu.memory_space<vmem_shared>>
      %dma_start3A_67 = arith.constant 0 : i32
      %dma_start3A_68 = tpu.memref_slice %arg6[%add3A_15, %dma_start3A_67] : memref<10240x128xf32, #tpu.memory_space<vmem_shared>> -> memref<80x128xf32, #tpu.memory_space<vmem_shared>>
      tpu.enqueue_dma source(%arg9 : memref<80x128xf32, #tpu.memory_space<vmem>>) target(%dma_start3A_68 : memref<80x128xf32, #tpu.memory_space<vmem_shared>>) target_semaphore(%run_scoped3A : memref<!tpu.dma_semaphore, #tpu.memory_space<semaphore_mem>>)
      %dma_wait3A = arith.constant 0 : i32
      %dma_wait3A_69 = tpu.memref_slice %arg6[%add3A_15, %dma_wait3A] : memref<10240x128xf32, #tpu.memory_space<vmem_shared>> -> memref<80x128xf32, #tpu.memory_space<vmem_shared>>
      %dma_wait3A_70 = arith.constant 0 : i32
      %dma_wait3A_71 = tpu.memref_slice %arg6[%add3A_15, %dma_wait3A_70] : memref<10240x128xf32, #tpu.memory_space<vmem_shared>> -> memref<80x128xf32, #tpu.memory_space<vmem_shared>>
      tpu.wait_dma2 semaphore(%run_scoped3A : memref<!tpu.dma_semaphore, #tpu.memory_space<semaphore_mem>>) src(%arg9 : memref<80x128xf32, #tpu.memory_space<vmem>>) dst(%dma_wait3A_71 : memref<80x128xf32, #tpu.memory_space<vmem_shared>>)
      tpu.yield
    }) : () -> ()
    %add3A_16 = arith.constant 400 : i32
    %add3A_17 = arith.addi %multiple_of3A, %add3A_16 : i32
    "tpu.region"() ({
      %run_scoped3A = tpu.sem_alloc : memref<!tpu.dma_semaphore, #tpu.memory_space<semaphore_mem>>
      %dma_start3A = arith.constant 0 : i32
      %dma_start3A_66 = tpu.memref_slice %arg6[%add3A_17, %dma_start3A] : memref<10240x128xf32, #tpu.memory_space<vmem_shared>> -> memref<80x128xf32, #tpu.memory_space<vmem_shared>>
      %dma_start3A_67 = arith.constant 0 : i32
      %dma_start3A_68 = tpu.memref_slice %arg6[%add3A_17, %dma_start3A_67] : memref<10240x128xf32, #tpu.memory_space<vmem_shared>> -> memref<80x128xf32, #tpu.memory_space<vmem_shared>>
      tpu.enqueue_dma source(%arg9 : memref<80x128xf32, #tpu.memory_space<vmem>>) target(%dma_start3A_68 : memref<80x128xf32, #tpu.memory_space<vmem_shared>>) target_semaphore(%run_scoped3A : memref<!tpu.dma_semaphore, #tpu.memory_space<semaphore_mem>>)
      %dma_wait3A = arith.constant 0 : i32
      %dma_wait3A_69 = tpu.memref_slice %arg6[%add3A_17, %dma_wait3A] : memref<10240x128xf32, #tpu.memory_space<vmem_shared>> -> memref<80x128xf32, #tpu.memory_space<vmem_shared>>
      %dma_wait3A_70 = arith.constant 0 : i32
      %dma_wait3A_71 = tpu.memref_slice %arg6[%add3A_17, %dma_wait3A_70] : memref<10240x128xf32, #tpu.memory_space<vmem_shared>> -> memref<80x128xf32, #tpu.memory_space<vmem_shared>>
      tpu.wait_dma2 semaphore(%run_scoped3A : memref<!tpu.dma_semaphore, #tpu.memory_space<semaphore_mem>>) src(%arg9 : memref<80x128xf32, #tpu.memory_space<vmem>>) dst(%dma_wait3A_71 : memref<80x128xf32, #tpu.memory_space<vmem_shared>>)
      tpu.yield
    }) : () -> ()
    %add3A_18 = arith.constant 480 : i32
    %add3A_19 = arith.addi %multiple_of3A, %add3A_18 : i32
    "tpu.region"() ({
      %run_scoped3A = tpu.sem_alloc : memref<!tpu.dma_semaphore, #tpu.memory_space<semaphore_mem>>
      %dma_start3A = arith.constant 0 : i32
      %dma_start3A_66 = tpu.memref_slice %arg6[%add3A_19, %dma_start3A] : memref<10240x128xf32, #tpu.memory_space<vmem_shared>> -> memref<80x128xf32, #tpu.memory_space<vmem_shared>>
      %dma_start3A_67 = arith.constant 0 : i32
      %dma_start3A_68 = tpu.memref_slice %arg6[%add3A_19, %dma_start3A_67] : memref<10240x128xf32, #tpu.memory_space<vmem_shared>> -> memref<80x128xf32, #tpu.memory_space<vmem_shared>>
      tpu.enqueue_dma source(%arg9 : memref<80x128xf32, #tpu.memory_space<vmem>>) target(%dma_start3A_68 : memref<80x128xf32, #tpu.memory_space<vmem_shared>>) target_semaphore(%run_scoped3A : memref<!tpu.dma_semaphore, #tpu.memory_space<semaphore_mem>>)
      %dma_wait3A = arith.constant 0 : i32
      %dma_wait3A_69 = tpu.memref_slice %arg6[%add3A_19, %dma_wait3A] : memref<10240x128xf32, #tpu.memory_space<vmem_shared>> -> memref<80x128xf32, #tpu.memory_space<vmem_shared>>
      %dma_wait3A_70 = arith.constant 0 : i32
      %dma_wait3A_71 = tpu.memref_slice %arg6[%add3A_19, %dma_wait3A_70] : memref<10240x128xf32, #tpu.memory_space<vmem_shared>> -> memref<80x128xf32, #tpu.memory_space<vmem_shared>>
      tpu.wait_dma2 semaphore(%run_scoped3A : memref<!tpu.dma_semaphore, #tpu.memory_space<semaphore_mem>>) src(%arg9 : memref<80x128xf32, #tpu.memory_space<vmem>>) dst(%dma_wait3A_71 : memref<80x128xf32, #tpu.memory_space<vmem_shared>>)
      tpu.yield
    }) : () -> ()
    %add3A_20 = arith.constant 560 : i32
    %add3A_21 = arith.addi %multiple_of3A, %add3A_20 : i32
    "tpu.region"() ({
      %run_scoped3A = tpu.sem_alloc : memref<!tpu.dma_semaphore, #tpu.memory_space<semaphore_mem>>
      %dma_start3A = arith.constant 0 : i32
      %dma_start3A_66 = tpu.memref_slice %arg6[%add3A_21, %dma_start3A] : memref<10240x128xf32, #tpu.memory_space<vmem_shared>> -> memref<80x128xf32, #tpu.memory_space<vmem_shared>>
      %dma_start3A_67 = arith.constant 0 : i32
      %dma_start3A_68 = tpu.memref_slice %arg6[%add3A_21, %dma_start3A_67] : memref<10240x128xf32, #tpu.memory_space<vmem_shared>> -> memref<80x128xf32, #tpu.memory_space<vmem_shared>>
      tpu.enqueue_dma source(%arg9 : memref<80x128xf32, #tpu.memory_space<vmem>>) target(%dma_start3A_68 : memref<80x128xf32, #tpu.memory_space<vmem_shared>>) target_semaphore(%run_scoped3A : memref<!tpu.dma_semaphore, #tpu.memory_space<semaphore_mem>>)
      %dma_wait3A = arith.constant 0 : i32
      %dma_wait3A_69 = tpu.memref_slice %arg6[%add3A_21, %dma_wait3A] : memref<10240x128xf32, #tpu.memory_space<vmem_shared>> -> memref<80x128xf32, #tpu.memory_space<vmem_shared>>
      %dma_wait3A_70 = arith.constant 0 : i32
      %dma_wait3A_71 = tpu.memref_slice %arg6[%add3A_21, %dma_wait3A_70] : memref<10240x128xf32, #tpu.memory_space<vmem_shared>> -> memref<80x128xf32, #tpu.memory_space<vmem_shared>>
      tpu.wait_dma2 semaphore(%run_scoped3A : memref<!tpu.dma_semaphore, #tpu.memory_space<semaphore_mem>>) src(%arg9 : memref<80x128xf32, #tpu.memory_space<vmem>>) dst(%dma_wait3A_71 : memref<80x128xf32, #tpu.memory_space<vmem_shared>>)
      tpu.yield
    }) : () -> ()
    %barrier3A = arith.constant 0 : index
    tpu.barrier barrier_id(%barrier3A)
    %mul3A_22 = arith.constant 16 : i32
    %mul3A_23 = arith.muli %arg0, %mul3A_22 : i32
    %add3A_24 = arith.addi %mul3A_23, %arg1 : i32
    %mul3A_25 = arith.constant 10000 : i32
    %mul3A_26 = arith.muli %add3A_24, %mul3A_25 : i32
    %scan3A_27 = arith.constant 0 : i32
    %scan3A_28 = arith.constant 0 : i32
    %scan3A_29 = arith.constant 125 : i32
    %scan3A_30 = arith.addi %scan3A_28, %scan3A_29 : i32
    %scan3A_31 = arith.constant 1 : i32
    scf.for %scan3A_66 = %scan3A_28 to %scan3A_30 step %scan3A_31  : i32 {
      %mul3A_67 = arith.constant 80 : i32
      %mul3A_68 = arith.muli %scan3A_66, %mul3A_67 : i32
      %add3A_69 = arith.addi %mul3A_26, %mul3A_68 : i32
      %multiple_of3A_70 = tpu.assume_multiple %add3A_69, 8 : i32
      "tpu.region"() ({
        %run_scoped3A = tpu.sem_alloc : memref<!tpu.dma_semaphore, #tpu.memory_space<semaphore_mem>>
        %dma_start3A_75 = tpu.memref_slice %arg3[%multiple_of3A_70] : memref<320000xi32, #tpu.memory_space<hbm>> -> memref<80xi32, #tpu.memory_space<hbm>>
        %dma_start3A_76 = tpu.memref_slice %arg3[%multiple_of3A_70] : memref<320000xi32, #tpu.memory_space<hbm>> -> memref<80xi32, #tpu.memory_space<hbm>>
        tpu.enqueue_dma source(%dma_start3A_76 : memref<80xi32, #tpu.memory_space<hbm>>) target(%arg7 : memref<80xi32, #tpu.memory_space<vmem>>) target_semaphore(%run_scoped3A : memref<!tpu.dma_semaphore, #tpu.memory_space<semaphore_mem>>)
        %dma_wait3A_77 = tpu.memref_slice %arg3[%multiple_of3A_70] : memref<320000xi32, #tpu.memory_space<hbm>> -> memref<80xi32, #tpu.memory_space<hbm>>
        %dma_wait3A_78 = tpu.memref_slice %arg3[%multiple_of3A_70] : memref<320000xi32, #tpu.memory_space<hbm>> -> memref<80xi32, #tpu.memory_space<hbm>>
        tpu.wait_dma2 semaphore(%run_scoped3A : memref<!tpu.dma_semaphore, #tpu.memory_space<semaphore_mem>>) src(%dma_wait3A_78 : memref<80xi32, #tpu.memory_space<hbm>>) dst(%arg7 : memref<80xi32, #tpu.memory_space<vmem>>)
        tpu.yield
      }) : () -> ()
      "tpu.region"() ({
        %run_scoped3A = tpu.sem_alloc : memref<!tpu.dma_semaphore, #tpu.memory_space<semaphore_mem>>
        %dma_start3A_75 = tpu.memref_slice %arg4[%multiple_of3A_70] : memref<320000xi32, #tpu.memory_space<hbm>> -> memref<80xi32, #tpu.memory_space<hbm>>
        %dma_start3A_76 = tpu.memref_slice %arg4[%multiple_of3A_70] : memref<320000xi32, #tpu.memory_space<hbm>> -> memref<80xi32, #tpu.memory_space<hbm>>
        tpu.enqueue_dma source(%dma_start3A_76 : memref<80xi32, #tpu.memory_space<hbm>>) target(%arg8 : memref<80xi32, #tpu.memory_space<vmem>>) target_semaphore(%run_scoped3A : memref<!tpu.dma_semaphore, #tpu.memory_space<semaphore_mem>>)
        %dma_wait3A_77 = tpu.memref_slice %arg4[%multiple_of3A_70] : memref<320000xi32, #tpu.memory_space<hbm>> -> memref<80xi32, #tpu.memory_space<hbm>>
        %dma_wait3A_78 = tpu.memref_slice %arg4[%multiple_of3A_70] : memref<320000xi32, #tpu.memory_space<hbm>> -> memref<80xi32, #tpu.memory_space<hbm>>
        tpu.wait_dma2 semaphore(%run_scoped3A : memref<!tpu.dma_semaphore, #tpu.memory_space<semaphore_mem>>) src(%dma_wait3A_78 : memref<80xi32, #tpu.memory_space<hbm>>) dst(%arg8 : memref<80xi32, #tpu.memory_space<vmem>>)
        tpu.yield
      }) : () -> ()
      %dma_start3A = arith.constant 0 : i32
      %dma_start3A_71 = arith.constant 0 : i32
      %dma_start3A_72 = tpu.memref_slice %arg2[%dma_start3A, %dma_start3A_71] : memref<10000x128xf32, #tpu.memory_space<hbm>> -> memref<10000x128xf32, #tpu.memory_space<hbm>>
      tpu.enqueue_indirect_dma source(%dma_start3A_72 : memref<10000x128xf32, #tpu.memory_space<hbm>>) target(%arg9 : memref<80x128xf32, #tpu.memory_space<vmem>>) offsets(%arg7 : memref<80xi32, #tpu.memory_space<vmem>>) semaphore(%arg10 : memref<!tpu.dma_semaphore, #tpu.memory_space<semaphore_mem>>)
      %dma_wait3A = arith.constant 0 : i32
      %dma_wait3A_73 = arith.constant 0 : i32
      %dma_wait3A_74 = tpu.memref_slice %arg2[%dma_wait3A, %dma_wait3A_73] : memref<10000x128xf32, #tpu.memory_space<hbm>> -> memref<10000x128xf32, #tpu.memory_space<hbm>>
      tpu.wait_indirect_dma semaphore(%arg10 : memref<!tpu.dma_semaphore, #tpu.memory_space<semaphore_mem>>) src(%dma_wait3A_74 : memref<10000x128xf32, #tpu.memory_space<hbm>>) dst(%arg9 : memref<80x128xf32, #tpu.memory_space<vmem>>)
      "tpu.region"() ({
        %run_scoped3A = tpu.sem_alloc : memref<!tpu.dma_semaphore, #tpu.memory_space<semaphore_mem>>
        %dma_start3A_75 = arith.constant 0 : i32
        %dma_start3A_76 = arith.constant 0 : i32
        %dma_start3A_77 = tpu.memref_slice %arg6[%dma_start3A_75, %dma_start3A_76] : memref<10240x128xf32, #tpu.memory_space<vmem_shared>> -> memref<10240x128xf32, #tpu.memory_space<vmem_shared>>
        tpu.enqueue_indirect_dma source(%arg9 : memref<80x128xf32, #tpu.memory_space<vmem>>) target(%dma_start3A_77 : memref<10240x128xf32, #tpu.memory_space<vmem_shared>>) offsets(%arg8 : memref<80xi32, #tpu.memory_space<vmem>>) semaphore(%run_scoped3A : memref<!tpu.dma_semaphore, #tpu.memory_space<semaphore_mem>>) {add = true}
        %dma_wait3A_78 = arith.constant 0 : i32
        %dma_wait3A_79 = arith.constant 0 : i32
        %dma_wait3A_80 = tpu.memref_slice %arg6[%dma_wait3A_78, %dma_wait3A_79] : memref<10240x128xf32, #tpu.memory_space<vmem_shared>> -> memref<10240x128xf32, #tpu.memory_space<vmem_shared>>
        tpu.wait_indirect_dma semaphore(%run_scoped3A : memref<!tpu.dma_semaphore, #tpu.memory_space<semaphore_mem>>) src(%arg9 : memref<80x128xf32, #tpu.memory_space<vmem>>) dst(%dma_wait3A_80 : memref<10240x128xf32, #tpu.memory_space<vmem_shared>>)
        tpu.yield
      }) : () -> ()
    }
    %scan3A_32 = arith.constant 125 : i32
    %barrier3A_33 = arith.constant 0 : index
    tpu.barrier barrier_id(%barrier3A_33)
    %add3A_34 = arith.constant 0 : i32
    %add3A_35 = arith.addi %multiple_of3A, %add3A_34 : i32
    "tpu.region"() ({
      %run_scoped3A = tpu.sem_alloc : memref<!tpu.dma_semaphore, #tpu.memory_space<semaphore_mem>>
      %dma_start3A = arith.constant 0 : i32
      %dma_start3A_66 = tpu.memref_slice %arg6[%add3A_35, %dma_start3A] : memref<10240x128xf32, #tpu.memory_space<vmem_shared>> -> memref<80x128xf32, #tpu.memory_space<vmem_shared>>
      %dma_start3A_67 = arith.constant 0 : i32
      %dma_start3A_68 = tpu.memref_slice %arg6[%add3A_35, %dma_start3A_67] : memref<10240x128xf32, #tpu.memory_space<vmem_shared>> -> memref<80x128xf32, #tpu.memory_space<vmem_shared>>
      tpu.enqueue_dma source(%dma_start3A_68 : memref<80x128xf32, #tpu.memory_space<vmem_shared>>) target(%arg9 : memref<80x128xf32, #tpu.memory_space<vmem>>) target_semaphore(%run_scoped3A : memref<!tpu.dma_semaphore, #tpu.memory_space<semaphore_mem>>)
      %dma_wait3A = arith.constant 0 : i32
      %dma_wait3A_69 = tpu.memref_slice %arg6[%add3A_35, %dma_wait3A] : memref<10240x128xf32, #tpu.memory_space<vmem_shared>> -> memref<80x128xf32, #tpu.memory_space<vmem_shared>>
      %dma_wait3A_70 = arith.constant 0 : i32
      %dma_wait3A_71 = tpu.memref_slice %arg6[%add3A_35, %dma_wait3A_70] : memref<10240x128xf32, #tpu.memory_space<vmem_shared>> -> memref<80x128xf32, #tpu.memory_space<vmem_shared>>
      tpu.wait_dma2 semaphore(%run_scoped3A : memref<!tpu.dma_semaphore, #tpu.memory_space<semaphore_mem>>) src(%dma_wait3A_71 : memref<80x128xf32, #tpu.memory_space<vmem_shared>>) dst(%arg9 : memref<80x128xf32, #tpu.memory_space<vmem>>)
      tpu.yield
    }) : () -> ()
    %add3A_36 = arith.constant 0 : i32
    %add3A_37 = arith.addi %multiple_of3A, %add3A_36 : i32
    "tpu.region"() ({
      %run_scoped3A = tpu.sem_alloc : memref<!tpu.dma_semaphore, #tpu.memory_space<semaphore_mem>>
      %dma_start3A = arith.constant 0 : i32
      %dma_start3A_66 = tpu.memref_slice %arg5[%arg0, %add3A_37, %dma_start3A] : memref<2x10240x128xf32, #tpu.memory_space<hbm>> -> memref<1x80x128xf32, #tpu.memory_space<hbm>>
      %dma_start3A_67 = tpu.memref_squeeze %dma_start3A_66 : memref<1x80x128xf32, #tpu.memory_space<hbm>> -> memref<80x128xf32, #tpu.memory_space<hbm>>
      %dma_start3A_68 = arith.constant 0 : i32
      %dma_start3A_69 = tpu.memref_slice %arg5[%arg0, %add3A_37, %dma_start3A_68] : memref<2x10240x128xf32, #tpu.memory_space<hbm>> -> memref<1x80x128xf32, #tpu.memory_space<hbm>>
      %dma_start3A_70 = tpu.memref_squeeze %dma_start3A_69 : memref<1x80x128xf32, #tpu.memory_space<hbm>> -> memref<80x128xf32, #tpu.memory_space<hbm>>
      tpu.enqueue_dma source(%arg9 : memref<80x128xf32, #tpu.memory_space<vmem>>) target(%dma_start3A_70 : memref<80x128xf32, #tpu.memory_space<hbm>>) target_semaphore(%run_scoped3A : memref<!tpu.dma_semaphore, #tpu.memory_space<semaphore_mem>>)
      %dma_wait3A = arith.constant 0 : i32
      %dma_wait3A_71 = tpu.memref_slice %arg5[%arg0, %add3A_37, %dma_wait3A] : memref<2x10240x128xf32, #tpu.memory_space<hbm>> -> memref<1x80x128xf32, #tpu.memory_space<hbm>>
      %dma_wait3A_72 = tpu.memref_squeeze %dma_wait3A_71 : memref<1x80x128xf32, #tpu.memory_space<hbm>> -> memref<80x128xf32, #tpu.memory_space<hbm>>
      %dma_wait3A_73 = arith.constant 0 : i32
      %dma_wait3A_74 = tpu.memref_slice %arg5[%arg0, %add3A_37, %dma_wait3A_73] : memref<2x10240x128xf32, #tpu.memory_space<hbm>> -> memref<1x80x128xf32, #tpu.memory_space<hbm>>
      %dma_wait3A_75 = tpu.memref_squeeze %dma_wait3A_74 : memref<1x80x128xf32, #tpu.memory_space<hbm>> -> memref<80x128xf32, #tpu.memory_space<hbm>>
      tpu.wait_dma2 semaphore(%run_scoped3A : memref<!tpu.dma_semaphore, #tpu.memory_space<semaphore_mem>>) src(%arg9 : memref<80x128xf32, #tpu.memory_space<vmem>>) dst(%dma_wait3A_75 : memref<80x128xf32, #tpu.memory_space<hbm>>)
      tpu.yield
    }) : () -> ()
    %add3A_38 = arith.constant 80 : i32
    %add3A_39 = arith.addi %multiple_of3A, %add3A_38 : i32
    "tpu.region"() ({
      %run_scoped3A = tpu.sem_alloc : memref<!tpu.dma_semaphore, #tpu.memory_space<semaphore_mem>>
      %dma_start3A = arith.constant 0 : i32
      %dma_start3A_66 = tpu.memref_slice %arg6[%add3A_39, %dma_start3A] : memref<10240x128xf32, #tpu.memory_space<vmem_shared>> -> memref<80x128xf32, #tpu.memory_space<vmem_shared>>
      %dma_start3A_67 = arith.constant 0 : i32
      %dma_start3A_68 = tpu.memref_slice %arg6[%add3A_39, %dma_start3A_67] : memref<10240x128xf32, #tpu.memory_space<vmem_shared>> -> memref<80x128xf32, #tpu.memory_space<vmem_shared>>
      tpu.enqueue_dma source(%dma_start3A_68 : memref<80x128xf32, #tpu.memory_space<vmem_shared>>) target(%arg9 : memref<80x128xf32, #tpu.memory_space<vmem>>) target_semaphore(%run_scoped3A : memref<!tpu.dma_semaphore, #tpu.memory_space<semaphore_mem>>)
      %dma_wait3A = arith.constant 0 : i32
      %dma_wait3A_69 = tpu.memref_slice %arg6[%add3A_39, %dma_wait3A] : memref<10240x128xf32, #tpu.memory_space<vmem_shared>> -> memref<80x128xf32, #tpu.memory_space<vmem_shared>>
      %dma_wait3A_70 = arith.constant 0 : i32
      %dma_wait3A_71 = tpu.memref_slice %arg6[%add3A_39, %dma_wait3A_70] : memref<10240x128xf32, #tpu.memory_space<vmem_shared>> -> memref<80x128xf32, #tpu.memory_space<vmem_shared>>
      tpu.wait_dma2 semaphore(%run_scoped3A : memref<!tpu.dma_semaphore, #tpu.memory_space<semaphore_mem>>) src(%dma_wait3A_71 : memref<80x128xf32, #tpu.memory_space<vmem_shared>>) dst(%arg9 : memref<80x128xf32, #tpu.memory_space<vmem>>)
      tpu.yield
    }) : () -> ()
    %add3A_40 = arith.constant 80 : i32
    %add3A_41 = arith.addi %multiple_of3A, %add3A_40 : i32
    "tpu.region"() ({
      %run_scoped3A = tpu.sem_alloc : memref<!tpu.dma_semaphore, #tpu.memory_space<semaphore_mem>>
      %dma_start3A = arith.constant 0 : i32
      %dma_start3A_66 = tpu.memref_slice %arg5[%arg0, %add3A_41, %dma_start3A] : memref<2x10240x128xf32, #tpu.memory_space<hbm>> -> memref<1x80x128xf32, #tpu.memory_space<hbm>>
      %dma_start3A_67 = tpu.memref_squeeze %dma_start3A_66 : memref<1x80x128xf32, #tpu.memory_space<hbm>> -> memref<80x128xf32, #tpu.memory_space<hbm>>
      %dma_start3A_68 = arith.constant 0 : i32
      %dma_start3A_69 = tpu.memref_slice %arg5[%arg0, %add3A_41, %dma_start3A_68] : memref<2x10240x128xf32, #tpu.memory_space<hbm>> -> memref<1x80x128xf32, #tpu.memory_space<hbm>>
      %dma_start3A_70 = tpu.memref_squeeze %dma_start3A_69 : memref<1x80x128xf32, #tpu.memory_space<hbm>> -> memref<80x128xf32, #tpu.memory_space<hbm>>
      tpu.enqueue_dma source(%arg9 : memref<80x128xf32, #tpu.memory_space<vmem>>) target(%dma_start3A_70 : memref<80x128xf32, #tpu.memory_space<hbm>>) target_semaphore(%run_scoped3A : memref<!tpu.dma_semaphore, #tpu.memory_space<semaphore_mem>>)
      %dma_wait3A = arith.constant 0 : i32
      %dma_wait3A_71 = tpu.memref_slice %arg5[%arg0, %add3A_41, %dma_wait3A] : memref<2x10240x128xf32, #tpu.memory_space<hbm>> -> memref<1x80x128xf32, #tpu.memory_space<hbm>>
      %dma_wait3A_72 = tpu.memref_squeeze %dma_wait3A_71 : memref<1x80x128xf32, #tpu.memory_space<hbm>> -> memref<80x128xf32, #tpu.memory_space<hbm>>
      %dma_wait3A_73 = arith.constant 0 : i32
      %dma_wait3A_74 = tpu.memref_slice %arg5[%arg0, %add3A_41, %dma_wait3A_73] : memref<2x10240x128xf32, #tpu.memory_space<hbm>> -> memref<1x80x128xf32, #tpu.memory_space<hbm>>
      %dma_wait3A_75 = tpu.memref_squeeze %dma_wait3A_74 : memref<1x80x128xf32, #tpu.memory_space<hbm>> -> memref<80x128xf32, #tpu.memory_space<hbm>>
      tpu.wait_dma2 semaphore(%run_scoped3A : memref<!tpu.dma_semaphore, #tpu.memory_space<semaphore_mem>>) src(%arg9 : memref<80x128xf32, #tpu.memory_space<vmem>>) dst(%dma_wait3A_75 : memref<80x128xf32, #tpu.memory_space<hbm>>)
      tpu.yield
    }) : () -> ()
    %add3A_42 = arith.constant 160 : i32
    %add3A_43 = arith.addi %multiple_of3A, %add3A_42 : i32
    "tpu.region"() ({
      %run_scoped3A = tpu.sem_alloc : memref<!tpu.dma_semaphore, #tpu.memory_space<semaphore_mem>>
      %dma_start3A = arith.constant 0 : i32
      %dma_start3A_66 = tpu.memref_slice %arg6[%add3A_43, %dma_start3A] : memref<10240x128xf32, #tpu.memory_space<vmem_shared>> -> memref<80x128xf32, #tpu.memory_space<vmem_shared>>
      %dma_start3A_67 = arith.constant 0 : i32
      %dma_start3A_68 = tpu.memref_slice %arg6[%add3A_43, %dma_start3A_67] : memref<10240x128xf32, #tpu.memory_space<vmem_shared>> -> memref<80x128xf32, #tpu.memory_space<vmem_shared>>
      tpu.enqueue_dma source(%dma_start3A_68 : memref<80x128xf32, #tpu.memory_space<vmem_shared>>) target(%arg9 : memref<80x128xf32, #tpu.memory_space<vmem>>) target_semaphore(%run_scoped3A : memref<!tpu.dma_semaphore, #tpu.memory_space<semaphore_mem>>)
      %dma_wait3A = arith.constant 0 : i32
      %dma_wait3A_69 = tpu.memref_slice %arg6[%add3A_43, %dma_wait3A] : memref<10240x128xf32, #tpu.memory_space<vmem_shared>> -> memref<80x128xf32, #tpu.memory_space<vmem_shared>>
      %dma_wait3A_70 = arith.constant 0 : i32
      %dma_wait3A_71 = tpu.memref_slice %arg6[%add3A_43, %dma_wait3A_70] : memref<10240x128xf32, #tpu.memory_space<vmem_shared>> -> memref<80x128xf32, #tpu.memory_space<vmem_shared>>
      tpu.wait_dma2 semaphore(%run_scoped3A : memref<!tpu.dma_semaphore, #tpu.memory_space<semaphore_mem>>) src(%dma_wait3A_71 : memref<80x128xf32, #tpu.memory_space<vmem_shared>>) dst(%arg9 : memref<80x128xf32, #tpu.memory_space<vmem>>)
      tpu.yield
    }) : () -> ()
    %add3A_44 = arith.constant 160 : i32
    %add3A_45 = arith.addi %multiple_of3A, %add3A_44 : i32
    "tpu.region"() ({
      %run_scoped3A = tpu.sem_alloc : memref<!tpu.dma_semaphore, #tpu.memory_space<semaphore_mem>>
      %dma_start3A = arith.constant 0 : i32
      %dma_start3A_66 = tpu.memref_slice %arg5[%arg0, %add3A_45, %dma_start3A] : memref<2x10240x128xf32, #tpu.memory_space<hbm>> -> memref<1x80x128xf32, #tpu.memory_space<hbm>>
      %dma_start3A_67 = tpu.memref_squeeze %dma_start3A_66 : memref<1x80x128xf32, #tpu.memory_space<hbm>> -> memref<80x128xf32, #tpu.memory_space<hbm>>
      %dma_start3A_68 = arith.constant 0 : i32
      %dma_start3A_69 = tpu.memref_slice %arg5[%arg0, %add3A_45, %dma_start3A_68] : memref<2x10240x128xf32, #tpu.memory_space<hbm>> -> memref<1x80x128xf32, #tpu.memory_space<hbm>>
      %dma_start3A_70 = tpu.memref_squeeze %dma_start3A_69 : memref<1x80x128xf32, #tpu.memory_space<hbm>> -> memref<80x128xf32, #tpu.memory_space<hbm>>
      tpu.enqueue_dma source(%arg9 : memref<80x128xf32, #tpu.memory_space<vmem>>) target(%dma_start3A_70 : memref<80x128xf32, #tpu.memory_space<hbm>>) target_semaphore(%run_scoped3A : memref<!tpu.dma_semaphore, #tpu.memory_space<semaphore_mem>>)
      %dma_wait3A = arith.constant 0 : i32
      %dma_wait3A_71 = tpu.memref_slice %arg5[%arg0, %add3A_45, %dma_wait3A] : memref<2x10240x128xf32, #tpu.memory_space<hbm>> -> memref<1x80x128xf32, #tpu.memory_space<hbm>>
      %dma_wait3A_72 = tpu.memref_squeeze %dma_wait3A_71 : memref<1x80x128xf32, #tpu.memory_space<hbm>> -> memref<80x128xf32, #tpu.memory_space<hbm>>
      %dma_wait3A_73 = arith.constant 0 : i32
      %dma_wait3A_74 = tpu.memref_slice %arg5[%arg0, %add3A_45, %dma_wait3A_73] : memref<2x10240x128xf32, #tpu.memory_space<hbm>> -> memref<1x80x128xf32, #tpu.memory_space<hbm>>
      %dma_wait3A_75 = tpu.memref_squeeze %dma_wait3A_74 : memref<1x80x128xf32, #tpu.memory_space<hbm>> -> memref<80x128xf32, #tpu.memory_space<hbm>>
      tpu.wait_dma2 semaphore(%run_scoped3A : memref<!tpu.dma_semaphore, #tpu.memory_space<semaphore_mem>>) src(%arg9 : memref<80x128xf32, #tpu.memory_space<vmem>>) dst(%dma_wait3A_75 : memref<80x128xf32, #tpu.memory_space<hbm>>)
      tpu.yield
    }) : () -> ()
    %add3A_46 = arith.constant 240 : i32
    %add3A_47 = arith.addi %multiple_of3A, %add3A_46 : i32
    "tpu.region"() ({
      %run_scoped3A = tpu.sem_alloc : memref<!tpu.dma_semaphore, #tpu.memory_space<semaphore_mem>>
      %dma_start3A = arith.constant 0 : i32
      %dma_start3A_66 = tpu.memref_slice %arg6[%add3A_47, %dma_start3A] : memref<10240x128xf32, #tpu.memory_space<vmem_shared>> -> memref<80x128xf32, #tpu.memory_space<vmem_shared>>
      %dma_start3A_67 = arith.constant 0 : i32
      %dma_start3A_68 = tpu.memref_slice %arg6[%add3A_47, %dma_start3A_67] : memref<10240x128xf32, #tpu.memory_space<vmem_shared>> -> memref<80x128xf32, #tpu.memory_space<vmem_shared>>
      tpu.enqueue_dma source(%dma_start3A_68 : memref<80x128xf32, #tpu.memory_space<vmem_shared>>) target(%arg9 : memref<80x128xf32, #tpu.memory_space<vmem>>) target_semaphore(%run_scoped3A : memref<!tpu.dma_semaphore, #tpu.memory_space<semaphore_mem>>)
      %dma_wait3A = arith.constant 0 : i32
      %dma_wait3A_69 = tpu.memref_slice %arg6[%add3A_47, %dma_wait3A] : memref<10240x128xf32, #tpu.memory_space<vmem_shared>> -> memref<80x128xf32, #tpu.memory_space<vmem_shared>>
      %dma_wait3A_70 = arith.constant 0 : i32
      %dma_wait3A_71 = tpu.memref_slice %arg6[%add3A_47, %dma_wait3A_70] : memref<10240x128xf32, #tpu.memory_space<vmem_shared>> -> memref<80x128xf32, #tpu.memory_space<vmem_shared>>
      tpu.wait_dma2 semaphore(%run_scoped3A : memref<!tpu.dma_semaphore, #tpu.memory_space<semaphore_mem>>) src(%dma_wait3A_71 : memref<80x128xf32, #tpu.memory_space<vmem_shared>>) dst(%arg9 : memref<80x128xf32, #tpu.memory_space<vmem>>)
      tpu.yield
    }) : () -> ()
    %add3A_48 = arith.constant 240 : i32
    %add3A_49 = arith.addi %multiple_of3A, %add3A_48 : i32
    "tpu.region"() ({
      %run_scoped3A = tpu.sem_alloc : memref<!tpu.dma_semaphore, #tpu.memory_space<semaphore_mem>>
      %dma_start3A = arith.constant 0 : i32
      %dma_start3A_66 = tpu.memref_slice %arg5[%arg0, %add3A_49, %dma_start3A] : memref<2x10240x128xf32, #tpu.memory_space<hbm>> -> memref<1x80x128xf32, #tpu.memory_space<hbm>>
      %dma_start3A_67 = tpu.memref_squeeze %dma_start3A_66 : memref<1x80x128xf32, #tpu.memory_space<hbm>> -> memref<80x128xf32, #tpu.memory_space<hbm>>
      %dma_start3A_68 = arith.constant 0 : i32
      %dma_start3A_69 = tpu.memref_slice %arg5[%arg0, %add3A_49, %dma_start3A_68] : memref<2x10240x128xf32, #tpu.memory_space<hbm>> -> memref<1x80x128xf32, #tpu.memory_space<hbm>>
      %dma_start3A_70 = tpu.memref_squeeze %dma_start3A_69 : memref<1x80x128xf32, #tpu.memory_space<hbm>> -> memref<80x128xf32, #tpu.memory_space<hbm>>
      tpu.enqueue_dma source(%arg9 : memref<80x128xf32, #tpu.memory_space<vmem>>) target(%dma_start3A_70 : memref<80x128xf32, #tpu.memory_space<hbm>>) target_semaphore(%run_scoped3A : memref<!tpu.dma_semaphore, #tpu.memory_space<semaphore_mem>>)
      %dma_wait3A = arith.constant 0 : i32
      %dma_wait3A_71 = tpu.memref_slice %arg5[%arg0, %add3A_49, %dma_wait3A] : memref<2x10240x128xf32, #tpu.memory_space<hbm>> -> memref<1x80x128xf32, #tpu.memory_space<hbm>>
      %dma_wait3A_72 = tpu.memref_squeeze %dma_wait3A_71 : memref<1x80x128xf32, #tpu.memory_space<hbm>> -> memref<80x128xf32, #tpu.memory_space<hbm>>
      %dma_wait3A_73 = arith.constant 0 : i32
      %dma_wait3A_74 = tpu.memref_slice %arg5[%arg0, %add3A_49, %dma_wait3A_73] : memref<2x10240x128xf32, #tpu.memory_space<hbm>> -> memref<1x80x128xf32, #tpu.memory_space<hbm>>
      %dma_wait3A_75 = tpu.memref_squeeze %dma_wait3A_74 : memref<1x80x128xf32, #tpu.memory_space<hbm>> -> memref<80x128xf32, #tpu.memory_space<hbm>>
      tpu.wait_dma2 semaphore(%run_scoped3A : memref<!tpu.dma_semaphore, #tpu.memory_space<semaphore_mem>>) src(%arg9 : memref<80x128xf32, #tpu.memory_space<vmem>>) dst(%dma_wait3A_75 : memref<80x128xf32, #tpu.memory_space<hbm>>)
      tpu.yield
    }) : () -> ()
    %add3A_50 = arith.constant 320 : i32
    %add3A_51 = arith.addi %multiple_of3A, %add3A_50 : i32
    "tpu.region"() ({
      %run_scoped3A = tpu.sem_alloc : memref<!tpu.dma_semaphore, #tpu.memory_space<semaphore_mem>>
      %dma_start3A = arith.constant 0 : i32
      %dma_start3A_66 = tpu.memref_slice %arg6[%add3A_51, %dma_start3A] : memref<10240x128xf32, #tpu.memory_space<vmem_shared>> -> memref<80x128xf32, #tpu.memory_space<vmem_shared>>
      %dma_start3A_67 = arith.constant 0 : i32
      %dma_start3A_68 = tpu.memref_slice %arg6[%add3A_51, %dma_start3A_67] : memref<10240x128xf32, #tpu.memory_space<vmem_shared>> -> memref<80x128xf32, #tpu.memory_space<vmem_shared>>
      tpu.enqueue_dma source(%dma_start3A_68 : memref<80x128xf32, #tpu.memory_space<vmem_shared>>) target(%arg9 : memref<80x128xf32, #tpu.memory_space<vmem>>) target_semaphore(%run_scoped3A : memref<!tpu.dma_semaphore, #tpu.memory_space<semaphore_mem>>)
      %dma_wait3A = arith.constant 0 : i32
      %dma_wait3A_69 = tpu.memref_slice %arg6[%add3A_51, %dma_wait3A] : memref<10240x128xf32, #tpu.memory_space<vmem_shared>> -> memref<80x128xf32, #tpu.memory_space<vmem_shared>>
      %dma_wait3A_70 = arith.constant 0 : i32
      %dma_wait3A_71 = tpu.memref_slice %arg6[%add3A_51, %dma_wait3A_70] : memref<10240x128xf32, #tpu.memory_space<vmem_shared>> -> memref<80x128xf32, #tpu.memory_space<vmem_shared>>
      tpu.wait_dma2 semaphore(%run_scoped3A : memref<!tpu.dma_semaphore, #tpu.memory_space<semaphore_mem>>) src(%dma_wait3A_71 : memref<80x128xf32, #tpu.memory_space<vmem_shared>>) dst(%arg9 : memref<80x128xf32, #tpu.memory_space<vmem>>)
      tpu.yield
    }) : () -> ()
    %add3A_52 = arith.constant 320 : i32
    %add3A_53 = arith.addi %multiple_of3A, %add3A_52 : i32
    "tpu.region"() ({
      %run_scoped3A = tpu.sem_alloc : memref<!tpu.dma_semaphore, #tpu.memory_space<semaphore_mem>>
      %dma_start3A = arith.constant 0 : i32
      %dma_start3A_66 = tpu.memref_slice %arg5[%arg0, %add3A_53, %dma_start3A] : memref<2x10240x128xf32, #tpu.memory_space<hbm>> -> memref<1x80x128xf32, #tpu.memory_space<hbm>>
      %dma_start3A_67 = tpu.memref_squeeze %dma_start3A_66 : memref<1x80x128xf32, #tpu.memory_space<hbm>> -> memref<80x128xf32, #tpu.memory_space<hbm>>
      %dma_start3A_68 = arith.constant 0 : i32
      %dma_start3A_69 = tpu.memref_slice %arg5[%arg0, %add3A_53, %dma_start3A_68] : memref<2x10240x128xf32, #tpu.memory_space<hbm>> -> memref<1x80x128xf32, #tpu.memory_space<hbm>>
      %dma_start3A_70 = tpu.memref_squeeze %dma_start3A_69 : memref<1x80x128xf32, #tpu.memory_space<hbm>> -> memref<80x128xf32, #tpu.memory_space<hbm>>
      tpu.enqueue_dma source(%arg9 : memref<80x128xf32, #tpu.memory_space<vmem>>) target(%dma_start3A_70 : memref<80x128xf32, #tpu.memory_space<hbm>>) target_semaphore(%run_scoped3A : memref<!tpu.dma_semaphore, #tpu.memory_space<semaphore_mem>>)
      %dma_wait3A = arith.constant 0 : i32
      %dma_wait3A_71 = tpu.memref_slice %arg5[%arg0, %add3A_53, %dma_wait3A] : memref<2x10240x128xf32, #tpu.memory_space<hbm>> -> memref<1x80x128xf32, #tpu.memory_space<hbm>>
      %dma_wait3A_72 = tpu.memref_squeeze %dma_wait3A_71 : memref<1x80x128xf32, #tpu.memory_space<hbm>> -> memref<80x128xf32, #tpu.memory_space<hbm>>
      %dma_wait3A_73 = arith.constant 0 : i32
      %dma_wait3A_74 = tpu.memref_slice %arg5[%arg0, %add3A_53, %dma_wait3A_73] : memref<2x10240x128xf32, #tpu.memory_space<hbm>> -> memref<1x80x128xf32, #tpu.memory_space<hbm>>
      %dma_wait3A_75 = tpu.memref_squeeze %dma_wait3A_74 : memref<1x80x128xf32, #tpu.memory_space<hbm>> -> memref<80x128xf32, #tpu.memory_space<hbm>>
      tpu.wait_dma2 semaphore(%run_scoped3A : memref<!tpu.dma_semaphore, #tpu.memory_space<semaphore_mem>>) src(%arg9 : memref<80x128xf32, #tpu.memory_space<vmem>>) dst(%dma_wait3A_75 : memref<80x128xf32, #tpu.memory_space<hbm>>)
      tpu.yield
    }) : () -> ()
    %add3A_54 = arith.constant 400 : i32
    %add3A_55 = arith.addi %multiple_of3A, %add3A_54 : i32
    "tpu.region"() ({
      %run_scoped3A = tpu.sem_alloc : memref<!tpu.dma_semaphore, #tpu.memory_space<semaphore_mem>>
      %dma_start3A = arith.constant 0 : i32
      %dma_start3A_66 = tpu.memref_slice %arg6[%add3A_55, %dma_start3A] : memref<10240x128xf32, #tpu.memory_space<vmem_shared>> -> memref<80x128xf32, #tpu.memory_space<vmem_shared>>
      %dma_start3A_67 = arith.constant 0 : i32
      %dma_start3A_68 = tpu.memref_slice %arg6[%add3A_55, %dma_start3A_67] : memref<10240x128xf32, #tpu.memory_space<vmem_shared>> -> memref<80x128xf32, #tpu.memory_space<vmem_shared>>
      tpu.enqueue_dma source(%dma_start3A_68 : memref<80x128xf32, #tpu.memory_space<vmem_shared>>) target(%arg9 : memref<80x128xf32, #tpu.memory_space<vmem>>) target_semaphore(%run_scoped3A : memref<!tpu.dma_semaphore, #tpu.memory_space<semaphore_mem>>)
      %dma_wait3A = arith.constant 0 : i32
      %dma_wait3A_69 = tpu.memref_slice %arg6[%add3A_55, %dma_wait3A] : memref<10240x128xf32, #tpu.memory_space<vmem_shared>> -> memref<80x128xf32, #tpu.memory_space<vmem_shared>>
      %dma_wait3A_70 = arith.constant 0 : i32
      %dma_wait3A_71 = tpu.memref_slice %arg6[%add3A_55, %dma_wait3A_70] : memref<10240x128xf32, #tpu.memory_space<vmem_shared>> -> memref<80x128xf32, #tpu.memory_space<vmem_shared>>
      tpu.wait_dma2 semaphore(%run_scoped3A : memref<!tpu.dma_semaphore, #tpu.memory_space<semaphore_mem>>) src(%dma_wait3A_71 : memref<80x128xf32, #tpu.memory_space<vmem_shared>>) dst(%arg9 : memref<80x128xf32, #tpu.memory_space<vmem>>)
      tpu.yield
    }) : () -> ()
    %add3A_56 = arith.constant 400 : i32
    %add3A_57 = arith.addi %multiple_of3A, %add3A_56 : i32
    "tpu.region"() ({
      %run_scoped3A = tpu.sem_alloc : memref<!tpu.dma_semaphore, #tpu.memory_space<semaphore_mem>>
      %dma_start3A = arith.constant 0 : i32
      %dma_start3A_66 = tpu.memref_slice %arg5[%arg0, %add3A_57, %dma_start3A] : memref<2x10240x128xf32, #tpu.memory_space<hbm>> -> memref<1x80x128xf32, #tpu.memory_space<hbm>>
      %dma_start3A_67 = tpu.memref_squeeze %dma_start3A_66 : memref<1x80x128xf32, #tpu.memory_space<hbm>> -> memref<80x128xf32, #tpu.memory_space<hbm>>
      %dma_start3A_68 = arith.constant 0 : i32
      %dma_start3A_69 = tpu.memref_slice %arg5[%arg0, %add3A_57, %dma_start3A_68] : memref<2x10240x128xf32, #tpu.memory_space<hbm>> -> memref<1x80x128xf32, #tpu.memory_space<hbm>>
      %dma_start3A_70 = tpu.memref_squeeze %dma_start3A_69 : memref<1x80x128xf32, #tpu.memory_space<hbm>> -> memref<80x128xf32, #tpu.memory_space<hbm>>
      tpu.enqueue_dma source(%arg9 : memref<80x128xf32, #tpu.memory_space<vmem>>) target(%dma_start3A_70 : memref<80x128xf32, #tpu.memory_space<hbm>>) target_semaphore(%run_scoped3A : memref<!tpu.dma_semaphore, #tpu.memory_space<semaphore_mem>>)
      %dma_wait3A = arith.constant 0 : i32
      %dma_wait3A_71 = tpu.memref_slice %arg5[%arg0, %add3A_57, %dma_wait3A] : memref<2x10240x128xf32, #tpu.memory_space<hbm>> -> memref<1x80x128xf32, #tpu.memory_space<hbm>>
      %dma_wait3A_72 = tpu.memref_squeeze %dma_wait3A_71 : memref<1x80x128xf32, #tpu.memory_space<hbm>> -> memref<80x128xf32, #tpu.memory_space<hbm>>
      %dma_wait3A_73 = arith.constant 0 : i32
      %dma_wait3A_74 = tpu.memref_slice %arg5[%arg0, %add3A_57, %dma_wait3A_73] : memref<2x10240x128xf32, #tpu.memory_space<hbm>> -> memref<1x80x128xf32, #tpu.memory_space<hbm>>
      %dma_wait3A_75 = tpu.memref_squeeze %dma_wait3A_74 : memref<1x80x128xf32, #tpu.memory_space<hbm>> -> memref<80x128xf32, #tpu.memory_space<hbm>>
      tpu.wait_dma2 semaphore(%run_scoped3A : memref<!tpu.dma_semaphore, #tpu.memory_space<semaphore_mem>>) src(%arg9 : memref<80x128xf32, #tpu.memory_space<vmem>>) dst(%dma_wait3A_75 : memref<80x128xf32, #tpu.memory_space<hbm>>)
      tpu.yield
    }) : () -> ()
    %add3A_58 = arith.constant 480 : i32
    %add3A_59 = arith.addi %multiple_of3A, %add3A_58 : i32
    "tpu.region"() ({
      %run_scoped3A = tpu.sem_alloc : memref<!tpu.dma_semaphore, #tpu.memory_space<semaphore_mem>>
      %dma_start3A = arith.constant 0 : i32
      %dma_start3A_66 = tpu.memref_slice %arg6[%add3A_59, %dma_start3A] : memref<10240x128xf32, #tpu.memory_space<vmem_shared>> -> memref<80x128xf32, #tpu.memory_space<vmem_shared>>
      %dma_start3A_67 = arith.constant 0 : i32
      %dma_start3A_68 = tpu.memref_slice %arg6[%add3A_59, %dma_start3A_67] : memref<10240x128xf32, #tpu.memory_space<vmem_shared>> -> memref<80x128xf32, #tpu.memory_space<vmem_shared>>
      tpu.enqueue_dma source(%dma_start3A_68 : memref<80x128xf32, #tpu.memory_space<vmem_shared>>) target(%arg9 : memref<80x128xf32, #tpu.memory_space<vmem>>) target_semaphore(%run_scoped3A : memref<!tpu.dma_semaphore, #tpu.memory_space<semaphore_mem>>)
      %dma_wait3A = arith.constant 0 : i32
      %dma_wait3A_69 = tpu.memref_slice %arg6[%add3A_59, %dma_wait3A] : memref<10240x128xf32, #tpu.memory_space<vmem_shared>> -> memref<80x128xf32, #tpu.memory_space<vmem_shared>>
      %dma_wait3A_70 = arith.constant 0 : i32
      %dma_wait3A_71 = tpu.memref_slice %arg6[%add3A_59, %dma_wait3A_70] : memref<10240x128xf32, #tpu.memory_space<vmem_shared>> -> memref<80x128xf32, #tpu.memory_space<vmem_shared>>
      tpu.wait_dma2 semaphore(%run_scoped3A : memref<!tpu.dma_semaphore, #tpu.memory_space<semaphore_mem>>) src(%dma_wait3A_71 : memref<80x128xf32, #tpu.memory_space<vmem_shared>>) dst(%arg9 : memref<80x128xf32, #tpu.memory_space<vmem>>)
      tpu.yield
    }) : () -> ()
    %add3A_60 = arith.constant 480 : i32
    %add3A_61 = arith.addi %multiple_of3A, %add3A_60 : i32
    "tpu.region"() ({
      %run_scoped3A = tpu.sem_alloc : memref<!tpu.dma_semaphore, #tpu.memory_space<semaphore_mem>>
      %dma_start3A = arith.constant 0 : i32
      %dma_start3A_66 = tpu.memref_slice %arg5[%arg0, %add3A_61, %dma_start3A] : memref<2x10240x128xf32, #tpu.memory_space<hbm>> -> memref<1x80x128xf32, #tpu.memory_space<hbm>>
      %dma_start3A_67 = tpu.memref_squeeze %dma_start3A_66 : memref<1x80x128xf32, #tpu.memory_space<hbm>> -> memref<80x128xf32, #tpu.memory_space<hbm>>
      %dma_start3A_68 = arith.constant 0 : i32
      %dma_start3A_69 = tpu.memref_slice %arg5[%arg0, %add3A_61, %dma_start3A_68] : memref<2x10240x128xf32, #tpu.memory_space<hbm>> -> memref<1x80x128xf32, #tpu.memory_space<hbm>>
      %dma_start3A_70 = tpu.memref_squeeze %dma_start3A_69 : memref<1x80x128xf32, #tpu.memory_space<hbm>> -> memref<80x128xf32, #tpu.memory_space<hbm>>
      tpu.enqueue_dma source(%arg9 : memref<80x128xf32, #tpu.memory_space<vmem>>) target(%dma_start3A_70 : memref<80x128xf32, #tpu.memory_space<hbm>>) target_semaphore(%run_scoped3A : memref<!tpu.dma_semaphore, #tpu.memory_space<semaphore_mem>>)
      %dma_wait3A = arith.constant 0 : i32
      %dma_wait3A_71 = tpu.memref_slice %arg5[%arg0, %add3A_61, %dma_wait3A] : memref<2x10240x128xf32, #tpu.memory_space<hbm>> -> memref<1x80x128xf32, #tpu.memory_space<hbm>>
      %dma_wait3A_72 = tpu.memref_squeeze %dma_wait3A_71 : memref<1x80x128xf32, #tpu.memory_space<hbm>> -> memref<80x128xf32, #tpu.memory_space<hbm>>
      %dma_wait3A_73 = arith.constant 0 : i32
      %dma_wait3A_74 = tpu.memref_slice %arg5[%arg0, %add3A_61, %dma_wait3A_73] : memref<2x10240x128xf32, #tpu.memory_space<hbm>> -> memref<1x80x128xf32, #tpu.memory_space<hbm>>
      %dma_wait3A_75 = tpu.memref_squeeze %dma_wait3A_74 : memref<1x80x128xf32, #tpu.memory_space<hbm>> -> memref<80x128xf32, #tpu.memory_space<hbm>>
      tpu.wait_dma2 semaphore(%run_scoped3A : memref<!tpu.dma_semaphore, #tpu.memory_space<semaphore_mem>>) src(%arg9 : memref<80x128xf32, #tpu.memory_space<vmem>>) dst(%dma_wait3A_75 : memref<80x128xf32, #tpu.memory_space<hbm>>)
      tpu.yield
    }) : () -> ()
    %add3A_62 = arith.constant 560 : i32
    %add3A_63 = arith.addi %multiple_of3A, %add3A_62 : i32
    "tpu.region"() ({
      %run_scoped3A = tpu.sem_alloc : memref<!tpu.dma_semaphore, #tpu.memory_space<semaphore_mem>>
      %dma_start3A = arith.constant 0 : i32
      %dma_start3A_66 = tpu.memref_slice %arg6[%add3A_63, %dma_start3A] : memref<10240x128xf32, #tpu.memory_space<vmem_shared>> -> memref<80x128xf32, #tpu.memory_space<vmem_shared>>
      %dma_start3A_67 = arith.constant 0 : i32
      %dma_start3A_68 = tpu.memref_slice %arg6[%add3A_63, %dma_start3A_67] : memref<10240x128xf32, #tpu.memory_space<vmem_shared>> -> memref<80x128xf32, #tpu.memory_space<vmem_shared>>
      tpu.enqueue_dma source(%dma_start3A_68 : memref<80x128xf32, #tpu.memory_space<vmem_shared>>) target(%arg9 : memref<80x128xf32, #tpu.memory_space<vmem>>) target_semaphore(%run_scoped3A : memref<!tpu.dma_semaphore, #tpu.memory_space<semaphore_mem>>)
      %dma_wait3A = arith.constant 0 : i32
      %dma_wait3A_69 = tpu.memref_slice %arg6[%add3A_63, %dma_wait3A] : memref<10240x128xf32, #tpu.memory_space<vmem_shared>> -> memref<80x128xf32, #tpu.memory_space<vmem_shared>>
      %dma_wait3A_70 = arith.constant 0 : i32
      %dma_wait3A_71 = tpu.memref_slice %arg6[%add3A_63, %dma_wait3A_70] : memref<10240x128xf32, #tpu.memory_space<vmem_shared>> -> memref<80x128xf32, #tpu.memory_space<vmem_shared>>
      tpu.wait_dma2 semaphore(%run_scoped3A : memref<!tpu.dma_semaphore, #tpu.memory_space<semaphore_mem>>) src(%dma_wait3A_71 : memref<80x128xf32, #tpu.memory_space<vmem_shared>>) dst(%arg9 : memref<80x128xf32, #tpu.memory_space<vmem>>)
      tpu.yield
    }) : () -> ()
    %add3A_64 = arith.constant 560 : i32
    %add3A_65 = arith.addi %multiple_of3A, %add3A_64 : i32
    "tpu.region"() ({
      %run_scoped3A = tpu.sem_alloc : memref<!tpu.dma_semaphore, #tpu.memory_space<semaphore_mem>>
      %dma_start3A = arith.constant 0 : i32
      %dma_start3A_66 = tpu.memref_slice %arg5[%arg0, %add3A_65, %dma_start3A] : memref<2x10240x128xf32, #tpu.memory_space<hbm>> -> memref<1x80x128xf32, #tpu.memory_space<hbm>>
      %dma_start3A_67 = tpu.memref_squeeze %dma_start3A_66 : memref<1x80x128xf32, #tpu.memory_space<hbm>> -> memref<80x128xf32, #tpu.memory_space<hbm>>
      %dma_start3A_68 = arith.constant 0 : i32
      %dma_start3A_69 = tpu.memref_slice %arg5[%arg0, %add3A_65, %dma_start3A_68] : memref<2x10240x128xf32, #tpu.memory_space<hbm>> -> memref<1x80x128xf32, #tpu.memory_space<hbm>>
      %dma_start3A_70 = tpu.memref_squeeze %dma_start3A_69 : memref<1x80x128xf32, #tpu.memory_space<hbm>> -> memref<80x128xf32, #tpu.memory_space<hbm>>
      tpu.enqueue_dma source(%arg9 : memref<80x128xf32, #tpu.memory_space<vmem>>) target(%dma_start3A_70 : memref<80x128xf32, #tpu.memory_space<hbm>>) target_semaphore(%run_scoped3A : memref<!tpu.dma_semaphore, #tpu.memory_space<semaphore_mem>>)
      %dma_wait3A = arith.constant 0 : i32
      %dma_wait3A_71 = tpu.memref_slice %arg5[%arg0, %add3A_65, %dma_wait3A] : memref<2x10240x128xf32, #tpu.memory_space<hbm>> -> memref<1x80x128xf32, #tpu.memory_space<hbm>>
      %dma_wait3A_72 = tpu.memref_squeeze %dma_wait3A_71 : memref<1x80x128xf32, #tpu.memory_space<hbm>> -> memref<80x128xf32, #tpu.memory_space<hbm>>
      %dma_wait3A_73 = arith.constant 0 : i32
      %dma_wait3A_74 = tpu.memref_slice %arg5[%arg0, %add3A_65, %dma_wait3A_73] : memref<2x10240x128xf32, #tpu.memory_space<hbm>> -> memref<1x80x128xf32, #tpu.memory_space<hbm>>
      %dma_wait3A_75 = tpu.memref_squeeze %dma_wait3A_74 : memref<1x80x128xf32, #tpu.memory_space<hbm>> -> memref<80x128xf32, #tpu.memory_space<hbm>>
      tpu.wait_dma2 semaphore(%run_scoped3A : memref<!tpu.dma_semaphore, #tpu.memory_space<semaphore_mem>>) src(%arg9 : memref<80x128xf32, #tpu.memory_space<vmem>>) dst(%dma_wait3A_75 : memref<80x128xf32, #tpu.memory_space<hbm>>)
      tpu.yield
    }) : () -> ()
    return
  }
}

module attributes {stable_mosaic.version = 14 : i64} {
  func.func @_tc_mid_body(%arg0: i32, %arg1: memref<1000x128xf32, #tpu.memory_space<vmem>>, %arg2: memref<1000x128xf32, #tpu.memory_space<vmem>>, %arg3: memref<1000x128xf32, #tpu.memory_space<vmem>>, %arg4: memref<1000x128xf32, #tpu.memory_space<vmem>>, %arg5: memref<1000x128xf32, #tpu.memory_space<vmem>>, %arg6: memref<128x128xf32, #tpu.memory_space<vmem>>, %arg7: memref<128x128xf32, #tpu.memory_space<vmem>>, %arg8: memref<1x128xf32, #tpu.memory_space<vmem>>, %arg9: memref<1000x128xf32, #tpu.memory_space<vmem>>, %arg10: memref<1000x128xf32, #tpu.memory_space<vmem>>) attributes {dimension_semantics = [#tpu.dimension_semantics<arbitrary>], iteration_bounds = array<i64: 10>, scalar_prefetch = 0 : i64, scratch_operands = 0 : i64, tpu.core_type = #tpu.core_type<tc>, window_params = [{transform_indices = @transform_0, window_bounds = array<i64: 1000, 128>}, {transform_indices = @transform_1, window_bounds = array<i64: 1000, 128>}, {transform_indices = @transform_2, window_bounds = array<i64: 1000, 128>}, {transform_indices = @transform_3, window_bounds = array<i64: 1000, 128>}, {transform_indices = @transform_4, window_bounds = array<i64: 1000, 128>}, {pipeline_mode = #tpu.pipeline_mode<synchronous>, transform_indices = @transform_5, window_bounds = array<i64: 128, 128>}, {pipeline_mode = #tpu.pipeline_mode<synchronous>, transform_indices = @transform_6, window_bounds = array<i64: 128, 128>}, {pipeline_mode = #tpu.pipeline_mode<synchronous>, transform_indices = @transform_7, window_bounds = array<i64: 1, 128>}, {transform_indices = @transform_8, window_bounds = array<i64: 1000, 128>}, {transform_indices = @transform_9, window_bounds = array<i64: 1000, 128>}]} {
    %get3A = arith.constant 0 : index
    %get3A_0 = arith.constant 0 : index
    %get3A_1 = vector.load %arg3[%get3A, %get3A_0] : memref<1000x128xf32, #tpu.memory_space<vmem>>, vector<1000x128xf32>
    %slice3A = vector.extract_strided_slice %get3A_1 {offsets = [0, 0], sizes = [1000, 1], strides = [1, 1]} : vector<1000x128xf32> to vector<1000x1xf32>
    %get3A_2 = arith.constant 0 : index
    %get3A_3 = arith.constant 0 : index
    %get3A_4 = vector.load %arg4[%get3A_2, %get3A_3] : memref<1000x128xf32, #tpu.memory_space<vmem>>, vector<1000x128xf32>
    %slice3A_5 = vector.extract_strided_slice %get3A_4 {offsets = [0, 0], sizes = [1000, 1], strides = [1, 1]} : vector<1000x128xf32> to vector<1000x1xf32>
    %add3A = arith.addf %slice3A, %slice3A_5 : vector<1000x1xf32>
    %max3A = arith.constant 1.000000e+00 : f32
    %max3A_6 = vector.broadcast %max3A : f32 to vector<1000x1xf32>
    %max3A_7 = arith.maximumf %add3A, %max3A_6 : vector<1000x1xf32>
    %get3A_8 = arith.constant 0 : index
    %get3A_9 = arith.constant 0 : index
    %get3A_10 = vector.load %arg1[%get3A_8, %get3A_9] : memref<1000x128xf32, #tpu.memory_space<vmem>>, vector<1000x128xf32>
    %get3A_11 = arith.constant 0 : index
    %get3A_12 = arith.constant 0 : index
    %get3A_13 = vector.load %arg2[%get3A_11, %get3A_12] : memref<1000x128xf32, #tpu.memory_space<vmem>>, vector<1000x128xf32>
    %add3A_14 = arith.addf %get3A_10, %get3A_13 : vector<1000x128xf32>
    %div3A = vector.broadcast %max3A_7 : vector<1000x1xf32> to vector<1000x128xf32>
    %div3A_15 = arith.divf %add3A_14, %div3A : vector<1000x128xf32>
    %get3A_16 = arith.constant 0 : index
    %get3A_17 = arith.constant 0 : index
    %get3A_18 = vector.load %arg5[%get3A_16, %get3A_17] : memref<1000x128xf32, #tpu.memory_space<vmem>>, vector<1000x128xf32>
    %add3A_19 = arith.addf %div3A_15, %get3A_18 : vector<1000x128xf32>
    %gt3A = arith.constant 0.000000e+00 : f32
    %gt3A_20 = vector.broadcast %gt3A : f32 to vector<1000x128xf32>
    %gt3A_21 = arith.cmpf ogt, %add3A_19, %gt3A_20 : vector<1000x128xf32>
    %min3A = arith.constant 0.000000e+00 : f32
    %min3A_22 = vector.broadcast %min3A : f32 to vector<1000x128xf32>
    %min3A_23 = arith.minimumf %add3A_19, %min3A_22 : vector<1000x128xf32>
    %exp3A = math.exp %min3A_23 : vector<1000x128xf32>
    %sub3A = arith.constant 1.000000e+00 : f32
    %sub3A_24 = vector.broadcast %sub3A : f32 to vector<1000x128xf32>
    %sub3A_25 = arith.subf %exp3A, %sub3A_24 : vector<1000x128xf32>
    %select_n3A = arith.select %gt3A_21, %add3A_19, %sub3A_25 : vector<1000x128xi1>, vector<1000x128xf32>
    %get3A_26 = arith.constant 0 : index
    %get3A_27 = arith.constant 0 : index
    %get3A_28 = vector.load %arg6[%get3A_26, %get3A_27] : memref<128x128xf32, #tpu.memory_space<vmem>>, vector<128x128xf32>
    %dot_general3A = arith.constant dense<0.000000e+00> : vector<1000x128xf32>
    %dot_general3A_29 = tpu.matmul %select_n3A, %get3A_28, %dot_general3A {dimension_numbers = #tpu.dot_dimension_numbers<[1], [0], [0], [1], [0, 0, 1, 1], [], []>, transpose_lhs_hint = false} : vector<1000x128xf32>, vector<128x128xf32>, vector<1000x128xf32> -> vector<1000x128xf32>
    %swap3A = arith.constant 0 : index
    %swap3A_30 = arith.constant 0 : index
    %swap3A_31 = vector.load %arg9[%swap3A, %swap3A_30] : memref<1000x128xf32, #tpu.memory_space<vmem>>, vector<1000x128xf32>
    tpu.vector_store %arg9[%swap3A, %swap3A_30], %dot_general3A_29 {strides = array<i32>} : memref<1000x128xf32, #tpu.memory_space<vmem>>, vector<1000x128xf32>,
    %get3A_32 = arith.constant 0 : index
    %get3A_33 = arith.constant 0 : index
    %get3A_34 = vector.load %arg7[%get3A_32, %get3A_33] : memref<128x128xf32, #tpu.memory_space<vmem>>, vector<128x128xf32>
    %dot_general3A_35 = arith.constant dense<0.000000e+00> : vector<1000x128xf32>
    %dot_general3A_36 = tpu.matmul %select_n3A, %get3A_34, %dot_general3A_35 {dimension_numbers = #tpu.dot_dimension_numbers<[1], [0], [0], [1], [0, 0, 1, 1], [], []>, transpose_lhs_hint = false} : vector<1000x128xf32>, vector<128x128xf32>, vector<1000x128xf32> -> vector<1000x128xf32>
    %get3A_37 = arith.constant 0 : index
    %get3A_38 = arith.constant 0 : index
    %get3A_39 = vector.load %arg8[%get3A_37, %get3A_38] : memref<1x128xf32, #tpu.memory_space<vmem>>, vector<1x128xf32>
    %add3A_40 = vector.broadcast %get3A_39 : vector<1x128xf32> to vector<1000x128xf32>
    %add3A_41 = arith.addf %dot_general3A_36, %add3A_40 : vector<1000x128xf32>
    %swap3A_42 = arith.constant 0 : index
    %swap3A_43 = arith.constant 0 : index
    %swap3A_44 = vector.load %arg10[%swap3A_42, %swap3A_43] : memref<1000x128xf32, #tpu.memory_space<vmem>>, vector<1000x128xf32>
    tpu.vector_store %arg10[%swap3A_42, %swap3A_43], %add3A_41 {strides = array<i32>} : memref<1000x128xf32, #tpu.memory_space<vmem>>, vector<1000x128xf32>,
    return
  }
  func.func @transform_0(%arg0: i32) -> (i32, i32) {
    %c0_i32 = arith.constant 0 : i32
    %c0_i32_0 = arith.constant 0 : i32
    return %arg0, %c0_i32 : i32, i32
  }
  func.func @transform_1(%arg0: i32) -> (i32, i32) {
    %c0_i32 = arith.constant 0 : i32
    %c0_i32_0 = arith.constant 0 : i32
    return %arg0, %c0_i32 : i32, i32
  }
  func.func @transform_2(%arg0: i32) -> (i32, i32) {
    %c0_i32 = arith.constant 0 : i32
    %c0_i32_0 = arith.constant 0 : i32
    return %arg0, %c0_i32 : i32, i32
  }
  func.func @transform_3(%arg0: i32) -> (i32, i32) {
    %c0_i32 = arith.constant 0 : i32
    %c0_i32_0 = arith.constant 0 : i32
    return %arg0, %c0_i32 : i32, i32
  }
  func.func @transform_4(%arg0: i32) -> (i32, i32) {
    %c0_i32 = arith.constant 0 : i32
    %c0_i32_0 = arith.constant 0 : i32
    return %arg0, %c0_i32 : i32, i32
  }
  func.func @transform_5(%arg0: i32) -> (i32, i32) {
    %c0_i32 = arith.constant 0 : i32
    %c0_i32_0 = arith.constant 0 : i32
    %c0_i32_1 = arith.constant 0 : i32
    return %c0_i32, %c0_i32_0 : i32, i32
  }
  func.func @transform_6(%arg0: i32) -> (i32, i32) {
    %c0_i32 = arith.constant 0 : i32
    %c0_i32_0 = arith.constant 0 : i32
    %c0_i32_1 = arith.constant 0 : i32
    return %c0_i32, %c0_i32_0 : i32, i32
  }
  func.func @transform_7(%arg0: i32) -> (i32, i32) {
    %c0_i32 = arith.constant 0 : i32
    %c0_i32_0 = arith.constant 0 : i32
    %c0_i32_1 = arith.constant 0 : i32
    return %c0_i32, %c0_i32_0 : i32, i32
  }
  func.func @transform_8(%arg0: i32) -> (i32, i32) {
    %c0_i32 = arith.constant 0 : i32
    %c0_i32_0 = arith.constant 0 : i32
    return %arg0, %c0_i32 : i32, i32
  }
  func.func @transform_9(%arg0: i32) -> (i32, i32) {
    %c0_i32 = arith.constant 0 : i32
    %c0_i32_0 = arith.constant 0 : i32
    return %arg0, %c0_i32 : i32, i32
  }
}

module attributes {stable_mosaic.version = 14 : i64} {
  func.func @_tc_in_body(%arg0: i32, %arg1: memref<1000x128xf32, #tpu.memory_space<vmem>>, %arg2: memref<128x128xf32, #tpu.memory_space<vmem>>, %arg3: memref<128x128xf32, #tpu.memory_space<vmem>>, %arg4: memref<1x128xf32, #tpu.memory_space<vmem>>, %arg5: memref<1000x128xf32, #tpu.memory_space<vmem>>, %arg6: memref<1000x128xf32, #tpu.memory_space<vmem>>) attributes {dimension_semantics = [#tpu.dimension_semantics<arbitrary>], iteration_bounds = array<i64: 10>, scalar_prefetch = 0 : i64, scratch_operands = 0 : i64, tpu.core_type = #tpu.core_type<tc>, window_params = [{transform_indices = @transform_0, window_bounds = array<i64: 1000, 128>}, {pipeline_mode = #tpu.pipeline_mode<synchronous>, transform_indices = @transform_1, window_bounds = array<i64: 128, 128>}, {pipeline_mode = #tpu.pipeline_mode<synchronous>, transform_indices = @transform_2, window_bounds = array<i64: 128, 128>}, {pipeline_mode = #tpu.pipeline_mode<synchronous>, transform_indices = @transform_3, window_bounds = array<i64: 1, 128>}, {transform_indices = @transform_4, window_bounds = array<i64: 1000, 128>}, {transform_indices = @transform_5, window_bounds = array<i64: 1000, 128>}]} {
    %get3A = arith.constant 0 : index
    %get3A_0 = arith.constant 0 : index
    %get3A_1 = vector.load %arg1[%get3A, %get3A_0] : memref<1000x128xf32, #tpu.memory_space<vmem>>, vector<1000x128xf32>
    %get3A_2 = arith.constant 0 : index
    %get3A_3 = arith.constant 0 : index
    %get3A_4 = vector.load %arg2[%get3A_2, %get3A_3] : memref<128x128xf32, #tpu.memory_space<vmem>>, vector<128x128xf32>
    %dot_general3A = arith.constant dense<0.000000e+00> : vector<1000x128xf32>
    %dot_general3A_5 = tpu.matmul %get3A_1, %get3A_4, %dot_general3A {dimension_numbers = #tpu.dot_dimension_numbers<[1], [0], [0], [1], [0, 0, 1, 1], [], []>, transpose_lhs_hint = false} : vector<1000x128xf32>, vector<128x128xf32>, vector<1000x128xf32> -> vector<1000x128xf32>
    %swap3A = arith.constant 0 : index
    %swap3A_6 = arith.constant 0 : index
    %swap3A_7 = vector.load %arg5[%swap3A, %swap3A_6] : memref<1000x128xf32, #tpu.memory_space<vmem>>, vector<1000x128xf32>
    tpu.vector_store %arg5[%swap3A, %swap3A_6], %dot_general3A_5 {strides = array<i32>} : memref<1000x128xf32, #tpu.memory_space<vmem>>, vector<1000x128xf32>,
    %get3A_8 = arith.constant 0 : index
    %get3A_9 = arith.constant 0 : index
    %get3A_10 = vector.load %arg3[%get3A_8, %get3A_9] : memref<128x128xf32, #tpu.memory_space<vmem>>, vector<128x128xf32>
    %dot_general3A_11 = arith.constant dense<0.000000e+00> : vector<1000x128xf32>
    %dot_general3A_12 = tpu.matmul %get3A_1, %get3A_10, %dot_general3A_11 {dimension_numbers = #tpu.dot_dimension_numbers<[1], [0], [0], [1], [0, 0, 1, 1], [], []>, transpose_lhs_hint = false} : vector<1000x128xf32>, vector<128x128xf32>, vector<1000x128xf32> -> vector<1000x128xf32>
    %get3A_13 = arith.constant 0 : index
    %get3A_14 = arith.constant 0 : index
    %get3A_15 = vector.load %arg4[%get3A_13, %get3A_14] : memref<1x128xf32, #tpu.memory_space<vmem>>, vector<1x128xf32>
    %add3A = vector.broadcast %get3A_15 : vector<1x128xf32> to vector<1000x128xf32>
    %add3A_16 = arith.addf %dot_general3A_12, %add3A : vector<1000x128xf32>
    %swap3A_17 = arith.constant 0 : index
    %swap3A_18 = arith.constant 0 : index
    %swap3A_19 = vector.load %arg6[%swap3A_17, %swap3A_18] : memref<1000x128xf32, #tpu.memory_space<vmem>>, vector<1000x128xf32>
    tpu.vector_store %arg6[%swap3A_17, %swap3A_18], %add3A_16 {strides = array<i32>} : memref<1000x128xf32, #tpu.memory_space<vmem>>, vector<1000x128xf32>,
    return
  }
  func.func @transform_0(%arg0: i32) -> (i32, i32) {
    %c0_i32 = arith.constant 0 : i32
    %c0_i32_0 = arith.constant 0 : i32
    return %arg0, %c0_i32 : i32, i32
  }
  func.func @transform_1(%arg0: i32) -> (i32, i32) {
    %c0_i32 = arith.constant 0 : i32
    %c0_i32_0 = arith.constant 0 : i32
    %c0_i32_1 = arith.constant 0 : i32
    return %c0_i32, %c0_i32_0 : i32, i32
  }
  func.func @transform_2(%arg0: i32) -> (i32, i32) {
    %c0_i32 = arith.constant 0 : i32
    %c0_i32_0 = arith.constant 0 : i32
    %c0_i32_1 = arith.constant 0 : i32
    return %c0_i32, %c0_i32_0 : i32, i32
  }
  func.func @transform_3(%arg0: i32) -> (i32, i32) {
    %c0_i32 = arith.constant 0 : i32
    %c0_i32_0 = arith.constant 0 : i32
    %c0_i32_1 = arith.constant 0 : i32
    return %c0_i32, %c0_i32_0 : i32, i32
  }
  func.func @transform_4(%arg0: i32) -> (i32, i32) {
    %c0_i32 = arith.constant 0 : i32
    %c0_i32_0 = arith.constant 0 : i32
    return %arg0, %c0_i32 : i32, i32
  }
  func.func @transform_5(%arg0: i32) -> (i32, i32) {
    %c0_i32 = arith.constant 0 : i32
    %c0_i32_0 = arith.constant 0 : i32
    return %arg0, %c0_i32 : i32, i32
  }
}

module attributes {stable_mosaic.version = 14 : i64} {
  func.func @_tc_out_body(%arg0: i32, %arg1: memref<1000x128xf32, #tpu.memory_space<vmem>>, %arg2: memref<1000x128xf32, #tpu.memory_space<vmem>>, %arg3: memref<1000x128xf32, #tpu.memory_space<vmem>>, %arg4: memref<1000x128xf32, #tpu.memory_space<vmem>>, %arg5: memref<1000x128xf32, #tpu.memory_space<vmem>>, %arg6: memref<1000x40xf32, #tpu.memory_space<vmem>>) attributes {dimension_semantics = [#tpu.dimension_semantics<arbitrary>], iteration_bounds = array<i64: 10>, scalar_prefetch = 0 : i64, scratch_operands = 0 : i64, tpu.core_type = #tpu.core_type<tc>, window_params = [{transform_indices = @transform_0, window_bounds = array<i64: 1000, 128>}, {transform_indices = @transform_1, window_bounds = array<i64: 1000, 128>}, {transform_indices = @transform_2, window_bounds = array<i64: 1000, 128>}, {transform_indices = @transform_3, window_bounds = array<i64: 1000, 128>}, {transform_indices = @transform_4, window_bounds = array<i64: 1000, 128>}, {transform_indices = @transform_5, window_bounds = array<i64: 1000, 40>}]} {
    %get3A = arith.constant 0 : index
    %get3A_0 = arith.constant 0 : index
    %get3A_1 = vector.load %arg3[%get3A, %get3A_0] : memref<1000x128xf32, #tpu.memory_space<vmem>>, vector<1000x128xf32>
    %slice3A = vector.extract_strided_slice %get3A_1 {offsets = [0, 0], sizes = [1000, 1], strides = [1, 1]} : vector<1000x128xf32> to vector<1000x1xf32>
    %get3A_2 = arith.constant 0 : index
    %get3A_3 = arith.constant 0 : index
    %get3A_4 = vector.load %arg4[%get3A_2, %get3A_3] : memref<1000x128xf32, #tpu.memory_space<vmem>>, vector<1000x128xf32>
    %slice3A_5 = vector.extract_strided_slice %get3A_4 {offsets = [0, 0], sizes = [1000, 1], strides = [1, 1]} : vector<1000x128xf32> to vector<1000x1xf32>
    %add3A = arith.addf %slice3A, %slice3A_5 : vector<1000x1xf32>
    %max3A = arith.constant 1.000000e+00 : f32
    %max3A_6 = vector.broadcast %max3A : f32 to vector<1000x1xf32>
    %max3A_7 = arith.maximumf %add3A, %max3A_6 : vector<1000x1xf32>
    %get3A_8 = arith.constant 0 : index
    %get3A_9 = arith.constant 0 : index
    %get3A_10 = vector.load %arg1[%get3A_8, %get3A_9] : memref<1000x128xf32, #tpu.memory_space<vmem>>, vector<1000x128xf32>
    %slice3A_11 = vector.extract_strided_slice %get3A_10 {offsets = [0, 0], sizes = [1000, 40], strides = [1, 1]} : vector<1000x128xf32> to vector<1000x40xf32>
    %get3A_12 = arith.constant 0 : index
    %get3A_13 = arith.constant 0 : index
    %get3A_14 = vector.load %arg2[%get3A_12, %get3A_13] : memref<1000x128xf32, #tpu.memory_space<vmem>>, vector<1000x128xf32>
    %slice3A_15 = vector.extract_strided_slice %get3A_14 {offsets = [0, 0], sizes = [1000, 40], strides = [1, 1]} : vector<1000x128xf32> to vector<1000x40xf32>
    %add3A_16 = arith.addf %slice3A_11, %slice3A_15 : vector<1000x40xf32>
    %div3A = vector.broadcast %max3A_7 : vector<1000x1xf32> to vector<1000x40xf32>
    %div3A_17 = arith.divf %add3A_16, %div3A : vector<1000x40xf32>
    %get3A_18 = arith.constant 0 : index
    %get3A_19 = arith.constant 0 : index
    %get3A_20 = vector.load %arg5[%get3A_18, %get3A_19] : memref<1000x128xf32, #tpu.memory_space<vmem>>, vector<1000x128xf32>
    %slice3A_21 = vector.extract_strided_slice %get3A_20 {offsets = [0, 0], sizes = [1000, 40], strides = [1, 1]} : vector<1000x128xf32> to vector<1000x40xf32>
    %add3A_22 = arith.addf %div3A_17, %slice3A_21 : vector<1000x40xf32>
    %reduce_max3A = arith.constant dense<0xFF800000> : vector<1000xf32>
    %reduce_max3A_23 = vector.multi_reduction <maximumf>, %add3A_22, %reduce_max3A [1] : vector<1000x40xf32> to vector<1000xf32>
    %broadcast_in_dim3A = vector.shape_cast %reduce_max3A_23 : vector<1000xf32> to vector<1000x1xf32>
    %sub3A = vector.broadcast %broadcast_in_dim3A : vector<1000x1xf32> to vector<1000x40xf32>
    %sub3A_24 = arith.subf %add3A_22, %sub3A : vector<1000x40xf32>
    %exp3A = math.exp %sub3A_24 : vector<1000x40xf32>
    %reduce_sum3A = arith.constant dense<0.000000e+00> : vector<1000xf32>
    %reduce_sum3A_25 = vector.multi_reduction <add>, %exp3A, %reduce_sum3A [1] : vector<1000x40xf32> to vector<1000xf32>
    %broadcast_in_dim3A_26 = vector.shape_cast %reduce_sum3A_25 : vector<1000xf32> to vector<1000x1xf32>
    %log3A = math.log %broadcast_in_dim3A_26 : vector<1000x1xf32>
    %sub3A_27 = vector.broadcast %log3A : vector<1000x1xf32> to vector<1000x40xf32>
    %sub3A_28 = arith.subf %sub3A_24, %sub3A_27 : vector<1000x40xf32>
    %swap3A = arith.constant 0 : index
    %swap3A_29 = arith.constant 0 : index
    %swap3A_30 = vector.load %arg6[%swap3A, %swap3A_29] : memref<1000x40xf32, #tpu.memory_space<vmem>>, vector<1000x40xf32>
    tpu.vector_store %arg6[%swap3A, %swap3A_29], %sub3A_28 {strides = array<i32>} : memref<1000x40xf32, #tpu.memory_space<vmem>>, vector<1000x40xf32>,
    return
  }
  func.func @transform_0(%arg0: i32) -> (i32, i32) {
    %c0_i32 = arith.constant 0 : i32
    %c0_i32_0 = arith.constant 0 : i32
    return %arg0, %c0_i32 : i32, i32
  }
  func.func @transform_1(%arg0: i32) -> (i32, i32) {
    %c0_i32 = arith.constant 0 : i32
    %c0_i32_0 = arith.constant 0 : i32
    return %arg0, %c0_i32 : i32, i32
  }
  func.func @transform_2(%arg0: i32) -> (i32, i32) {
    %c0_i32 = arith.constant 0 : i32
    %c0_i32_0 = arith.constant 0 : i32
    return %arg0, %c0_i32 : i32, i32
  }
  func.func @transform_3(%arg0: i32) -> (i32, i32) {
    %c0_i32 = arith.constant 0 : i32
    %c0_i32_0 = arith.constant 0 : i32
    return %arg0, %c0_i32 : i32, i32
  }
  func.func @transform_4(%arg0: i32) -> (i32, i32) {
    %c0_i32 = arith.constant 0 : i32
    %c0_i32_0 = arith.constant 0 : i32
    return %arg0, %c0_i32 : i32, i32
  }
  func.func @transform_5(%arg0: i32) -> (i32, i32) {
    %c0_i32 = arith.constant 0 : i32
    %c0_i32_0 = arith.constant 0 : i32
    return %arg0, %c0_i32 : i32, i32
  }
}

</mosaic_0001>

<sc_bundles>
// kernel: kernel.12.cloned.1.call-start
scs
__scs_entry_jumppad:
0x0: {  	(pc) =	sbr.rel $0x88, $3  }
0x1: {  	(tag) =	ssettag $0x0;
	lr =	simm.s32 $0x1  }
0x2: {  	[smem:$0x3F93] =	sst lr;
	_ =	strace $0xD0000000  }
0x3: {  	_ = 	snop  }
0x4: {  	_ = 	snop  }
0x5: {  	_ = 	snop  }
0x6: {  	_ = 	snop  }
0x7: {  	_ = 	snop  }
__scs_overlays_trampoline_lowered:
0x8: {  	[smem:$0x3FA2] =	sst s0  }
0x9: {  	[smem:$0x3FA3] =	sst s1  }
0xa: {  	[smem:$0x3FA4] =	sst s2  }
0xb: {  	[smem:$0x3FA5] =	sst s3  }
0xc: {  	[smem:$0x3FA6] =	sst s4  }
0xd: {  	[smem:$0x3FA7] =	sst s5  }
0xe: {  	[smem:$0x3FA8] =	sst s6  }
0xf: {  	[smem:$0x3FA9] =	sst s7  }
0x10: {  	[smem:$0x3FAA] =	sst s8  }
0x11: {  	[smem:$0x3FAB] =	sst s9;
	s0 =	simm.s32 @!p0 $0x0  }
0x12: {  	s1 =	sld [smem:$0x3F91];
	s0 =	simm.s32 @p0 $0x1  }
0x13: {  	[smem:$0x3FAC] =	sst s0;
	s0 =	simm.s32 @!p1 $0x0  }
0x14: {  	s2 =	sld [smem:$0x3F90];
	s0 =	simm.s32 @p1 $0x1  }
0x15: {  	[smem:$0x3FAD] =	sst s0;
	s0 =	simm.s32 @!p2 $0x0  }
0x16: {  	s3 =	sld [smem:$0x3FDB];
	s0 =	simm.s32 @p2 $0x1  }
0x17: {  	s4 =	simm.s32 $0x1BF5;
	[smem:$0x3FAF] =	sst s0  }
0x18: {  	s0 =	sld [smem:$0x3F92];
	_ =	swait.ge [sflag:s4], $0x0  }
0x19: {  	s7 =	sld [smem:$0x3F93]  }
0x1a: {  	s8 =	sadd.s32 $0xFFFFE003, lr  }
0x1b: {  	s9 =	sadd.s32 $0xFFFFFEF7, lr;
	s5 =	simm.s32 $0xFFFFFFFF;
	p2 =	slt.u32 s8, $0xFFFFF086  }
0x1c: {  	p1 =	slt.u32 s9, $0xF7A;
	s5 =	simm.s32 @!p2 $0x0  }
0x1d: {  	s5 =	simm.s32 @p1 $0x1;
	p0 =	seq.s32 s7, s2  }
0x1e: {  	s7 =	smul.u32 @!p0 $0xF7A, s2;
	p2 =	seq.s32 @!p0 s5, $0x0  }
0x1f: {  	s9 =	smul.u32 $0xF7A, s1;
	s8 =	simm.s32 @!p0 $0x1BF5;
	p2 =	por !p2, p0  }
0x20: {  	[sflag:s8] =	ssyncset.s32 @!p0 $0xFFFFF086;
	s6 =	sadd.s32 @!p0 s3, s7;
	s7 =	simm.s32 @!p0 $0x108  }
0x21: {  	s3 =	sadd.s32 s3, s9;
	s6 =	sadd.s32 @!p0 $0x88, s6;
	s7 =	simm.s32 @p2 $0x1082  }
0x22: {  	[simem:s7], [sflag:s8] =	dma.local @!p0 [hbm:s6], $0xF7A  }
0x23: {  	s9 =	sor.u32 $0xD0000000, s2;
	s6 =	simm.s32 $0x108;
	_ =	swait.ge @!p0 [sflag:s8], $0x0  }
0x24: {  	s3 =	sadd.s32 $0x88, s3;
	s6 =	simm.s32 @!p1 $0x1082;
	[sflag:s4] =	ssyncset.s32 $0xFFFFF086  }
0x25: {  	[simem:s6], [sflag:s4] =	dma.local [hbm:s3], $0xF7A  }
0x26: {  	[smem:$0x3F93] =	sst s1;
	(tag) =	ssettag s2;
	_ =	strace s9  }
0x27: {  	s1 =	sld [smem:$0x3FA3]  }
0x28: {  	s2 =	sld [smem:$0x3FA4]  }
0x29: {  	s4 =	sld [smem:$0x3FA6]  }
0x2a: {  	p0 =	seq.s32 s5, $0x0;
	s5 =	sld [smem:$0x3FA7]  }
0x2b: {  	s6 =	sld [smem:$0x3FA8]  }
0x2c: {  	s7 =	sld [smem:$0x3FA9]  }
0x2d: {  	s3 =	simm.s32 $0x108;
	s8 =	sld [smem:$0x3FAA]  }
0x2e: {  	s3 =	simm.s32 @!p0 $0x1082;
	s9 =	sld [smem:$0x3FAB]  }
0x2f: {  	lr =	sadd.s32 s0, s3;
	s0 =	sld [smem:$0x3FA2]  }
0x30: {  	s3 =	sld [smem:$0x3FA5]  }
0x31: {  	[smem:$0x3FAE] =	sst s10  }
0x32: {  	s10 =	sld [smem:$0x3FAC];
	_ =	sdelay $0x3  }
0x33: {  	p0 =	seq.s32 s10, $0x1;
	s10 =	sld [smem:$0x3FAE];
	_ =	sdelay $0x3  }
0x34: {  	[smem:$0x3FAE] =	sst s10  }
0x35: {  	s10 =	sld [smem:$0x3FAD];
	_ =	sdelay $0x3  }
0x36: {  	p1 =	seq.s32 s10, $0x1;
	s10 =	sld [smem:$0x3FAE];
	_ =	sdelay $0x3  }
0x37: {  	[smem:$0x3FAE] =	sst s10  }
0x38: {  	s10 =	sld [smem:$0x3FAF]  }
0x39: {  	_ = 	snop;
	(pc) =	sbr.ind lr, $3  }
0x3a: {  	_ = 	snop  }
0x3b: {  	_ = 	snop  }
0x3c: {  	p2 =	seq.s32 s10, $0x1;
	s10 =	sld [smem:$0x3FAE]  }
0x3d: {  	_ =	shalt  }
0x3e: {  	_ =	shalt  }
0x3f: {  	_ =	shalt  }
0x40: {  	_ =	shalt  }
0x41: {  	_ =	shalt  }
0x42: {  	_ =	shalt  }
0x43: {  	_ =	shalt  }
0x44: {  	_ =	shalt  }
0x45: {  	_ =	shalt  }
0x46: {  	_ =	shalt  }
0x47: {  	_ =	shalt  }
0x48: {  	_ =	shalt  }
0x49: {  	_ =	shalt  }
0x4a: {  	_ =	shalt  }
0x4b: {  	_ =	shalt  }
0x4c: {  	_ =	shalt  }
0x4d: {  	_ =	shalt  }
0x4e: {  	_ =	shalt  }
0x4f: {  	_ =	shalt  }
0x50: {  	_ =	shalt  }
0x51: {  	_ =	shalt  }
0x52: {  	_ =	shalt  }
0x53: {  	_ =	shalt  }
0x54: {  	_ =	shalt  }
0x55: {  	_ =	shalt  }
0x56: {  	_ =	shalt  }
0x57: {  	_ =	shalt  }
0x58: {  	_ =	shalt  }
0x59: {  	_ =	shalt  }
0x5a: {  	_ =	shalt  }
0x5b: {  	_ =	shalt  }
0x5c: {  	_ =	shalt  }
0x5d: {  	_ =	shalt  }
0x5e: {  	_ =	shalt  }
0x5f: {  	_ =	shalt  }
0x60: {  	_ =	shalt  }
0x61: {  	_ =	shalt  }
0x62: {  	_ =	shalt  }
0x63: {  	_ =	shalt  }
0x64: {  	_ =	shalt  }
0x65: {  	_ =	shalt  }
0x66: {  	_ =	shalt  }
0x67: {  	_ =	shalt  }
0x68: {  	_ =	shalt  }
0x69: {  	_ =	shalt  }
0x6a: {  	_ =	shalt  }
0x6b: {  	_ =	shalt  }
0x6c: {  	_ =	shalt  }
0x6d: {  	_ =	shalt  }
0x6e: {  	_ =	shalt  }
0x6f: {  	_ =	shalt  }
0x70: {  	_ =	shalt  }
0x71: {  	_ =	shalt  }
0x72: {  	_ =	shalt  }
0x73: {  	_ =	shalt  }
0x74: {  	_ =	shalt  }
0x75: {  	_ =	shalt  }
0x76: {  	_ =	shalt  }
0x77: {  	_ =	shalt  }
0x78: {  	_ =	shalt  }
0x79: {  	_ =	shalt  }
0x7a: {  	_ =	shalt  }
0x7b: {  	_ =	shalt  }
0x7c: {  	_ =	shalt  }
0x7d: {  	_ =	shalt  }
0x7e: {  	_ =	shalt  }
0x7f: {  	_ =	shalt  }
0x80: {  	_ =	shalt  }
0x81: {  	_ =	shalt  }
0x82: {  	_ =	shalt  }
0x83: {  	_ =	shalt  }
0x84: {  	_ =	shalt  }
0x85: {  	_ =	shalt  }
0x86: {  	_ =	shalt  }
0x87: {  	_ =	shalt  }
.Lfunc_end0:
.L_simem_size_0:
called_computation_lowered:
.L_overlay_start_0:
0x88: {  	s2 =	sld [smem:$0x3FD9]  }
0x89: {  	s3 =	sld [smem:$0x3FFE];
	_ =	sdelay $0x1  }
0x8a: {  	s1 =	srdreg.scid  }
0x8b: {  	s0 =	sand.u32 $0x1, s1  }
0x8c: {  	s17 =	sshll.u32 s0, $0xA;
	s2 =	sadd.s32 s3, s2  }
0x8d: {  	s2 =	sadd.s32 s2, s17  }
0x8e: {  	[smem:$0x3FBA] =	sst s2  }
0x8f: {  	_ = 	snop  }
0x90: {  	s18 =	sld [smem:$0x3FD0];
	(tm) =	ssettm $0x1  }
0x91: {  	s19 =	sld [smem:$0x3FFB];
	_ =	sdelay $0x3  }
0x92: {  	_ =	strace s19  }
0x93: {  	s2 =	sld [smem:$0x3FFC];
	_ =	sdelay $0x3  }
0x94: {  	_ =	strace s2  }
0x95: {  	s2 =	sld [smem:$0x3FFD];
	_ =	sdelay $0x3  }
0x96: {  	_ =	strace s2  }
0x97: {  	_ =	strace $0x8FFFFFFF  }
0x98: {  	s20 =	sld [smem:$0x3FDB];
	_ =	sdelay $0x1  }
0x99: {  	s4 =	simm.s32 $_scs_section_size  }
0x9a: {  	s5 =	simm.s32 $_size__tile_overlayer_lowered;
	s6 =	simm.s32 $_tile_overlayer_lowered  }
0x9b: {  	s7 =	simm.s32 $0x1BFF;
	s21 =	sshll.u32 s6, $0x1;
	s4 =	sadd.s32 s4, s20  }
0x9c: {  	s22 =	simm.s32 $0x0;
	s5 =	sshll.u32 s5, $0x1;
	s6 =	sadd.s32 s21, s4  }
0x9d: {  	[timem:s22], [sflag:s7] =	dma.local [hbm:s6], s5  }
0x9e: {  	_ =	swait.ge [sflag:s7], s5  }
0x9f: {  	s5 =	ssub.s32 $0x0, s5;
	[sflag:s7] =	ssyncset.done $0x0  }
0xa0: {  	[sflag:s7] =	ssyncadd.s32 s5;
	_ =	sdelay $0x1  }
0xa1: {  	s23 =	simm.s32 $0x1B8B  }
0xa2: {  	_ =	swait.ge [sflag:s23], $0x1  }
0xa3: {  	[sflag:s23] =	ssyncset.done $0x0  }
0xa4: {  	[sflag:s23] =	ssyncadd.s32 $0xFFFFFFFF  }
0xa5: {  	s5 =	sld [smem:$0x0]  }
0xa6: {  	s6 =	sand.u32 $0xFFFFFFFE, s1  }
0xa7: {  	p0 =	sne.s32 s1, s6  }
0xa8: {  	s6 =	sshll.u32 @p0 s6, $0xE  }
0xa9: {  	s6 =	sadd.s32 @p0 $0x11B8D, s6;
	s7 =	sshll.u32 @p0 s5, $0x11  }
0xaa: {  	s6 =	sor.u32 @p0 s7, s6  }
0xab: {  	[sflag:s6] =	ssyncadd.remote.s32 @p0 $0x1;
	_ =	sdelay $0x1  }
0xac: {  	s6 =	simm.s32 @p0 $0x1B8D  }
0xad: {  	_ =	swait.eq @p0 [sflag:s6], $0x1  }
0xae: {  	[sflag:s6] =	ssyncadd.s32 @p0 $0xFFFFFFFF  }
0xaf: {  	s7 =	sshll.u32 @!p0 s1, $0xE  }
0xb0: {  	s7 =	sor.u32 @!p0 $0x4000, s7;
	s6 =	simm.s32 @!p0 $0x1B8D  }
0xb1: {  	s5 =	sshll.u32 @!p0 s5, $0x11;
	s7 =	sadd.s32 @!p0 $0x11B8D, s7;
	_ =	swait.eq @!p0 [sflag:s6], $0x1  }
0xb2: {  	s5 =	sor.u32 @!p0 s5, s7;
	[sflag:s6] =	ssyncadd.s32 @!p0 $0xFFFFFFFF  }
0xb3: {  	s25 =	simm.s32 $0x1B8E;
	s24 =	sld [smem:$0x3FFE];
	[sflag:s5] =	ssyncadd.remote.s32 @!p0 $0x1  }
0xb4: {  	s26 =	simm.s32 $execute0_lowered;
	[smem:$0x3FD2] =	sst s25  }
0xb5: {  	s6 =	sshll.u32 s26, $0x1;
	_ =	strace $0x80000049;
	[dreg:$0x1] =	wrdreg $0xFFFFFFFF  }
0xb6: {  	s28 =	simm.s32 $_size_execute0_lowered;
	s4 =	sadd.s32 s4, s6;
	[dreg:$0x0] =	wrdreg $0x0  }
0xb7: {  	s6 =	sshll.u32 s28, $0x1;
	[dreg:$0x2] =	wrdreg s4  }
0xb8: {  	[dreg:$0x3] =	wrdreg s6  }
0xb9: {  	[dreg:$0x4] =	wrdreg $0xC0  }
0xba: {  	_ =	task [dreg:s22], $0x5FFFF  }
0xbb: {  	[dreg:$0x1] =	wrdreg $0xFFFFFFFF  }
0xbc: {  	[dreg:$0x0] =	wrdreg $0x60  }
0xbd: {  	[dreg:$0x2] =	wrdreg s18  }
0xbe: {  	[dreg:$0x3] =	wrdreg s24  }
0xbf: {  	[dreg:$0x4] =	wrdreg $0x0  }
0xc0: {  	[dreg:$0x5] =	wrdreg $0x9  }
0xc1: {  	_ =	task.clear_ibuf [dreg:s22], $0x6FFFF;
	_ =	strace $0x90000049  }
0xc2: {  	s29 =	simm.s32 $0x9;
	_ =	strace $0x8000004B  }
0xc3: {  	_ =	swait.ge [sflag:s29], $0x1  }
0xc4: {  	[sflag:s29] =	ssyncadd.s32 $0xFFFFFFFF  }
0xc5: {  	_ =	strace $0x9000004B  }
0xc6: {  	_ =	sfence  }
0xc7: {  	s30 =	sld [smem:$0x0];
	_ =	sdelay $0x2  }
0xc8: {  	s31 =	sshll.u32 s1, $0xD;
	s1 =	sshrl.u32 s1, $0x2  }
0xc9: {  	s4 =	sand.u32 $0x4000, s31;
	s1 =	sadd.s32 s1, s30  }
0xca: {  	s0 =	sor.u32 s4, s0;
	s1 =	sshll.u32 s1, $0x11  }
0xcb: {  	s0 =	sor.u32 s1, s0  }
0xcc: {  	s0 =	sadd.s32 $0x8F2B, s0  }
0xcd: {  	[sflag:s0] =	ssyncadd.remote.s32 $0x1  }
0xce: {  	_ =	sfence.sel $0xFFFF  }
0xcf: {  	[dreg:$0x0] =	wrdreg $0xFFFFFFFF;
	(pc) =	sbr.abs _section_cstart, $3  }
0xd0: {  	[dreg:$0x1] =	wrdreg $0xFFFFFFFF  }
0xd1: {  	_ =	task.clear_ibuf [dreg:s22], $0x2FFFF;
	_ =	strace $0x9FFFFFFF  }
0xd2: {  	(tm) =	ssettm $0x7FFFFFFF  }
0xd3: {  	_ =	shalt  }
tec
execute0_lowered:
.L_overlay_start_1:
0x0: {  	(tag) =	ssettag $0x1  }
0x1: {  	s21 =	rddreg [dreg:$0x0]  }
0x2: {  	s4 =	rddreg [dreg:$0x1]  }
0x3: {  	s2 =	rddreg [dreg:$0x2]  }
0x4: {  	s5 =	srdreg.scid;
	s1 =	stileid.u32  }
0x5: {  	s3 =	simm.s32 $0x0;
	s28 =	simm.s32 $0x0;
	s23 =	smul.u32 $0x50000, s1  }
0x6: {  	s16 =	sand.u32 $0x1, s5;
	[smem:$0x7FF] =	sst s3;
	s10 =	smul.u32 $0x14000, s1  }
0x7: {  	s19 =	sadd.s32 $0x84E00, s4;
	s30 =	smul.u32 $0x2710, s1;
	s6 =	ssub.s32 $0x2, s16  }
0x8: {  	_ =	strace $0x8000004A;
	s18 =	smul.u32 $0x140000, s16;
	s24 =	sshrl.u32 s6, $0x1  }
0x9: {  	s25 =	sshrl.u32 s23, $0x2;
	s13 =	sor.u32 $0x2800, s10;
	s14 =	sadd.s32 $0x5000, s10  }
0xa: {  	s15 =	sadd.s32 $0x7800, s10;
	s17 =	sadd.s32 $0xA000, s10;
	s22 =	sadd.s32 $0xC800, s10  }
0xb: {  	s23 =	sadd.s32 $0xF000, s10;
	s20 =	ssub.s32 s6, s24;
	s4 =	sadd.s32 s25, s2  }
0xc: {  	s5 =	sadd.s32 s13, s2;
	s6 =	sadd.s32 s14, s2;
	s7 =	sadd.s32 s15, s2  }
0xd: {  	s8 =	sadd.s32 s17, s2;
	s9 =	sadd.s32 s22, s2;
	s11 =	sadd.s32 s10, s18  }
0xe: {  	s24 =	sadd.s32 $0x11800, s10;
	s10 =	sadd.s32 s23, s2;
	s13 =	sadd.s32 s18, s13  }
0xf: {  	s14 =	sadd.s32 s18, s14;
	s15 =	sadd.s32 s18, s15;
	s17 =	sadd.s32 s18, s17  }
0x10: {  	s22 =	sadd.s32 s18, s22;
	s25 =	smul.u32 $0x27100, s16;
	s23 =	sadd.s32 s18, s23  }
0x11: {  	s12 =	sshrl.u32 s11, $0x3;
	s11 =	sadd.s32 s24, s2;
	s13 =	sshrl.u32 s13, $0x3  }
0x12: {  	s14 =	sshrl.u32 s14, $0x3;
	s15 =	sshrl.u32 s15, $0x3;
	s26 =	sshrl.u32 s17, $0x3  }
0x13: {  	s29 =	sshrl.u32 s22, $0x3;
	s23 =	sshrl.u32 s23, $0x3;
	s24 =	sadd.s32 s18, s24  }
0x14: {  	s20 =	smax.u32 s20, $0x1;
	s12 =	sadd.s32 s19, s12;
	s13 =	sadd.s32 s19, s13  }
0x15: {  	s14 =	sadd.s32 s19, s14;
	s15 =	sadd.s32 s19, s15;
	s16 =	sadd.s32 s19, s26  }
0x16: {  	s17 =	sadd.s32 s19, s29;
	s22 =	sadd.s32 s30, s25;
	s18 =	sadd.s32 s19, s23  }
0x17: {  	s31 =	sshrl.u32 s24, $0x3;
	s23 =	simm.s32 $0x1;
	s24 =	simm.s32 $0x14000  }
0x18: {  	s25 =	simm.s32 $0x50;
	s26 =	simm.s32 $0x14080;
	s22 =	sshrl.u32 s22, $0x3  }
0x19: {  	v0 =	vimm.f32 $0.0e+00;
	v1 =	vimm.f32 $1.000000000e+00;
	s19 =	sadd.s32 s19, s31;
	s21 =	sadd.s32 s22, s21;
	s22 =	simm.s32 $0x16880  }
.LBB2_1:
0x1a: {  	s29 =	simm.s32 $0x0;
	s30 =	simm.s32 $0x200  }
.LBB2_2:
0x1b: {  	p0 =	sne.s32 s30, $0x9E00;
	[tilespmem:s29+$0x140F0] =	vst v1  }
0x1c: {  	[tilespmem:s29+$0x16880] =	vst v0  }
0x1d: {  	[tilespmem:s29+$0x14080] =	vst v1  }
0x1e: {  	[tilespmem:s29+$0x16890] =	vst v0  }
0x1f: {  	[tilespmem:s29+$0x14090] =	vst v1  }
0x20: {  	[tilespmem:s29+$0x168A0] =	vst v0  }
0x21: {  	[tilespmem:s29+$0x140A0] =	vst v1  }
0x22: {  	[tilespmem:s29+$0x168B0] =	vst v0  }
0x23: {  	[tilespmem:s29+$0x140B0] =	vst v1  }
0x24: {  	[tilespmem:s29+$0x168C0] =	vst v0  }
0x25: {  	[tilespmem:s29+$0x140C0] =	vst v1  }
.Ltmp0:
0x26: {  	[tilespmem:s29+$0x168D0] =	vst v0;
	(pc) =	sbr.rel @p0 .LBB2_2-.Ltmp0, $4  }
0x27: {  	[tilespmem:s29+$0x140D0] =	vst v1  }
0x28: {  	[tilespmem:s29+$0x168E0] =	vst v0  }
0x29: {  	[tilespmem:s29+$0x140E0] =	vst v1  }
0x2a: {  	[tilespmem:s29+$0x168F0] =	vst v0;
	s29 =	sshra.s32 s30, $0x2;
	s30 =	sadd.s32 $0x200, s30  }
0x2b: {  	[tilespmem:s29+$0x140F0] =	vst v1  }
0x2c: {  	[tilespmem:s29+$0x16880] =	vst v0  }
0x2d: {  	[tilespmem:s29+$0x14080] =	vst v1  }
0x2e: {  	[tilespmem:s29+$0x16890] =	vst v0  }
0x2f: {  	[tilespmem:s29+$0x14090] =	vst v1  }
0x30: {  	[tilespmem:s29+$0x168A0] =	vst v0  }
0x31: {  	[tilespmem:s29+$0x140A0] =	vst v1  }
0x32: {  	[tilespmem:s29+$0x168B0] =	vst v0  }
0x33: {  	[tilespmem:s29+$0x140B0] =	vst v1  }
0x34: {  	[tilespmem:s29+$0x168C0] =	vst v0  }
0x35: {  	[tilespmem:s29+$0x140C0] =	vst v1  }
0x36: {  	[tilespmem:s29+$0x168D0] =	vst v0  }
0x37: {  	[tilespmem:s29+$0x140D0] =	vst v1  }
0x38: {  	[tilespmem:s29+$0x168E0] =	vst v0  }
0x39: {  	[tilespmem:s29+$0x140E0] =	vst v1  }
0x3a: {  	[tilespmem:s29+$0x168F0] =	vst v0  }
0x3b: {  	[spmem:s4] =	stream.linear.scatter [tilespmem:s22], [sflag:$0x1], $0x2800, $0x38;
	[tilespmem:$0x19080] =	vst v63  }
0x3c: {  	_ =	swait.ge [sflag:s23], $0x2800  }
0x3d: {  	[sflag:s23] =	ssyncset.done $0x0  }
0x3e: {  	[sflag:s23] =	ssyncadd.s32 $0xFFFFD800  }
0x3f: {  	[spmem:s5] =	stream.linear.scatter [tilespmem:s22], [sflag:$0x1], $0x2800, $0x38;
	[tilespmem:$0x19080] =	vst v63  }
0x40: {  	_ =	swait.ge [sflag:s23], $0x2800  }
0x41: {  	[sflag:s23] =	ssyncset.done $0x0  }
0x42: {  	[sflag:s23] =	ssyncadd.s32 $0xFFFFD800  }
0x43: {  	[spmem:s6] =	stream.linear.scatter [tilespmem:s22], [sflag:$0x1], $0x2800, $0x38;
	[tilespmem:$0x19080] =	vst v63  }
0x44: {  	_ =	swait.ge [sflag:s23], $0x2800  }
0x45: {  	[sflag:s23] =	ssyncset.done $0x0  }
0x46: {  	[sflag:s23] =	ssyncadd.s32 $0xFFFFD800  }
0x47: {  	[spmem:s7] =	stream.linear.scatter [tilespmem:s22], [sflag:$0x1], $0x2800, $0x38;
	[tilespmem:$0x19080] =	vst v63  }
0x48: {  	_ =	swait.ge [sflag:s23], $0x2800  }
0x49: {  	[sflag:s23] =	ssyncset.done $0x0  }
0x4a: {  	[sflag:s23] =	ssyncadd.s32 $0xFFFFD800  }
0x4b: {  	[spmem:s8] =	stream.linear.scatter [tilespmem:s22], [sflag:$0x1], $0x2800, $0x38;
	[tilespmem:$0x19080] =	vst v63  }
0x4c: {  	_ =	swait.ge [sflag:s23], $0x2800  }
0x4d: {  	[sflag:s23] =	ssyncset.done $0x0  }
0x4e: {  	[sflag:s23] =	ssyncadd.s32 $0xFFFFD800  }
0x4f: {  	[spmem:s9] =	stream.linear.scatter [tilespmem:s22], [sflag:$0x1], $0x2800, $0x38;
	[tilespmem:$0x19080] =	vst v63  }
0x50: {  	_ =	swait.ge [sflag:s23], $0x2800  }
0x51: {  	[sflag:s23] =	ssyncset.done $0x0  }
0x52: {  	[sflag:s23] =	ssyncadd.s32 $0xFFFFD800  }
0x53: {  	[spmem:s10] =	stream.linear.scatter [tilespmem:s22], [sflag:$0x1], $0x2800, $0x38;
	[tilespmem:$0x19080] =	vst v63  }
0x54: {  	_ =	swait.ge [sflag:s23], $0x2800  }
0x55: {  	[sflag:s23] =	ssyncset.done $0x0  }
0x56: {  	[sflag:s23] =	ssyncadd.s32 $0xFFFFD800  }
0x57: {  	[spmem:s11] =	stream.linear.scatter [tilespmem:s22], [sflag:$0x1], $0x2800, $0x38;
	[tilespmem:$0x19080] =	vst v63  }
0x58: {  	_ =	swait.ge [sflag:s23], $0x2800  }
0x59: {  	[sflag:s23] =	ssyncset.done $0x0  }
0x5a: {  	[sflag:s23] =	ssyncadd.s32 $0xFFFFD800  }
0x5b: {  	s29 =	sadd.s32 $0x0, s21;
	[bflag:$0x0] =	sbarrier.arrive $0xFFFF  }
0x5c: {  	[tilespmem:s24], [sflag:$0x1] =	stream.linear.gather [hbm4b:s29+s3], $0x50, $0x38;
	[tilespmem:$0x19080] =	vst v63  }
0x5d: {  	_ =	swait.ge [sflag:s23], $0x50  }
0x5e: {  	[sflag:s23] =	ssyncset.done $0x0  }
0x5f: {  	[sflag:s23] =	ssyncadd.s32 $0xFFFFFFB0  }
0x60: {  	[spmem:s2] =	stream.indirect.scatter.add.f32 [tilespmem:s26], [sflag:$0x1], $0x80, s24, s25, $0xb8;
	[tilespmem:$0x19080] =	vst v63  }
0x61: {  	_ =	swait.ge [sflag:s23], $0x2800  }
0x62: {  	s30 =	simm.s32 $0x14;
	s29 =	simm.s32 $0xA;
	[sflag:s23] =	ssyncset.done $0x0  }
.LBB2_4:
0x63: {  	s31 =	sadd.s32 s29, s21  }
0x64: {  	[sflag:s23] =	ssyncadd.s32 $0xFFFFD800;
	s29 =	smov.u32 s30;
	s0 =	sadd.s32 $0xA, s30  }
0x65: {  	[tilespmem:s24], [sflag:$0x1] =	stream.linear.gather [hbm4b:s31+s3], $0x50, $0x38;
	[tilespmem:$0x19080] =	vst v63  }
0x66: {  	p0 =	sne.s32 s30, $0x4D8;
	_ =	swait.ge [sflag:s23], $0x50  }
.Ltmp1:
0x67: {  	[sflag:s23] =	ssyncset.done $0x0;
	(pc) =	sbr.rel @p0 .LBB2_4-.Ltmp1, $4  }
0x68: {  	[sflag:s23] =	ssyncadd.s32 $0xFFFFFFB0  }
0x69: {  	[spmem:s2] =	stream.indirect.scatter.add.f32 [tilespmem:s26], [sflag:$0x1], $0x80, s24, s25, $0xb8;
	[tilespmem:$0x19080] =	vst v63  }
0x6a: {  	_ =	swait.ge [sflag:s23], $0x2800  }
0x6b: {  	s30 =	smov.u32 s0;
	[sflag:s23] =	ssyncset.done $0x0  }
0x6c: {  	s0 =	sadd.s32 s29, s21;
	[sflag:s23] =	ssyncadd.s32 $0xFFFFD800  }
0x6d: {  	[tilespmem:s24], [sflag:$0x1] =	stream.linear.gather [hbm4b:s0+s3], $0x50, $0x38;
	[tilespmem:$0x19080] =	vst v63  }
0x6e: {  	_ =	swait.ge [sflag:s23], $0x50  }
0x6f: {  	[sflag:s23] =	ssyncset.done $0x0  }
0x70: {  	[sflag:s23] =	ssyncadd.s32 $0xFFFFFFB0  }
0x71: {  	[spmem:s2] =	stream.indirect.scatter.add.f32 [tilespmem:s26], [sflag:$0x1], $0x80, s24, s25, $0xb8;
	[tilespmem:$0x19080] =	vst v63  }
0x72: {  	_ =	swait.ge [sflag:s23], $0x2800  }
0x73: {  	[sflag:s23] =	ssyncset.done $0x0  }
0x74: {  	[sflag:s23] =	ssyncadd.s32 $0xFFFFD800  }
0x75: {  	[bflag:$0x0] =	sbarrier.arrive $0xFFFF  }
0x76: {  	[tilespmem:s22], [sflag:$0x1] =	stream.linear.gather [spmem:s4], $0x2800, $0x38;
	[tilespmem:$0x19080] =	vst v63  }
0x77: {  	_ =	swait.ge [sflag:s23], $0x2800  }
0x78: {  	[sflag:s23] =	ssyncset.done $0x0  }
0x79: {  	[sflag:s23] =	ssyncadd.s32 $0xFFFFD800  }
0x7a: {  	[hbm4b:s12+s3] =	stream.linear.scatter [tilespmem:s22], [sflag:$0x1], $0x2800, $0x38;
	[tilespmem:$0x19080] =	vst v63  }
0x7b: {  	_ =	swait.ge [sflag:s23], $0x2800  }
0x7c: {  	[sflag:s23] =	ssyncset.done $0x0  }
0x7d: {  	[sflag:s23] =	ssyncadd.s32 $0xFFFFD800  }
0x7e: {  	[tilespmem:s22], [sflag:$0x1] =	stream.linear.gather [spmem:s5], $0x2800, $0x38;
	[tilespmem:$0x19080] =	vst v63  }
0x7f: {  	_ =	swait.ge [sflag:s23], $0x2800  }
0x80: {  	[sflag:s23] =	ssyncset.done $0x0  }
0x81: {  	[sflag:s23] =	ssyncadd.s32 $0xFFFFD800  }
0x82: {  	[hbm4b:s13+s3] =	stream.linear.scatter [tilespmem:s22], [sflag:$0x1], $0x2800, $0x38;
	[tilespmem:$0x19080] =	vst v63  }
0x83: {  	_ =	swait.ge [sflag:s23], $0x2800  }
0x84: {  	[sflag:s23] =	ssyncset.done $0x0  }
0x85: {  	[sflag:s23] =	ssyncadd.s32 $0xFFFFD800  }
0x86: {  	[tilespmem:s22], [sflag:$0x1] =	stream.linear.gather [spmem:s6], $0x2800, $0x38;
	[tilespmem:$0x19080] =	vst v63  }
0x87: {  	_ =	swait.ge [sflag:s23], $0x2800  }
0x88: {  	[sflag:s23] =	ssyncset.done $0x0  }
0x89: {  	[sflag:s23] =	ssyncadd.s32 $0xFFFFD800  }
0x8a: {  	[hbm4b:s14+s3] =	stream.linear.scatter [tilespmem:s22], [sflag:$0x1], $0x2800, $0x38;
	[tilespmem:$0x19080] =	vst v63  }
0x8b: {  	_ =	swait.ge [sflag:s23], $0x2800  }
0x8c: {  	[sflag:s23] =	ssyncset.done $0x0  }
0x8d: {  	[sflag:s23] =	ssyncadd.s32 $0xFFFFD800  }
0x8e: {  	[tilespmem:s22], [sflag:$0x1] =	stream.linear.gather [spmem:s7], $0x2800, $0x38;
	[tilespmem:$0x19080] =	vst v63  }
0x8f: {  	_ =	swait.ge [sflag:s23], $0x2800  }
0x90: {  	[sflag:s23] =	ssyncset.done $0x0  }
0x91: {  	[sflag:s23] =	ssyncadd.s32 $0xFFFFD800  }
0x92: {  	[hbm4b:s15+s3] =	stream.linear.scatter [tilespmem:s22], [sflag:$0x1], $0x2800, $0x38;
	[tilespmem:$0x19080] =	vst v63  }
0x93: {  	_ =	swait.ge [sflag:s23], $0x2800  }
0x94: {  	[sflag:s23] =	ssyncset.done $0x0  }
0x95: {  	[sflag:s23] =	ssyncadd.s32 $0xFFFFD800  }
0x96: {  	[tilespmem:s22], [sflag:$0x1] =	stream.linear.gather [spmem:s8], $0x2800, $0x38;
	[tilespmem:$0x19080] =	vst v63  }
0x97: {  	_ =	swait.ge [sflag:s23], $0x2800  }
0x98: {  	[sflag:s23] =	ssyncset.done $0x0  }
0x99: {  	[sflag:s23] =	ssyncadd.s32 $0xFFFFD800  }
0x9a: {  	[hbm4b:s16+s3] =	stream.linear.scatter [tilespmem:s22], [sflag:$0x1], $0x2800, $0x38;
	[tilespmem:$0x19080] =	vst v63  }
0x9b: {  	_ =	swait.ge [sflag:s23], $0x2800  }
0x9c: {  	[sflag:s23] =	ssyncset.done $0x0  }
0x9d: {  	[sflag:s23] =	ssyncadd.s32 $0xFFFFD800  }
0x9e: {  	[tilespmem:s22], [sflag:$0x1] =	stream.linear.gather [spmem:s9], $0x2800, $0x38;
	[tilespmem:$0x19080] =	vst v63  }
0x9f: {  	_ =	swait.ge [sflag:s23], $0x2800  }
0xa0: {  	[sflag:s23] =	ssyncset.done $0x0  }
0xa1: {  	[sflag:s23] =	ssyncadd.s32 $0xFFFFD800  }
0xa2: {  	[hbm4b:s17+s3] =	stream.linear.scatter [tilespmem:s22], [sflag:$0x1], $0x2800, $0x38;
	[tilespmem:$0x19080] =	vst v63  }
0xa3: {  	_ =	swait.ge [sflag:s23], $0x2800  }
0xa4: {  	[sflag:s23] =	ssyncset.done $0x0  }
0xa5: {  	[sflag:s23] =	ssyncadd.s32 $0xFFFFD800  }
0xa6: {  	[tilespmem:s22], [sflag:$0x1] =	stream.linear.gather [spmem:s10], $0x2800, $0x38;
	[tilespmem:$0x19080] =	vst v63  }
0xa7: {  	_ =	swait.ge [sflag:s23], $0x2800  }
0xa8: {  	[sflag:s23] =	ssyncset.done $0x0  }
0xa9: {  	[sflag:s23] =	ssyncadd.s32 $0xFFFFD800  }
0xaa: {  	[hbm4b:s18+s3] =	stream.linear.scatter [tilespmem:s22], [sflag:$0x1], $0x2800, $0x38;
	[tilespmem:$0x19080] =	vst v63  }
0xab: {  	_ =	swait.ge [sflag:s23], $0x2800  }
0xac: {  	[sflag:s23] =	ssyncset.done $0x0  }
0xad: {  	[sflag:s23] =	ssyncadd.s32 $0xFFFFD800  }
0xae: {  	[tilespmem:s22], [sflag:$0x1] =	stream.linear.gather [spmem:s11], $0x2800, $0x38;
	[tilespmem:$0x19080] =	vst v63  }
0xaf: {  	s28 =	sadd.s32 $0x1, s28;
	_ =	swait.ge [sflag:s23], $0x2800  }
0xb0: {  	p0 =	sne.s32 s28, s20;
	[sflag:s23] =	ssyncset.done $0x0  }
.Ltmp2:
0xb1: {  	[sflag:s23] =	ssyncadd.s32 $0xFFFFD800;
	(pc) =	sbr.rel @p0 .LBB2_1-.Ltmp2, $4  }
0xb2: {  	[hbm4b:s19+s3] =	stream.linear.scatter [tilespmem:s22], [sflag:$0x1], $0x2800, $0x38;
	[tilespmem:$0x19080] =	vst v63  }
0xb3: {  	_ =	swait.ge [sflag:s23], $0x2800  }
0xb4: {  	[sflag:s23] =	ssyncset.done $0x0  }
0xb5: {  	[sflag:s23] =	ssyncadd.s32 $0xFFFFD800  }
0xb6: {  	_ =	sfence.sel $0x180000  }
0xb7: {  	[bflag:$0x0] =	sbarrier.arrive $0xFFFF  }
0xb8: {  	_ =	strace $0x9000004A  }
0xb9: {  	[bflag:$0x2] =	sbarrier.arrive $0xFFFF  }
0xba: {  	p0 =	sne.s32 s1, $0x0;
	s0 =	rddreg [dreg:$0x3]  }
0xbb: {  	s0 =	sadd.s32 @!p0 $0x100000, s0  }
0xbc: {  	[sflag:s0] =	ssyncadd.tile.s32 @!p0 $0x1;
	_ =	shalt  }
.Lfunc_end2:
_tile_overlayer_lowered:
.L_overlay_start_2:
0xbd: {  	(tag) =	ssettag $0x2  }
0xbe: {  	s0 =	rddreg [dreg:$0x0];
	s2 =	stileid.u32  }
0xbf: {  	s1 =	rddreg [dreg:$0x1];
	p0 =	sne.s32 s2, $0x0  }
0xc0: {  	s3 =	rddreg [dreg:$0x2];
	[bflag:$0x3] =	sbarrier.arrive $0xFFFF;
	s2 =	simm.s32 @!p0 $0x1C01  }
0xc1: {  	[timem:s3], [sflag:s2] =	dma.local @!p0 [hbm:s0], s1  }
0xc2: {  	s0 =	simm.s32 @!p0 $0x1  }
0xc3: {  	_ =	swait.ge @!p0 [sflag:s0], s1  }
0xc4: {  	s1 =	ssub.s32 @!p0 $0x0, s1;
	[sflag:s0] =	ssyncset.done @!p0 $0x0  }
0xc5: {  	[sflag:s0] =	ssyncadd.s32 @!p0 s1  }
0xc6: {  	[bflag:$0x3] =	sbarrier.arrive $0xFFFF  }
0xc7: {  	_ =	shalt  }

// kernel: kernel.15.cloned.1.call-start
scs
__scs_entry_jumppad:
0x0: {  	(pc) =	sbr.rel $0x88, $3  }
0x1: {  	(tag) =	ssettag $0x0;
	lr =	simm.s32 $0x1  }
0x2: {  	[smem:$0x3F93] =	sst lr;
	_ =	strace $0xD0000000  }
0x3: {  	_ = 	snop  }
0x4: {  	_ = 	snop  }
0x5: {  	_ = 	snop  }
0x6: {  	_ = 	snop  }
0x7: {  	_ = 	snop  }
__scs_overlays_trampoline_lowered:
0x8: {  	[smem:$0x3FA2] =	sst s0  }
0x9: {  	[smem:$0x3FA3] =	sst s1  }
0xa: {  	[smem:$0x3FA4] =	sst s2  }
0xb: {  	[smem:$0x3FA5] =	sst s3  }
0xc: {  	[smem:$0x3FA6] =	sst s4  }
0xd: {  	[smem:$0x3FA7] =	sst s5  }
0xe: {  	[smem:$0x3FA8] =	sst s6  }
0xf: {  	[smem:$0x3FA9] =	sst s7  }
0x10: {  	[smem:$0x3FAA] =	sst s8  }
0x11: {  	[smem:$0x3FAB] =	sst s9;
	s0 =	simm.s32 @!p0 $0x0  }
0x12: {  	s1 =	sld [smem:$0x3F91];
	s0 =	simm.s32 @p0 $0x1  }
0x13: {  	[smem:$0x3FAC] =	sst s0;
	s0 =	simm.s32 @!p1 $0x0  }
0x14: {  	s2 =	sld [smem:$0x3F90];
	s0 =	simm.s32 @p1 $0x1  }
0x15: {  	[smem:$0x3FAD] =	sst s0;
	s0 =	simm.s32 @!p2 $0x0  }
0x16: {  	s3 =	sld [smem:$0x3FDB];
	s0 =	simm.s32 @p2 $0x1  }
0x17: {  	s4 =	simm.s32 $0x1BF5;
	[smem:$0x3FAF] =	sst s0  }
0x18: {  	s0 =	sld [smem:$0x3F92];
	_ =	swait.ge [sflag:s4], $0x0  }
0x19: {  	s7 =	sld [smem:$0x3F93]  }
0x1a: {  	s8 =	sadd.s32 $0xFFFFE003, lr  }
0x1b: {  	s9 =	sadd.s32 $0xFFFFFEF7, lr;
	s5 =	simm.s32 $0xFFFFFFFF;
	p2 =	slt.u32 s8, $0xFFFFF086  }
0x1c: {  	p1 =	slt.u32 s9, $0xF7A;
	s5 =	simm.s32 @!p2 $0x0  }
0x1d: {  	s5 =	simm.s32 @p1 $0x1;
	p0 =	seq.s32 s7, s2  }
0x1e: {  	s7 =	smul.u32 @!p0 $0xF7A, s2;
	p2 =	seq.s32 @!p0 s5, $0x0  }
0x1f: {  	s9 =	smul.u32 $0xF7A, s1;
	s8 =	simm.s32 @!p0 $0x1BF5;
	p2 =	por !p2, p0  }
0x20: {  	[sflag:s8] =	ssyncset.s32 @!p0 $0xFFFFF086;
	s6 =	sadd.s32 @!p0 s3, s7;
	s7 =	simm.s32 @!p0 $0x108  }
0x21: {  	s3 =	sadd.s32 s3, s9;
	s6 =	sadd.s32 @!p0 $0x88, s6;
	s7 =	simm.s32 @p2 $0x1082  }
0x22: {  	[simem:s7], [sflag:s8] =	dma.local @!p0 [hbm:s6], $0xF7A  }
0x23: {  	s9 =	sor.u32 $0xD0000000, s2;
	s6 =	simm.s32 $0x108;
	_ =	swait.ge @!p0 [sflag:s8], $0x0  }
0x24: {  	s3 =	sadd.s32 $0x88, s3;
	s6 =	simm.s32 @!p1 $0x1082;
	[sflag:s4] =	ssyncset.s32 $0xFFFFF086  }
0x25: {  	[simem:s6], [sflag:s4] =	dma.local [hbm:s3], $0xF7A  }
0x26: {  	[smem:$0x3F93] =	sst s1;
	(tag) =	ssettag s2;
	_ =	strace s9  }
0x27: {  	s1 =	sld [smem:$0x3FA3]  }
0x28: {  	s2 =	sld [smem:$0x3FA4]  }
0x29: {  	s4 =	sld [smem:$0x3FA6]  }
0x2a: {  	p0 =	seq.s32 s5, $0x0;
	s5 =	sld [smem:$0x3FA7]  }
0x2b: {  	s6 =	sld [smem:$0x3FA8]  }
0x2c: {  	s7 =	sld [smem:$0x3FA9]  }
0x2d: {  	s3 =	simm.s32 $0x108;
	s8 =	sld [smem:$0x3FAA]  }
0x2e: {  	s3 =	simm.s32 @!p0 $0x1082;
	s9 =	sld [smem:$0x3FAB]  }
0x2f: {  	lr =	sadd.s32 s0, s3;
	s0 =	sld [smem:$0x3FA2]  }
0x30: {  	s3 =	sld [smem:$0x3FA5]  }
0x31: {  	[smem:$0x3FAE] =	sst s10  }
0x32: {  	s10 =	sld [smem:$0x3FAC];
	_ =	sdelay $0x3  }
0x33: {  	p0 =	seq.s32 s10, $0x1;
	s10 =	sld [smem:$0x3FAE];
	_ =	sdelay $0x3  }
0x34: {  	[smem:$0x3FAE] =	sst s10  }
0x35: {  	s10 =	sld [smem:$0x3FAD];
	_ =	sdelay $0x3  }
0x36: {  	p1 =	seq.s32 s10, $0x1;
	s10 =	sld [smem:$0x3FAE];
	_ =	sdelay $0x3  }
0x37: {  	[smem:$0x3FAE] =	sst s10  }
0x38: {  	s10 =	sld [smem:$0x3FAF]  }
0x39: {  	_ = 	snop;
	(pc) =	sbr.ind lr, $3  }
0x3a: {  	_ = 	snop  }
0x3b: {  	_ = 	snop  }
0x3c: {  	p2 =	seq.s32 s10, $0x1;
	s10 =	sld [smem:$0x3FAE]  }
0x3d: {  	_ =	shalt  }
0x3e: {  	_ =	shalt  }
0x3f: {  	_ =	shalt  }
0x40: {  	_ =	shalt  }
0x41: {  	_ =	shalt  }
0x42: {  	_ =	shalt  }
0x43: {  	_ =	shalt  }
0x44: {  	_ =	shalt  }
0x45: {  	_ =	shalt  }
0x46: {  	_ =	shalt  }
0x47: {  	_ =	shalt  }
0x48: {  	_ =	shalt  }
0x49: {  	_ =	shalt  }
0x4a: {  	_ =	shalt  }
0x4b: {  	_ =	shalt  }
0x4c: {  	_ =	shalt  }
0x4d: {  	_ =	shalt  }
0x4e: {  	_ =	shalt  }
0x4f: {  	_ =	shalt  }
0x50: {  	_ =	shalt  }
0x51: {  	_ =	shalt  }
0x52: {  	_ =	shalt  }
0x53: {  	_ =	shalt  }
0x54: {  	_ =	shalt  }
0x55: {  	_ =	shalt  }
0x56: {  	_ =	shalt  }
0x57: {  	_ =	shalt  }
0x58: {  	_ =	shalt  }
0x59: {  	_ =	shalt  }
0x5a: {  	_ =	shalt  }
0x5b: {  	_ =	shalt  }
0x5c: {  	_ =	shalt  }
0x5d: {  	_ =	shalt  }
0x5e: {  	_ =	shalt  }
0x5f: {  	_ =	shalt  }
0x60: {  	_ =	shalt  }
0x61: {  	_ =	shalt  }
0x62: {  	_ =	shalt  }
0x63: {  	_ =	shalt  }
0x64: {  	_ =	shalt  }
0x65: {  	_ =	shalt  }
0x66: {  	_ =	shalt  }
0x67: {  	_ =	shalt  }
0x68: {  	_ =	shalt  }
0x69: {  	_ =	shalt  }
0x6a: {  	_ =	shalt  }
0x6b: {  	_ =	shalt  }
0x6c: {  	_ =	shalt  }
0x6d: {  	_ =	shalt  }
0x6e: {  	_ =	shalt  }
0x6f: {  	_ =	shalt  }
0x70: {  	_ =	shalt  }
0x71: {  	_ =	shalt  }
0x72: {  	_ =	shalt  }
0x73: {  	_ =	shalt  }
0x74: {  	_ =	shalt  }
0x75: {  	_ =	shalt  }
0x76: {  	_ =	shalt  }
0x77: {  	_ =	shalt  }
0x78: {  	_ =	shalt  }
0x79: {  	_ =	shalt  }
0x7a: {  	_ =	shalt  }
0x7b: {  	_ =	shalt  }
0x7c: {  	_ =	shalt  }
0x7d: {  	_ =	shalt  }
0x7e: {  	_ =	shalt  }
0x7f: {  	_ =	shalt  }
0x80: {  	_ =	shalt  }
0x81: {  	_ =	shalt  }
0x82: {  	_ =	shalt  }
0x83: {  	_ =	shalt  }
0x84: {  	_ =	shalt  }
0x85: {  	_ =	shalt  }
0x86: {  	_ =	shalt  }
0x87: {  	_ =	shalt  }
.Lfunc_end0:
.L_simem_size_0:
called_computation.1_lowered:
.L_overlay_start_0:
0x88: {  	s2 =	sld [smem:$0x3FD9]  }
0x89: {  	s3 =	sld [smem:$0x3FFE];
	_ =	sdelay $0x1  }
0x8a: {  	s1 =	srdreg.scid  }
0x8b: {  	s0 =	sand.u32 $0x1, s1  }
0x8c: {  	s17 =	sshll.u32 s0, $0xA;
	s2 =	sadd.s32 s3, s2  }
0x8d: {  	s2 =	sadd.s32 s2, s17  }
0x8e: {  	[smem:$0x3FBA] =	sst s2  }
0x8f: {  	_ = 	snop  }
0x90: {  	s2 =	sld [smem:$0x3FD0];
	(tm) =	ssettm $0x1  }
0x91: {  	s18 =	sld [smem:$0x3FFB];
	_ =	sdelay $0x3  }
0x92: {  	_ =	strace s18  }
0x93: {  	s3 =	sld [smem:$0x3FFC];
	_ =	sdelay $0x3  }
0x94: {  	_ =	strace s3  }
0x95: {  	s3 =	sld [smem:$0x3FFD];
	_ =	sdelay $0x3  }
0x96: {  	_ =	strace s3  }
0x97: {  	_ =	strace $0x8FFFFFFF  }
0x98: {  	s19 =	sld [smem:$0x3FDB];
	_ =	sdelay $0x1  }
0x99: {  	s4 =	simm.s32 $_scs_section_size  }
0x9a: {  	s5 =	simm.s32 $_size__tile_overlayer_lowered;
	s6 =	simm.s32 $_tile_overlayer_lowered  }
0x9b: {  	s22 =	simm.s32 $0x1BFF;
	s21 =	sshll.u32 s6, $0x1;
	s3 =	sadd.s32 s4, s19  }
0x9c: {  	s7 =	simm.s32 $0x0;
	s20 =	sshll.u32 s5, $0x1;
	s5 =	sadd.s32 s21, s3  }
0x9d: {  	[timem:s7], [sflag:s22] =	dma.local [hbm:s5], s20  }
0x9e: {  	_ =	swait.ge [sflag:s22], s20  }
0x9f: {  	s4 =	ssub.s32 $0x0, s20;
	[sflag:s22] =	ssyncset.done $0x0  }
0xa0: {  	[sflag:s22] =	ssyncadd.s32 s4;
	_ =	sdelay $0x1  }
0xa1: {  	s23 =	simm.s32 $0x1B8B  }
0xa2: {  	_ =	swait.ge [sflag:s23], $0x1  }
0xa3: {  	[sflag:s23] =	ssyncset.done $0x0  }
0xa4: {  	s25 =	simm.s32 $0x1B8E;
	s24 =	sld [smem:$0x3FFE];
	[sflag:s23] =	ssyncadd.s32 $0xFFFFFFFF  }
0xa5: {  	s26 =	simm.s32 $execute0_lowered;
	[smem:$0x3FD2] =	sst s25  }
0xa6: {  	s5 =	sshll.u32 s26, $0x1;
	_ =	strace $0x80000046;
	[dreg:$0x1] =	wrdreg $0xFFFFFFFF  }
0xa7: {  	s28 =	simm.s32 $_size_execute0_lowered;
	s3 =	sadd.s32 s3, s5;
	[dreg:$0x0] =	wrdreg $0x0  }
0xa8: {  	s5 =	sshll.u32 s28, $0x1;
	[dreg:$0x2] =	wrdreg s3  }
0xa9: {  	[dreg:$0x3] =	wrdreg s5  }
0xaa: {  	[dreg:$0x4] =	wrdreg $0xC0  }
0xab: {  	_ =	task [dreg:s7], $0x5FFFF  }
0xac: {  	[dreg:$0x1] =	wrdreg $0xFFFFFFFF  }
0xad: {  	[dreg:$0x0] =	wrdreg $0x60  }
0xae: {  	[dreg:$0x2] =	wrdreg s24  }
0xaf: {  	[dreg:$0x3] =	wrdreg s2  }
0xb0: {  	[dreg:$0x4] =	wrdreg $0x0  }
0xb1: {  	[dreg:$0x5] =	wrdreg $0xA  }
0xb2: {  	_ =	task.clear_ibuf [dreg:s7], $0x6FFFF;
	_ =	strace $0x90000046  }
0xb3: {  	s29 =	simm.s32 $0xA;
	_ =	strace $0x80000048  }
0xb4: {  	_ =	swait.ge [sflag:s29], $0x1  }
0xb5: {  	[sflag:s29] =	ssyncadd.s32 $0xFFFFFFFF  }
0xb6: {  	_ =	strace $0x90000048  }
0xb7: {  	_ =	sfence  }
0xb8: {  	s30 =	sld [smem:$0x0];
	_ =	sdelay $0x2  }
0xb9: {  	s31 =	sshll.u32 s1, $0xD;
	s1 =	sshrl.u32 s1, $0x2  }
0xba: {  	s3 =	sand.u32 $0x4000, s31;
	s1 =	sadd.s32 s1, s30  }
0xbb: {  	s0 =	sor.u32 s3, s0;
	s1 =	sshll.u32 s1, $0x11  }
0xbc: {  	s0 =	sor.u32 s1, s0  }
0xbd: {  	s0 =	sadd.s32 $0x8F2B, s0  }
0xbe: {  	[sflag:s0] =	ssyncadd.remote.s32 $0x1  }
0xbf: {  	_ =	sfence.sel $0xFFFF  }
0xc0: {  	[dreg:$0x0] =	wrdreg $0xFFFFFFFF;
	(pc) =	sbr.abs _section_cstart, $3  }
0xc1: {  	[dreg:$0x1] =	wrdreg $0xFFFFFFFF  }
0xc2: {  	_ =	task.clear_ibuf [dreg:s7], $0x2FFFF;
	_ =	strace $0x9FFFFFFF  }
0xc3: {  	(tm) =	ssettm $0x7FFFFFFF  }
tec
execute0_lowered:
.L_overlay_start_1:
0x0: {  	(tag) =	ssettag $0x1  }
0x1: {  	s0 =	rddreg [dreg:$0x0]  }
0x2: {  	s22 =	rddreg [dreg:$0x1]  }
0x3: {  	s1 =	srdreg.scid;
	s7 =	stileid.u32  }
0x4: {  	s2 =	rddreg [dreg:$0x2];
	s5 =	smul.u32 $0x2710, s7  }
0x5: {  	s3 =	simm.s32 $0x0;
	s30 =	simm.s32 $0x1;
	s17 =	smul.u32 $0x50000, s7  }
0x6: {  	s31 =	simm.s32 $0x0;
	s1 =	sand.u32 $0x1, s1;
	s12 =	smul.u32 $0x14000, s7  }
0x7: {  	[smem:$0x7FF] =	sst s3;
	s4 =	smul.u32 $0x27100, s1;
	s6 =	ssub.s32 $0x2, s1  }
0x8: {  	_ =	strace $0x80000047;
	s1 =	smul.u32 $0x140000, s1;
	s18 =	sshrl.u32 s6, $0x1  }
0x9: {  	s13 =	sor.u32 $0x2800, s12;
	s14 =	sadd.s32 $0x5000, s12;
	s15 =	sadd.s32 $0x7800, s12  }
0xa: {  	s16 =	sadd.s32 $0xA000, s12;
	s19 =	sadd.s32 $0x11800, s12;
	s5 =	sadd.s32 s5, s4  }
0xb: {  	s4 =	sadd.s32 $0xDC00, s0;
	s21 =	ssub.s32 s6, s18;
	s6 =	sadd.s32 s13, s2  }
0xc: {  	s7 =	sadd.s32 s14, s2;
	s8 =	sadd.s32 s15, s2;
	s18 =	sadd.s32 $0xF000, s12  }
0xd: {  	s9 =	sadd.s32 s16, s2;
	s20 =	sadd.s32 s12, s1;
	s13 =	sadd.s32 s1, s13  }
0xe: {  	s25 =	sadd.s32 s1, s14;
	s26 =	sadd.s32 s1, s15;
	s16 =	sadd.s32 s1, s16  }
0xf: {  	s23 =	sshrl.u32 s5, $0x3;
	s5 =	sshrl.u32 s17, $0x2;
	s17 =	sadd.s32 $0xC800, s12  }
0x10: {  	s11 =	sadd.s32 s18, s2;
	s29 =	sadd.s32 s1, s18;
	s12 =	sadd.s32 s19, s2  }
0x11: {  	s21 =	smax.u32 s21, $0x1;
	s24 =	sadd.s32 s23, s0;
	s0 =	sadd.s32 $0x34E00, s0  }
0x12: {  	s5 =	sadd.s32 s5, s2;
	s10 =	sadd.s32 s17, s2;
	s28 =	sadd.s32 s1, s17  }
0x13: {  	s1 =	sadd.s32 s1, s19;
	s19 =	sshrl.u32 s20, $0x3;
	s20 =	sshrl.u32 s13, $0x3  }
0x14: {  	s17 =	sshrl.u32 s25, $0x3;
	s22 =	sadd.s32 s23, s22;
	s14 =	sadd.s32 s0, s19  }
0x15: {  	s15 =	sadd.s32 s0, s20;
	s18 =	sadd.s32 s0, s17;
	s19 =	sshrl.u32 s26, $0x3  }
0x16: {  	s20 =	sshrl.u32 s16, $0x3;
	s25 =	sshrl.u32 s28, $0x3;
	s26 =	sshrl.u32 s29, $0x3  }
0x17: {  	s1 =	sshrl.u32 s1, $0x3;
	s23 =	sadd.s32 $0x3E00, s24;
	[dreg:$0x4] =	wrdreg s14  }
0x18: {  	s24 =	simm.s32 $0x14100;
	s28 =	simm.s32 $0x14080;
	[dreg:$0x5] =	wrdreg s15  }
0x19: {  	s29 =	simm.s32 $0x50;
	[dreg:$0x6] =	wrdreg s18;
	s16 =	sadd.s32 s0, s19  }
0x1a: {  	s17 =	sadd.s32 s0, s20;
	s18 =	sadd.s32 s0, s25;
	s19 =	sadd.s32 s0, s26  }
0x1b: {  	v0 =	vimm.f32 $0.0e+00;
	s20 =	sadd.s32 s0, s1;
	s25 =	simm.s32 $0x2;
	s26 =	simm.s32 $0x14000  }
.LBB2_1:
0x1c: {  	s0 =	simm.s32 $0x0;
	s1 =	simm.s32 $0x200  }
.LBB2_2:
0x1d: {  	p0 =	sne.s32 s1, $0x9E00;
	[tilespmem:s0+$0x14170] =	vst v0  }
0x1e: {  	[tilespmem:s0+$0x14100] =	vst v0  }
0x1f: {  	[tilespmem:s0+$0x14110] =	vst v0  }
.Ltmp0:
0x20: {  	[tilespmem:s0+$0x14120] =	vst v0;
	(pc) =	sbr.rel @p0 .LBB2_2-.Ltmp0, $4  }
0x21: {  	[tilespmem:s0+$0x14130] =	vst v0  }
0x22: {  	[tilespmem:s0+$0x14140] =	vst v0  }
0x23: {  	[tilespmem:s0+$0x14150] =	vst v0  }
0x24: {  	[tilespmem:s0+$0x14160] =	vst v0;
	s0 =	sshra.s32 s1, $0x2;
	s1 =	sadd.s32 $0x200, s1  }
0x25: {  	[tilespmem:s0+$0x14170] =	vst v0  }
0x26: {  	[tilespmem:s0+$0x14100] =	vst v0  }
0x27: {  	[tilespmem:s0+$0x14110] =	vst v0  }
0x28: {  	[tilespmem:s0+$0x14120] =	vst v0  }
0x29: {  	[tilespmem:s0+$0x14130] =	vst v0  }
0x2a: {  	[tilespmem:s0+$0x14140] =	vst v0  }
0x2b: {  	[tilespmem:s0+$0x14150] =	vst v0  }
0x2c: {  	[tilespmem:s0+$0x14160] =	vst v0  }
0x2d: {  	[spmem:s5] =	stream.linear.scatter [tilespmem:s24], [sflag:$0x2], $0x2800, $0x38;
	[tilespmem:$0x16900] =	vst v63  }
0x2e: {  	_ =	swait.ge [sflag:s25], $0x2800  }
0x2f: {  	[sflag:s25] =	ssyncset.done $0x0  }
0x30: {  	[sflag:s25] =	ssyncadd.s32 $0xFFFFD800  }
0x31: {  	[spmem:s6] =	stream.linear.scatter [tilespmem:s24], [sflag:$0x2], $0x2800, $0x38;
	[tilespmem:$0x16900] =	vst v63  }
0x32: {  	_ =	swait.ge [sflag:s25], $0x2800  }
0x33: {  	[sflag:s25] =	ssyncset.done $0x0  }
0x34: {  	[sflag:s25] =	ssyncadd.s32 $0xFFFFD800  }
0x35: {  	[spmem:s7] =	stream.linear.scatter [tilespmem:s24], [sflag:$0x2], $0x2800, $0x38;
	[tilespmem:$0x16900] =	vst v63  }
0x36: {  	_ =	swait.ge [sflag:s25], $0x2800  }
0x37: {  	[sflag:s25] =	ssyncset.done $0x0  }
0x38: {  	[sflag:s25] =	ssyncadd.s32 $0xFFFFD800  }
0x39: {  	[spmem:s8] =	stream.linear.scatter [tilespmem:s24], [sflag:$0x2], $0x2800, $0x38;
	[tilespmem:$0x16900] =	vst v63  }
0x3a: {  	_ =	swait.ge [sflag:s25], $0x2800  }
0x3b: {  	[sflag:s25] =	ssyncset.done $0x0  }
0x3c: {  	[sflag:s25] =	ssyncadd.s32 $0xFFFFD800  }
0x3d: {  	[spmem:s9] =	stream.linear.scatter [tilespmem:s24], [sflag:$0x2], $0x2800, $0x38;
	[tilespmem:$0x16900] =	vst v63  }
0x3e: {  	_ =	swait.ge [sflag:s25], $0x2800  }
0x3f: {  	[sflag:s25] =	ssyncset.done $0x0  }
0x40: {  	[sflag:s25] =	ssyncadd.s32 $0xFFFFD800  }
0x41: {  	[spmem:s10] =	stream.linear.scatter [tilespmem:s24], [sflag:$0x2], $0x2800, $0x38;
	[tilespmem:$0x16900] =	vst v63  }
0x42: {  	_ =	swait.ge [sflag:s25], $0x2800  }
0x43: {  	[sflag:s25] =	ssyncset.done $0x0  }
0x44: {  	[sflag:s25] =	ssyncadd.s32 $0xFFFFD800  }
0x45: {  	[spmem:s11] =	stream.linear.scatter [tilespmem:s24], [sflag:$0x2], $0x2800, $0x38;
	[tilespmem:$0x16900] =	vst v63  }
0x46: {  	_ =	swait.ge [sflag:s25], $0x2800  }
0x47: {  	[sflag:s25] =	ssyncset.done $0x0  }
0x48: {  	[sflag:s25] =	ssyncadd.s32 $0xFFFFD800  }
0x49: {  	[spmem:s12] =	stream.linear.scatter [tilespmem:s24], [sflag:$0x2], $0x2800, $0x38;
	[tilespmem:$0x16900] =	vst v63  }
0x4a: {  	_ =	swait.ge [sflag:s25], $0x2800  }
0x4b: {  	[sflag:s25] =	ssyncset.done $0x0  }
0x4c: {  	[sflag:s25] =	ssyncadd.s32 $0xFFFFD800  }
0x4d: {  	s14 =	sadd.s32 $0x0, s23;
	[bflag:$0x0] =	sbarrier.arrive $0xFFFF  }
0x4e: {  	[tilespmem:s26], [sflag:$0x2] =	stream.linear.gather [hbm4b:s14+s3], $0x50, $0x38;
	[tilespmem:$0x16900] =	vst v63  }
0x4f: {  	_ =	swait.ge [sflag:s25], $0x50  }
0x50: {  	[sflag:s25] =	ssyncset.done $0x0  }
0x51: {  	s15 =	sadd.s32 $0x0, s22;
	[sflag:s25] =	ssyncadd.s32 $0xFFFFFFB0  }
0x52: {  	[tilespmem:s28], [sflag:$0x2] =	stream.linear.gather [hbm4b:s15+s3], $0x50, $0x38;
	[tilespmem:$0x16900] =	vst v63  }
0x53: {  	_ =	swait.ge [sflag:s25], $0x50  }
0x54: {  	[sflag:s25] =	ssyncset.done $0x0  }
0x55: {  	[sflag:s25] =	ssyncadd.s32 $0xFFFFFFB0  }
0x56: {  	[tilespmem:s24], [sflag:$0x1] =	stream.indirect.gather [hbm4b:s4+s29], $0x80, s26, s29, $0xb8;
	[tilespmem:$0x16900] =	vst v63  }
0x57: {  	_ =	swait.ge [sflag:s30], $0x2800  }
0x58: {  	[sflag:s30] =	ssyncset.done $0x0  }
0x59: {  	[sflag:s30] =	ssyncadd.s32 $0xFFFFD800  }
0x5a: {  	[spmem:s2] =	stream.indirect.scatter.add.f32 [tilespmem:s24], [sflag:$0x2], $0x80, s28, s29, $0xb8;
	[tilespmem:$0x16900] =	vst v63  }
0x5b: {  	_ =	swait.ge [sflag:s25], $0x2800  }
0x5c: {  	s0 =	simm.s32 $0xA;
	s1 =	simm.s32 $0x14;
	[sflag:s25] =	ssyncset.done $0x0  }
.LBB2_4:
0x5d: {  	s13 =	sadd.s32 s0, s23  }
0x5e: {  	[sflag:s25] =	ssyncadd.s32 $0xFFFFD800;
	s14 =	smov.u32 s1;
	s15 =	sadd.s32 $0xA, s1  }
0x5f: {  	[tilespmem:s26], [sflag:$0x2] =	stream.linear.gather [hbm4b:s13+s3], $0x50, $0x38;
	[tilespmem:$0x16900] =	vst v63  }
0x60: {  	p0 =	sne.s32 s1, $0x4D8;
	_ =	swait.ge [sflag:s25], $0x50  }
0x61: {  	[sflag:s25] =	ssyncset.done $0x0  }
0x62: {  	s1 =	sadd.s32 s0, s22;
	s0 =	smov.u32 s14;
	[sflag:s25] =	ssyncadd.s32 $0xFFFFFFB0  }
0x63: {  	[tilespmem:s28], [sflag:$0x2] =	stream.linear.gather [hbm4b:s1+s3], $0x50, $0x38;
	[tilespmem:$0x16900] =	vst v63  }
0x64: {  	_ =	swait.ge [sflag:s25], $0x50  }
0x65: {  	[sflag:s25] =	ssyncset.done $0x0  }
0x66: {  	[sflag:s25] =	ssyncadd.s32 $0xFFFFFFB0  }
0x67: {  	[tilespmem:s24], [sflag:$0x1] =	stream.indirect.gather [hbm4b:s4+s29], $0x80, s26, s29, $0xb8;
	[tilespmem:$0x16900] =	vst v63  }
0x68: {  	_ =	swait.ge [sflag:s30], $0x2800  }
.Ltmp1:
0x69: {  	[sflag:s30] =	ssyncset.done $0x0;
	(pc) =	sbr.rel @p0 .LBB2_4-.Ltmp1, $4  }
0x6a: {  	[sflag:s30] =	ssyncadd.s32 $0xFFFFD800  }
0x6b: {  	[spmem:s2] =	stream.indirect.scatter.add.f32 [tilespmem:s24], [sflag:$0x2], $0x80, s28, s29, $0xb8;
	[tilespmem:$0x16900] =	vst v63  }
0x6c: {  	_ =	swait.ge [sflag:s25], $0x2800  }
0x6d: {  	s1 =	smov.u32 s15;
	[sflag:s25] =	ssyncset.done $0x0  }
0x6e: {  	s1 =	sadd.s32 s0, s23;
	[sflag:s25] =	ssyncadd.s32 $0xFFFFD800  }
0x6f: {  	[tilespmem:s26], [sflag:$0x2] =	stream.linear.gather [hbm4b:s1+s3], $0x50, $0x38;
	[tilespmem:$0x16900] =	vst v63  }
0x70: {  	_ =	swait.ge [sflag:s25], $0x50  }
0x71: {  	[sflag:s25] =	ssyncset.done $0x0  }
0x72: {  	s1 =	sadd.s32 s0, s22;
	[sflag:s25] =	ssyncadd.s32 $0xFFFFFFB0  }
0x73: {  	[tilespmem:s28], [sflag:$0x2] =	stream.linear.gather [hbm4b:s1+s3], $0x50, $0x38;
	[tilespmem:$0x16900] =	vst v63  }
0x74: {  	_ =	swait.ge [sflag:s25], $0x50  }
0x75: {  	[sflag:s25] =	ssyncset.done $0x0  }
0x76: {  	[sflag:s25] =	ssyncadd.s32 $0xFFFFFFB0  }
0x77: {  	[tilespmem:s24], [sflag:$0x1] =	stream.indirect.gather [hbm4b:s4+s29], $0x80, s26, s29, $0xb8;
	[tilespmem:$0x16900] =	vst v63  }
0x78: {  	_ =	swait.ge [sflag:s30], $0x2800  }
0x79: {  	[sflag:s30] =	ssyncset.done $0x0  }
0x7a: {  	[sflag:s30] =	ssyncadd.s32 $0xFFFFD800  }
0x7b: {  	[spmem:s2] =	stream.indirect.scatter.add.f32 [tilespmem:s24], [sflag:$0x2], $0x80, s28, s29, $0xb8;
	[tilespmem:$0x16900] =	vst v63  }
0x7c: {  	_ =	swait.ge [sflag:s25], $0x2800  }
0x7d: {  	[sflag:s25] =	ssyncset.done $0x0  }
0x7e: {  	[sflag:s25] =	ssyncadd.s32 $0xFFFFD800  }
0x7f: {  	[bflag:$0x0] =	sbarrier.arrive $0xFFFF  }
0x80: {  	[tilespmem:s24], [sflag:$0x2] =	stream.linear.gather [spmem:s5], $0x2800, $0x38;
	[tilespmem:$0x16900] =	vst v63  }
0x81: {  	_ =	swait.ge [sflag:s25], $0x2800  }
0x82: {  	[sflag:s25] =	ssyncset.done $0x0  }
0x83: {  	s13 =	rddreg [dreg:$0x4];
	[sflag:s25] =	ssyncadd.s32 $0xFFFFD800  }
0x84: {  	[hbm4b:s13+s3] =	stream.linear.scatter [tilespmem:s24], [sflag:$0x2], $0x2800, $0x38;
	[tilespmem:$0x16900] =	vst v63  }
0x85: {  	_ =	swait.ge [sflag:s25], $0x2800  }
0x86: {  	[sflag:s25] =	ssyncset.done $0x0  }
0x87: {  	[sflag:s25] =	ssyncadd.s32 $0xFFFFD800  }
0x88: {  	[tilespmem:s24], [sflag:$0x2] =	stream.linear.gather [spmem:s6], $0x2800, $0x38;
	[tilespmem:$0x16900] =	vst v63  }
0x89: {  	_ =	swait.ge [sflag:s25], $0x2800  }
0x8a: {  	[sflag:s25] =	ssyncset.done $0x0  }
0x8b: {  	s14 =	rddreg [dreg:$0x5];
	[sflag:s25] =	ssyncadd.s32 $0xFFFFD800  }
0x8c: {  	[hbm4b:s14+s3] =	stream.linear.scatter [tilespmem:s24], [sflag:$0x2], $0x2800, $0x38;
	[tilespmem:$0x16900] =	vst v63  }
0x8d: {  	_ =	swait.ge [sflag:s25], $0x2800  }
0x8e: {  	[sflag:s25] =	ssyncset.done $0x0  }
0x8f: {  	[sflag:s25] =	ssyncadd.s32 $0xFFFFD800  }
0x90: {  	[tilespmem:s24], [sflag:$0x2] =	stream.linear.gather [spmem:s7], $0x2800, $0x38;
	[tilespmem:$0x16900] =	vst v63  }
0x91: {  	_ =	swait.ge [sflag:s25], $0x2800  }
0x92: {  	[sflag:s25] =	ssyncset.done $0x0  }
0x93: {  	s15 =	rddreg [dreg:$0x6];
	[sflag:s25] =	ssyncadd.s32 $0xFFFFD800  }
0x94: {  	[hbm4b:s15+s3] =	stream.linear.scatter [tilespmem:s24], [sflag:$0x2], $0x2800, $0x38;
	[tilespmem:$0x16900] =	vst v63  }
0x95: {  	_ =	swait.ge [sflag:s25], $0x2800  }
0x96: {  	[sflag:s25] =	ssyncset.done $0x0  }
0x97: {  	[sflag:s25] =	ssyncadd.s32 $0xFFFFD800  }
0x98: {  	[tilespmem:s24], [sflag:$0x2] =	stream.linear.gather [spmem:s8], $0x2800, $0x38;
	[tilespmem:$0x16900] =	vst v63  }
0x99: {  	_ =	swait.ge [sflag:s25], $0x2800  }
0x9a: {  	[sflag:s25] =	ssyncset.done $0x0  }
0x9b: {  	[sflag:s25] =	ssyncadd.s32 $0xFFFFD800  }
0x9c: {  	[hbm4b:s16+s3] =	stream.linear.scatter [tilespmem:s24], [sflag:$0x2], $0x2800, $0x38;
	[tilespmem:$0x16900] =	vst v63  }
0x9d: {  	_ =	swait.ge [sflag:s25], $0x2800  }
0x9e: {  	[sflag:s25] =	ssyncset.done $0x0  }
0x9f: {  	[sflag:s25] =	ssyncadd.s32 $0xFFFFD800  }
0xa0: {  	[tilespmem:s24], [sflag:$0x2] =	stream.linear.gather [spmem:s9], $0x2800, $0x38;
	[tilespmem:$0x16900] =	vst v63  }
0xa1: {  	_ =	swait.ge [sflag:s25], $0x2800  }
0xa2: {  	[sflag:s25] =	ssyncset.done $0x0  }
0xa3: {  	[sflag:s25] =	ssyncadd.s32 $0xFFFFD800  }
0xa4: {  	[hbm4b:s17+s3] =	stream.linear.scatter [tilespmem:s24], [sflag:$0x2], $0x2800, $0x38;
	[tilespmem:$0x16900] =	vst v63  }
0xa5: {  	_ =	swait.ge [sflag:s25], $0x2800  }
0xa6: {  	[sflag:s25] =	ssyncset.done $0x0  }
0xa7: {  	[sflag:s25] =	ssyncadd.s32 $0xFFFFD800  }
0xa8: {  	[tilespmem:s24], [sflag:$0x2] =	stream.linear.gather [spmem:s10], $0x2800, $0x38;
	[tilespmem:$0x16900] =	vst v63  }
0xa9: {  	_ =	swait.ge [sflag:s25], $0x2800  }
0xaa: {  	[sflag:s25] =	ssyncset.done $0x0  }
0xab: {  	[sflag:s25] =	ssyncadd.s32 $0xFFFFD800  }
0xac: {  	[hbm4b:s18+s3] =	stream.linear.scatter [tilespmem:s24], [sflag:$0x2], $0x2800, $0x38;
	[tilespmem:$0x16900] =	vst v63  }
0xad: {  	_ =	swait.ge [sflag:s25], $0x2800  }
0xae: {  	[sflag:s25] =	ssyncset.done $0x0  }
0xaf: {  	[sflag:s25] =	ssyncadd.s32 $0xFFFFD800  }
0xb0: {  	[tilespmem:s24], [sflag:$0x2] =	stream.linear.gather [spmem:s11], $0x2800, $0x38;
	[tilespmem:$0x16900] =	vst v63  }
0xb1: {  	_ =	swait.ge [sflag:s25], $0x2800  }
0xb2: {  	[sflag:s25] =	ssyncset.done $0x0  }
0xb3: {  	[sflag:s25] =	ssyncadd.s32 $0xFFFFD800  }
0xb4: {  	[hbm4b:s19+s3] =	stream.linear.scatter [tilespmem:s24], [sflag:$0x2], $0x2800, $0x38;
	[tilespmem:$0x16900] =	vst v63  }
0xb5: {  	_ =	swait.ge [sflag:s25], $0x2800  }
0xb6: {  	[sflag:s25] =	ssyncset.done $0x0  }
0xb7: {  	[sflag:s25] =	ssyncadd.s32 $0xFFFFD800  }
0xb8: {  	[tilespmem:s24], [sflag:$0x2] =	stream.linear.gather [spmem:s12], $0x2800, $0x38;
	[tilespmem:$0x16900] =	vst v63  }
0xb9: {  	s31 =	sadd.s32 $0x1, s31;
	_ =	swait.ge [sflag:s25], $0x2800  }
0xba: {  	p0 =	sne.s32 s31, s21;
	[sflag:s25] =	ssyncset.done $0x0  }
.Ltmp2:
0xbb: {  	[sflag:s25] =	ssyncadd.s32 $0xFFFFD800;
	(pc) =	sbr.rel @p0 .LBB2_1-.Ltmp2, $4  }
0xbc: {  	[hbm4b:s20+s3] =	stream.linear.scatter [tilespmem:s24], [sflag:$0x2], $0x2800, $0x38;
	[tilespmem:$0x16900] =	vst v63  }
0xbd: {  	_ =	swait.ge [sflag:s25], $0x2800  }
0xbe: {  	[sflag:s25] =	ssyncset.done $0x0  }
0xbf: {  	[sflag:s25] =	ssyncadd.s32 $0xFFFFD800  }
0xc0: {  	_ =	sfence.sel $0x180000  }
0xc1: {  	[bflag:$0x0] =	sbarrier.arrive $0xFFFF  }
0xc2: {  	_ =	strace $0x90000047  }
0xc3: {  	s0 =	stileid.u32;
	[bflag:$0x2] =	sbarrier.arrive $0xFFFF  }
0xc4: {  	p0 =	sne.s32 s0, $0x0;
	s0 =	rddreg [dreg:$0x3]  }
0xc5: {  	s0 =	sadd.s32 @!p0 $0x100000, s0  }
0xc6: {  	[sflag:s0] =	ssyncadd.tile.s32 @!p0 $0x1;
	_ =	shalt  }
.Lfunc_end2:
_tile_overlayer_lowered:
.L_overlay_start_2:
0xc7: {  	(tag) =	ssettag $0x2  }
0xc8: {  	s0 =	rddreg [dreg:$0x0];
	s2 =	stileid.u32  }
0xc9: {  	s1 =	rddreg [dreg:$0x1];
	p0 =	sne.s32 s2, $0x0  }
0xca: {  	s3 =	rddreg [dreg:$0x2];
	[bflag:$0x3] =	sbarrier.arrive $0xFFFF;
	s2 =	simm.s32 @!p0 $0x1C02  }
0xcb: {  	[timem:s3], [sflag:s2] =	dma.local @!p0 [hbm:s0], s1  }
0xcc: {  	s0 =	simm.s32 @!p0 $0x2  }
0xcd: {  	_ =	swait.ge @!p0 [sflag:s0], s1  }
0xce: {  	s1 =	ssub.s32 @!p0 $0x0, s1;
	[sflag:s0] =	ssyncset.done @!p0 $0x0  }
0xcf: {  	[sflag:s0] =	ssyncadd.s32 @!p0 s1  }
0xd0: {  	[bflag:$0x3] =	sbarrier.arrive $0xFFFF  }
0xd1: {  	_ =	shalt  }

// kernel: kernel.18.cloned.1.call-start
scs
__scs_entry_jumppad:
0x0: {  	(pc) =	sbr.rel $0x88, $3  }
0x1: {  	(tag) =	ssettag $0x0;
	lr =	simm.s32 $0x1  }
0x2: {  	[smem:$0x3F93] =	sst lr;
	_ =	strace $0xD0000000  }
0x3: {  	_ = 	snop  }
0x4: {  	_ = 	snop  }
0x5: {  	_ = 	snop  }
0x6: {  	_ = 	snop  }
0x7: {  	_ = 	snop  }
__scs_overlays_trampoline_lowered:
0x8: {  	[smem:$0x3FA2] =	sst s0  }
0x9: {  	[smem:$0x3FA3] =	sst s1  }
0xa: {  	[smem:$0x3FA4] =	sst s2  }
0xb: {  	[smem:$0x3FA5] =	sst s3  }
0xc: {  	[smem:$0x3FA6] =	sst s4  }
0xd: {  	[smem:$0x3FA7] =	sst s5  }
0xe: {  	[smem:$0x3FA8] =	sst s6  }
0xf: {  	[smem:$0x3FA9] =	sst s7  }
0x10: {  	[smem:$0x3FAA] =	sst s8  }
0x11: {  	[smem:$0x3FAB] =	sst s9;
	s0 =	simm.s32 @!p0 $0x0  }
0x12: {  	s1 =	sld [smem:$0x3F91];
	s0 =	simm.s32 @p0 $0x1  }
0x13: {  	[smem:$0x3FAC] =	sst s0;
	s0 =	simm.s32 @!p1 $0x0  }
0x14: {  	s2 =	sld [smem:$0x3F90];
	s0 =	simm.s32 @p1 $0x1  }
0x15: {  	[smem:$0x3FAD] =	sst s0;
	s0 =	simm.s32 @!p2 $0x0  }
0x16: {  	s3 =	sld [smem:$0x3FDB];
	s0 =	simm.s32 @p2 $0x1  }
0x17: {  	s4 =	simm.s32 $0x1BF5;
	[smem:$0x3FAF] =	sst s0  }
0x18: {  	s0 =	sld [smem:$0x3F92];
	_ =	swait.ge [sflag:s4], $0x0  }
0x19: {  	s7 =	sld [smem:$0x3F93]  }
0x1a: {  	s8 =	sadd.s32 $0xFFFFE003, lr  }
0x1b: {  	s9 =	sadd.s32 $0xFFFFFEF7, lr;
	s5 =	simm.s32 $0xFFFFFFFF;
	p2 =	slt.u32 s8, $0xFFFFF086  }
0x1c: {  	p1 =	slt.u32 s9, $0xF7A;
	s5 =	simm.s32 @!p2 $0x0  }
0x1d: {  	s5 =	simm.s32 @p1 $0x1;
	p0 =	seq.s32 s7, s2  }
0x1e: {  	s7 =	smul.u32 @!p0 $0xF7A, s2;
	p2 =	seq.s32 @!p0 s5, $0x0  }
0x1f: {  	s9 =	smul.u32 $0xF7A, s1;
	s8 =	simm.s32 @!p0 $0x1BF5;
	p2 =	por !p2, p0  }
0x20: {  	[sflag:s8] =	ssyncset.s32 @!p0 $0xFFFFF086;
	s6 =	sadd.s32 @!p0 s3, s7;
	s7 =	simm.s32 @!p0 $0x108  }
0x21: {  	s3 =	sadd.s32 s3, s9;
	s6 =	sadd.s32 @!p0 $0x88, s6;
	s7 =	simm.s32 @p2 $0x1082  }
0x22: {  	[simem:s7], [sflag:s8] =	dma.local @!p0 [hbm:s6], $0xF7A  }
0x23: {  	s9 =	sor.u32 $0xD0000000, s2;
	s6 =	simm.s32 $0x108;
	_ =	swait.ge @!p0 [sflag:s8], $0x0  }
0x24: {  	s3 =	sadd.s32 $0x88, s3;
	s6 =	simm.s32 @!p1 $0x1082;
	[sflag:s4] =	ssyncset.s32 $0xFFFFF086  }
0x25: {  	[simem:s6], [sflag:s4] =	dma.local [hbm:s3], $0xF7A  }
0x26: {  	[smem:$0x3F93] =	sst s1;
	(tag) =	ssettag s2;
	_ =	strace s9  }
0x27: {  	s1 =	sld [smem:$0x3FA3]  }
0x28: {  	s2 =	sld [smem:$0x3FA4]  }
0x29: {  	s4 =	sld [smem:$0x3FA6]  }
0x2a: {  	p0 =	seq.s32 s5, $0x0;
	s5 =	sld [smem:$0x3FA7]  }
0x2b: {  	s6 =	sld [smem:$0x3FA8]  }
0x2c: {  	s7 =	sld [smem:$0x3FA9]  }
0x2d: {  	s3 =	simm.s32 $0x108;
	s8 =	sld [smem:$0x3FAA]  }
0x2e: {  	s3 =	simm.s32 @!p0 $0x1082;
	s9 =	sld [smem:$0x3FAB]  }
0x2f: {  	lr =	sadd.s32 s0, s3;
	s0 =	sld [smem:$0x3FA2]  }
0x30: {  	s3 =	sld [smem:$0x3FA5]  }
0x31: {  	[smem:$0x3FAE] =	sst s10  }
0x32: {  	s10 =	sld [smem:$0x3FAC];
	_ =	sdelay $0x3  }
0x33: {  	p0 =	seq.s32 s10, $0x1;
	s10 =	sld [smem:$0x3FAE];
	_ =	sdelay $0x3  }
0x34: {  	[smem:$0x3FAE] =	sst s10  }
0x35: {  	s10 =	sld [smem:$0x3FAD];
	_ =	sdelay $0x3  }
0x36: {  	p1 =	seq.s32 s10, $0x1;
	s10 =	sld [smem:$0x3FAE];
	_ =	sdelay $0x3  }
0x37: {  	[smem:$0x3FAE] =	sst s10  }
0x38: {  	s10 =	sld [smem:$0x3FAF]  }
0x39: {  	_ = 	snop;
	(pc) =	sbr.ind lr, $3  }
0x3a: {  	_ = 	snop  }
0x3b: {  	_ = 	snop  }
0x3c: {  	p2 =	seq.s32 s10, $0x1;
	s10 =	sld [smem:$0x3FAE]  }
0x3d: {  	_ =	shalt  }
0x3e: {  	_ =	shalt  }
0x3f: {  	_ =	shalt  }
0x40: {  	_ =	shalt  }
0x41: {  	_ =	shalt  }
0x42: {  	_ =	shalt  }
0x43: {  	_ =	shalt  }
0x44: {  	_ =	shalt  }
0x45: {  	_ =	shalt  }
0x46: {  	_ =	shalt  }
0x47: {  	_ =	shalt  }
0x48: {  	_ =	shalt  }
0x49: {  	_ =	shalt  }
0x4a: {  	_ =	shalt  }
0x4b: {  	_ =	shalt  }
0x4c: {  	_ =	shalt  }
0x4d: {  	_ =	shalt  }
0x4e: {  	_ =	shalt  }
0x4f: {  	_ =	shalt  }
0x50: {  	_ =	shalt  }
0x51: {  	_ =	shalt  }
0x52: {  	_ =	shalt  }
0x53: {  	_ =	shalt  }
0x54: {  	_ =	shalt  }
0x55: {  	_ =	shalt  }
0x56: {  	_ =	shalt  }
0x57: {  	_ =	shalt  }
0x58: {  	_ =	shalt  }
0x59: {  	_ =	shalt  }
0x5a: {  	_ =	shalt  }
0x5b: {  	_ =	shalt  }
0x5c: {  	_ =	shalt  }
0x5d: {  	_ =	shalt  }
0x5e: {  	_ =	shalt  }
0x5f: {  	_ =	shalt  }
0x60: {  	_ =	shalt  }
0x61: {  	_ =	shalt  }
0x62: {  	_ =	shalt  }
0x63: {  	_ =	shalt  }
0x64: {  	_ =	shalt  }
0x65: {  	_ =	shalt  }
0x66: {  	_ =	shalt  }
0x67: {  	_ =	shalt  }
0x68: {  	_ =	shalt  }
0x69: {  	_ =	shalt  }
0x6a: {  	_ =	shalt  }
0x6b: {  	_ =	shalt  }
0x6c: {  	_ =	shalt  }
0x6d: {  	_ =	shalt  }
0x6e: {  	_ =	shalt  }
0x6f: {  	_ =	shalt  }
0x70: {  	_ =	shalt  }
0x71: {  	_ =	shalt  }
0x72: {  	_ =	shalt  }
0x73: {  	_ =	shalt  }
0x74: {  	_ =	shalt  }
0x75: {  	_ =	shalt  }
0x76: {  	_ =	shalt  }
0x77: {  	_ =	shalt  }
0x78: {  	_ =	shalt  }
0x79: {  	_ =	shalt  }
0x7a: {  	_ =	shalt  }
0x7b: {  	_ =	shalt  }
0x7c: {  	_ =	shalt  }
0x7d: {  	_ =	shalt  }
0x7e: {  	_ =	shalt  }
0x7f: {  	_ =	shalt  }
0x80: {  	_ =	shalt  }
0x81: {  	_ =	shalt  }
0x82: {  	_ =	shalt  }
0x83: {  	_ =	shalt  }
0x84: {  	_ =	shalt  }
0x85: {  	_ =	shalt  }
0x86: {  	_ =	shalt  }
0x87: {  	_ =	shalt  }
.Lfunc_end0:
.L_simem_size_0:
called_computation.2_lowered:
.L_overlay_start_0:
0x88: {  	s2 =	sld [smem:$0x3FD9]  }
0x89: {  	s3 =	sld [smem:$0x3FFE];
	_ =	sdelay $0x1  }
0x8a: {  	s1 =	srdreg.scid  }
0x8b: {  	s0 =	sand.u32 $0x1, s1  }
0x8c: {  	s17 =	sshll.u32 s0, $0xA;
	s2 =	sadd.s32 s3, s2  }
0x8d: {  	s2 =	sadd.s32 s2, s17  }
0x8e: {  	[smem:$0x3FBA] =	sst s2  }
0x8f: {  	_ = 	snop  }
0x90: {  	s2 =	sld [smem:$0x3FD0];
	(tm) =	ssettm $0x1  }
0x91: {  	s18 =	sld [smem:$0x3FFB];
	_ =	sdelay $0x3  }
0x92: {  	_ =	strace s18  }
0x93: {  	s3 =	sld [smem:$0x3FFC];
	_ =	sdelay $0x3  }
0x94: {  	_ =	strace s3  }
0x95: {  	s3 =	sld [smem:$0x3FFD];
	_ =	sdelay $0x3  }
0x96: {  	_ =	strace s3  }
0x97: {  	_ =	strace $0x8FFFFFFF  }
0x98: {  	s19 =	sld [smem:$0x3FDB];
	_ =	sdelay $0x1  }
0x99: {  	s4 =	simm.s32 $_scs_section_size  }
0x9a: {  	s5 =	simm.s32 $_size__tile_overlayer_lowered;
	s6 =	simm.s32 $_tile_overlayer_lowered  }
0x9b: {  	s22 =	simm.s32 $0x1BFF;
	s21 =	sshll.u32 s6, $0x1;
	s3 =	sadd.s32 s4, s19  }
0x9c: {  	s7 =	simm.s32 $0x0;
	s20 =	sshll.u32 s5, $0x1;
	s5 =	sadd.s32 s21, s3  }
0x9d: {  	[timem:s7], [sflag:s22] =	dma.local [hbm:s5], s20  }
0x9e: {  	_ =	swait.ge [sflag:s22], s20  }
0x9f: {  	s4 =	ssub.s32 $0x0, s20;
	[sflag:s22] =	ssyncset.done $0x0  }
0xa0: {  	[sflag:s22] =	ssyncadd.s32 s4;
	_ =	sdelay $0x1  }
0xa1: {  	s23 =	simm.s32 $0x1B8B  }
0xa2: {  	_ =	swait.ge [sflag:s23], $0x1  }
0xa3: {  	[sflag:s23] =	ssyncset.done $0x0  }
0xa4: {  	s25 =	simm.s32 $0x1B8E;
	s24 =	sld [smem:$0x3FFE];
	[sflag:s23] =	ssyncadd.s32 $0xFFFFFFFF  }
0xa5: {  	s26 =	simm.s32 $execute0_lowered;
	[smem:$0x3FD2] =	sst s25  }
0xa6: {  	s5 =	sshll.u32 s26, $0x1;
	_ =	strace $0x8000004C;
	[dreg:$0x1] =	wrdreg $0xFFFFFFFF  }
0xa7: {  	s28 =	simm.s32 $_size_execute0_lowered;
	s3 =	sadd.s32 s3, s5;
	[dreg:$0x0] =	wrdreg $0x0  }
0xa8: {  	s5 =	sshll.u32 s28, $0x1;
	[dreg:$0x2] =	wrdreg s3  }
0xa9: {  	[dreg:$0x3] =	wrdreg s5  }
0xaa: {  	[dreg:$0x4] =	wrdreg $0xC0  }
0xab: {  	_ =	task [dreg:s7], $0x5FFFF  }
0xac: {  	[dreg:$0x1] =	wrdreg $0xFFFFFFFF  }
0xad: {  	[dreg:$0x0] =	wrdreg $0x60  }
0xae: {  	[dreg:$0x2] =	wrdreg s24  }
0xaf: {  	[dreg:$0x3] =	wrdreg s2  }
0xb0: {  	[dreg:$0x4] =	wrdreg $0x0  }
0xb1: {  	[dreg:$0x5] =	wrdreg $0x9  }
0xb2: {  	_ =	task.clear_ibuf [dreg:s7], $0x6FFFF;
	_ =	strace $0x9000004C  }
0xb3: {  	s29 =	simm.s32 $0x9;
	_ =	strace $0x8000004E  }
0xb4: {  	_ =	swait.ge [sflag:s29], $0x1  }
0xb5: {  	[sflag:s29] =	ssyncadd.s32 $0xFFFFFFFF  }
0xb6: {  	_ =	strace $0x9000004E  }
0xb7: {  	_ =	sfence  }
0xb8: {  	s30 =	sld [smem:$0x0];
	_ =	sdelay $0x2  }
0xb9: {  	s31 =	sshll.u32 s1, $0xD;
	s1 =	sshrl.u32 s1, $0x2  }
0xba: {  	s3 =	sand.u32 $0x4000, s31;
	s1 =	sadd.s32 s1, s30  }
0xbb: {  	s0 =	sor.u32 s3, s0;
	s1 =	sshll.u32 s1, $0x11  }
0xbc: {  	s0 =	sor.u32 s1, s0  }
0xbd: {  	s0 =	sadd.s32 $0x8F2B, s0  }
0xbe: {  	[sflag:s0] =	ssyncadd.remote.s32 $0x1  }
0xbf: {  	_ =	sfence.sel $0xFFFF  }
0xc0: {  	[dreg:$0x0] =	wrdreg $0xFFFFFFFF;
	(pc) =	sbr.abs _section_cstart, $3  }
0xc1: {  	[dreg:$0x1] =	wrdreg $0xFFFFFFFF  }
0xc2: {  	_ =	task.clear_ibuf [dreg:s7], $0x2FFFF;
	_ =	strace $0x9FFFFFFF  }
0xc3: {  	(tm) =	ssettm $0x7FFFFFFF  }
tec
execute0_lowered:
.L_overlay_start_1:
0x0: {  	(tag) =	ssettag $0x1  }
0x1: {  	s0 =	rddreg [dreg:$0x0]  }
0x2: {  	s22 =	rddreg [dreg:$0x1]  }
0x3: {  	s1 =	srdreg.scid;
	s7 =	stileid.u32  }
0x4: {  	s2 =	rddreg [dreg:$0x2];
	s5 =	smul.u32 $0x2710, s7  }
0x5: {  	s3 =	simm.s32 $0x0;
	s30 =	simm.s32 $0x1;
	s17 =	smul.u32 $0x50000, s7  }
0x6: {  	s31 =	simm.s32 $0x0;
	s1 =	sand.u32 $0x1, s1;
	s12 =	smul.u32 $0x14000, s7  }
0x7: {  	[smem:$0x7FF] =	sst s3;
	s4 =	smul.u32 $0x27100, s1;
	s6 =	ssub.s32 $0x2, s1  }
0x8: {  	_ =	strace $0x8000004D;
	s1 =	smul.u32 $0x140000, s1;
	s18 =	sshrl.u32 s6, $0x1  }
0x9: {  	s13 =	sor.u32 $0x2800, s12;
	s14 =	sadd.s32 $0x5000, s12;
	s15 =	sadd.s32 $0x7800, s12  }
0xa: {  	s16 =	sadd.s32 $0xA000, s12;
	s19 =	sadd.s32 $0x11800, s12;
	s5 =	sadd.s32 s5, s4  }
0xb: {  	s4 =	sadd.s32 $0xDC00, s0;
	s21 =	ssub.s32 s6, s18;
	s6 =	sadd.s32 s13, s2  }
0xc: {  	s7 =	sadd.s32 s14, s2;
	s8 =	sadd.s32 s15, s2;
	s18 =	sadd.s32 $0xF000, s12  }
0xd: {  	s9 =	sadd.s32 s16, s2;
	s20 =	sadd.s32 s12, s1;
	s13 =	sadd.s32 s1, s13  }
0xe: {  	s25 =	sadd.s32 s1, s14;
	s26 =	sadd.s32 s1, s15;
	s16 =	sadd.s32 s1, s16  }
0xf: {  	s23 =	sshrl.u32 s5, $0x3;
	s5 =	sshrl.u32 s17, $0x2;
	s17 =	sadd.s32 $0xC800, s12  }
0x10: {  	s11 =	sadd.s32 s18, s2;
	s29 =	sadd.s32 s1, s18;
	s12 =	sadd.s32 s19, s2  }
0x11: {  	s21 =	smax.u32 s21, $0x1;
	s24 =	sadd.s32 s23, s0;
	s0 =	sadd.s32 $0x34E00, s0  }
0x12: {  	s5 =	sadd.s32 s5, s2;
	s10 =	sadd.s32 s17, s2;
	s28 =	sadd.s32 s1, s17  }
0x13: {  	s1 =	sadd.s32 s1, s19;
	s19 =	sshrl.u32 s20, $0x3;
	s20 =	sshrl.u32 s13, $0x3  }
0x14: {  	s17 =	sshrl.u32 s25, $0x3;
	s22 =	sadd.s32 s23, s22;
	s14 =	sadd.s32 s0, s19  }
0x15: {  	s15 =	sadd.s32 s0, s20;
	s18 =	sadd.s32 s0, s17;
	s19 =	sshrl.u32 s26, $0x3  }
0x16: {  	s20 =	sshrl.u32 s16, $0x3;
	s25 =	sshrl.u32 s28, $0x3;
	s26 =	sshrl.u32 s29, $0x3  }
0x17: {  	s1 =	sshrl.u32 s1, $0x3;
	s23 =	sadd.s32 $0x3E00, s24;
	[dreg:$0x4] =	wrdreg s14  }
0x18: {  	s24 =	simm.s32 $0x14100;
	s28 =	simm.s32 $0x14080;
	[dreg:$0x5] =	wrdreg s15  }
0x19: {  	s29 =	simm.s32 $0x50;
	[dreg:$0x6] =	wrdreg s18;
	s16 =	sadd.s32 s0, s19  }
0x1a: {  	s17 =	sadd.s32 s0, s20;
	s18 =	sadd.s32 s0, s25;
	s19 =	sadd.s32 s0, s26  }
0x1b: {  	v0 =	vimm.f32 $0.0e+00;
	s20 =	sadd.s32 s0, s1;
	s25 =	simm.s32 $0x2;
	s26 =	simm.s32 $0x14000  }
.LBB2_1:
0x1c: {  	s0 =	simm.s32 $0x0;
	s1 =	simm.s32 $0x200  }
.LBB2_2:
0x1d: {  	p0 =	sne.s32 s1, $0x9E00;
	[tilespmem:s0+$0x14170] =	vst v0  }
0x1e: {  	[tilespmem:s0+$0x14100] =	vst v0  }
0x1f: {  	[tilespmem:s0+$0x14110] =	vst v0  }
.Ltmp0:
0x20: {  	[tilespmem:s0+$0x14120] =	vst v0;
	(pc) =	sbr.rel @p0 .LBB2_2-.Ltmp0, $4  }
0x21: {  	[tilespmem:s0+$0x14130] =	vst v0  }
0x22: {  	[tilespmem:s0+$0x14140] =	vst v0  }
0x23: {  	[tilespmem:s0+$0x14150] =	vst v0  }
0x24: {  	[tilespmem:s0+$0x14160] =	vst v0;
	s0 =	sshra.s32 s1, $0x2;
	s1 =	sadd.s32 $0x200, s1  }
0x25: {  	[tilespmem:s0+$0x14170] =	vst v0  }
0x26: {  	[tilespmem:s0+$0x14100] =	vst v0  }
0x27: {  	[tilespmem:s0+$0x14110] =	vst v0  }
0x28: {  	[tilespmem:s0+$0x14120] =	vst v0  }
0x29: {  	[tilespmem:s0+$0x14130] =	vst v0  }
0x2a: {  	[tilespmem:s0+$0x14140] =	vst v0  }
0x2b: {  	[tilespmem:s0+$0x14150] =	vst v0  }
0x2c: {  	[tilespmem:s0+$0x14160] =	vst v0  }
0x2d: {  	[spmem:s5] =	stream.linear.scatter [tilespmem:s24], [sflag:$0x2], $0x2800, $0x38;
	[tilespmem:$0x16900] =	vst v63  }
0x2e: {  	_ =	swait.ge [sflag:s25], $0x2800  }
0x2f: {  	[sflag:s25] =	ssyncset.done $0x0  }
0x30: {  	[sflag:s25] =	ssyncadd.s32 $0xFFFFD800  }
0x31: {  	[spmem:s6] =	stream.linear.scatter [tilespmem:s24], [sflag:$0x2], $0x2800, $0x38;
	[tilespmem:$0x16900] =	vst v63  }
0x32: {  	_ =	swait.ge [sflag:s25], $0x2800  }
0x33: {  	[sflag:s25] =	ssyncset.done $0x0  }
0x34: {  	[sflag:s25] =	ssyncadd.s32 $0xFFFFD800  }
0x35: {  	[spmem:s7] =	stream.linear.scatter [tilespmem:s24], [sflag:$0x2], $0x2800, $0x38;
	[tilespmem:$0x16900] =	vst v63  }
0x36: {  	_ =	swait.ge [sflag:s25], $0x2800  }
0x37: {  	[sflag:s25] =	ssyncset.done $0x0  }
0x38: {  	[sflag:s25] =	ssyncadd.s32 $0xFFFFD800  }
0x39: {  	[spmem:s8] =	stream.linear.scatter [tilespmem:s24], [sflag:$0x2], $0x2800, $0x38;
	[tilespmem:$0x16900] =	vst v63  }
0x3a: {  	_ =	swait.ge [sflag:s25], $0x2800  }
0x3b: {  	[sflag:s25] =	ssyncset.done $0x0  }
0x3c: {  	[sflag:s25] =	ssyncadd.s32 $0xFFFFD800  }
0x3d: {  	[spmem:s9] =	stream.linear.scatter [tilespmem:s24], [sflag:$0x2], $0x2800, $0x38;
	[tilespmem:$0x16900] =	vst v63  }
0x3e: {  	_ =	swait.ge [sflag:s25], $0x2800  }
0x3f: {  	[sflag:s25] =	ssyncset.done $0x0  }
0x40: {  	[sflag:s25] =	ssyncadd.s32 $0xFFFFD800  }
0x41: {  	[spmem:s10] =	stream.linear.scatter [tilespmem:s24], [sflag:$0x2], $0x2800, $0x38;
	[tilespmem:$0x16900] =	vst v63  }
0x42: {  	_ =	swait.ge [sflag:s25], $0x2800  }
0x43: {  	[sflag:s25] =	ssyncset.done $0x0  }
0x44: {  	[sflag:s25] =	ssyncadd.s32 $0xFFFFD800  }
0x45: {  	[spmem:s11] =	stream.linear.scatter [tilespmem:s24], [sflag:$0x2], $0x2800, $0x38;
	[tilespmem:$0x16900] =	vst v63  }
0x46: {  	_ =	swait.ge [sflag:s25], $0x2800  }
0x47: {  	[sflag:s25] =	ssyncset.done $0x0  }
0x48: {  	[sflag:s25] =	ssyncadd.s32 $0xFFFFD800  }
0x49: {  	[spmem:s12] =	stream.linear.scatter [tilespmem:s24], [sflag:$0x2], $0x2800, $0x38;
	[tilespmem:$0x16900] =	vst v63  }
0x4a: {  	_ =	swait.ge [sflag:s25], $0x2800  }
0x4b: {  	[sflag:s25] =	ssyncset.done $0x0  }
0x4c: {  	[sflag:s25] =	ssyncadd.s32 $0xFFFFD800  }
0x4d: {  	s14 =	sadd.s32 $0x0, s23;
	[bflag:$0x0] =	sbarrier.arrive $0xFFFF  }
0x4e: {  	[tilespmem:s26], [sflag:$0x2] =	stream.linear.gather [hbm4b:s14+s3], $0x50, $0x38;
	[tilespmem:$0x16900] =	vst v63  }
0x4f: {  	_ =	swait.ge [sflag:s25], $0x50  }
0x50: {  	[sflag:s25] =	ssyncset.done $0x0  }
0x51: {  	s15 =	sadd.s32 $0x0, s22;
	[sflag:s25] =	ssyncadd.s32 $0xFFFFFFB0  }
0x52: {  	[tilespmem:s28], [sflag:$0x2] =	stream.linear.gather [hbm4b:s15+s3], $0x50, $0x38;
	[tilespmem:$0x16900] =	vst v63  }
0x53: {  	_ =	swait.ge [sflag:s25], $0x50  }
0x54: {  	[sflag:s25] =	ssyncset.done $0x0  }
0x55: {  	[sflag:s25] =	ssyncadd.s32 $0xFFFFFFB0  }
0x56: {  	[tilespmem:s24], [sflag:$0x1] =	stream.indirect.gather [hbm4b:s4+s29], $0x80, s26, s29, $0xb8;
	[tilespmem:$0x16900] =	vst v63  }
0x57: {  	_ =	swait.ge [sflag:s30], $0x2800  }
0x58: {  	[sflag:s30] =	ssyncset.done $0x0  }
0x59: {  	[sflag:s30] =	ssyncadd.s32 $0xFFFFD800  }
0x5a: {  	[spmem:s2] =	stream.indirect.scatter.add.f32 [tilespmem:s24], [sflag:$0x2], $0x80, s28, s29, $0xb8;
	[tilespmem:$0x16900] =	vst v63  }
0x5b: {  	_ =	swait.ge [sflag:s25], $0x2800  }
0x5c: {  	s0 =	simm.s32 $0xA;
	s1 =	simm.s32 $0x14;
	[sflag:s25] =	ssyncset.done $0x0  }
.LBB2_4:
0x5d: {  	s13 =	sadd.s32 s0, s23  }
0x5e: {  	[sflag:s25] =	ssyncadd.s32 $0xFFFFD800;
	s14 =	smov.u32 s1;
	s15 =	sadd.s32 $0xA, s1  }
0x5f: {  	[tilespmem:s26], [sflag:$0x2] =	stream.linear.gather [hbm4b:s13+s3], $0x50, $0x38;
	[tilespmem:$0x16900] =	vst v63  }
0x60: {  	p0 =	sne.s32 s1, $0x4D8;
	_ =	swait.ge [sflag:s25], $0x50  }
0x61: {  	[sflag:s25] =	ssyncset.done $0x0  }
0x62: {  	s1 =	sadd.s32 s0, s22;
	s0 =	smov.u32 s14;
	[sflag:s25] =	ssyncadd.s32 $0xFFFFFFB0  }
0x63: {  	[tilespmem:s28], [sflag:$0x2] =	stream.linear.gather [hbm4b:s1+s3], $0x50, $0x38;
	[tilespmem:$0x16900] =	vst v63  }
0x64: {  	_ =	swait.ge [sflag:s25], $0x50  }
0x65: {  	[sflag:s25] =	ssyncset.done $0x0  }
0x66: {  	[sflag:s25] =	ssyncadd.s32 $0xFFFFFFB0  }
0x67: {  	[tilespmem:s24], [sflag:$0x1] =	stream.indirect.gather [hbm4b:s4+s29], $0x80, s26, s29, $0xb8;
	[tilespmem:$0x16900] =	vst v63  }
0x68: {  	_ =	swait.ge [sflag:s30], $0x2800  }
.Ltmp1:
0x69: {  	[sflag:s30] =	ssyncset.done $0x0;
	(pc) =	sbr.rel @p0 .LBB2_4-.Ltmp1, $4  }
0x6a: {  	[sflag:s30] =	ssyncadd.s32 $0xFFFFD800  }
0x6b: {  	[spmem:s2] =	stream.indirect.scatter.add.f32 [tilespmem:s24], [sflag:$0x2], $0x80, s28, s29, $0xb8;
	[tilespmem:$0x16900] =	vst v63  }
0x6c: {  	_ =	swait.ge [sflag:s25], $0x2800  }
0x6d: {  	s1 =	smov.u32 s15;
	[sflag:s25] =	ssyncset.done $0x0  }
0x6e: {  	s1 =	sadd.s32 s0, s23;
	[sflag:s25] =	ssyncadd.s32 $0xFFFFD800  }
0x6f: {  	[tilespmem:s26], [sflag:$0x2] =	stream.linear.gather [hbm4b:s1+s3], $0x50, $0x38;
	[tilespmem:$0x16900] =	vst v63  }
0x70: {  	_ =	swait.ge [sflag:s25], $0x50  }
0x71: {  	[sflag:s25] =	ssyncset.done $0x0  }
0x72: {  	s1 =	sadd.s32 s0, s22;
	[sflag:s25] =	ssyncadd.s32 $0xFFFFFFB0  }
0x73: {  	[tilespmem:s28], [sflag:$0x2] =	stream.linear.gather [hbm4b:s1+s3], $0x50, $0x38;
	[tilespmem:$0x16900] =	vst v63  }
0x74: {  	_ =	swait.ge [sflag:s25], $0x50  }
0x75: {  	[sflag:s25] =	ssyncset.done $0x0  }
0x76: {  	[sflag:s25] =	ssyncadd.s32 $0xFFFFFFB0  }
0x77: {  	[tilespmem:s24], [sflag:$0x1] =	stream.indirect.gather [hbm4b:s4+s29], $0x80, s26, s29, $0xb8;
	[tilespmem:$0x16900] =	vst v63  }
0x78: {  	_ =	swait.ge [sflag:s30], $0x2800  }
0x79: {  	[sflag:s30] =	ssyncset.done $0x0  }
0x7a: {  	[sflag:s30] =	ssyncadd.s32 $0xFFFFD800  }
0x7b: {  	[spmem:s2] =	stream.indirect.scatter.add.f32 [tilespmem:s24], [sflag:$0x2], $0x80, s28, s29, $0xb8;
	[tilespmem:$0x16900] =	vst v63  }
0x7c: {  	_ =	swait.ge [sflag:s25], $0x2800  }
0x7d: {  	[sflag:s25] =	ssyncset.done $0x0  }
0x7e: {  	[sflag:s25] =	ssyncadd.s32 $0xFFFFD800  }
0x7f: {  	[bflag:$0x0] =	sbarrier.arrive $0xFFFF  }
0x80: {  	[tilespmem:s24], [sflag:$0x2] =	stream.linear.gather [spmem:s5], $0x2800, $0x38;
	[tilespmem:$0x16900] =	vst v63  }
0x81: {  	_ =	swait.ge [sflag:s25], $0x2800  }
0x82: {  	[sflag:s25] =	ssyncset.done $0x0  }
0x83: {  	s13 =	rddreg [dreg:$0x4];
	[sflag:s25] =	ssyncadd.s32 $0xFFFFD800  }
0x84: {  	[hbm4b:s13+s3] =	stream.linear.scatter [tilespmem:s24], [sflag:$0x2], $0x2800, $0x38;
	[tilespmem:$0x16900] =	vst v63  }
0x85: {  	_ =	swait.ge [sflag:s25], $0x2800  }
0x86: {  	[sflag:s25] =	ssyncset.done $0x0  }
0x87: {  	[sflag:s25] =	ssyncadd.s32 $0xFFFFD800  }
0x88: {  	[tilespmem:s24], [sflag:$0x2] =	stream.linear.gather [spmem:s6], $0x2800, $0x38;
	[tilespmem:$0x16900] =	vst v63  }
0x89: {  	_ =	swait.ge [sflag:s25], $0x2800  }
0x8a: {  	[sflag:s25] =	ssyncset.done $0x0  }
0x8b: {  	s14 =	rddreg [dreg:$0x5];
	[sflag:s25] =	ssyncadd.s32 $0xFFFFD800  }
0x8c: {  	[hbm4b:s14+s3] =	stream.linear.scatter [tilespmem:s24], [sflag:$0x2], $0x2800, $0x38;
	[tilespmem:$0x16900] =	vst v63  }
0x8d: {  	_ =	swait.ge [sflag:s25], $0x2800  }
0x8e: {  	[sflag:s25] =	ssyncset.done $0x0  }
0x8f: {  	[sflag:s25] =	ssyncadd.s32 $0xFFFFD800  }
0x90: {  	[tilespmem:s24], [sflag:$0x2] =	stream.linear.gather [spmem:s7], $0x2800, $0x38;
	[tilespmem:$0x16900] =	vst v63  }
0x91: {  	_ =	swait.ge [sflag:s25], $0x2800  }
0x92: {  	[sflag:s25] =	ssyncset.done $0x0  }
0x93: {  	s15 =	rddreg [dreg:$0x6];
	[sflag:s25] =	ssyncadd.s32 $0xFFFFD800  }
0x94: {  	[hbm4b:s15+s3] =	stream.linear.scatter [tilespmem:s24], [sflag:$0x2], $0x2800, $0x38;
	[tilespmem:$0x16900] =	vst v63  }
0x95: {  	_ =	swait.ge [sflag:s25], $0x2800  }
0x96: {  	[sflag:s25] =	ssyncset.done $0x0  }
0x97: {  	[sflag:s25] =	ssyncadd.s32 $0xFFFFD800  }
0x98: {  	[tilespmem:s24], [sflag:$0x2] =	stream.linear.gather [spmem:s8], $0x2800, $0x38;
	[tilespmem:$0x16900] =	vst v63  }
0x99: {  	_ =	swait.ge [sflag:s25], $0x2800  }
0x9a: {  	[sflag:s25] =	ssyncset.done $0x0  }
0x9b: {  	[sflag:s25] =	ssyncadd.s32 $0xFFFFD800  }
0x9c: {  	[hbm4b:s16+s3] =	stream.linear.scatter [tilespmem:s24], [sflag:$0x2], $0x2800, $0x38;
	[tilespmem:$0x16900] =	vst v63  }
0x9d: {  	_ =	swait.ge [sflag:s25], $0x2800  }
0x9e: {  	[sflag:s25] =	ssyncset.done $0x0  }
0x9f: {  	[sflag:s25] =	ssyncadd.s32 $0xFFFFD800  }
0xa0: {  	[tilespmem:s24], [sflag:$0x2] =	stream.linear.gather [spmem:s9], $0x2800, $0x38;
	[tilespmem:$0x16900] =	vst v63  }
0xa1: {  	_ =	swait.ge [sflag:s25], $0x2800  }
0xa2: {  	[sflag:s25] =	ssyncset.done $0x0  }
0xa3: {  	[sflag:s25] =	ssyncadd.s32 $0xFFFFD800  }
0xa4: {  	[hbm4b:s17+s3] =	stream.linear.scatter [tilespmem:s24], [sflag:$0x2], $0x2800, $0x38;
	[tilespmem:$0x16900] =	vst v63  }
0xa5: {  	_ =	swait.ge [sflag:s25], $0x2800  }
0xa6: {  	[sflag:s25] =	ssyncset.done $0x0  }
0xa7: {  	[sflag:s25] =	ssyncadd.s32 $0xFFFFD800  }
0xa8: {  	[tilespmem:s24], [sflag:$0x2] =	stream.linear.gather [spmem:s10], $0x2800, $0x38;
	[tilespmem:$0x16900] =	vst v63  }
0xa9: {  	_ =	swait.ge [sflag:s25], $0x2800  }
0xaa: {  	[sflag:s25] =	ssyncset.done $0x0  }
0xab: {  	[sflag:s25] =	ssyncadd.s32 $0xFFFFD800  }
0xac: {  	[hbm4b:s18+s3] =	stream.linear.scatter [tilespmem:s24], [sflag:$0x2], $0x2800, $0x38;
	[tilespmem:$0x16900] =	vst v63  }
0xad: {  	_ =	swait.ge [sflag:s25], $0x2800  }
0xae: {  	[sflag:s25] =	ssyncset.done $0x0  }
0xaf: {  	[sflag:s25] =	ssyncadd.s32 $0xFFFFD800  }
0xb0: {  	[tilespmem:s24], [sflag:$0x2] =	stream.linear.gather [spmem:s11], $0x2800, $0x38;
	[tilespmem:$0x16900] =	vst v63  }
0xb1: {  	_ =	swait.ge [sflag:s25], $0x2800  }
0xb2: {  	[sflag:s25] =	ssyncset.done $0x0  }
0xb3: {  	[sflag:s25] =	ssyncadd.s32 $0xFFFFD800  }
0xb4: {  	[hbm4b:s19+s3] =	stream.linear.scatter [tilespmem:s24], [sflag:$0x2], $0x2800, $0x38;
	[tilespmem:$0x16900] =	vst v63  }
0xb5: {  	_ =	swait.ge [sflag:s25], $0x2800  }
0xb6: {  	[sflag:s25] =	ssyncset.done $0x0  }
0xb7: {  	[sflag:s25] =	ssyncadd.s32 $0xFFFFD800  }
0xb8: {  	[tilespmem:s24], [sflag:$0x2] =	stream.linear.gather [spmem:s12], $0x2800, $0x38;
	[tilespmem:$0x16900] =	vst v63  }
0xb9: {  	s31 =	sadd.s32 $0x1, s31;
	_ =	swait.ge [sflag:s25], $0x2800  }
0xba: {  	p0 =	sne.s32 s31, s21;
	[sflag:s25] =	ssyncset.done $0x0  }
.Ltmp2:
0xbb: {  	[sflag:s25] =	ssyncadd.s32 $0xFFFFD800;
	(pc) =	sbr.rel @p0 .LBB2_1-.Ltmp2, $4  }
0xbc: {  	[hbm4b:s20+s3] =	stream.linear.scatter [tilespmem:s24], [sflag:$0x2], $0x2800, $0x38;
	[tilespmem:$0x16900] =	vst v63  }
0xbd: {  	_ =	swait.ge [sflag:s25], $0x2800  }
0xbe: {  	[sflag:s25] =	ssyncset.done $0x0  }
0xbf: {  	[sflag:s25] =	ssyncadd.s32 $0xFFFFD800  }
0xc0: {  	_ =	sfence.sel $0x180000  }
0xc1: {  	[bflag:$0x0] =	sbarrier.arrive $0xFFFF  }
0xc2: {  	_ =	strace $0x9000004D  }
0xc3: {  	s0 =	stileid.u32;
	[bflag:$0x2] =	sbarrier.arrive $0xFFFF  }
0xc4: {  	p0 =	sne.s32 s0, $0x0;
	s0 =	rddreg [dreg:$0x3]  }
0xc5: {  	s0 =	sadd.s32 @!p0 $0x100000, s0  }
0xc6: {  	[sflag:s0] =	ssyncadd.tile.s32 @!p0 $0x1;
	_ =	shalt  }
.Lfunc_end2:
_tile_overlayer_lowered:
.L_overlay_start_2:
0xc7: {  	(tag) =	ssettag $0x2  }
0xc8: {  	s0 =	rddreg [dreg:$0x0];
	s2 =	stileid.u32  }
0xc9: {  	s1 =	rddreg [dreg:$0x1];
	p0 =	sne.s32 s2, $0x0  }
0xca: {  	s3 =	rddreg [dreg:$0x2];
	[bflag:$0x3] =	sbarrier.arrive $0xFFFF;
	s2 =	simm.s32 @!p0 $0x1C02  }
0xcb: {  	[timem:s3], [sflag:s2] =	dma.local @!p0 [hbm:s0], s1  }
0xcc: {  	s0 =	simm.s32 @!p0 $0x2  }
0xcd: {  	_ =	swait.ge @!p0 [sflag:s0], s1  }
0xce: {  	s1 =	ssub.s32 @!p0 $0x0, s1;
	[sflag:s0] =	ssyncset.done @!p0 $0x0  }
0xcf: {  	[sflag:s0] =	ssyncadd.s32 @!p0 s1  }
0xd0: {  	[bflag:$0x3] =	sbarrier.arrive $0xFFFF  }
0xd1: {  	_ =	shalt  }

// kernel: kernel.21.cloned.1.call-start
scs
__scs_entry_jumppad:
0x0: {  	(pc) =	sbr.rel $0x88, $3  }
0x1: {  	(tag) =	ssettag $0x0;
	lr =	simm.s32 $0x1  }
0x2: {  	[smem:$0x3F93] =	sst lr;
	_ =	strace $0xD0000000  }
0x3: {  	_ = 	snop  }
0x4: {  	_ = 	snop  }
0x5: {  	_ = 	snop  }
0x6: {  	_ = 	snop  }
0x7: {  	_ = 	snop  }
__scs_overlays_trampoline_lowered:
0x8: {  	[smem:$0x3FA2] =	sst s0  }
0x9: {  	[smem:$0x3FA3] =	sst s1  }
0xa: {  	[smem:$0x3FA4] =	sst s2  }
0xb: {  	[smem:$0x3FA5] =	sst s3  }
0xc: {  	[smem:$0x3FA6] =	sst s4  }
0xd: {  	[smem:$0x3FA7] =	sst s5  }
0xe: {  	[smem:$0x3FA8] =	sst s6  }
0xf: {  	[smem:$0x3FA9] =	sst s7  }
0x10: {  	[smem:$0x3FAA] =	sst s8  }
0x11: {  	[smem:$0x3FAB] =	sst s9;
	s0 =	simm.s32 @!p0 $0x0  }
0x12: {  	s1 =	sld [smem:$0x3F91];
	s0 =	simm.s32 @p0 $0x1  }
0x13: {  	[smem:$0x3FAC] =	sst s0;
	s0 =	simm.s32 @!p1 $0x0  }
0x14: {  	s2 =	sld [smem:$0x3F90];
	s0 =	simm.s32 @p1 $0x1  }
0x15: {  	[smem:$0x3FAD] =	sst s0;
	s0 =	simm.s32 @!p2 $0x0  }
0x16: {  	s3 =	sld [smem:$0x3FDB];
	s0 =	simm.s32 @p2 $0x1  }
0x17: {  	s4 =	simm.s32 $0x1BF5;
	[smem:$0x3FAF] =	sst s0  }
0x18: {  	s0 =	sld [smem:$0x3F92];
	_ =	swait.ge [sflag:s4], $0x0  }
0x19: {  	s7 =	sld [smem:$0x3F93]  }
0x1a: {  	s8 =	sadd.s32 $0xFFFFE003, lr  }
0x1b: {  	s9 =	sadd.s32 $0xFFFFFEF7, lr;
	s5 =	simm.s32 $0xFFFFFFFF;
	p2 =	slt.u32 s8, $0xFFFFF086  }
0x1c: {  	p1 =	slt.u32 s9, $0xF7A;
	s5 =	simm.s32 @!p2 $0x0  }
0x1d: {  	s5 =	simm.s32 @p1 $0x1;
	p0 =	seq.s32 s7, s2  }
0x1e: {  	s7 =	smul.u32 @!p0 $0xF7A, s2;
	p2 =	seq.s32 @!p0 s5, $0x0  }
0x1f: {  	s9 =	smul.u32 $0xF7A, s1;
	s8 =	simm.s32 @!p0 $0x1BF5;
	p2 =	por !p2, p0  }
0x20: {  	[sflag:s8] =	ssyncset.s32 @!p0 $0xFFFFF086;
	s6 =	sadd.s32 @!p0 s3, s7;
	s7 =	simm.s32 @!p0 $0x108  }
0x21: {  	s3 =	sadd.s32 s3, s9;
	s6 =	sadd.s32 @!p0 $0x88, s6;
	s7 =	simm.s32 @p2 $0x1082  }
0x22: {  	[simem:s7], [sflag:s8] =	dma.local @!p0 [hbm:s6], $0xF7A  }
0x23: {  	s9 =	sor.u32 $0xD0000000, s2;
	s6 =	simm.s32 $0x108;
	_ =	swait.ge @!p0 [sflag:s8], $0x0  }
0x24: {  	s3 =	sadd.s32 $0x88, s3;
	s6 =	simm.s32 @!p1 $0x1082;
	[sflag:s4] =	ssyncset.s32 $0xFFFFF086  }
0x25: {  	[simem:s6], [sflag:s4] =	dma.local [hbm:s3], $0xF7A  }
0x26: {  	[smem:$0x3F93] =	sst s1;
	(tag) =	ssettag s2;
	_ =	strace s9  }
0x27: {  	s1 =	sld [smem:$0x3FA3]  }
0x28: {  	s2 =	sld [smem:$0x3FA4]  }
0x29: {  	s4 =	sld [smem:$0x3FA6]  }
0x2a: {  	p0 =	seq.s32 s5, $0x0;
	s5 =	sld [smem:$0x3FA7]  }
0x2b: {  	s6 =	sld [smem:$0x3FA8]  }
0x2c: {  	s7 =	sld [smem:$0x3FA9]  }
0x2d: {  	s3 =	simm.s32 $0x108;
	s8 =	sld [smem:$0x3FAA]  }
0x2e: {  	s3 =	simm.s32 @!p0 $0x1082;
	s9 =	sld [smem:$0x3FAB]  }
0x2f: {  	lr =	sadd.s32 s0, s3;
	s0 =	sld [smem:$0x3FA2]  }
0x30: {  	s3 =	sld [smem:$0x3FA5]  }
0x31: {  	[smem:$0x3FAE] =	sst s10  }
0x32: {  	s10 =	sld [smem:$0x3FAC];
	_ =	sdelay $0x3  }
0x33: {  	p0 =	seq.s32 s10, $0x1;
	s10 =	sld [smem:$0x3FAE];
	_ =	sdelay $0x3  }
0x34: {  	[smem:$0x3FAE] =	sst s10  }
0x35: {  	s10 =	sld [smem:$0x3FAD];
	_ =	sdelay $0x3  }
0x36: {  	p1 =	seq.s32 s10, $0x1;
	s10 =	sld [smem:$0x3FAE];
	_ =	sdelay $0x3  }
0x37: {  	[smem:$0x3FAE] =	sst s10  }
0x38: {  	s10 =	sld [smem:$0x3FAF]  }
0x39: {  	_ = 	snop;
	(pc) =	sbr.ind lr, $3  }
0x3a: {  	_ = 	snop  }
0x3b: {  	_ = 	snop  }
0x3c: {  	p2 =	seq.s32 s10, $0x1;
	s10 =	sld [smem:$0x3FAE]  }
0x3d: {  	_ =	shalt  }
0x3e: {  	_ =	shalt  }
0x3f: {  	_ =	shalt  }
0x40: {  	_ =	shalt  }
0x41: {  	_ =	shalt  }
0x42: {  	_ =	shalt  }
0x43: {  	_ =	shalt  }
0x44: {  	_ =	shalt  }
0x45: {  	_ =	shalt  }
0x46: {  	_ =	shalt  }
0x47: {  	_ =	shalt  }
0x48: {  	_ =	shalt  }
0x49: {  	_ =	shalt  }
0x4a: {  	_ =	shalt  }
0x4b: {  	_ =	shalt  }
0x4c: {  	_ =	shalt  }
0x4d: {  	_ =	shalt  }
0x4e: {  	_ =	shalt  }
0x4f: {  	_ =	shalt  }
0x50: {  	_ =	shalt  }
0x51: {  	_ =	shalt  }
0x52: {  	_ =	shalt  }
0x53: {  	_ =	shalt  }
0x54: {  	_ =	shalt  }
0x55: {  	_ =	shalt  }
0x56: {  	_ =	shalt  }
0x57: {  	_ =	shalt  }
0x58: {  	_ =	shalt  }
0x59: {  	_ =	shalt  }
0x5a: {  	_ =	shalt  }
0x5b: {  	_ =	shalt  }
0x5c: {  	_ =	shalt  }
0x5d: {  	_ =	shalt  }
0x5e: {  	_ =	shalt  }
0x5f: {  	_ =	shalt  }
0x60: {  	_ =	shalt  }
0x61: {  	_ =	shalt  }
0x62: {  	_ =	shalt  }
0x63: {  	_ =	shalt  }
0x64: {  	_ =	shalt  }
0x65: {  	_ =	shalt  }
0x66: {  	_ =	shalt  }
0x67: {  	_ =	shalt  }
0x68: {  	_ =	shalt  }
0x69: {  	_ =	shalt  }
0x6a: {  	_ =	shalt  }
0x6b: {  	_ =	shalt  }
0x6c: {  	_ =	shalt  }
0x6d: {  	_ =	shalt  }
0x6e: {  	_ =	shalt  }
0x6f: {  	_ =	shalt  }
0x70: {  	_ =	shalt  }
0x71: {  	_ =	shalt  }
0x72: {  	_ =	shalt  }
0x73: {  	_ =	shalt  }
0x74: {  	_ =	shalt  }
0x75: {  	_ =	shalt  }
0x76: {  	_ =	shalt  }
0x77: {  	_ =	shalt  }
0x78: {  	_ =	shalt  }
0x79: {  	_ =	shalt  }
0x7a: {  	_ =	shalt  }
0x7b: {  	_ =	shalt  }
0x7c: {  	_ =	shalt  }
0x7d: {  	_ =	shalt  }
0x7e: {  	_ =	shalt  }
0x7f: {  	_ =	shalt  }
0x80: {  	_ =	shalt  }
0x81: {  	_ =	shalt  }
0x82: {  	_ =	shalt  }
0x83: {  	_ =	shalt  }
0x84: {  	_ =	shalt  }
0x85: {  	_ =	shalt  }
0x86: {  	_ =	shalt  }
0x87: {  	_ =	shalt  }
.Lfunc_end0:
.L_simem_size_0:
called_computation.3_lowered:
.L_overlay_start_0:
0x88: {  	s2 =	sld [smem:$0x3FD9]  }
0x89: {  	s3 =	sld [smem:$0x3FFE];
	_ =	sdelay $0x1  }
0x8a: {  	s1 =	srdreg.scid  }
0x8b: {  	s0 =	sand.u32 $0x1, s1  }
0x8c: {  	s17 =	sshll.u32 s0, $0xA;
	s2 =	sadd.s32 s3, s2  }
0x8d: {  	s2 =	sadd.s32 s2, s17  }
0x8e: {  	[smem:$0x3FBA] =	sst s2  }
0x8f: {  	_ = 	snop  }
0x90: {  	s2 =	sld [smem:$0x3FD0];
	(tm) =	ssettm $0x1  }
0x91: {  	s18 =	sld [smem:$0x3FFB];
	_ =	sdelay $0x3  }
0x92: {  	_ =	strace s18  }
0x93: {  	s3 =	sld [smem:$0x3FFC];
	_ =	sdelay $0x3  }
0x94: {  	_ =	strace s3  }
0x95: {  	s3 =	sld [smem:$0x3FFD];
	_ =	sdelay $0x3  }
0x96: {  	_ =	strace s3  }
0x97: {  	_ =	strace $0x8FFFFFFF  }
0x98: {  	s19 =	sld [smem:$0x3FDB];
	_ =	sdelay $0x1  }
0x99: {  	s4 =	simm.s32 $_scs_section_size  }
0x9a: {  	s5 =	simm.s32 $_size__tile_overlayer_lowered;
	s6 =	simm.s32 $_tile_overlayer_lowered  }
0x9b: {  	s22 =	simm.s32 $0x1BFF;
	s21 =	sshll.u32 s6, $0x1;
	s3 =	sadd.s32 s4, s19  }
0x9c: {  	s7 =	simm.s32 $0x0;
	s20 =	sshll.u32 s5, $0x1;
	s5 =	sadd.s32 s21, s3  }
0x9d: {  	[timem:s7], [sflag:s22] =	dma.local [hbm:s5], s20  }
0x9e: {  	_ =	swait.ge [sflag:s22], s20  }
0x9f: {  	s4 =	ssub.s32 $0x0, s20;
	[sflag:s22] =	ssyncset.done $0x0  }
0xa0: {  	[sflag:s22] =	ssyncadd.s32 s4;
	_ =	sdelay $0x1  }
0xa1: {  	s23 =	simm.s32 $0x1B8B  }
0xa2: {  	_ =	swait.ge [sflag:s23], $0x1  }
0xa3: {  	[sflag:s23] =	ssyncset.done $0x0  }
0xa4: {  	s25 =	simm.s32 $0x1B8E;
	s24 =	sld [smem:$0x3FFE];
	[sflag:s23] =	ssyncadd.s32 $0xFFFFFFFF  }
0xa5: {  	s26 =	simm.s32 $execute0_lowered;
	[smem:$0x3FD2] =	sst s25  }
0xa6: {  	s5 =	sshll.u32 s26, $0x1;
	_ =	strace $0x8000004F;
	[dreg:$0x1] =	wrdreg $0xFFFFFFFF  }
0xa7: {  	s28 =	simm.s32 $_size_execute0_lowered;
	s3 =	sadd.s32 s3, s5;
	[dreg:$0x0] =	wrdreg $0x0  }
0xa8: {  	s5 =	sshll.u32 s28, $0x1;
	[dreg:$0x2] =	wrdreg s3  }
0xa9: {  	[dreg:$0x3] =	wrdreg s5  }
0xaa: {  	[dreg:$0x4] =	wrdreg $0xC0  }
0xab: {  	_ =	task [dreg:s7], $0x5FFFF  }
0xac: {  	[dreg:$0x1] =	wrdreg $0xFFFFFFFF  }
0xad: {  	[dreg:$0x0] =	wrdreg $0x60  }
0xae: {  	[dreg:$0x2] =	wrdreg s24  }
0xaf: {  	[dreg:$0x3] =	wrdreg s2  }
0xb0: {  	[dreg:$0x4] =	wrdreg $0x0  }
0xb1: {  	[dreg:$0x5] =	wrdreg $0x9  }
0xb2: {  	_ =	task.clear_ibuf [dreg:s7], $0x6FFFF;
	_ =	strace $0x9000004F  }
0xb3: {  	s29 =	simm.s32 $0x9;
	_ =	strace $0x80000051  }
0xb4: {  	_ =	swait.ge [sflag:s29], $0x1  }
0xb5: {  	[sflag:s29] =	ssyncadd.s32 $0xFFFFFFFF  }
0xb6: {  	_ =	strace $0x90000051  }
0xb7: {  	_ =	sfence  }
0xb8: {  	s30 =	sld [smem:$0x0];
	_ =	sdelay $0x2  }
0xb9: {  	s31 =	sshll.u32 s1, $0xD;
	s1 =	sshrl.u32 s1, $0x2  }
0xba: {  	s3 =	sand.u32 $0x4000, s31;
	s1 =	sadd.s32 s1, s30  }
0xbb: {  	s0 =	sor.u32 s3, s0;
	s1 =	sshll.u32 s1, $0x11  }
0xbc: {  	s0 =	sor.u32 s1, s0  }
0xbd: {  	s0 =	sadd.s32 $0x8F2B, s0  }
0xbe: {  	[sflag:s0] =	ssyncadd.remote.s32 $0x1  }
0xbf: {  	_ =	sfence.sel $0xFFFF  }
0xc0: {  	[dreg:$0x0] =	wrdreg $0xFFFFFFFF;
	(pc) =	sbr.abs _section_cstart, $3  }
0xc1: {  	[dreg:$0x1] =	wrdreg $0xFFFFFFFF  }
0xc2: {  	_ =	task.clear_ibuf [dreg:s7], $0x2FFFF;
	_ =	strace $0x9FFFFFFF  }
0xc3: {  	(tm) =	ssettm $0x7FFFFFFF  }
tec
execute0_lowered:
.L_overlay_start_1:
0x0: {  	(tag) =	ssettag $0x1  }
0x1: {  	s0 =	rddreg [dreg:$0x0]  }
0x2: {  	s22 =	rddreg [dreg:$0x1]  }
0x3: {  	s1 =	srdreg.scid;
	s7 =	stileid.u32  }
0x4: {  	s2 =	rddreg [dreg:$0x2];
	s5 =	smul.u32 $0x2710, s7  }
0x5: {  	s3 =	simm.s32 $0x0;
	s30 =	simm.s32 $0x1;
	s17 =	smul.u32 $0x50000, s7  }
0x6: {  	s31 =	simm.s32 $0x0;
	s1 =	sand.u32 $0x1, s1;
	s12 =	smul.u32 $0x14000, s7  }
0x7: {  	[smem:$0x7FF] =	sst s3;
	s4 =	smul.u32 $0x27100, s1;
	s6 =	ssub.s32 $0x2, s1  }
0x8: {  	_ =	strace $0x80000050;
	s1 =	smul.u32 $0x140000, s1;
	s18 =	sshrl.u32 s6, $0x1  }
0x9: {  	s13 =	sor.u32 $0x2800, s12;
	s14 =	sadd.s32 $0x5000, s12;
	s15 =	sadd.s32 $0x7800, s12  }
0xa: {  	s16 =	sadd.s32 $0xA000, s12;
	s19 =	sadd.s32 $0x11800, s12;
	s5 =	sadd.s32 s5, s4  }
0xb: {  	s4 =	sadd.s32 $0xDC00, s0;
	s21 =	ssub.s32 s6, s18;
	s6 =	sadd.s32 s13, s2  }
0xc: {  	s7 =	sadd.s32 s14, s2;
	s8 =	sadd.s32 s15, s2;
	s18 =	sadd.s32 $0xF000, s12  }
0xd: {  	s9 =	sadd.s32 s16, s2;
	s20 =	sadd.s32 s12, s1;
	s13 =	sadd.s32 s1, s13  }
0xe: {  	s25 =	sadd.s32 s1, s14;
	s26 =	sadd.s32 s1, s15;
	s16 =	sadd.s32 s1, s16  }
0xf: {  	s23 =	sshrl.u32 s5, $0x3;
	s5 =	sshrl.u32 s17, $0x2;
	s17 =	sadd.s32 $0xC800, s12  }
0x10: {  	s11 =	sadd.s32 s18, s2;
	s29 =	sadd.s32 s1, s18;
	s12 =	sadd.s32 s19, s2  }
0x11: {  	s21 =	smax.u32 s21, $0x1;
	s24 =	sadd.s32 s23, s0;
	s0 =	sadd.s32 $0x34E00, s0  }
0x12: {  	s5 =	sadd.s32 s5, s2;
	s10 =	sadd.s32 s17, s2;
	s28 =	sadd.s32 s1, s17  }
0x13: {  	s1 =	sadd.s32 s1, s19;
	s19 =	sshrl.u32 s20, $0x3;
	s20 =	sshrl.u32 s13, $0x3  }
0x14: {  	s17 =	sshrl.u32 s25, $0x3;
	s22 =	sadd.s32 s23, s22;
	s14 =	sadd.s32 s0, s19  }
0x15: {  	s15 =	sadd.s32 s0, s20;
	s18 =	sadd.s32 s0, s17;
	s19 =	sshrl.u32 s26, $0x3  }
0x16: {  	s20 =	sshrl.u32 s16, $0x3;
	s25 =	sshrl.u32 s28, $0x3;
	s26 =	sshrl.u32 s29, $0x3  }
0x17: {  	s1 =	sshrl.u32 s1, $0x3;
	s23 =	sadd.s32 $0x3E00, s24;
	[dreg:$0x4] =	wrdreg s14  }
0x18: {  	s24 =	simm.s32 $0x14100;
	s28 =	simm.s32 $0x14080;
	[dreg:$0x5] =	wrdreg s15  }
0x19: {  	s29 =	simm.s32 $0x50;
	[dreg:$0x6] =	wrdreg s18;
	s16 =	sadd.s32 s0, s19  }
0x1a: {  	s17 =	sadd.s32 s0, s20;
	s18 =	sadd.s32 s0, s25;
	s19 =	sadd.s32 s0, s26  }
0x1b: {  	v0 =	vimm.f32 $0.0e+00;
	s20 =	sadd.s32 s0, s1;
	s25 =	simm.s32 $0x2;
	s26 =	simm.s32 $0x14000  }
.LBB2_1:
0x1c: {  	s0 =	simm.s32 $0x0;
	s1 =	simm.s32 $0x200  }
.LBB2_2:
0x1d: {  	p0 =	sne.s32 s1, $0x9E00;
	[tilespmem:s0+$0x14170] =	vst v0  }
0x1e: {  	[tilespmem:s0+$0x14100] =	vst v0  }
0x1f: {  	[tilespmem:s0+$0x14110] =	vst v0  }
.Ltmp0:
0x20: {  	[tilespmem:s0+$0x14120] =	vst v0;
	(pc) =	sbr.rel @p0 .LBB2_2-.Ltmp0, $4  }
0x21: {  	[tilespmem:s0+$0x14130] =	vst v0  }
0x22: {  	[tilespmem:s0+$0x14140] =	vst v0  }
0x23: {  	[tilespmem:s0+$0x14150] =	vst v0  }
0x24: {  	[tilespmem:s0+$0x14160] =	vst v0;
	s0 =	sshra.s32 s1, $0x2;
	s1 =	sadd.s32 $0x200, s1  }
0x25: {  	[tilespmem:s0+$0x14170] =	vst v0  }
0x26: {  	[tilespmem:s0+$0x14100] =	vst v0  }
0x27: {  	[tilespmem:s0+$0x14110] =	vst v0  }
0x28: {  	[tilespmem:s0+$0x14120] =	vst v0  }
0x29: {  	[tilespmem:s0+$0x14130] =	vst v0  }
0x2a: {  	[tilespmem:s0+$0x14140] =	vst v0  }
0x2b: {  	[tilespmem:s0+$0x14150] =	vst v0  }
0x2c: {  	[tilespmem:s0+$0x14160] =	vst v0  }
0x2d: {  	[spmem:s5] =	stream.linear.scatter [tilespmem:s24], [sflag:$0x2], $0x2800, $0x38;
	[tilespmem:$0x16900] =	vst v63  }
0x2e: {  	_ =	swait.ge [sflag:s25], $0x2800  }
0x2f: {  	[sflag:s25] =	ssyncset.done $0x0  }
0x30: {  	[sflag:s25] =	ssyncadd.s32 $0xFFFFD800  }
0x31: {  	[spmem:s6] =	stream.linear.scatter [tilespmem:s24], [sflag:$0x2], $0x2800, $0x38;
	[tilespmem:$0x16900] =	vst v63  }
0x32: {  	_ =	swait.ge [sflag:s25], $0x2800  }
0x33: {  	[sflag:s25] =	ssyncset.done $0x0  }
0x34: {  	[sflag:s25] =	ssyncadd.s32 $0xFFFFD800  }
0x35: {  	[spmem:s7] =	stream.linear.scatter [tilespmem:s24], [sflag:$0x2], $0x2800, $0x38;
	[tilespmem:$0x16900] =	vst v63  }
0x36: {  	_ =	swait.ge [sflag:s25], $0x2800  }
0x37: {  	[sflag:s25] =	ssyncset.done $0x0  }
0x38: {  	[sflag:s25] =	ssyncadd.s32 $0xFFFFD800  }
0x39: {  	[spmem:s8] =	stream.linear.scatter [tilespmem:s24], [sflag:$0x2], $0x2800, $0x38;
	[tilespmem:$0x16900] =	vst v63  }
0x3a: {  	_ =	swait.ge [sflag:s25], $0x2800  }
0x3b: {  	[sflag:s25] =	ssyncset.done $0x0  }
0x3c: {  	[sflag:s25] =	ssyncadd.s32 $0xFFFFD800  }
0x3d: {  	[spmem:s9] =	stream.linear.scatter [tilespmem:s24], [sflag:$0x2], $0x2800, $0x38;
	[tilespmem:$0x16900] =	vst v63  }
0x3e: {  	_ =	swait.ge [sflag:s25], $0x2800  }
0x3f: {  	[sflag:s25] =	ssyncset.done $0x0  }
0x40: {  	[sflag:s25] =	ssyncadd.s32 $0xFFFFD800  }
0x41: {  	[spmem:s10] =	stream.linear.scatter [tilespmem:s24], [sflag:$0x2], $0x2800, $0x38;
	[tilespmem:$0x16900] =	vst v63  }
0x42: {  	_ =	swait.ge [sflag:s25], $0x2800  }
0x43: {  	[sflag:s25] =	ssyncset.done $0x0  }
0x44: {  	[sflag:s25] =	ssyncadd.s32 $0xFFFFD800  }
0x45: {  	[spmem:s11] =	stream.linear.scatter [tilespmem:s24], [sflag:$0x2], $0x2800, $0x38;
	[tilespmem:$0x16900] =	vst v63  }
0x46: {  	_ =	swait.ge [sflag:s25], $0x2800  }
0x47: {  	[sflag:s25] =	ssyncset.done $0x0  }
0x48: {  	[sflag:s25] =	ssyncadd.s32 $0xFFFFD800  }
0x49: {  	[spmem:s12] =	stream.linear.scatter [tilespmem:s24], [sflag:$0x2], $0x2800, $0x38;
	[tilespmem:$0x16900] =	vst v63  }
0x4a: {  	_ =	swait.ge [sflag:s25], $0x2800  }
0x4b: {  	[sflag:s25] =	ssyncset.done $0x0  }
0x4c: {  	[sflag:s25] =	ssyncadd.s32 $0xFFFFD800  }
0x4d: {  	s14 =	sadd.s32 $0x0, s23;
	[bflag:$0x0] =	sbarrier.arrive $0xFFFF  }
0x4e: {  	[tilespmem:s26], [sflag:$0x2] =	stream.linear.gather [hbm4b:s14+s3], $0x50, $0x38;
	[tilespmem:$0x16900] =	vst v63  }
0x4f: {  	_ =	swait.ge [sflag:s25], $0x50  }
0x50: {  	[sflag:s25] =	ssyncset.done $0x0  }
0x51: {  	s15 =	sadd.s32 $0x0, s22;
	[sflag:s25] =	ssyncadd.s32 $0xFFFFFFB0  }
0x52: {  	[tilespmem:s28], [sflag:$0x2] =	stream.linear.gather [hbm4b:s15+s3], $0x50, $0x38;
	[tilespmem:$0x16900] =	vst v63  }
0x53: {  	_ =	swait.ge [sflag:s25], $0x50  }
0x54: {  	[sflag:s25] =	ssyncset.done $0x0  }
0x55: {  	[sflag:s25] =	ssyncadd.s32 $0xFFFFFFB0  }
0x56: {  	[tilespmem:s24], [sflag:$0x1] =	stream.indirect.gather [hbm4b:s4+s29], $0x80, s26, s29, $0xb8;
	[tilespmem:$0x16900] =	vst v63  }
0x57: {  	_ =	swait.ge [sflag:s30], $0x2800  }
0x58: {  	[sflag:s30] =	ssyncset.done $0x0  }
0x59: {  	[sflag:s30] =	ssyncadd.s32 $0xFFFFD800  }
0x5a: {  	[spmem:s2] =	stream.indirect.scatter.add.f32 [tilespmem:s24], [sflag:$0x2], $0x80, s28, s29, $0xb8;
	[tilespmem:$0x16900] =	vst v63  }
0x5b: {  	_ =	swait.ge [sflag:s25], $0x2800  }
0x5c: {  	s0 =	simm.s32 $0xA;
	s1 =	simm.s32 $0x14;
	[sflag:s25] =	ssyncset.done $0x0  }
.LBB2_4:
0x5d: {  	s13 =	sadd.s32 s0, s23  }
0x5e: {  	[sflag:s25] =	ssyncadd.s32 $0xFFFFD800;
	s14 =	smov.u32 s1;
	s15 =	sadd.s32 $0xA, s1  }
0x5f: {  	[tilespmem:s26], [sflag:$0x2] =	stream.linear.gather [hbm4b:s13+s3], $0x50, $0x38;
	[tilespmem:$0x16900] =	vst v63  }
0x60: {  	p0 =	sne.s32 s1, $0x4D8;
	_ =	swait.ge [sflag:s25], $0x50  }
0x61: {  	[sflag:s25] =	ssyncset.done $0x0  }
0x62: {  	s1 =	sadd.s32 s0, s22;
	s0 =	smov.u32 s14;
	[sflag:s25] =	ssyncadd.s32 $0xFFFFFFB0  }
0x63: {  	[tilespmem:s28], [sflag:$0x2] =	stream.linear.gather [hbm4b:s1+s3], $0x50, $0x38;
	[tilespmem:$0x16900] =	vst v63  }
0x64: {  	_ =	swait.ge [sflag:s25], $0x50  }
0x65: {  	[sflag:s25] =	ssyncset.done $0x0  }
0x66: {  	[sflag:s25] =	ssyncadd.s32 $0xFFFFFFB0  }
0x67: {  	[tilespmem:s24], [sflag:$0x1] =	stream.indirect.gather [hbm4b:s4+s29], $0x80, s26, s29, $0xb8;
	[tilespmem:$0x16900] =	vst v63  }
0x68: {  	_ =	swait.ge [sflag:s30], $0x2800  }
.Ltmp1:
0x69: {  	[sflag:s30] =	ssyncset.done $0x0;
	(pc) =	sbr.rel @p0 .LBB2_4-.Ltmp1, $4  }
0x6a: {  	[sflag:s30] =	ssyncadd.s32 $0xFFFFD800  }
0x6b: {  	[spmem:s2] =	stream.indirect.scatter.add.f32 [tilespmem:s24], [sflag:$0x2], $0x80, s28, s29, $0xb8;
	[tilespmem:$0x16900] =	vst v63  }
0x6c: {  	_ =	swait.ge [sflag:s25], $0x2800  }
0x6d: {  	s1 =	smov.u32 s15;
	[sflag:s25] =	ssyncset.done $0x0  }
0x6e: {  	s1 =	sadd.s32 s0, s23;
	[sflag:s25] =	ssyncadd.s32 $0xFFFFD800  }
0x6f: {  	[tilespmem:s26], [sflag:$0x2] =	stream.linear.gather [hbm4b:s1+s3], $0x50, $0x38;
	[tilespmem:$0x16900] =	vst v63  }
0x70: {  	_ =	swait.ge [sflag:s25], $0x50  }
0x71: {  	[sflag:s25] =	ssyncset.done $0x0  }
0x72: {  	s1 =	sadd.s32 s0, s22;
	[sflag:s25] =	ssyncadd.s32 $0xFFFFFFB0  }
0x73: {  	[tilespmem:s28], [sflag:$0x2] =	stream.linear.gather [hbm4b:s1+s3], $0x50, $0x38;
	[tilespmem:$0x16900] =	vst v63  }
0x74: {  	_ =	swait.ge [sflag:s25], $0x50  }
0x75: {  	[sflag:s25] =	ssyncset.done $0x0  }
0x76: {  	[sflag:s25] =	ssyncadd.s32 $0xFFFFFFB0  }
0x77: {  	[tilespmem:s24], [sflag:$0x1] =	stream.indirect.gather [hbm4b:s4+s29], $0x80, s26, s29, $0xb8;
	[tilespmem:$0x16900] =	vst v63  }
0x78: {  	_ =	swait.ge [sflag:s30], $0x2800  }
0x79: {  	[sflag:s30] =	ssyncset.done $0x0  }
0x7a: {  	[sflag:s30] =	ssyncadd.s32 $0xFFFFD800  }
0x7b: {  	[spmem:s2] =	stream.indirect.scatter.add.f32 [tilespmem:s24], [sflag:$0x2], $0x80, s28, s29, $0xb8;
	[tilespmem:$0x16900] =	vst v63  }
0x7c: {  	_ =	swait.ge [sflag:s25], $0x2800  }
0x7d: {  	[sflag:s25] =	ssyncset.done $0x0  }
0x7e: {  	[sflag:s25] =	ssyncadd.s32 $0xFFFFD800  }
0x7f: {  	[bflag:$0x0] =	sbarrier.arrive $0xFFFF  }
0x80: {  	[tilespmem:s24], [sflag:$0x2] =	stream.linear.gather [spmem:s5], $0x2800, $0x38;
	[tilespmem:$0x16900] =	vst v63  }
0x81: {  	_ =	swait.ge [sflag:s25], $0x2800  }
0x82: {  	[sflag:s25] =	ssyncset.done $0x0  }
0x83: {  	s13 =	rddreg [dreg:$0x4];
	[sflag:s25] =	ssyncadd.s32 $0xFFFFD800  }
0x84: {  	[hbm4b:s13+s3] =	stream.linear.scatter [tilespmem:s24], [sflag:$0x2], $0x2800, $0x38;
	[tilespmem:$0x16900] =	vst v63  }
0x85: {  	_ =	swait.ge [sflag:s25], $0x2800  }
0x86: {  	[sflag:s25] =	ssyncset.done $0x0  }
0x87: {  	[sflag:s25] =	ssyncadd.s32 $0xFFFFD800  }
0x88: {  	[tilespmem:s24], [sflag:$0x2] =	stream.linear.gather [spmem:s6], $0x2800, $0x38;
	[tilespmem:$0x16900] =	vst v63  }
0x89: {  	_ =	swait.ge [sflag:s25], $0x2800  }
0x8a: {  	[sflag:s25] =	ssyncset.done $0x0  }
0x8b: {  	s14 =	rddreg [dreg:$0x5];
	[sflag:s25] =	ssyncadd.s32 $0xFFFFD800  }
0x8c: {  	[hbm4b:s14+s3] =	stream.linear.scatter [tilespmem:s24], [sflag:$0x2], $0x2800, $0x38;
	[tilespmem:$0x16900] =	vst v63  }
0x8d: {  	_ =	swait.ge [sflag:s25], $0x2800  }
0x8e: {  	[sflag:s25] =	ssyncset.done $0x0  }
0x8f: {  	[sflag:s25] =	ssyncadd.s32 $0xFFFFD800  }
0x90: {  	[tilespmem:s24], [sflag:$0x2] =	stream.linear.gather [spmem:s7], $0x2800, $0x38;
	[tilespmem:$0x16900] =	vst v63  }
0x91: {  	_ =	swait.ge [sflag:s25], $0x2800  }
0x92: {  	[sflag:s25] =	ssyncset.done $0x0  }
0x93: {  	s15 =	rddreg [dreg:$0x6];
	[sflag:s25] =	ssyncadd.s32 $0xFFFFD800  }
0x94: {  	[hbm4b:s15+s3] =	stream.linear.scatter [tilespmem:s24], [sflag:$0x2], $0x2800, $0x38;
	[tilespmem:$0x16900] =	vst v63  }
0x95: {  	_ =	swait.ge [sflag:s25], $0x2800  }
0x96: {  	[sflag:s25] =	ssyncset.done $0x0  }
0x97: {  	[sflag:s25] =	ssyncadd.s32 $0xFFFFD800  }
0x98: {  	[tilespmem:s24], [sflag:$0x2] =	stream.linear.gather [spmem:s8], $0x2800, $0x38;
	[tilespmem:$0x16900] =	vst v63  }
0x99: {  	_ =	swait.ge [sflag:s25], $0x2800  }
0x9a: {  	[sflag:s25] =	ssyncset.done $0x0  }
0x9b: {  	[sflag:s25] =	ssyncadd.s32 $0xFFFFD800  }
0x9c: {  	[hbm4b:s16+s3] =	stream.linear.scatter [tilespmem:s24], [sflag:$0x2], $0x2800, $0x38;
	[tilespmem:$0x16900] =	vst v63  }
0x9d: {  	_ =	swait.ge [sflag:s25], $0x2800  }
0x9e: {  	[sflag:s25] =	ssyncset.done $0x0  }
0x9f: {  	[sflag:s25] =	ssyncadd.s32 $0xFFFFD800  }
0xa0: {  	[tilespmem:s24], [sflag:$0x2] =	stream.linear.gather [spmem:s9], $0x2800, $0x38;
	[tilespmem:$0x16900] =	vst v63  }
0xa1: {  	_ =	swait.ge [sflag:s25], $0x2800  }
0xa2: {  	[sflag:s25] =	ssyncset.done $0x0  }
0xa3: {  	[sflag:s25] =	ssyncadd.s32 $0xFFFFD800  }
0xa4: {  	[hbm4b:s17+s3] =	stream.linear.scatter [tilespmem:s24], [sflag:$0x2], $0x2800, $0x38;
	[tilespmem:$0x16900] =	vst v63  }
0xa5: {  	_ =	swait.ge [sflag:s25], $0x2800  }
0xa6: {  	[sflag:s25] =	ssyncset.done $0x0  }
0xa7: {  	[sflag:s25] =	ssyncadd.s32 $0xFFFFD800  }
0xa8: {  	[tilespmem:s24], [sflag:$0x2] =	stream.linear.gather [spmem:s10], $0x2800, $0x38;
	[tilespmem:$0x16900] =	vst v63  }
0xa9: {  	_ =	swait.ge [sflag:s25], $0x2800  }
0xaa: {  	[sflag:s25] =	ssyncset.done $0x0  }
0xab: {  	[sflag:s25] =	ssyncadd.s32 $0xFFFFD800  }
0xac: {  	[hbm4b:s18+s3] =	stream.linear.scatter [tilespmem:s24], [sflag:$0x2], $0x2800, $0x38;
	[tilespmem:$0x16900] =	vst v63  }
0xad: {  	_ =	swait.ge [sflag:s25], $0x2800  }
0xae: {  	[sflag:s25] =	ssyncset.done $0x0  }
0xaf: {  	[sflag:s25] =	ssyncadd.s32 $0xFFFFD800  }
0xb0: {  	[tilespmem:s24], [sflag:$0x2] =	stream.linear.gather [spmem:s11], $0x2800, $0x38;
	[tilespmem:$0x16900] =	vst v63  }
0xb1: {  	_ =	swait.ge [sflag:s25], $0x2800  }
0xb2: {  	[sflag:s25] =	ssyncset.done $0x0  }
0xb3: {  	[sflag:s25] =	ssyncadd.s32 $0xFFFFD800  }
0xb4: {  	[hbm4b:s19+s3] =	stream.linear.scatter [tilespmem:s24], [sflag:$0x2], $0x2800, $0x38;
	[tilespmem:$0x16900] =	vst v63  }
0xb5: {  	_ =	swait.ge [sflag:s25], $0x2800  }
0xb6: {  	[sflag:s25] =	ssyncset.done $0x0  }
0xb7: {  	[sflag:s25] =	ssyncadd.s32 $0xFFFFD800  }
0xb8: {  	[tilespmem:s24], [sflag:$0x2] =	stream.linear.gather [spmem:s12], $0x2800, $0x38;
	[tilespmem:$0x16900] =	vst v63  }
0xb9: {  	s31 =	sadd.s32 $0x1, s31;
	_ =	swait.ge [sflag:s25], $0x2800  }
0xba: {  	p0 =	sne.s32 s31, s21;
	[sflag:s25] =	ssyncset.done $0x0  }
.Ltmp2:
0xbb: {  	[sflag:s25] =	ssyncadd.s32 $0xFFFFD800;
	(pc) =	sbr.rel @p0 .LBB2_1-.Ltmp2, $4  }
0xbc: {  	[hbm4b:s20+s3] =	stream.linear.scatter [tilespmem:s24], [sflag:$0x2], $0x2800, $0x38;
	[tilespmem:$0x16900] =	vst v63  }
0xbd: {  	_ =	swait.ge [sflag:s25], $0x2800  }
0xbe: {  	[sflag:s25] =	ssyncset.done $0x0  }
0xbf: {  	[sflag:s25] =	ssyncadd.s32 $0xFFFFD800  }
0xc0: {  	_ =	sfence.sel $0x180000  }
0xc1: {  	[bflag:$0x0] =	sbarrier.arrive $0xFFFF  }
0xc2: {  	_ =	strace $0x90000050  }
0xc3: {  	s0 =	stileid.u32;
	[bflag:$0x2] =	sbarrier.arrive $0xFFFF  }
0xc4: {  	p0 =	sne.s32 s0, $0x0;
	s0 =	rddreg [dreg:$0x3]  }
0xc5: {  	s0 =	sadd.s32 @!p0 $0x100000, s0  }
0xc6: {  	[sflag:s0] =	ssyncadd.tile.s32 @!p0 $0x1;
	_ =	shalt  }
.Lfunc_end2:
_tile_overlayer_lowered:
.L_overlay_start_2:
0xc7: {  	(tag) =	ssettag $0x2  }
0xc8: {  	s0 =	rddreg [dreg:$0x0];
	s2 =	stileid.u32  }
0xc9: {  	s1 =	rddreg [dreg:$0x1];
	p0 =	sne.s32 s2, $0x0  }
0xca: {  	s3 =	rddreg [dreg:$0x2];
	[bflag:$0x3] =	sbarrier.arrive $0xFFFF;
	s2 =	simm.s32 @!p0 $0x1C02  }
0xcb: {  	[timem:s3], [sflag:s2] =	dma.local @!p0 [hbm:s0], s1  }
0xcc: {  	s0 =	simm.s32 @!p0 $0x2  }
0xcd: {  	_ =	swait.ge @!p0 [sflag:s0], s1  }
0xce: {  	s1 =	ssub.s32 @!p0 $0x0, s1;
	[sflag:s0] =	ssyncset.done @!p0 $0x0  }
0xcf: {  	[sflag:s0] =	ssyncadd.s32 @!p0 s1  }
0xd0: {  	[bflag:$0x3] =	sbarrier.arrive $0xFFFF  }
0xd1: {  	_ =	shalt  }

// kernel: kernel.24.cloned.1.call-start
scs
__scs_entry_jumppad:
0x0: {  	(pc) =	sbr.rel $0x88, $3  }
0x1: {  	(tag) =	ssettag $0x0;
	lr =	simm.s32 $0x1  }
0x2: {  	[smem:$0x3F93] =	sst lr;
	_ =	strace $0xD0000000  }
0x3: {  	_ = 	snop  }
0x4: {  	_ = 	snop  }
0x5: {  	_ = 	snop  }
0x6: {  	_ = 	snop  }
0x7: {  	_ = 	snop  }
__scs_overlays_trampoline_lowered:
0x8: {  	[smem:$0x3FA2] =	sst s0  }
0x9: {  	[smem:$0x3FA3] =	sst s1  }
0xa: {  	[smem:$0x3FA4] =	sst s2  }
0xb: {  	[smem:$0x3FA5] =	sst s3  }
0xc: {  	[smem:$0x3FA6] =	sst s4  }
0xd: {  	[smem:$0x3FA7] =	sst s5  }
0xe: {  	[smem:$0x3FA8] =	sst s6  }
0xf: {  	[smem:$0x3FA9] =	sst s7  }
0x10: {  	[smem:$0x3FAA] =	sst s8  }
0x11: {  	[smem:$0x3FAB] =	sst s9;
	s0 =	simm.s32 @!p0 $0x0  }
0x12: {  	s1 =	sld [smem:$0x3F91];
	s0 =	simm.s32 @p0 $0x1  }
0x13: {  	[smem:$0x3FAC] =	sst s0;
	s0 =	simm.s32 @!p1 $0x0  }
0x14: {  	s2 =	sld [smem:$0x3F90];
	s0 =	simm.s32 @p1 $0x1  }
0x15: {  	[smem:$0x3FAD] =	sst s0;
	s0 =	simm.s32 @!p2 $0x0  }
0x16: {  	s3 =	sld [smem:$0x3FDB];
	s0 =	simm.s32 @p2 $0x1  }
0x17: {  	s4 =	simm.s32 $0x1BF5;
	[smem:$0x3FAF] =	sst s0  }
0x18: {  	s0 =	sld [smem:$0x3F92];
	_ =	swait.ge [sflag:s4], $0x0  }
0x19: {  	s7 =	sld [smem:$0x3F93]  }
0x1a: {  	s8 =	sadd.s32 $0xFFFFE003, lr  }
0x1b: {  	s9 =	sadd.s32 $0xFFFFFEF7, lr;
	s5 =	simm.s32 $0xFFFFFFFF;
	p2 =	slt.u32 s8, $0xFFFFF086  }
0x1c: {  	p1 =	slt.u32 s9, $0xF7A;
	s5 =	simm.s32 @!p2 $0x0  }
0x1d: {  	s5 =	simm.s32 @p1 $0x1;
	p0 =	seq.s32 s7, s2  }
0x1e: {  	s7 =	smul.u32 @!p0 $0xF7A, s2;
	p2 =	seq.s32 @!p0 s5, $0x0  }
0x1f: {  	s9 =	smul.u32 $0xF7A, s1;
	s8 =	simm.s32 @!p0 $0x1BF5;
	p2 =	por !p2, p0  }
0x20: {  	[sflag:s8] =	ssyncset.s32 @!p0 $0xFFFFF086;
	s6 =	sadd.s32 @!p0 s3, s7;
	s7 =	simm.s32 @!p0 $0x108  }
0x21: {  	s3 =	sadd.s32 s3, s9;
	s6 =	sadd.s32 @!p0 $0x88, s6;
	s7 =	simm.s32 @p2 $0x1082  }
0x22: {  	[simem:s7], [sflag:s8] =	dma.local @!p0 [hbm:s6], $0xF7A  }
0x23: {  	s9 =	sor.u32 $0xD0000000, s2;
	s6 =	simm.s32 $0x108;
	_ =	swait.ge @!p0 [sflag:s8], $0x0  }
0x24: {  	s3 =	sadd.s32 $0x88, s3;
	s6 =	simm.s32 @!p1 $0x1082;
	[sflag:s4] =	ssyncset.s32 $0xFFFFF086  }
0x25: {  	[simem:s6], [sflag:s4] =	dma.local [hbm:s3], $0xF7A  }
0x26: {  	[smem:$0x3F93] =	sst s1;
	(tag) =	ssettag s2;
	_ =	strace s9  }
0x27: {  	s1 =	sld [smem:$0x3FA3]  }
0x28: {  	s2 =	sld [smem:$0x3FA4]  }
0x29: {  	s4 =	sld [smem:$0x3FA6]  }
0x2a: {  	p0 =	seq.s32 s5, $0x0;
	s5 =	sld [smem:$0x3FA7]  }
0x2b: {  	s6 =	sld [smem:$0x3FA8]  }
0x2c: {  	s7 =	sld [smem:$0x3FA9]  }
0x2d: {  	s3 =	simm.s32 $0x108;
	s8 =	sld [smem:$0x3FAA]  }
0x2e: {  	s3 =	simm.s32 @!p0 $0x1082;
	s9 =	sld [smem:$0x3FAB]  }
0x2f: {  	lr =	sadd.s32 s0, s3;
	s0 =	sld [smem:$0x3FA2]  }
0x30: {  	s3 =	sld [smem:$0x3FA5]  }
0x31: {  	[smem:$0x3FAE] =	sst s10  }
0x32: {  	s10 =	sld [smem:$0x3FAC];
	_ =	sdelay $0x3  }
0x33: {  	p0 =	seq.s32 s10, $0x1;
	s10 =	sld [smem:$0x3FAE];
	_ =	sdelay $0x3  }
0x34: {  	[smem:$0x3FAE] =	sst s10  }
0x35: {  	s10 =	sld [smem:$0x3FAD];
	_ =	sdelay $0x3  }
0x36: {  	p1 =	seq.s32 s10, $0x1;
	s10 =	sld [smem:$0x3FAE];
	_ =	sdelay $0x3  }
0x37: {  	[smem:$0x3FAE] =	sst s10  }
0x38: {  	s10 =	sld [smem:$0x3FAF]  }
0x39: {  	_ = 	snop;
	(pc) =	sbr.ind lr, $3  }
0x3a: {  	_ = 	snop  }
0x3b: {  	_ = 	snop  }
0x3c: {  	p2 =	seq.s32 s10, $0x1;
	s10 =	sld [smem:$0x3FAE]  }
0x3d: {  	_ =	shalt  }
0x3e: {  	_ =	shalt  }
0x3f: {  	_ =	shalt  }
0x40: {  	_ =	shalt  }
0x41: {  	_ =	shalt  }
0x42: {  	_ =	shalt  }
0x43: {  	_ =	shalt  }
0x44: {  	_ =	shalt  }
0x45: {  	_ =	shalt  }
0x46: {  	_ =	shalt  }
0x47: {  	_ =	shalt  }
0x48: {  	_ =	shalt  }
0x49: {  	_ =	shalt  }
0x4a: {  	_ =	shalt  }
0x4b: {  	_ =	shalt  }
0x4c: {  	_ =	shalt  }
0x4d: {  	_ =	shalt  }
0x4e: {  	_ =	shalt  }
0x4f: {  	_ =	shalt  }
0x50: {  	_ =	shalt  }
0x51: {  	_ =	shalt  }
0x52: {  	_ =	shalt  }
0x53: {  	_ =	shalt  }
0x54: {  	_ =	shalt  }
0x55: {  	_ =	shalt  }
0x56: {  	_ =	shalt  }
0x57: {  	_ =	shalt  }
0x58: {  	_ =	shalt  }
0x59: {  	_ =	shalt  }
0x5a: {  	_ =	shalt  }
0x5b: {  	_ =	shalt  }
0x5c: {  	_ =	shalt  }
0x5d: {  	_ =	shalt  }
0x5e: {  	_ =	shalt  }
0x5f: {  	_ =	shalt  }
0x60: {  	_ =	shalt  }
0x61: {  	_ =	shalt  }
0x62: {  	_ =	shalt  }
0x63: {  	_ =	shalt  }
0x64: {  	_ =	shalt  }
0x65: {  	_ =	shalt  }
0x66: {  	_ =	shalt  }
0x67: {  	_ =	shalt  }
0x68: {  	_ =	shalt  }
0x69: {  	_ =	shalt  }
0x6a: {  	_ =	shalt  }
0x6b: {  	_ =	shalt  }
0x6c: {  	_ =	shalt  }
0x6d: {  	_ =	shalt  }
0x6e: {  	_ =	shalt  }
0x6f: {  	_ =	shalt  }
0x70: {  	_ =	shalt  }
0x71: {  	_ =	shalt  }
0x72: {  	_ =	shalt  }
0x73: {  	_ =	shalt  }
0x74: {  	_ =	shalt  }
0x75: {  	_ =	shalt  }
0x76: {  	_ =	shalt  }
0x77: {  	_ =	shalt  }
0x78: {  	_ =	shalt  }
0x79: {  	_ =	shalt  }
0x7a: {  	_ =	shalt  }
0x7b: {  	_ =	shalt  }
0x7c: {  	_ =	shalt  }
0x7d: {  	_ =	shalt  }
0x7e: {  	_ =	shalt  }
0x7f: {  	_ =	shalt  }
0x80: {  	_ =	shalt  }
0x81: {  	_ =	shalt  }
0x82: {  	_ =	shalt  }
0x83: {  	_ =	shalt  }
0x84: {  	_ =	shalt  }
0x85: {  	_ =	shalt  }
0x86: {  	_ =	shalt  }
0x87: {  	_ =	shalt  }
.Lfunc_end0:
.L_simem_size_0:
called_computation.4_lowered:
.L_overlay_start_0:
0x88: {  	s2 =	sld [smem:$0x3FD9]  }
0x89: {  	s3 =	sld [smem:$0x3FFE];
	_ =	sdelay $0x1  }
0x8a: {  	s1 =	srdreg.scid  }
0x8b: {  	s0 =	sand.u32 $0x1, s1  }
0x8c: {  	s17 =	sshll.u32 s0, $0xA;
	s2 =	sadd.s32 s3, s2  }
0x8d: {  	s2 =	sadd.s32 s2, s17  }
0x8e: {  	[smem:$0x3FBA] =	sst s2  }
0x8f: {  	_ = 	snop  }
0x90: {  	s2 =	sld [smem:$0x3FD0];
	(tm) =	ssettm $0x1  }
0x91: {  	s18 =	sld [smem:$0x3FFB];
	_ =	sdelay $0x3  }
0x92: {  	_ =	strace s18  }
0x93: {  	s3 =	sld [smem:$0x3FFC];
	_ =	sdelay $0x3  }
0x94: {  	_ =	strace s3  }
0x95: {  	s3 =	sld [smem:$0x3FFD];
	_ =	sdelay $0x3  }
0x96: {  	_ =	strace s3  }
0x97: {  	_ =	strace $0x8FFFFFFF  }
0x98: {  	s19 =	sld [smem:$0x3FDB];
	_ =	sdelay $0x1  }
0x99: {  	s4 =	simm.s32 $_scs_section_size  }
0x9a: {  	s5 =	simm.s32 $_size__tile_overlayer_lowered;
	s6 =	simm.s32 $_tile_overlayer_lowered  }
0x9b: {  	s22 =	simm.s32 $0x1BFF;
	s21 =	sshll.u32 s6, $0x1;
	s3 =	sadd.s32 s4, s19  }
0x9c: {  	s7 =	simm.s32 $0x0;
	s20 =	sshll.u32 s5, $0x1;
	s5 =	sadd.s32 s21, s3  }
0x9d: {  	[timem:s7], [sflag:s22] =	dma.local [hbm:s5], s20  }
0x9e: {  	_ =	swait.ge [sflag:s22], s20  }
0x9f: {  	s4 =	ssub.s32 $0x0, s20;
	[sflag:s22] =	ssyncset.done $0x0  }
0xa0: {  	[sflag:s22] =	ssyncadd.s32 s4;
	_ =	sdelay $0x1  }
0xa1: {  	s23 =	simm.s32 $0x1B8B  }
0xa2: {  	_ =	swait.ge [sflag:s23], $0x1  }
0xa3: {  	[sflag:s23] =	ssyncset.done $0x0  }
0xa4: {  	s25 =	simm.s32 $0x1B8E;
	s24 =	sld [smem:$0x3FFE];
	[sflag:s23] =	ssyncadd.s32 $0xFFFFFFFF  }
0xa5: {  	s26 =	simm.s32 $execute0_lowered;
	[smem:$0x3FD2] =	sst s25  }
0xa6: {  	s5 =	sshll.u32 s26, $0x1;
	_ =	strace $0x80000052;
	[dreg:$0x1] =	wrdreg $0xFFFFFFFF  }
0xa7: {  	s28 =	simm.s32 $_size_execute0_lowered;
	s3 =	sadd.s32 s3, s5;
	[dreg:$0x0] =	wrdreg $0x0  }
0xa8: {  	s5 =	sshll.u32 s28, $0x1;
	[dreg:$0x2] =	wrdreg s3  }
0xa9: {  	[dreg:$0x3] =	wrdreg s5  }
0xaa: {  	[dreg:$0x4] =	wrdreg $0xC0  }
0xab: {  	_ =	task [dreg:s7], $0x5FFFF  }
0xac: {  	[dreg:$0x1] =	wrdreg $0xFFFFFFFF  }
0xad: {  	[dreg:$0x0] =	wrdreg $0x60  }
0xae: {  	[dreg:$0x2] =	wrdreg s24  }
0xaf: {  	[dreg:$0x3] =	wrdreg s2  }
0xb0: {  	[dreg:$0x4] =	wrdreg $0x0  }
0xb1: {  	[dreg:$0x5] =	wrdreg $0x9  }
0xb2: {  	_ =	task.clear_ibuf [dreg:s7], $0x6FFFF;
	_ =	strace $0x90000052  }
0xb3: {  	s29 =	simm.s32 $0x9;
	_ =	strace $0x80000054  }
0xb4: {  	_ =	swait.ge [sflag:s29], $0x1  }
0xb5: {  	[sflag:s29] =	ssyncadd.s32 $0xFFFFFFFF  }
0xb6: {  	_ =	strace $0x90000054  }
0xb7: {  	_ =	sfence  }
0xb8: {  	s30 =	sld [smem:$0x0];
	_ =	sdelay $0x2  }
0xb9: {  	s31 =	sshll.u32 s1, $0xD;
	s1 =	sshrl.u32 s1, $0x2  }
0xba: {  	s3 =	sand.u32 $0x4000, s31;
	s1 =	sadd.s32 s1, s30  }
0xbb: {  	s0 =	sor.u32 s3, s0;
	s1 =	sshll.u32 s1, $0x11  }
0xbc: {  	s0 =	sor.u32 s1, s0  }
0xbd: {  	s0 =	sadd.s32 $0x8F2B, s0  }
0xbe: {  	[sflag:s0] =	ssyncadd.remote.s32 $0x1  }
0xbf: {  	_ =	sfence.sel $0xFFFF  }
0xc0: {  	[dreg:$0x0] =	wrdreg $0xFFFFFFFF;
	(pc) =	sbr.abs _section_cstart, $3  }
0xc1: {  	[dreg:$0x1] =	wrdreg $0xFFFFFFFF  }
0xc2: {  	_ =	task.clear_ibuf [dreg:s7], $0x2FFFF;
	_ =	strace $0x9FFFFFFF  }
0xc3: {  	(tm) =	ssettm $0x7FFFFFFF  }
tec
execute0_lowered:
.L_overlay_start_1:
0x0: {  	(tag) =	ssettag $0x1  }
0x1: {  	s0 =	rddreg [dreg:$0x0]  }
0x2: {  	s22 =	rddreg [dreg:$0x1]  }
0x3: {  	s1 =	srdreg.scid;
	s7 =	stileid.u32  }
0x4: {  	s2 =	rddreg [dreg:$0x2];
	s5 =	smul.u32 $0x2710, s7  }
0x5: {  	s3 =	simm.s32 $0x0;
	s30 =	simm.s32 $0x1;
	s17 =	smul.u32 $0x50000, s7  }
0x6: {  	s31 =	simm.s32 $0x0;
	s1 =	sand.u32 $0x1, s1;
	s12 =	smul.u32 $0x14000, s7  }
0x7: {  	[smem:$0x7FF] =	sst s3;
	s4 =	smul.u32 $0x27100, s1;
	s6 =	ssub.s32 $0x2, s1  }
0x8: {  	_ =	strace $0x80000053;
	s1 =	smul.u32 $0x140000, s1;
	s18 =	sshrl.u32 s6, $0x1  }
0x9: {  	s13 =	sor.u32 $0x2800, s12;
	s14 =	sadd.s32 $0x5000, s12;
	s15 =	sadd.s32 $0x7800, s12  }
0xa: {  	s16 =	sadd.s32 $0xA000, s12;
	s19 =	sadd.s32 $0x11800, s12;
	s5 =	sadd.s32 s5, s4  }
0xb: {  	s4 =	sadd.s32 $0xDC00, s0;
	s21 =	ssub.s32 s6, s18;
	s6 =	sadd.s32 s13, s2  }
0xc: {  	s7 =	sadd.s32 s14, s2;
	s8 =	sadd.s32 s15, s2;
	s18 =	sadd.s32 $0xF000, s12  }
0xd: {  	s9 =	sadd.s32 s16, s2;
	s20 =	sadd.s32 s12, s1;
	s13 =	sadd.s32 s1, s13  }
0xe: {  	s25 =	sadd.s32 s1, s14;
	s26 =	sadd.s32 s1, s15;
	s16 =	sadd.s32 s1, s16  }
0xf: {  	s23 =	sshrl.u32 s5, $0x3;
	s5 =	sshrl.u32 s17, $0x2;
	s17 =	sadd.s32 $0xC800, s12  }
0x10: {  	s11 =	sadd.s32 s18, s2;
	s29 =	sadd.s32 s1, s18;
	s12 =	sadd.s32 s19, s2  }
0x11: {  	s21 =	smax.u32 s21, $0x1;
	s24 =	sadd.s32 s23, s0;
	s0 =	sadd.s32 $0x34E00, s0  }
0x12: {  	s5 =	sadd.s32 s5, s2;
	s10 =	sadd.s32 s17, s2;
	s28 =	sadd.s32 s1, s17  }
0x13: {  	s1 =	sadd.s32 s1, s19;
	s19 =	sshrl.u32 s20, $0x3;
	s20 =	sshrl.u32 s13, $0x3  }
0x14: {  	s17 =	sshrl.u32 s25, $0x3;
	s22 =	sadd.s32 s23, s22;
	s14 =	sadd.s32 s0, s19  }
0x15: {  	s15 =	sadd.s32 s0, s20;
	s18 =	sadd.s32 s0, s17;
	s19 =	sshrl.u32 s26, $0x3  }
0x16: {  	s20 =	sshrl.u32 s16, $0x3;
	s25 =	sshrl.u32 s28, $0x3;
	s26 =	sshrl.u32 s29, $0x3  }
0x17: {  	s1 =	sshrl.u32 s1, $0x3;
	s23 =	sadd.s32 $0x3E00, s24;
	[dreg:$0x4] =	wrdreg s14  }
0x18: {  	s24 =	simm.s32 $0x14100;
	s28 =	simm.s32 $0x14080;
	[dreg:$0x5] =	wrdreg s15  }
0x19: {  	s29 =	simm.s32 $0x50;
	[dreg:$0x6] =	wrdreg s18;
	s16 =	sadd.s32 s0, s19  }
0x1a: {  	s17 =	sadd.s32 s0, s20;
	s18 =	sadd.s32 s0, s25;
	s19 =	sadd.s32 s0, s26  }
0x1b: {  	v0 =	vimm.f32 $0.0e+00;
	s20 =	sadd.s32 s0, s1;
	s25 =	simm.s32 $0x2;
	s26 =	simm.s32 $0x14000  }
.LBB2_1:
0x1c: {  	s0 =	simm.s32 $0x0;
	s1 =	simm.s32 $0x200  }
.LBB2_2:
0x1d: {  	p0 =	sne.s32 s1, $0x9E00;
	[tilespmem:s0+$0x14170] =	vst v0  }
0x1e: {  	[tilespmem:s0+$0x14100] =	vst v0  }
0x1f: {  	[tilespmem:s0+$0x14110] =	vst v0  }
.Ltmp0:
0x20: {  	[tilespmem:s0+$0x14120] =	vst v0;
	(pc) =	sbr.rel @p0 .LBB2_2-.Ltmp0, $4  }
0x21: {  	[tilespmem:s0+$0x14130] =	vst v0  }
0x22: {  	[tilespmem:s0+$0x14140] =	vst v0  }
0x23: {  	[tilespmem:s0+$0x14150] =	vst v0  }
0x24: {  	[tilespmem:s0+$0x14160] =	vst v0;
	s0 =	sshra.s32 s1, $0x2;
	s1 =	sadd.s32 $0x200, s1  }
0x25: {  	[tilespmem:s0+$0x14170] =	vst v0  }
0x26: {  	[tilespmem:s0+$0x14100] =	vst v0  }
0x27: {  	[tilespmem:s0+$0x14110] =	vst v0  }
0x28: {  	[tilespmem:s0+$0x14120] =	vst v0  }
0x29: {  	[tilespmem:s0+$0x14130] =	vst v0  }
0x2a: {  	[tilespmem:s0+$0x14140] =	vst v0  }
0x2b: {  	[tilespmem:s0+$0x14150] =	vst v0  }
0x2c: {  	[tilespmem:s0+$0x14160] =	vst v0  }
0x2d: {  	[spmem:s5] =	stream.linear.scatter [tilespmem:s24], [sflag:$0x2], $0x2800, $0x38;
	[tilespmem:$0x16900] =	vst v63  }
0x2e: {  	_ =	swait.ge [sflag:s25], $0x2800  }
0x2f: {  	[sflag:s25] =	ssyncset.done $0x0  }
0x30: {  	[sflag:s25] =	ssyncadd.s32 $0xFFFFD800  }
0x31: {  	[spmem:s6] =	stream.linear.scatter [tilespmem:s24], [sflag:$0x2], $0x2800, $0x38;
	[tilespmem:$0x16900] =	vst v63  }
0x32: {  	_ =	swait.ge [sflag:s25], $0x2800  }
0x33: {  	[sflag:s25] =	ssyncset.done $0x0  }
0x34: {  	[sflag:s25] =	ssyncadd.s32 $0xFFFFD800  }
0x35: {  	[spmem:s7] =	stream.linear.scatter [tilespmem:s24], [sflag:$0x2], $0x2800, $0x38;
	[tilespmem:$0x16900] =	vst v63  }
0x36: {  	_ =	swait.ge [sflag:s25], $0x2800  }
0x37: {  	[sflag:s25] =	ssyncset.done $0x0  }
0x38: {  	[sflag:s25] =	ssyncadd.s32 $0xFFFFD800  }
0x39: {  	[spmem:s8] =	stream.linear.scatter [tilespmem:s24], [sflag:$0x2], $0x2800, $0x38;
	[tilespmem:$0x16900] =	vst v63  }
0x3a: {  	_ =	swait.ge [sflag:s25], $0x2800  }
0x3b: {  	[sflag:s25] =	ssyncset.done $0x0  }
0x3c: {  	[sflag:s25] =	ssyncadd.s32 $0xFFFFD800  }
0x3d: {  	[spmem:s9] =	stream.linear.scatter [tilespmem:s24], [sflag:$0x2], $0x2800, $0x38;
	[tilespmem:$0x16900] =	vst v63  }
0x3e: {  	_ =	swait.ge [sflag:s25], $0x2800  }
0x3f: {  	[sflag:s25] =	ssyncset.done $0x0  }
0x40: {  	[sflag:s25] =	ssyncadd.s32 $0xFFFFD800  }
0x41: {  	[spmem:s10] =	stream.linear.scatter [tilespmem:s24], [sflag:$0x2], $0x2800, $0x38;
	[tilespmem:$0x16900] =	vst v63  }
0x42: {  	_ =	swait.ge [sflag:s25], $0x2800  }
0x43: {  	[sflag:s25] =	ssyncset.done $0x0  }
0x44: {  	[sflag:s25] =	ssyncadd.s32 $0xFFFFD800  }
0x45: {  	[spmem:s11] =	stream.linear.scatter [tilespmem:s24], [sflag:$0x2], $0x2800, $0x38;
	[tilespmem:$0x16900] =	vst v63  }
0x46: {  	_ =	swait.ge [sflag:s25], $0x2800  }
0x47: {  	[sflag:s25] =	ssyncset.done $0x0  }
0x48: {  	[sflag:s25] =	ssyncadd.s32 $0xFFFFD800  }
0x49: {  	[spmem:s12] =	stream.linear.scatter [tilespmem:s24], [sflag:$0x2], $0x2800, $0x38;
	[tilespmem:$0x16900] =	vst v63  }
0x4a: {  	_ =	swait.ge [sflag:s25], $0x2800  }
0x4b: {  	[sflag:s25] =	ssyncset.done $0x0  }
0x4c: {  	[sflag:s25] =	ssyncadd.s32 $0xFFFFD800  }
0x4d: {  	s14 =	sadd.s32 $0x0, s23;
	[bflag:$0x0] =	sbarrier.arrive $0xFFFF  }
0x4e: {  	[tilespmem:s26], [sflag:$0x2] =	stream.linear.gather [hbm4b:s14+s3], $0x50, $0x38;
	[tilespmem:$0x16900] =	vst v63  }
0x4f: {  	_ =	swait.ge [sflag:s25], $0x50  }
0x50: {  	[sflag:s25] =	ssyncset.done $0x0  }
0x51: {  	s15 =	sadd.s32 $0x0, s22;
	[sflag:s25] =	ssyncadd.s32 $0xFFFFFFB0  }
0x52: {  	[tilespmem:s28], [sflag:$0x2] =	stream.linear.gather [hbm4b:s15+s3], $0x50, $0x38;
	[tilespmem:$0x16900] =	vst v63  }
0x53: {  	_ =	swait.ge [sflag:s25], $0x50  }
0x54: {  	[sflag:s25] =	ssyncset.done $0x0  }
0x55: {  	[sflag:s25] =	ssyncadd.s32 $0xFFFFFFB0  }
0x56: {  	[tilespmem:s24], [sflag:$0x1] =	stream.indirect.gather [hbm4b:s4+s29], $0x80, s26, s29, $0xb8;
	[tilespmem:$0x16900] =	vst v63  }
0x57: {  	_ =	swait.ge [sflag:s30], $0x2800  }
0x58: {  	[sflag:s30] =	ssyncset.done $0x0  }
0x59: {  	[sflag:s30] =	ssyncadd.s32 $0xFFFFD800  }
0x5a: {  	[spmem:s2] =	stream.indirect.scatter.add.f32 [tilespmem:s24], [sflag:$0x2], $0x80, s28, s29, $0xb8;
	[tilespmem:$0x16900] =	vst v63  }
0x5b: {  	_ =	swait.ge [sflag:s25], $0x2800  }
0x5c: {  	s0 =	simm.s32 $0xA;
	s1 =	simm.s32 $0x14;
	[sflag:s25] =	ssyncset.done $0x0  }
.LBB2_4:
0x5d: {  	s13 =	sadd.s32 s0, s23  }
0x5e: {  	[sflag:s25] =	ssyncadd.s32 $0xFFFFD800;
	s14 =	smov.u32 s1;
	s15 =	sadd.s32 $0xA, s1  }
0x5f: {  	[tilespmem:s26], [sflag:$0x2] =	stream.linear.gather [hbm4b:s13+s3], $0x50, $0x38;
	[tilespmem:$0x16900] =	vst v63  }
0x60: {  	p0 =	sne.s32 s1, $0x4D8;
	_ =	swait.ge [sflag:s25], $0x50  }
0x61: {  	[sflag:s25] =	ssyncset.done $0x0  }
0x62: {  	s1 =	sadd.s32 s0, s22;
	s0 =	smov.u32 s14;
	[sflag:s25] =	ssyncadd.s32 $0xFFFFFFB0  }
0x63: {  	[tilespmem:s28], [sflag:$0x2] =	stream.linear.gather [hbm4b:s1+s3], $0x50, $0x38;
	[tilespmem:$0x16900] =	vst v63  }
0x64: {  	_ =	swait.ge [sflag:s25], $0x50  }
0x65: {  	[sflag:s25] =	ssyncset.done $0x0  }
0x66: {  	[sflag:s25] =	ssyncadd.s32 $0xFFFFFFB0  }
0x67: {  	[tilespmem:s24], [sflag:$0x1] =	stream.indirect.gather [hbm4b:s4+s29], $0x80, s26, s29, $0xb8;
	[tilespmem:$0x16900] =	vst v63  }
0x68: {  	_ =	swait.ge [sflag:s30], $0x2800  }
.Ltmp1:
0x69: {  	[sflag:s30] =	ssyncset.done $0x0;
	(pc) =	sbr.rel @p0 .LBB2_4-.Ltmp1, $4  }
0x6a: {  	[sflag:s30] =	ssyncadd.s32 $0xFFFFD800  }
0x6b: {  	[spmem:s2] =	stream.indirect.scatter.add.f32 [tilespmem:s24], [sflag:$0x2], $0x80, s28, s29, $0xb8;
	[tilespmem:$0x16900] =	vst v63  }
0x6c: {  	_ =	swait.ge [sflag:s25], $0x2800  }
0x6d: {  	s1 =	smov.u32 s15;
	[sflag:s25] =	ssyncset.done $0x0  }
0x6e: {  	s1 =	sadd.s32 s0, s23;
	[sflag:s25] =	ssyncadd.s32 $0xFFFFD800  }
0x6f: {  	[tilespmem:s26], [sflag:$0x2] =	stream.linear.gather [hbm4b:s1+s3], $0x50, $0x38;
	[tilespmem:$0x16900] =	vst v63  }
0x70: {  	_ =	swait.ge [sflag:s25], $0x50  }
0x71: {  	[sflag:s25] =	ssyncset.done $0x0  }
0x72: {  	s1 =	sadd.s32 s0, s22;
	[sflag:s25] =	ssyncadd.s32 $0xFFFFFFB0  }
0x73: {  	[tilespmem:s28], [sflag:$0x2] =	stream.linear.gather [hbm4b:s1+s3], $0x50, $0x38;
	[tilespmem:$0x16900] =	vst v63  }
0x74: {  	_ =	swait.ge [sflag:s25], $0x50  }
0x75: {  	[sflag:s25] =	ssyncset.done $0x0  }
0x76: {  	[sflag:s25] =	ssyncadd.s32 $0xFFFFFFB0  }
0x77: {  	[tilespmem:s24], [sflag:$0x1] =	stream.indirect.gather [hbm4b:s4+s29], $0x80, s26, s29, $0xb8;
	[tilespmem:$0x16900] =	vst v63  }
0x78: {  	_ =	swait.ge [sflag:s30], $0x2800  }
0x79: {  	[sflag:s30] =	ssyncset.done $0x0  }
0x7a: {  	[sflag:s30] =	ssyncadd.s32 $0xFFFFD800  }
0x7b: {  	[spmem:s2] =	stream.indirect.scatter.add.f32 [tilespmem:s24], [sflag:$0x2], $0x80, s28, s29, $0xb8;
	[tilespmem:$0x16900] =	vst v63  }
0x7c: {  	_ =	swait.ge [sflag:s25], $0x2800  }
0x7d: {  	[sflag:s25] =	ssyncset.done $0x0  }
0x7e: {  	[sflag:s25] =	ssyncadd.s32 $0xFFFFD800  }
0x7f: {  	[bflag:$0x0] =	sbarrier.arrive $0xFFFF  }
0x80: {  	[tilespmem:s24], [sflag:$0x2] =	stream.linear.gather [spmem:s5], $0x2800, $0x38;
	[tilespmem:$0x16900] =	vst v63  }
0x81: {  	_ =	swait.ge [sflag:s25], $0x2800  }
0x82: {  	[sflag:s25] =	ssyncset.done $0x0  }
0x83: {  	s13 =	rddreg [dreg:$0x4];
	[sflag:s25] =	ssyncadd.s32 $0xFFFFD800  }
0x84: {  	[hbm4b:s13+s3] =	stream.linear.scatter [tilespmem:s24], [sflag:$0x2], $0x2800, $0x38;
	[tilespmem:$0x16900] =	vst v63  }
0x85: {  	_ =	swait.ge [sflag:s25], $0x2800  }
0x86: {  	[sflag:s25] =	ssyncset.done $0x0  }
0x87: {  	[sflag:s25] =	ssyncadd.s32 $0xFFFFD800  }
0x88: {  	[tilespmem:s24], [sflag:$0x2] =	stream.linear.gather [spmem:s6], $0x2800, $0x38;
	[tilespmem:$0x16900] =	vst v63  }
0x89: {  	_ =	swait.ge [sflag:s25], $0x2800  }
0x8a: {  	[sflag:s25] =	ssyncset.done $0x0  }
0x8b: {  	s14 =	rddreg [dreg:$0x5];
	[sflag:s25] =	ssyncadd.s32 $0xFFFFD800  }
0x8c: {  	[hbm4b:s14+s3] =	stream.linear.scatter [tilespmem:s24], [sflag:$0x2], $0x2800, $0x38;
	[tilespmem:$0x16900] =	vst v63  }
0x8d: {  	_ =	swait.ge [sflag:s25], $0x2800  }
0x8e: {  	[sflag:s25] =	ssyncset.done $0x0  }
0x8f: {  	[sflag:s25] =	ssyncadd.s32 $0xFFFFD800  }
0x90: {  	[tilespmem:s24], [sflag:$0x2] =	stream.linear.gather [spmem:s7], $0x2800, $0x38;
	[tilespmem:$0x16900] =	vst v63  }
0x91: {  	_ =	swait.ge [sflag:s25], $0x2800  }
0x92: {  	[sflag:s25] =	ssyncset.done $0x0  }
0x93: {  	s15 =	rddreg [dreg:$0x6];
	[sflag:s25] =	ssyncadd.s32 $0xFFFFD800  }
0x94: {  	[hbm4b:s15+s3] =	stream.linear.scatter [tilespmem:s24], [sflag:$0x2], $0x2800, $0x38;
	[tilespmem:$0x16900] =	vst v63  }
0x95: {  	_ =	swait.ge [sflag:s25], $0x2800  }
0x96: {  	[sflag:s25] =	ssyncset.done $0x0  }
0x97: {  	[sflag:s25] =	ssyncadd.s32 $0xFFFFD800  }
0x98: {  	[tilespmem:s24], [sflag:$0x2] =	stream.linear.gather [spmem:s8], $0x2800, $0x38;
	[tilespmem:$0x16900] =	vst v63  }
0x99: {  	_ =	swait.ge [sflag:s25], $0x2800  }
0x9a: {  	[sflag:s25] =	ssyncset.done $0x0  }
0x9b: {  	[sflag:s25] =	ssyncadd.s32 $0xFFFFD800  }
0x9c: {  	[hbm4b:s16+s3] =	stream.linear.scatter [tilespmem:s24], [sflag:$0x2], $0x2800, $0x38;
	[tilespmem:$0x16900] =	vst v63  }
0x9d: {  	_ =	swait.ge [sflag:s25], $0x2800  }
0x9e: {  	[sflag:s25] =	ssyncset.done $0x0  }
0x9f: {  	[sflag:s25] =	ssyncadd.s32 $0xFFFFD800  }
0xa0: {  	[tilespmem:s24], [sflag:$0x2] =	stream.linear.gather [spmem:s9], $0x2800, $0x38;
	[tilespmem:$0x16900] =	vst v63  }
0xa1: {  	_ =	swait.ge [sflag:s25], $0x2800  }
0xa2: {  	[sflag:s25] =	ssyncset.done $0x0  }
0xa3: {  	[sflag:s25] =	ssyncadd.s32 $0xFFFFD800  }
0xa4: {  	[hbm4b:s17+s3] =	stream.linear.scatter [tilespmem:s24], [sflag:$0x2], $0x2800, $0x38;
	[tilespmem:$0x16900] =	vst v63  }
0xa5: {  	_ =	swait.ge [sflag:s25], $0x2800  }
0xa6: {  	[sflag:s25] =	ssyncset.done $0x0  }
0xa7: {  	[sflag:s25] =	ssyncadd.s32 $0xFFFFD800  }
0xa8: {  	[tilespmem:s24], [sflag:$0x2] =	stream.linear.gather [spmem:s10], $0x2800, $0x38;
	[tilespmem:$0x16900] =	vst v63  }
0xa9: {  	_ =	swait.ge [sflag:s25], $0x2800  }
0xaa: {  	[sflag:s25] =	ssyncset.done $0x0  }
0xab: {  	[sflag:s25] =	ssyncadd.s32 $0xFFFFD800  }
0xac: {  	[hbm4b:s18+s3] =	stream.linear.scatter [tilespmem:s24], [sflag:$0x2], $0x2800, $0x38;
	[tilespmem:$0x16900] =	vst v63  }
0xad: {  	_ =	swait.ge [sflag:s25], $0x2800  }
0xae: {  	[sflag:s25] =	ssyncset.done $0x0  }
0xaf: {  	[sflag:s25] =	ssyncadd.s32 $0xFFFFD800  }
0xb0: {  	[tilespmem:s24], [sflag:$0x2] =	stream.linear.gather [spmem:s11], $0x2800, $0x38;
	[tilespmem:$0x16900] =	vst v63  }
0xb1: {  	_ =	swait.ge [sflag:s25], $0x2800  }
0xb2: {  	[sflag:s25] =	ssyncset.done $0x0  }
0xb3: {  	[sflag:s25] =	ssyncadd.s32 $0xFFFFD800  }
0xb4: {  	[hbm4b:s19+s3] =	stream.linear.scatter [tilespmem:s24], [sflag:$0x2], $0x2800, $0x38;
	[tilespmem:$0x16900] =	vst v63  }
0xb5: {  	_ =	swait.ge [sflag:s25], $0x2800  }
0xb6: {  	[sflag:s25] =	ssyncset.done $0x0  }
0xb7: {  	[sflag:s25] =	ssyncadd.s32 $0xFFFFD800  }
0xb8: {  	[tilespmem:s24], [sflag:$0x2] =	stream.linear.gather [spmem:s12], $0x2800, $0x38;
	[tilespmem:$0x16900] =	vst v63  }
0xb9: {  	s31 =	sadd.s32 $0x1, s31;
	_ =	swait.ge [sflag:s25], $0x2800  }
0xba: {  	p0 =	sne.s32 s31, s21;
	[sflag:s25] =	ssyncset.done $0x0  }
.Ltmp2:
0xbb: {  	[sflag:s25] =	ssyncadd.s32 $0xFFFFD800;
	(pc) =	sbr.rel @p0 .LBB2_1-.Ltmp2, $4  }
0xbc: {  	[hbm4b:s20+s3] =	stream.linear.scatter [tilespmem:s24], [sflag:$0x2], $0x2800, $0x38;
	[tilespmem:$0x16900] =	vst v63  }
0xbd: {  	_ =	swait.ge [sflag:s25], $0x2800  }
0xbe: {  	[sflag:s25] =	ssyncset.done $0x0  }
0xbf: {  	[sflag:s25] =	ssyncadd.s32 $0xFFFFD800  }
0xc0: {  	_ =	sfence.sel $0x180000  }
0xc1: {  	[bflag:$0x0] =	sbarrier.arrive $0xFFFF  }
0xc2: {  	_ =	strace $0x90000053  }
0xc3: {  	s0 =	stileid.u32;
	[bflag:$0x2] =	sbarrier.arrive $0xFFFF  }
0xc4: {  	p0 =	sne.s32 s0, $0x0;
	s0 =	rddreg [dreg:$0x3]  }
0xc5: {  	s0 =	sadd.s32 @!p0 $0x100000, s0  }
0xc6: {  	[sflag:s0] =	ssyncadd.tile.s32 @!p0 $0x1;
	_ =	shalt  }
.Lfunc_end2:
_tile_overlayer_lowered:
.L_overlay_start_2:
0xc7: {  	(tag) =	ssettag $0x2  }
0xc8: {  	s0 =	rddreg [dreg:$0x0];
	s2 =	stileid.u32  }
0xc9: {  	s1 =	rddreg [dreg:$0x1];
	p0 =	sne.s32 s2, $0x0  }
0xca: {  	s3 =	rddreg [dreg:$0x2];
	[bflag:$0x3] =	sbarrier.arrive $0xFFFF;
	s2 =	simm.s32 @!p0 $0x1C02  }
0xcb: {  	[timem:s3], [sflag:s2] =	dma.local @!p0 [hbm:s0], s1  }
0xcc: {  	s0 =	simm.s32 @!p0 $0x2  }
0xcd: {  	_ =	swait.ge @!p0 [sflag:s0], s1  }
0xce: {  	s1 =	ssub.s32 @!p0 $0x0, s1;
	[sflag:s0] =	ssyncset.done @!p0 $0x0  }
0xcf: {  	[sflag:s0] =	ssyncadd.s32 @!p0 s1  }
0xd0: {  	[bflag:$0x3] =	sbarrier.arrive $0xFFFF  }
0xd1: {  	_ =	shalt  }

</sc_bundles>
